<compile_context>
chip_gen: v7x
topology: tpu7x:2x2x1
jax: 0.10.2.dev20260603
libtpu: 0.0.44.dev20260713+nightly
codegen_flags: <defaults>
</compile_context>

<pallas_src>
import jax
import jax.numpy as jnp
from jax import lax
from jax.experimental import pallas as pl

_N = 1024
_C = 128
_NCHUNK = _N // _C
_ROWS_PER_BLOCK = 256


def _bitonic_body(x_ref, o_ref):
    chunks = [x_ref[:, v * _C:(v + 1) * _C] for v in range(_NCHUNK)]
    lanes = lax.broadcasted_iota(jnp.int32, (1, _C), 1)

    k = 2
    while k <= _N:
        j = k // 2
        while j >= 1:
            if j < _NCHUNK:
                if k < _NCHUNK:
                    asc_mask = None
                elif k < _N:
                    asc_mask = (lanes & (k >> 3)) == 0
                else:
                    asc_mask = None
                for v in range(_NCHUNK):
                    if v & j:
                        continue
                    w = v | j
                    mn = jnp.minimum(chunks[v], chunks[w])
                    mx = jnp.maximum(chunks[v], chunks[w])
                    if asc_mask is None:
                        asc = True if k == _N else (v & k) == 0
                        if asc:
                            chunks[v], chunks[w] = mn, mx
                        else:
                            chunks[v], chunks[w] = mx, mn
                    else:
                        chunks[v] = jnp.where(asc_mask, mn, mx)
                        chunks[w] = jnp.where(asc_mask, mx, mn)
            else:
                d = j // _NCHUNK
                low = (lanes & d) == 0
                if k == _N:
                    tm = low
                else:
                    tm = ((lanes & (k >> 3)) == 0) == low
                for v in range(_NCHUNK):
                    c = chunks[v]
                    p = jnp.where(low, jnp.roll(c, -d, axis=1),
                                  jnp.roll(c, d, axis=1))
                    mn = jnp.minimum(c, p)
                    mx = jnp.maximum(c, p)
                    chunks[v] = jnp.where(tm, mn, mx)
            j //= 2
        k *= 2

    for v in range(_NCHUNK):
        o_ref[:, v * _C:(v + 1) * _C] = chunks[v]


def kernel(x):
    b, t, n = x.shape
    rows = b * t
    x2 = x.reshape(rows, n)
    grid = rows // _ROWS_PER_BLOCK
    out = pl.pallas_call(
        _bitonic_body,
        out_shape=jax.ShapeDtypeStruct((rows, n), x.dtype),
        grid=(grid,),
        in_specs=[pl.BlockSpec((_ROWS_PER_BLOCK, n), lambda g: (g, 0))],
        out_specs=pl.BlockSpec((_ROWS_PER_BLOCK, n), lambda g: (g, 0)),
    )(x2)
    out = out.reshape(rows, _NCHUNK, _C).transpose(0, 2, 1)
    return out.reshape(b, t, n)

# --- scband reference (transcript-rebuilt; emitter-appended) ---
"""Pipeline reference for scband-group-sort-77841987273067 (READ-ONLY COPY).

The authoritative reference and input builder live on the scoring server;
editing this copy changes nothing except your own understanding.
"""

import jax, jax.numpy as jnp
import numpy as np


def setup_inputs(seed: int = 0) -> dict:
    key = jax.random.key(seed)
    x = jax.random.normal(key, (4, 4096, 1024), dtype=jnp.float32)
    return {"x": x}


def reference(x):
    # GroupSort with previous_layer=None -> linear path.
    # x is 3D, so sort along dim 2 (values only, like torch.sort(...)[0]).
    return jnp.sort(x, axis=2)

if __name__ == "__main__":
    import jax
    _d = setup_inputs()
    print(jax.jit(kernel)(*tuple(_d.values())))

</pallas_src>

<mosaic_0001>
module attributes {stable_mosaic.version = 14 : i64} {
  func.func @_bitonic_body(%arg0: i32, %arg1: memref<256x1024xf32, #tpu.memory_space<vmem>>, %arg2: memref<256x1024xf32, #tpu.memory_space<vmem>>) attributes {dimension_semantics = [#tpu.dimension_semantics<arbitrary>], iteration_bounds = array<i64: 64>, scalar_prefetch = 0 : i64, scratch_operands = 0 : i64, tpu.core_type = #tpu.core_type<tc>, window_params = [{transform_indices = @transform_0, window_bounds = array<i64: 256, 1024>}, {transform_indices = @transform_1, window_bounds = array<i64: 256, 1024>}]} {
    %get3A = arith.constant 0 : index
    %get3A_0 = arith.constant 0 : index
    %get3A_1 = vector.load %arg1[%get3A, %get3A_0] : memref<256x1024xf32, #tpu.memory_space<vmem>>, vector<256x128xf32>
    %get3A_2 = arith.constant 0 : index
    %get3A_3 = arith.constant 128 : index
    %get3A_4 = vector.load %arg1[%get3A_2, %get3A_3] : memref<256x1024xf32, #tpu.memory_space<vmem>>, vector<256x128xf32>
    %get3A_5 = arith.constant 0 : index
    %get3A_6 = arith.constant 256 : index
    %get3A_7 = vector.load %arg1[%get3A_5, %get3A_6] : memref<256x1024xf32, #tpu.memory_space<vmem>>, vector<256x128xf32>
    %get3A_8 = arith.constant 0 : index
    %get3A_9 = arith.constant 384 : index
    %get3A_10 = vector.load %arg1[%get3A_8, %get3A_9] : memref<256x1024xf32, #tpu.memory_space<vmem>>, vector<256x128xf32>
    %get3A_11 = arith.constant 0 : index
    %get3A_12 = arith.constant 512 : index
    %get3A_13 = vector.load %arg1[%get3A_11, %get3A_12] : memref<256x1024xf32, #tpu.memory_space<vmem>>, vector<256x128xf32>
    %get3A_14 = arith.constant 0 : index
    %get3A_15 = arith.constant 640 : index
    %get3A_16 = vector.load %arg1[%get3A_14, %get3A_15] : memref<256x1024xf32, #tpu.memory_space<vmem>>, vector<256x128xf32>
    %get3A_17 = arith.constant 0 : index
    %get3A_18 = arith.constant 768 : index
    %get3A_19 = vector.load %arg1[%get3A_17, %get3A_18] : memref<256x1024xf32, #tpu.memory_space<vmem>>, vector<256x128xf32>
    %get3A_20 = arith.constant 0 : index
    %get3A_21 = arith.constant 896 : index
    %get3A_22 = vector.load %arg1[%get3A_20, %get3A_21] : memref<256x1024xf32, #tpu.memory_space<vmem>>, vector<256x128xf32>
    %iota3A = tpu.iota {dimensions = array<i32: 1>} : vector<1x128xi32>
    %min3A = arith.minimumf %get3A_1, %get3A_4 : vector<256x128xf32>
    %max3A = arith.maximumf %get3A_1, %get3A_4 : vector<256x128xf32>
    %min3A_23 = arith.minimumf %get3A_7, %get3A_10 : vector<256x128xf32>
    %max3A_24 = arith.maximumf %get3A_7, %get3A_10 : vector<256x128xf32>
    %min3A_25 = arith.minimumf %get3A_13, %get3A_16 : vector<256x128xf32>
    %max3A_26 = arith.maximumf %get3A_13, %get3A_16 : vector<256x128xf32>
    %min3A_27 = arith.minimumf %get3A_19, %get3A_22 : vector<256x128xf32>
    %max3A_28 = arith.maximumf %get3A_19, %get3A_22 : vector<256x128xf32>
    %min3A_29 = arith.minimumf %min3A, %max3A_24 : vector<256x128xf32>
    %max3A_30 = arith.maximumf %min3A, %max3A_24 : vector<256x128xf32>
    %min3A_31 = arith.minimumf %max3A, %min3A_23 : vector<256x128xf32>
    %max3A_32 = arith.maximumf %max3A, %min3A_23 : vector<256x128xf32>
    %min3A_33 = arith.minimumf %min3A_25, %max3A_28 : vector<256x128xf32>
    %max3A_34 = arith.maximumf %min3A_25, %max3A_28 : vector<256x128xf32>
    %min3A_35 = arith.minimumf %max3A_26, %min3A_27 : vector<256x128xf32>
    %max3A_36 = arith.maximumf %max3A_26, %min3A_27 : vector<256x128xf32>
    %min3A_37 = arith.minimumf %min3A_29, %min3A_31 : vector<256x128xf32>
    %max3A_38 = arith.maximumf %min3A_29, %min3A_31 : vector<256x128xf32>
    %min3A_39 = arith.minimumf %max3A_30, %max3A_32 : vector<256x128xf32>
    %max3A_40 = arith.maximumf %max3A_30, %max3A_32 : vector<256x128xf32>
    %min3A_41 = arith.minimumf %max3A_34, %max3A_36 : vector<256x128xf32>
    %max3A_42 = arith.maximumf %max3A_34, %max3A_36 : vector<256x128xf32>
    %min3A_43 = arith.minimumf %min3A_33, %min3A_35 : vector<256x128xf32>
    %max3A_44 = arith.maximumf %min3A_33, %min3A_35 : vector<256x128xf32>
    %and3A = arith.constant 1 : i32
    %and3A_45 = vector.broadcast %and3A : i32 to vector<1x128xi32>
    %and3A_46 = arith.andi %iota3A, %and3A_45 : vector<1x128xi32>
    %eq3A = arith.constant 0 : i32
    %eq3A_47 = vector.broadcast %eq3A : i32 to vector<1x128xi32>
    %eq3A_48 = arith.cmpi eq, %and3A_46, %eq3A_47 : vector<1x128xi32>
    %min3A_49 = arith.minimumf %min3A_37, %max3A_42 : vector<256x128xf32>
    %max3A_50 = arith.maximumf %min3A_37, %max3A_42 : vector<256x128xf32>
    %broadcast_in_dim3A = vector.shape_cast %eq3A_48 : vector<1x128xi1> to vector<1x128xi1>
    %broadcast_in_dim3A_51 = vector.broadcast %broadcast_in_dim3A : vector<1x128xi1> to vector<256x128xi1>
    %select_n3A = arith.select %broadcast_in_dim3A_51, %min3A_49, %max3A_50 : vector<256x128xi1>, vector<256x128xf32>
    %broadcast_in_dim3A_52 = vector.shape_cast %eq3A_48 : vector<1x128xi1> to vector<1x128xi1>
    %broadcast_in_dim3A_53 = vector.broadcast %broadcast_in_dim3A_52 : vector<1x128xi1> to vector<256x128xi1>
    %select_n3A_54 = arith.select %broadcast_in_dim3A_53, %max3A_50, %min3A_49 : vector<256x128xi1>, vector<256x128xf32>
    %min3A_55 = arith.minimumf %max3A_38, %min3A_41 : vector<256x128xf32>
    %max3A_56 = arith.maximumf %max3A_38, %min3A_41 : vector<256x128xf32>
    %broadcast_in_dim3A_57 = vector.shape_cast %eq3A_48 : vector<1x128xi1> to vector<1x128xi1>
    %broadcast_in_dim3A_58 = vector.broadcast %broadcast_in_dim3A_57 : vector<1x128xi1> to vector<256x128xi1>
    %select_n3A_59 = arith.select %broadcast_in_dim3A_58, %min3A_55, %max3A_56 : vector<256x128xi1>, vector<256x128xf32>
    %broadcast_in_dim3A_60 = vector.shape_cast %eq3A_48 : vector<1x128xi1> to vector<1x128xi1>
    %broadcast_in_dim3A_61 = vector.broadcast %broadcast_in_dim3A_60 : vector<1x128xi1> to vector<256x128xi1>
    %select_n3A_62 = arith.select %broadcast_in_dim3A_61, %max3A_56, %min3A_55 : vector<256x128xi1>, vector<256x128xf32>
    %min3A_63 = arith.minimumf %min3A_39, %max3A_44 : vector<256x128xf32>
    %max3A_64 = arith.maximumf %min3A_39, %max3A_44 : vector<256x128xf32>
    %broadcast_in_dim3A_65 = vector.shape_cast %eq3A_48 : vector<1x128xi1> to vector<1x128xi1>
    %broadcast_in_dim3A_66 = vector.broadcast %broadcast_in_dim3A_65 : vector<1x128xi1> to vector<256x128xi1>
    %select_n3A_67 = arith.select %broadcast_in_dim3A_66, %min3A_63, %max3A_64 : vector<256x128xi1>, vector<256x128xf32>
    %broadcast_in_dim3A_68 = vector.shape_cast %eq3A_48 : vector<1x128xi1> to vector<1x128xi1>
    %broadcast_in_dim3A_69 = vector.broadcast %broadcast_in_dim3A_68 : vector<1x128xi1> to vector<256x128xi1>
    %select_n3A_70 = arith.select %broadcast_in_dim3A_69, %max3A_64, %min3A_63 : vector<256x128xi1>, vector<256x128xf32>
    %min3A_71 = arith.minimumf %max3A_40, %min3A_43 : vector<256x128xf32>
    %max3A_72 = arith.maximumf %max3A_40, %min3A_43 : vector<256x128xf32>
    %broadcast_in_dim3A_73 = vector.shape_cast %eq3A_48 : vector<1x128xi1> to vector<1x128xi1>
    %broadcast_in_dim3A_74 = vector.broadcast %broadcast_in_dim3A_73 : vector<1x128xi1> to vector<256x128xi1>
    %select_n3A_75 = arith.select %broadcast_in_dim3A_74, %min3A_71, %max3A_72 : vector<256x128xi1>, vector<256x128xf32>
    %broadcast_in_dim3A_76 = vector.shape_cast %eq3A_48 : vector<1x128xi1> to vector<1x128xi1>
    %broadcast_in_dim3A_77 = vector.broadcast %broadcast_in_dim3A_76 : vector<1x128xi1> to vector<256x128xi1>
    %select_n3A_78 = arith.select %broadcast_in_dim3A_77, %max3A_72, %min3A_71 : vector<256x128xi1>, vector<256x128xf32>
    %and3A_79 = arith.constant 1 : i32
    %and3A_80 = vector.broadcast %and3A_79 : i32 to vector<1x128xi32>
    %and3A_81 = arith.andi %iota3A, %and3A_80 : vector<1x128xi32>
    %eq3A_82 = arith.constant 0 : i32
    %eq3A_83 = vector.broadcast %eq3A_82 : i32 to vector<1x128xi32>
    %eq3A_84 = arith.cmpi eq, %and3A_81, %eq3A_83 : vector<1x128xi32>
    %min3A_85 = arith.minimumf %select_n3A, %select_n3A_67 : vector<256x128xf32>
    %max3A_86 = arith.maximumf %select_n3A, %select_n3A_67 : vector<256x128xf32>
    %broadcast_in_dim3A_87 = vector.shape_cast %eq3A_84 : vector<1x128xi1> to vector<1x128xi1>
    %broadcast_in_dim3A_88 = vector.broadcast %broadcast_in_dim3A_87 : vector<1x128xi1> to vector<256x128xi1>
    %select_n3A_89 = arith.select %broadcast_in_dim3A_88, %min3A_85, %max3A_86 : vector<256x128xi1>, vector<256x128xf32>
    %broadcast_in_dim3A_90 = vector.shape_cast %eq3A_84 : vector<1x128xi1> to vector<1x128xi1>
    %broadcast_in_dim3A_91 = vector.broadcast %broadcast_in_dim3A_90 : vector<1x128xi1> to vector<256x128xi1>
    %select_n3A_92 = arith.select %broadcast_in_dim3A_91, %max3A_86, %min3A_85 : vector<256x128xi1>, vector<256x128xf32>
    %min3A_93 = arith.minimumf %select_n3A_59, %select_n3A_75 : vector<256x128xf32>
    %max3A_94 = arith.maximumf %select_n3A_59, %select_n3A_75 : vector<256x128xf32>
    %broadcast_in_dim3A_95 = vector.shape_cast %eq3A_84 : vector<1x128xi1> to vector<1x128xi1>
    %broadcast_in_dim3A_96 = vector.broadcast %broadcast_in_dim3A_95 : vector<1x128xi1> to vector<256x128xi1>
    %select_n3A_97 = arith.select %broadcast_in_dim3A_96, %min3A_93, %max3A_94 : vector<256x128xi1>, vector<256x128xf32>
    %broadcast_in_dim3A_98 = vector.shape_cast %eq3A_84 : vector<1x128xi1> to vector<1x128xi1>
    %broadcast_in_dim3A_99 = vector.broadcast %broadcast_in_dim3A_98 : vector<1x128xi1> to vector<256x128xi1>
    %select_n3A_100 = arith.select %broadcast_in_dim3A_99, %max3A_94, %min3A_93 : vector<256x128xi1>, vector<256x128xf32>
    %min3A_101 = arith.minimumf %select_n3A_54, %select_n3A_70 : vector<256x128xf32>
    %max3A_102 = arith.maximumf %select_n3A_54, %select_n3A_70 : vector<256x128xf32>
    %broadcast_in_dim3A_103 = vector.shape_cast %eq3A_84 : vector<1x128xi1> to vector<1x128xi1>
    %broadcast_in_dim3A_104 = vector.broadcast %broadcast_in_dim3A_103 : vector<1x128xi1> to vector<256x128xi1>
    %select_n3A_105 = arith.select %broadcast_in_dim3A_104, %min3A_101, %max3A_102 : vector<256x128xi1>, vector<256x128xf32>
    %broadcast_in_dim3A_106 = vector.shape_cast %eq3A_84 : vector<1x128xi1> to vector<1x128xi1>
    %broadcast_in_dim3A_107 = vector.broadcast %broadcast_in_dim3A_106 : vector<1x128xi1> to vector<256x128xi1>
    %select_n3A_108 = arith.select %broadcast_in_dim3A_107, %max3A_102, %min3A_101 : vector<256x128xi1>, vector<256x128xf32>
    %min3A_109 = arith.minimumf %select_n3A_62, %select_n3A_78 : vector<256x128xf32>
    %max3A_110 = arith.maximumf %select_n3A_62, %select_n3A_78 : vector<256x128xf32>
    %broadcast_in_dim3A_111 = vector.shape_cast %eq3A_84 : vector<1x128xi1> to vector<1x128xi1>
    %broadcast_in_dim3A_112 = vector.broadcast %broadcast_in_dim3A_111 : vector<1x128xi1> to vector<256x128xi1>
    %select_n3A_113 = arith.select %broadcast_in_dim3A_112, %min3A_109, %max3A_110 : vector<256x128xi1>, vector<256x128xf32>
    %broadcast_in_dim3A_114 = vector.shape_cast %eq3A_84 : vector<1x128xi1> to vector<1x128xi1>
    %broadcast_in_dim3A_115 = vector.broadcast %broadcast_in_dim3A_114 : vector<1x128xi1> to vector<256x128xi1>
    %select_n3A_116 = arith.select %broadcast_in_dim3A_115, %max3A_110, %min3A_109 : vector<256x128xi1>, vector<256x128xf32>
    %and3A_117 = arith.constant 1 : i32
    %and3A_118 = vector.broadcast %and3A_117 : i32 to vector<1x128xi32>
    %and3A_119 = arith.andi %iota3A, %and3A_118 : vector<1x128xi32>
    %eq3A_120 = arith.constant 0 : i32
    %eq3A_121 = vector.broadcast %eq3A_120 : i32 to vector<1x128xi32>
    %eq3A_122 = arith.cmpi eq, %and3A_119, %eq3A_121 : vector<1x128xi32>
    %min3A_123 = arith.minimumf %select_n3A_89, %select_n3A_97 : vector<256x128xf32>
    %max3A_124 = arith.maximumf %select_n3A_89, %select_n3A_97 : vector<256x128xf32>
    %broadcast_in_dim3A_125 = vector.shape_cast %eq3A_122 : vector<1x128xi1> to vector<1x128xi1>
    %broadcast_in_dim3A_126 = vector.broadcast %broadcast_in_dim3A_125 : vector<1x128xi1> to vector<256x128xi1>
    %select_n3A_127 = arith.select %broadcast_in_dim3A_126, %min3A_123, %max3A_124 : vector<256x128xi1>, vector<256x128xf32>
    %broadcast_in_dim3A_128 = vector.shape_cast %eq3A_122 : vector<1x128xi1> to vector<1x128xi1>
    %broadcast_in_dim3A_129 = vector.broadcast %broadcast_in_dim3A_128 : vector<1x128xi1> to vector<256x128xi1>
    %select_n3A_130 = arith.select %broadcast_in_dim3A_129, %max3A_124, %min3A_123 : vector<256x128xi1>, vector<256x128xf32>
    %min3A_131 = arith.minimumf %select_n3A_92, %select_n3A_100 : vector<256x128xf32>
    %max3A_132 = arith.maximumf %select_n3A_92, %select_n3A_100 : vector<256x128xf32>
    %broadcast_in_dim3A_133 = vector.shape_cast %eq3A_122 : vector<1x128xi1> to vector<1x128xi1>
    %broadcast_in_dim3A_134 = vector.broadcast %broadcast_in_dim3A_133 : vector<1x128xi1> to vector<256x128xi1>
    %select_n3A_135 = arith.select %broadcast_in_dim3A_134, %min3A_131, %max3A_132 : vector<256x128xi1>, vector<256x128xf32>
    %broadcast_in_dim3A_136 = vector.shape_cast %eq3A_122 : vector<1x128xi1> to vector<1x128xi1>
    %broadcast_in_dim3A_137 = vector.broadcast %broadcast_in_dim3A_136 : vector<1x128xi1> to vector<256x128xi1>
    %select_n3A_138 = arith.select %broadcast_in_dim3A_137, %max3A_132, %min3A_131 : vector<256x128xi1>, vector<256x128xf32>
    %min3A_139 = arith.minimumf %select_n3A_105, %select_n3A_113 : vector<256x128xf32>
    %max3A_140 = arith.maximumf %select_n3A_105, %select_n3A_113 : vector<256x128xf32>
    %broadcast_in_dim3A_141 = vector.shape_cast %eq3A_122 : vector<1x128xi1> to vector<1x128xi1>
    %broadcast_in_dim3A_142 = vector.broadcast %broadcast_in_dim3A_141 : vector<1x128xi1> to vector<256x128xi1>
    %select_n3A_143 = arith.select %broadcast_in_dim3A_142, %min3A_139, %max3A_140 : vector<256x128xi1>, vector<256x128xf32>
    %broadcast_in_dim3A_144 = vector.shape_cast %eq3A_122 : vector<1x128xi1> to vector<1x128xi1>
    %broadcast_in_dim3A_145 = vector.broadcast %broadcast_in_dim3A_144 : vector<1x128xi1> to vector<256x128xi1>
    %select_n3A_146 = arith.select %broadcast_in_dim3A_145, %max3A_140, %min3A_139 : vector<256x128xi1>, vector<256x128xf32>
    %min3A_147 = arith.minimumf %select_n3A_108, %select_n3A_116 : vector<256x128xf32>
    %max3A_148 = arith.maximumf %select_n3A_108, %select_n3A_116 : vector<256x128xf32>
    %broadcast_in_dim3A_149 = vector.shape_cast %eq3A_122 : vector<1x128xi1> to vector<1x128xi1>
    %broadcast_in_dim3A_150 = vector.broadcast %broadcast_in_dim3A_149 : vector<1x128xi1> to vector<256x128xi1>
    %select_n3A_151 = arith.select %broadcast_in_dim3A_150, %min3A_147, %max3A_148 : vector<256x128xi1>, vector<256x128xf32>
    %broadcast_in_dim3A_152 = vector.shape_cast %eq3A_122 : vector<1x128xi1> to vector<1x128xi1>
    %broadcast_in_dim3A_153 = vector.broadcast %broadcast_in_dim3A_152 : vector<1x128xi1> to vector<256x128xi1>
    %select_n3A_154 = arith.select %broadcast_in_dim3A_153, %max3A_148, %min3A_147 : vector<256x128xi1>, vector<256x128xf32>
    %and3A_155 = arith.constant 1 : i32
    %and3A_156 = vector.broadcast %and3A_155 : i32 to vector<1x128xi32>
    %and3A_157 = arith.andi %iota3A, %and3A_156 : vector<1x128xi32>
    %eq3A_158 = arith.constant 0 : i32
    %eq3A_159 = vector.broadcast %eq3A_158 : i32 to vector<1x128xi32>
    %eq3A_160 = arith.cmpi eq, %and3A_157, %eq3A_159 : vector<1x128xi32>
    %and3A_161 = arith.constant 2 : i32
    %and3A_162 = vector.broadcast %and3A_161 : i32 to vector<1x128xi32>
    %and3A_163 = arith.andi %iota3A, %and3A_162 : vector<1x128xi32>
    %eq3A_164 = arith.constant 0 : i32
    %eq3A_165 = vector.broadcast %eq3A_164 : i32 to vector<1x128xi32>
    %eq3A_166 = arith.cmpi eq, %and3A_163, %eq3A_165 : vector<1x128xi32>
    %eq3A_167 = arith.xori %eq3A_166, %eq3A_160 : vector<1x128xi1>
    %eq3A_168 = arith.constant dense<true> : vector<1x128xi1>
    %eq3A_169 = arith.xori %eq3A_167, %eq3A_168 : vector<1x128xi1>
    %slice3A = vector.extract_strided_slice %select_n3A_127 {offsets = [0, 1], sizes = [256, 127], strides = [1, 1]} : vector<256x128xf32> to vector<256x127xf32>
    %slice3A_170 = vector.extract_strided_slice %select_n3A_127 {offsets = [0, 0], sizes = [256, 1], strides = [1, 1]} : vector<256x128xf32> to vector<256x1xf32>
    %concatenate3A = tpu.concatenate %slice3A, %slice3A_170 in 1 : vector<256x127xf32>, vector<256x1xf32> -> vector<256x128xf32>
    %slice3A_171 = vector.extract_strided_slice %select_n3A_127 {offsets = [0, 127], sizes = [256, 1], strides = [1, 1]} : vector<256x128xf32> to vector<256x1xf32>
    %slice3A_172 = vector.extract_strided_slice %select_n3A_127 {offsets = [0, 0], sizes = [256, 127], strides = [1, 1]} : vector<256x128xf32> to vector<256x127xf32>
    %concatenate3A_173 = tpu.concatenate %slice3A_171, %slice3A_172 in 1 : vector<256x1xf32>, vector<256x127xf32> -> vector<256x128xf32>
    %broadcast_in_dim3A_174 = vector.shape_cast %eq3A_160 : vector<1x128xi1> to vector<1x128xi1>
    %broadcast_in_dim3A_175 = vector.broadcast %broadcast_in_dim3A_174 : vector<1x128xi1> to vector<256x128xi1>
    %select_n3A_176 = arith.select %broadcast_in_dim3A_175, %concatenate3A, %concatenate3A_173 : vector<256x128xi1>, vector<256x128xf32>
    %min3A_177 = arith.minimumf %select_n3A_127, %select_n3A_176 : vector<256x128xf32>
    %max3A_178 = arith.maximumf %select_n3A_127, %select_n3A_176 : vector<256x128xf32>
    %broadcast_in_dim3A_179 = vector.shape_cast %eq3A_169 : vector<1x128xi1> to vector<1x128xi1>
    %broadcast_in_dim3A_180 = vector.broadcast %broadcast_in_dim3A_179 : vector<1x128xi1> to vector<256x128xi1>
    %select_n3A_181 = arith.select %broadcast_in_dim3A_180, %min3A_177, %max3A_178 : vector<256x128xi1>, vector<256x128xf32>
    %slice3A_182 = vector.extract_strided_slice %select_n3A_130 {offsets = [0, 1], sizes = [256, 127], strides = [1, 1]} : vector<256x128xf32> to vector<256x127xf32>
    %slice3A_183 = vector.extract_strided_slice %select_n3A_130 {offsets = [0, 0], sizes = [256, 1], strides = [1, 1]} : vector<256x128xf32> to vector<256x1xf32>
    %concatenate3A_184 = tpu.concatenate %slice3A_182, %slice3A_183 in 1 : vector<256x127xf32>, vector<256x1xf32> -> vector<256x128xf32>
    %slice3A_185 = vector.extract_strided_slice %select_n3A_130 {offsets = [0, 127], sizes = [256, 1], strides = [1, 1]} : vector<256x128xf32> to vector<256x1xf32>
    %slice3A_186 = vector.extract_strided_slice %select_n3A_130 {offsets = [0, 0], sizes = [256, 127], strides = [1, 1]} : vector<256x128xf32> to vector<256x127xf32>
    %concatenate3A_187 = tpu.concatenate %slice3A_185, %slice3A_186 in 1 : vector<256x1xf32>, vector<256x127xf32> -> vector<256x128xf32>
    %broadcast_in_dim3A_188 = vector.shape_cast %eq3A_160 : vector<1x128xi1> to vector<1x128xi1>
    %broadcast_in_dim3A_189 = vector.broadcast %broadcast_in_dim3A_188 : vector<1x128xi1> to vector<256x128xi1>
    %select_n3A_190 = arith.select %broadcast_in_dim3A_189, %concatenate3A_184, %concatenate3A_187 : vector<256x128xi1>, vector<256x128xf32>
    %min3A_191 = arith.minimumf %select_n3A_130, %select_n3A_190 : vector<256x128xf32>
    %max3A_192 = arith.maximumf %select_n3A_130, %select_n3A_190 : vector<256x128xf32>
    %broadcast_in_dim3A_193 = vector.shape_cast %eq3A_169 : vector<1x128xi1> to vector<1x128xi1>
    %broadcast_in_dim3A_194 = vector.broadcast %broadcast_in_dim3A_193 : vector<1x128xi1> to vector<256x128xi1>
    %select_n3A_195 = arith.select %broadcast_in_dim3A_194, %min3A_191, %max3A_192 : vector<256x128xi1>, vector<256x128xf32>
    %slice3A_196 = vector.extract_strided_slice %select_n3A_135 {offsets = [0, 1], sizes = [256, 127], strides = [1, 1]} : vector<256x128xf32> to vector<256x127xf32>
    %slice3A_197 = vector.extract_strided_slice %select_n3A_135 {offsets = [0, 0], sizes = [256, 1], strides = [1, 1]} : vector<256x128xf32> to vector<256x1xf32>
    %concatenate3A_198 = tpu.concatenate %slice3A_196, %slice3A_197 in 1 : vector<256x127xf32>, vector<256x1xf32> -> vector<256x128xf32>
    %slice3A_199 = vector.extract_strided_slice %select_n3A_135 {offsets = [0, 127], sizes = [256, 1], strides = [1, 1]} : vector<256x128xf32> to vector<256x1xf32>
    %slice3A_200 = vector.extract_strided_slice %select_n3A_135 {offsets = [0, 0], sizes = [256, 127], strides = [1, 1]} : vector<256x128xf32> to vector<256x127xf32>
    %concatenate3A_201 = tpu.concatenate %slice3A_199, %slice3A_200 in 1 : vector<256x1xf32>, vector<256x127xf32> -> vector<256x128xf32>
    %broadcast_in_dim3A_202 = vector.shape_cast %eq3A_160 : vector<1x128xi1> to vector<1x128xi1>
    %broadcast_in_dim3A_203 = vector.broadcast %broadcast_in_dim3A_202 : vector<1x128xi1> to vector<256x128xi1>
    %select_n3A_204 = arith.select %broadcast_in_dim3A_203, %concatenate3A_198, %concatenate3A_201 : vector<256x128xi1>, vector<256x128xf32>
    %min3A_205 = arith.minimumf %select_n3A_135, %select_n3A_204 : vector<256x128xf32>
    %max3A_206 = arith.maximumf %select_n3A_135, %select_n3A_204 : vector<256x128xf32>
    %broadcast_in_dim3A_207 = vector.shape_cast %eq3A_169 : vector<1x128xi1> to vector<1x128xi1>
    %broadcast_in_dim3A_208 = vector.broadcast %broadcast_in_dim3A_207 : vector<1x128xi1> to vector<256x128xi1>
    %select_n3A_209 = arith.select %broadcast_in_dim3A_208, %min3A_205, %max3A_206 : vector<256x128xi1>, vector<256x128xf32>
    %slice3A_210 = vector.extract_strided_slice %select_n3A_138 {offsets = [0, 1], sizes = [256, 127], strides = [1, 1]} : vector<256x128xf32> to vector<256x127xf32>
    %slice3A_211 = vector.extract_strided_slice %select_n3A_138 {offsets = [0, 0], sizes = [256, 1], strides = [1, 1]} : vector<256x128xf32> to vector<256x1xf32>
    %concatenate3A_212 = tpu.concatenate %slice3A_210, %slice3A_211 in 1 : vector<256x127xf32>, vector<256x1xf32> -> vector<256x128xf32>
    %slice3A_213 = vector.extract_strided_slice %select_n3A_138 {offsets = [0, 127], sizes = [256, 1], strides = [1, 1]} : vector<256x128xf32> to vector<256x1xf32>
    %slice3A_214 = vector.extract_strided_slice %select_n3A_138 {offsets = [0, 0], sizes = [256, 127], strides = [1, 1]} : vector<256x128xf32> to vector<256x127xf32>
    %concatenate3A_215 = tpu.concatenate %slice3A_213, %slice3A_214 in 1 : vector<256x1xf32>, vector<256x127xf32> -> vector<256x128xf32>
    %broadcast_in_dim3A_216 = vector.shape_cast %eq3A_160 : vector<1x128xi1> to vector<1x128xi1>
    %broadcast_in_dim3A_217 = vector.broadcast %broadcast_in_dim3A_216 : vector<1x128xi1> to vector<256x128xi1>
    %select_n3A_218 = arith.select %broadcast_in_dim3A_217, %concatenate3A_212, %concatenate3A_215 : vector<256x128xi1>, vector<256x128xf32>
    %min3A_219 = arith.minimumf %select_n3A_138, %select_n3A_218 : vector<256x128xf32>
    %max3A_220 = arith.maximumf %select_n3A_138, %select_n3A_218 : vector<256x128xf32>
    %broadcast_in_dim3A_221 = vector.shape_cast %eq3A_169 : vector<1x128xi1> to vector<1x128xi1>
    %broadcast_in_dim3A_222 = vector.broadcast %broadcast_in_dim3A_221 : vector<1x128xi1> to vector<256x128xi1>
    %select_n3A_223 = arith.select %broadcast_in_dim3A_222, %min3A_219, %max3A_220 : vector<256x128xi1>, vector<256x128xf32>
    %slice3A_224 = vector.extract_strided_slice %select_n3A_143 {offsets = [0, 1], sizes = [256, 127], strides = [1, 1]} : vector<256x128xf32> to vector<256x127xf32>
    %slice3A_225 = vector.extract_strided_slice %select_n3A_143 {offsets = [0, 0], sizes = [256, 1], strides = [1, 1]} : vector<256x128xf32> to vector<256x1xf32>
    %concatenate3A_226 = tpu.concatenate %slice3A_224, %slice3A_225 in 1 : vector<256x127xf32>, vector<256x1xf32> -> vector<256x128xf32>
    %slice3A_227 = vector.extract_strided_slice %select_n3A_143 {offsets = [0, 127], sizes = [256, 1], strides = [1, 1]} : vector<256x128xf32> to vector<256x1xf32>
    %slice3A_228 = vector.extract_strided_slice %select_n3A_143 {offsets = [0, 0], sizes = [256, 127], strides = [1, 1]} : vector<256x128xf32> to vector<256x127xf32>
    %concatenate3A_229 = tpu.concatenate %slice3A_227, %slice3A_228 in 1 : vector<256x1xf32>, vector<256x127xf32> -> vector<256x128xf32>
    %broadcast_in_dim3A_230 = vector.shape_cast %eq3A_160 : vector<1x128xi1> to vector<1x128xi1>
    %broadcast_in_dim3A_231 = vector.broadcast %broadcast_in_dim3A_230 : vector<1x128xi1> to vector<256x128xi1>
    %select_n3A_232 = arith.select %broadcast_in_dim3A_231, %concatenate3A_226, %concatenate3A_229 : vector<256x128xi1>, vector<256x128xf32>
    %min3A_233 = arith.minimumf %select_n3A_143, %select_n3A_232 : vector<256x128xf32>
    %max3A_234 = arith.maximumf %select_n3A_143, %select_n3A_232 : vector<256x128xf32>
    %broadcast_in_dim3A_235 = vector.shape_cast %eq3A_169 : vector<1x128xi1> to vector<1x128xi1>
    %broadcast_in_dim3A_236 = vector.broadcast %broadcast_in_dim3A_235 : vector<1x128xi1> to vector<256x128xi1>
    %select_n3A_237 = arith.select %broadcast_in_dim3A_236, %min3A_233, %max3A_234 : vector<256x128xi1>, vector<256x128xf32>
    %slice3A_238 = vector.extract_strided_slice %select_n3A_146 {offsets = [0, 1], sizes = [256, 127], strides = [1, 1]} : vector<256x128xf32> to vector<256x127xf32>
    %slice3A_239 = vector.extract_strided_slice %select_n3A_146 {offsets = [0, 0], sizes = [256, 1], strides = [1, 1]} : vector<256x128xf32> to vector<256x1xf32>
    %concatenate3A_240 = tpu.concatenate %slice3A_238, %slice3A_239 in 1 : vector<256x127xf32>, vector<256x1xf32> -> vector<256x128xf32>
    %slice3A_241 = vector.extract_strided_slice %select_n3A_146 {offsets = [0, 127], sizes = [256, 1], strides = [1, 1]} : vector<256x128xf32> to vector<256x1xf32>
    %slice3A_242 = vector.extract_strided_slice %select_n3A_146 {offsets = [0, 0], sizes = [256, 127], strides = [1, 1]} : vector<256x128xf32> to vector<256x127xf32>
    %concatenate3A_243 = tpu.concatenate %slice3A_241, %slice3A_242 in 1 : vector<256x1xf32>, vector<256x127xf32> -> vector<256x128xf32>
    %broadcast_in_dim3A_244 = vector.shape_cast %eq3A_160 : vector<1x128xi1> to vector<1x128xi1>
    %broadcast_in_dim3A_245 = vector.broadcast %broadcast_in_dim3A_244 : vector<1x128xi1> to vector<256x128xi1>
    %select_n3A_246 = arith.select %broadcast_in_dim3A_245, %concatenate3A_240, %concatenate3A_243 : vector<256x128xi1>, vector<256x128xf32>
    %min3A_247 = arith.minimumf %select_n3A_146, %select_n3A_246 : vector<256x128xf32>
    %max3A_248 = arith.maximumf %select_n3A_146, %select_n3A_246 : vector<256x128xf32>
    %broadcast_in_dim3A_249 = vector.shape_cast %eq3A_169 : vector<1x128xi1> to vector<1x128xi1>
    %broadcast_in_dim3A_250 = vector.broadcast %broadcast_in_dim3A_249 : vector<1x128xi1> to vector<256x128xi1>
    %select_n3A_251 = arith.select %broadcast_in_dim3A_250, %min3A_247, %max3A_248 : vector<256x128xi1>, vector<256x128xf32>
    %slice3A_252 = vector.extract_strided_slice %select_n3A_151 {offsets = [0, 1], sizes = [256, 127], strides = [1, 1]} : vector<256x128xf32> to vector<256x127xf32>
    %slice3A_253 = vector.extract_strided_slice %select_n3A_151 {offsets = [0, 0], sizes = [256, 1], strides = [1, 1]} : vector<256x128xf32> to vector<256x1xf32>
    %concatenate3A_254 = tpu.concatenate %slice3A_252, %slice3A_253 in 1 : vector<256x127xf32>, vector<256x1xf32> -> vector<256x128xf32>
    %slice3A_255 = vector.extract_strided_slice %select_n3A_151 {offsets = [0, 127], sizes = [256, 1], strides = [1, 1]} : vector<256x128xf32> to vector<256x1xf32>
    %slice3A_256 = vector.extract_strided_slice %select_n3A_151 {offsets = [0, 0], sizes = [256, 127], strides = [1, 1]} : vector<256x128xf32> to vector<256x127xf32>
    %concatenate3A_257 = tpu.concatenate %slice3A_255, %slice3A_256 in 1 : vector<256x1xf32>, vector<256x127xf32> -> vector<256x128xf32>
    %broadcast_in_dim3A_258 = vector.shape_cast %eq3A_160 : vector<1x128xi1> to vector<1x128xi1>
    %broadcast_in_dim3A_259 = vector.broadcast %broadcast_in_dim3A_258 : vector<1x128xi1> to vector<256x128xi1>
    %select_n3A_260 = arith.select %broadcast_in_dim3A_259, %concatenate3A_254, %concatenate3A_257 : vector<256x128xi1>, vector<256x128xf32>
    %min3A_261 = arith.minimumf %select_n3A_151, %select_n3A_260 : vector<256x128xf32>
    %max3A_262 = arith.maximumf %select_n3A_151, %select_n3A_260 : vector<256x128xf32>
    %broadcast_in_dim3A_263 = vector.shape_cast %eq3A_169 : vector<1x128xi1> to vector<1x128xi1>
    %broadcast_in_dim3A_264 = vector.broadcast %broadcast_in_dim3A_263 : vector<1x128xi1> to vector<256x128xi1>
    %select_n3A_265 = arith.select %broadcast_in_dim3A_264, %min3A_261, %max3A_262 : vector<256x128xi1>, vector<256x128xf32>
    %slice3A_266 = vector.extract_strided_slice %select_n3A_154 {offsets = [0, 1], sizes = [256, 127], strides = [1, 1]} : vector<256x128xf32> to vector<256x127xf32>
    %slice3A_267 = vector.extract_strided_slice %select_n3A_154 {offsets = [0, 0], sizes = [256, 1], strides = [1, 1]} : vector<256x128xf32> to vector<256x1xf32>
    %concatenate3A_268 = tpu.concatenate %slice3A_266, %slice3A_267 in 1 : vector<256x127xf32>, vector<256x1xf32> -> vector<256x128xf32>
    %slice3A_269 = vector.extract_strided_slice %select_n3A_154 {offsets = [0, 127], sizes = [256, 1], strides = [1, 1]} : vector<256x128xf32> to vector<256x1xf32>
    %slice3A_270 = vector.extract_strided_slice %select_n3A_154 {offsets = [0, 0], sizes = [256, 127], strides = [1, 1]} : vector<256x128xf32> to vector<256x127xf32>
    %concatenate3A_271 = tpu.concatenate %slice3A_269, %slice3A_270 in 1 : vector<256x1xf32>, vector<256x127xf32> -> vector<256x128xf32>
    %broadcast_in_dim3A_272 = vector.shape_cast %eq3A_160 : vector<1x128xi1> to vector<1x128xi1>
    %broadcast_in_dim3A_273 = vector.broadcast %broadcast_in_dim3A_272 : vector<1x128xi1> to vector<256x128xi1>
    %select_n3A_274 = arith.select %broadcast_in_dim3A_273, %concatenate3A_268, %concatenate3A_271 : vector<256x128xi1>, vector<256x128xf32>
    %min3A_275 = arith.minimumf %select_n3A_154, %select_n3A_274 : vector<256x128xf32>
    %max3A_276 = arith.maximumf %select_n3A_154, %select_n3A_274 : vector<256x128xf32>
    %broadcast_in_dim3A_277 = vector.shape_cast %eq3A_169 : vector<1x128xi1> to vector<1x128xi1>
    %broadcast_in_dim3A_278 = vector.broadcast %broadcast_in_dim3A_277 : vector<1x128xi1> to vector<256x128xi1>
    %select_n3A_279 = arith.select %broadcast_in_dim3A_278, %min3A_275, %max3A_276 : vector<256x128xi1>, vector<256x128xf32>
    %and3A_280 = arith.constant 2 : i32
    %and3A_281 = vector.broadcast %and3A_280 : i32 to vector<1x128xi32>
    %and3A_282 = arith.andi %iota3A, %and3A_281 : vector<1x128xi32>
    %eq3A_283 = arith.constant 0 : i32
    %eq3A_284 = vector.broadcast %eq3A_283 : i32 to vector<1x128xi32>
    %eq3A_285 = arith.cmpi eq, %and3A_282, %eq3A_284 : vector<1x128xi32>
    %min3A_286 = arith.minimumf %select_n3A_181, %select_n3A_237 : vector<256x128xf32>
    %max3A_287 = arith.maximumf %select_n3A_181, %select_n3A_237 : vector<256x128xf32>
    %broadcast_in_dim3A_288 = vector.shape_cast %eq3A_285 : vector<1x128xi1> to vector<1x128xi1>
    %broadcast_in_dim3A_289 = vector.broadcast %broadcast_in_dim3A_288 : vector<1x128xi1> to vector<256x128xi1>
    %select_n3A_290 = arith.select %broadcast_in_dim3A_289, %min3A_286, %max3A_287 : vector<256x128xi1>, vector<256x128xf32>
    %broadcast_in_dim3A_291 = vector.shape_cast %eq3A_285 : vector<1x128xi1> to vector<1x128xi1>
    %broadcast_in_dim3A_292 = vector.broadcast %broadcast_in_dim3A_291 : vector<1x128xi1> to vector<256x128xi1>
    %select_n3A_293 = arith.select %broadcast_in_dim3A_292, %max3A_287, %min3A_286 : vector<256x128xi1>, vector<256x128xf32>
    %min3A_294 = arith.minimumf %select_n3A_195, %select_n3A_251 : vector<256x128xf32>
    %max3A_295 = arith.maximumf %select_n3A_195, %select_n3A_251 : vector<256x128xf32>
    %broadcast_in_dim3A_296 = vector.shape_cast %eq3A_285 : vector<1x128xi1> to vector<1x128xi1>
    %broadcast_in_dim3A_297 = vector.broadcast %broadcast_in_dim3A_296 : vector<1x128xi1> to vector<256x128xi1>
    %select_n3A_298 = arith.select %broadcast_in_dim3A_297, %min3A_294, %max3A_295 : vector<256x128xi1>, vector<256x128xf32>
    %broadcast_in_dim3A_299 = vector.shape_cast %eq3A_285 : vector<1x128xi1> to vector<1x128xi1>
    %broadcast_in_dim3A_300 = vector.broadcast %broadcast_in_dim3A_299 : vector<1x128xi1> to vector<256x128xi1>
    %select_n3A_301 = arith.select %broadcast_in_dim3A_300, %max3A_295, %min3A_294 : vector<256x128xi1>, vector<256x128xf32>
    %min3A_302 = arith.minimumf %select_n3A_209, %select_n3A_265 : vector<256x128xf32>
    %max3A_303 = arith.maximumf %select_n3A_209, %select_n3A_265 : vector<256x128xf32>
    %broadcast_in_dim3A_304 = vector.shape_cast %eq3A_285 : vector<1x128xi1> to vector<1x128xi1>
    %broadcast_in_dim3A_305 = vector.broadcast %broadcast_in_dim3A_304 : vector<1x128xi1> to vector<256x128xi1>
    %select_n3A_306 = arith.select %broadcast_in_dim3A_305, %min3A_302, %max3A_303 : vector<256x128xi1>, vector<256x128xf32>
    %broadcast_in_dim3A_307 = vector.shape_cast %eq3A_285 : vector<1x128xi1> to vector<1x128xi1>
    %broadcast_in_dim3A_308 = vector.broadcast %broadcast_in_dim3A_307 : vector<1x128xi1> to vector<256x128xi1>
    %select_n3A_309 = arith.select %broadcast_in_dim3A_308, %max3A_303, %min3A_302 : vector<256x128xi1>, vector<256x128xf32>
    %min3A_310 = arith.minimumf %select_n3A_223, %select_n3A_279 : vector<256x128xf32>
    %max3A_311 = arith.maximumf %select_n3A_223, %select_n3A_279 : vector<256x128xf32>
    %broadcast_in_dim3A_312 = vector.shape_cast %eq3A_285 : vector<1x128xi1> to vector<1x128xi1>
    %broadcast_in_dim3A_313 = vector.broadcast %broadcast_in_dim3A_312 : vector<1x128xi1> to vector<256x128xi1>
    %select_n3A_314 = arith.select %broadcast_in_dim3A_313, %min3A_310, %max3A_311 : vector<256x128xi1>, vector<256x128xf32>
    %broadcast_in_dim3A_315 = vector.shape_cast %eq3A_285 : vector<1x128xi1> to vector<1x128xi1>
    %broadcast_in_dim3A_316 = vector.broadcast %broadcast_in_dim3A_315 : vector<1x128xi1> to vector<256x128xi1>
    %select_n3A_317 = arith.select %broadcast_in_dim3A_316, %max3A_311, %min3A_310 : vector<256x128xi1>, vector<256x128xf32>
    %and3A_318 = arith.constant 2 : i32
    %and3A_319 = vector.broadcast %and3A_318 : i32 to vector<1x128xi32>
    %and3A_320 = arith.andi %iota3A, %and3A_319 : vector<1x128xi32>
    %eq3A_321 = arith.constant 0 : i32
    %eq3A_322 = vector.broadcast %eq3A_321 : i32 to vector<1x128xi32>
    %eq3A_323 = arith.cmpi eq, %and3A_320, %eq3A_322 : vector<1x128xi32>
    %min3A_324 = arith.minimumf %select_n3A_290, %select_n3A_306 : vector<256x128xf32>
    %max3A_325 = arith.maximumf %select_n3A_290, %select_n3A_306 : vector<256x128xf32>
    %broadcast_in_dim3A_326 = vector.shape_cast %eq3A_323 : vector<1x128xi1> to vector<1x128xi1>
    %broadcast_in_dim3A_327 = vector.broadcast %broadcast_in_dim3A_326 : vector<1x128xi1> to vector<256x128xi1>
    %select_n3A_328 = arith.select %broadcast_in_dim3A_327, %min3A_324, %max3A_325 : vector<256x128xi1>, vector<256x128xf32>
    %broadcast_in_dim3A_329 = vector.shape_cast %eq3A_323 : vector<1x128xi1> to vector<1x128xi1>
    %broadcast_in_dim3A_330 = vector.broadcast %broadcast_in_dim3A_329 : vector<1x128xi1> to vector<256x128xi1>
    %select_n3A_331 = arith.select %broadcast_in_dim3A_330, %max3A_325, %min3A_324 : vector<256x128xi1>, vector<256x128xf32>
    %min3A_332 = arith.minimumf %select_n3A_298, %select_n3A_314 : vector<256x128xf32>
    %max3A_333 = arith.maximumf %select_n3A_298, %select_n3A_314 : vector<256x128xf32>
    %broadcast_in_dim3A_334 = vector.shape_cast %eq3A_323 : vector<1x128xi1> to vector<1x128xi1>
    %broadcast_in_dim3A_335 = vector.broadcast %broadcast_in_dim3A_334 : vector<1x128xi1> to vector<256x128xi1>
    %select_n3A_336 = arith.select %broadcast_in_dim3A_335, %min3A_332, %max3A_333 : vector<256x128xi1>, vector<256x128xf32>
    %broadcast_in_dim3A_337 = vector.shape_cast %eq3A_323 : vector<1x128xi1> to vector<1x128xi1>
    %broadcast_in_dim3A_338 = vector.broadcast %broadcast_in_dim3A_337 : vector<1x128xi1> to vector<256x128xi1>
    %select_n3A_339 = arith.select %broadcast_in_dim3A_338, %max3A_333, %min3A_332 : vector<256x128xi1>, vector<256x128xf32>
    %min3A_340 = arith.minimumf %select_n3A_293, %select_n3A_309 : vector<256x128xf32>
    %max3A_341 = arith.maximumf %select_n3A_293, %select_n3A_309 : vector<256x128xf32>
    %broadcast_in_dim3A_342 = vector.shape_cast %eq3A_323 : vector<1x128xi1> to vector<1x128xi1>
    %broadcast_in_dim3A_343 = vector.broadcast %broadcast_in_dim3A_342 : vector<1x128xi1> to vector<256x128xi1>
    %select_n3A_344 = arith.select %broadcast_in_dim3A_343, %min3A_340, %max3A_341 : vector<256x128xi1>, vector<256x128xf32>
    %broadcast_in_dim3A_345 = vector.shape_cast %eq3A_323 : vector<1x128xi1> to vector<1x128xi1>
    %broadcast_in_dim3A_346 = vector.broadcast %broadcast_in_dim3A_345 : vector<1x128xi1> to vector<256x128xi1>
    %select_n3A_347 = arith.select %broadcast_in_dim3A_346, %max3A_341, %min3A_340 : vector<256x128xi1>, vector<256x128xf32>
    %min3A_348 = arith.minimumf %select_n3A_301, %select_n3A_317 : vector<256x128xf32>
    %max3A_349 = arith.maximumf %select_n3A_301, %select_n3A_317 : vector<256x128xf32>
    %broadcast_in_dim3A_350 = vector.shape_cast %eq3A_323 : vector<1x128xi1> to vector<1x128xi1>
    %broadcast_in_dim3A_351 = vector.broadcast %broadcast_in_dim3A_350 : vector<1x128xi1> to vector<256x128xi1>
    %select_n3A_352 = arith.select %broadcast_in_dim3A_351, %min3A_348, %max3A_349 : vector<256x128xi1>, vector<256x128xf32>
    %broadcast_in_dim3A_353 = vector.shape_cast %eq3A_323 : vector<1x128xi1> to vector<1x128xi1>
    %broadcast_in_dim3A_354 = vector.broadcast %broadcast_in_dim3A_353 : vector<1x128xi1> to vector<256x128xi1>
    %select_n3A_355 = arith.select %broadcast_in_dim3A_354, %max3A_349, %min3A_348 : vector<256x128xi1>, vector<256x128xf32>
    %and3A_356 = arith.constant 2 : i32
    %and3A_357 = vector.broadcast %and3A_356 : i32 to vector<1x128xi32>
    %and3A_358 = arith.andi %iota3A, %and3A_357 : vector<1x128xi32>
    %eq3A_359 = arith.constant 0 : i32
    %eq3A_360 = vector.broadcast %eq3A_359 : i32 to vector<1x128xi32>
    %eq3A_361 = arith.cmpi eq, %and3A_358, %eq3A_360 : vector<1x128xi32>
    %min3A_362 = arith.minimumf %select_n3A_328, %select_n3A_336 : vector<256x128xf32>
    %max3A_363 = arith.maximumf %select_n3A_328, %select_n3A_336 : vector<256x128xf32>
    %broadcast_in_dim3A_364 = vector.shape_cast %eq3A_361 : vector<1x128xi1> to vector<1x128xi1>
    %broadcast_in_dim3A_365 = vector.broadcast %broadcast_in_dim3A_364 : vector<1x128xi1> to vector<256x128xi1>
    %select_n3A_366 = arith.select %broadcast_in_dim3A_365, %min3A_362, %max3A_363 : vector<256x128xi1>, vector<256x128xf32>
    %broadcast_in_dim3A_367 = vector.shape_cast %eq3A_361 : vector<1x128xi1> to vector<1x128xi1>
    %broadcast_in_dim3A_368 = vector.broadcast %broadcast_in_dim3A_367 : vector<1x128xi1> to vector<256x128xi1>
    %select_n3A_369 = arith.select %broadcast_in_dim3A_368, %max3A_363, %min3A_362 : vector<256x128xi1>, vector<256x128xf32>
    %min3A_370 = arith.minimumf %select_n3A_331, %select_n3A_339 : vector<256x128xf32>
    %max3A_371 = arith.maximumf %select_n3A_331, %select_n3A_339 : vector<256x128xf32>
    %broadcast_in_dim3A_372 = vector.shape_cast %eq3A_361 : vector<1x128xi1> to vector<1x128xi1>
    %broadcast_in_dim3A_373 = vector.broadcast %broadcast_in_dim3A_372 : vector<1x128xi1> to vector<256x128xi1>
    %select_n3A_374 = arith.select %broadcast_in_dim3A_373, %min3A_370, %max3A_371 : vector<256x128xi1>, vector<256x128xf32>
    %broadcast_in_dim3A_375 = vector.shape_cast %eq3A_361 : vector<1x128xi1> to vector<1x128xi1>
    %broadcast_in_dim3A_376 = vector.broadcast %broadcast_in_dim3A_375 : vector<1x128xi1> to vector<256x128xi1>
    %select_n3A_377 = arith.select %broadcast_in_dim3A_376, %max3A_371, %min3A_370 : vector<256x128xi1>, vector<256x128xf32>
    %min3A_378 = arith.minimumf %select_n3A_344, %select_n3A_352 : vector<256x128xf32>
    %max3A_379 = arith.maximumf %select_n3A_344, %select_n3A_352 : vector<256x128xf32>
    %broadcast_in_dim3A_380 = vector.shape_cast %eq3A_361 : vector<1x128xi1> to vector<1x128xi1>
    %broadcast_in_dim3A_381 = vector.broadcast %broadcast_in_dim3A_380 : vector<1x128xi1> to vector<256x128xi1>
    %select_n3A_382 = arith.select %broadcast_in_dim3A_381, %min3A_378, %max3A_379 : vector<256x128xi1>, vector<256x128xf32>
    %broadcast_in_dim3A_383 = vector.shape_cast %eq3A_361 : vector<1x128xi1> to vector<1x128xi1>
    %broadcast_in_dim3A_384 = vector.broadcast %broadcast_in_dim3A_383 : vector<1x128xi1> to vector<256x128xi1>
    %select_n3A_385 = arith.select %broadcast_in_dim3A_384, %max3A_379, %min3A_378 : vector<256x128xi1>, vector<256x128xf32>
    %min3A_386 = arith.minimumf %select_n3A_347, %select_n3A_355 : vector<256x128xf32>
    %max3A_387 = arith.maximumf %select_n3A_347, %select_n3A_355 : vector<256x128xf32>
    %broadcast_in_dim3A_388 = vector.shape_cast %eq3A_361 : vector<1x128xi1> to vector<1x128xi1>
    %broadcast_in_dim3A_389 = vector.broadcast %broadcast_in_dim3A_388 : vector<1x128xi1> to vector<256x128xi1>
    %select_n3A_390 = arith.select %broadcast_in_dim3A_389, %min3A_386, %max3A_387 : vector<256x128xi1>, vector<256x128xf32>
    %broadcast_in_dim3A_391 = vector.shape_cast %eq3A_361 : vector<1x128xi1> to vector<1x128xi1>
    %broadcast_in_dim3A_392 = vector.broadcast %broadcast_in_dim3A_391 : vector<1x128xi1> to vector<256x128xi1>
    %select_n3A_393 = arith.select %broadcast_in_dim3A_392, %max3A_387, %min3A_386 : vector<256x128xi1>, vector<256x128xf32>
    %and3A_394 = arith.constant 2 : i32
    %and3A_395 = vector.broadcast %and3A_394 : i32 to vector<1x128xi32>
    %and3A_396 = arith.andi %iota3A, %and3A_395 : vector<1x128xi32>
    %eq3A_397 = arith.constant 0 : i32
    %eq3A_398 = vector.broadcast %eq3A_397 : i32 to vector<1x128xi32>
    %eq3A_399 = arith.cmpi eq, %and3A_396, %eq3A_398 : vector<1x128xi32>
    %and3A_400 = arith.constant 4 : i32
    %and3A_401 = vector.broadcast %and3A_400 : i32 to vector<1x128xi32>
    %and3A_402 = arith.andi %iota3A, %and3A_401 : vector<1x128xi32>
    %eq3A_403 = arith.constant 0 : i32
    %eq3A_404 = vector.broadcast %eq3A_403 : i32 to vector<1x128xi32>
    %eq3A_405 = arith.cmpi eq, %and3A_402, %eq3A_404 : vector<1x128xi32>
    %eq3A_406 = arith.xori %eq3A_405, %eq3A_399 : vector<1x128xi1>
    %eq3A_407 = arith.constant dense<true> : vector<1x128xi1>
    %eq3A_408 = arith.xori %eq3A_406, %eq3A_407 : vector<1x128xi1>
    %slice3A_409 = vector.extract_strided_slice %select_n3A_366 {offsets = [0, 2], sizes = [256, 126], strides = [1, 1]} : vector<256x128xf32> to vector<256x126xf32>
    %slice3A_410 = vector.extract_strided_slice %select_n3A_366 {offsets = [0, 0], sizes = [256, 2], strides = [1, 1]} : vector<256x128xf32> to vector<256x2xf32>
    %concatenate3A_411 = tpu.concatenate %slice3A_409, %slice3A_410 in 1 : vector<256x126xf32>, vector<256x2xf32> -> vector<256x128xf32>
    %slice3A_412 = vector.extract_strided_slice %select_n3A_366 {offsets = [0, 126], sizes = [256, 2], strides = [1, 1]} : vector<256x128xf32> to vector<256x2xf32>
    %slice3A_413 = vector.extract_strided_slice %select_n3A_366 {offsets = [0, 0], sizes = [256, 126], strides = [1, 1]} : vector<256x128xf32> to vector<256x126xf32>
    %concatenate3A_414 = tpu.concatenate %slice3A_412, %slice3A_413 in 1 : vector<256x2xf32>, vector<256x126xf32> -> vector<256x128xf32>
    %broadcast_in_dim3A_415 = vector.shape_cast %eq3A_399 : vector<1x128xi1> to vector<1x128xi1>
    %broadcast_in_dim3A_416 = vector.broadcast %broadcast_in_dim3A_415 : vector<1x128xi1> to vector<256x128xi1>
    %select_n3A_417 = arith.select %broadcast_in_dim3A_416, %concatenate3A_411, %concatenate3A_414 : vector<256x128xi1>, vector<256x128xf32>
    %min3A_418 = arith.minimumf %select_n3A_366, %select_n3A_417 : vector<256x128xf32>
    %max3A_419 = arith.maximumf %select_n3A_366, %select_n3A_417 : vector<256x128xf32>
    %broadcast_in_dim3A_420 = vector.shape_cast %eq3A_408 : vector<1x128xi1> to vector<1x128xi1>
    %broadcast_in_dim3A_421 = vector.broadcast %broadcast_in_dim3A_420 : vector<1x128xi1> to vector<256x128xi1>
    %select_n3A_422 = arith.select %broadcast_in_dim3A_421, %min3A_418, %max3A_419 : vector<256x128xi1>, vector<256x128xf32>
    %slice3A_423 = vector.extract_strided_slice %select_n3A_369 {offsets = [0, 2], sizes = [256, 126], strides = [1, 1]} : vector<256x128xf32> to vector<256x126xf32>
    %slice3A_424 = vector.extract_strided_slice %select_n3A_369 {offsets = [0, 0], sizes = [256, 2], strides = [1, 1]} : vector<256x128xf32> to vector<256x2xf32>
    %concatenate3A_425 = tpu.concatenate %slice3A_423, %slice3A_424 in 1 : vector<256x126xf32>, vector<256x2xf32> -> vector<256x128xf32>
    %slice3A_426 = vector.extract_strided_slice %select_n3A_369 {offsets = [0, 126], sizes = [256, 2], strides = [1, 1]} : vector<256x128xf32> to vector<256x2xf32>
    %slice3A_427 = vector.extract_strided_slice %select_n3A_369 {offsets = [0, 0], sizes = [256, 126], strides = [1, 1]} : vector<256x128xf32> to vector<256x126xf32>
    %concatenate3A_428 = tpu.concatenate %slice3A_426, %slice3A_427 in 1 : vector<256x2xf32>, vector<256x126xf32> -> vector<256x128xf32>
    %broadcast_in_dim3A_429 = vector.shape_cast %eq3A_399 : vector<1x128xi1> to vector<1x128xi1>
    %broadcast_in_dim3A_430 = vector.broadcast %broadcast_in_dim3A_429 : vector<1x128xi1> to vector<256x128xi1>
    %select_n3A_431 = arith.select %broadcast_in_dim3A_430, %concatenate3A_425, %concatenate3A_428 : vector<256x128xi1>, vector<256x128xf32>
    %min3A_432 = arith.minimumf %select_n3A_369, %select_n3A_431 : vector<256x128xf32>
    %max3A_433 = arith.maximumf %select_n3A_369, %select_n3A_431 : vector<256x128xf32>
    %broadcast_in_dim3A_434 = vector.shape_cast %eq3A_408 : vector<1x128xi1> to vector<1x128xi1>
    %broadcast_in_dim3A_435 = vector.broadcast %broadcast_in_dim3A_434 : vector<1x128xi1> to vector<256x128xi1>
    %select_n3A_436 = arith.select %broadcast_in_dim3A_435, %min3A_432, %max3A_433 : vector<256x128xi1>, vector<256x128xf32>
    %slice3A_437 = vector.extract_strided_slice %select_n3A_374 {offsets = [0, 2], sizes = [256, 126], strides = [1, 1]} : vector<256x128xf32> to vector<256x126xf32>
    %slice3A_438 = vector.extract_strided_slice %select_n3A_374 {offsets = [0, 0], sizes = [256, 2], strides = [1, 1]} : vector<256x128xf32> to vector<256x2xf32>
    %concatenate3A_439 = tpu.concatenate %slice3A_437, %slice3A_438 in 1 : vector<256x126xf32>, vector<256x2xf32> -> vector<256x128xf32>
    %slice3A_440 = vector.extract_strided_slice %select_n3A_374 {offsets = [0, 126], sizes = [256, 2], strides = [1, 1]} : vector<256x128xf32> to vector<256x2xf32>
    %slice3A_441 = vector.extract_strided_slice %select_n3A_374 {offsets = [0, 0], sizes = [256, 126], strides = [1, 1]} : vector<256x128xf32> to vector<256x126xf32>
    %concatenate3A_442 = tpu.concatenate %slice3A_440, %slice3A_441 in 1 : vector<256x2xf32>, vector<256x126xf32> -> vector<256x128xf32>
    %broadcast_in_dim3A_443 = vector.shape_cast %eq3A_399 : vector<1x128xi1> to vector<1x128xi1>
    %broadcast_in_dim3A_444 = vector.broadcast %broadcast_in_dim3A_443 : vector<1x128xi1> to vector<256x128xi1>
    %select_n3A_445 = arith.select %broadcast_in_dim3A_444, %concatenate3A_439, %concatenate3A_442 : vector<256x128xi1>, vector<256x128xf32>
    %min3A_446 = arith.minimumf %select_n3A_374, %select_n3A_445 : vector<256x128xf32>
    %max3A_447 = arith.maximumf %select_n3A_374, %select_n3A_445 : vector<256x128xf32>
    %broadcast_in_dim3A_448 = vector.shape_cast %eq3A_408 : vector<1x128xi1> to vector<1x128xi1>
    %broadcast_in_dim3A_449 = vector.broadcast %broadcast_in_dim3A_448 : vector<1x128xi1> to vector<256x128xi1>
    %select_n3A_450 = arith.select %broadcast_in_dim3A_449, %min3A_446, %max3A_447 : vector<256x128xi1>, vector<256x128xf32>
    %slice3A_451 = vector.extract_strided_slice %select_n3A_377 {offsets = [0, 2], sizes = [256, 126], strides = [1, 1]} : vector<256x128xf32> to vector<256x126xf32>
    %slice3A_452 = vector.extract_strided_slice %select_n3A_377 {offsets = [0, 0], sizes = [256, 2], strides = [1, 1]} : vector<256x128xf32> to vector<256x2xf32>
    %concatenate3A_453 = tpu.concatenate %slice3A_451, %slice3A_452 in 1 : vector<256x126xf32>, vector<256x2xf32> -> vector<256x128xf32>
    %slice3A_454 = vector.extract_strided_slice %select_n3A_377 {offsets = [0, 126], sizes = [256, 2], strides = [1, 1]} : vector<256x128xf32> to vector<256x2xf32>
    %slice3A_455 = vector.extract_strided_slice %select_n3A_377 {offsets = [0, 0], sizes = [256, 126], strides = [1, 1]} : vector<256x128xf32> to vector<256x126xf32>
    %concatenate3A_456 = tpu.concatenate %slice3A_454, %slice3A_455 in 1 : vector<256x2xf32>, vector<256x126xf32> -> vector<256x128xf32>
    %broadcast_in_dim3A_457 = vector.shape_cast %eq3A_399 : vector<1x128xi1> to vector<1x128xi1>
    %broadcast_in_dim3A_458 = vector.broadcast %broadcast_in_dim3A_457 : vector<1x128xi1> to vector<256x128xi1>
    %select_n3A_459 = arith.select %broadcast_in_dim3A_458, %concatenate3A_453, %concatenate3A_456 : vector<256x128xi1>, vector<256x128xf32>
    %min3A_460 = arith.minimumf %select_n3A_377, %select_n3A_459 : vector<256x128xf32>
    %max3A_461 = arith.maximumf %select_n3A_377, %select_n3A_459 : vector<256x128xf32>
    %broadcast_in_dim3A_462 = vector.shape_cast %eq3A_408 : vector<1x128xi1> to vector<1x128xi1>
    %broadcast_in_dim3A_463 = vector.broadcast %broadcast_in_dim3A_462 : vector<1x128xi1> to vector<256x128xi1>
    %select_n3A_464 = arith.select %broadcast_in_dim3A_463, %min3A_460, %max3A_461 : vector<256x128xi1>, vector<256x128xf32>
    %slice3A_465 = vector.extract_strided_slice %select_n3A_382 {offsets = [0, 2], sizes = [256, 126], strides = [1, 1]} : vector<256x128xf32> to vector<256x126xf32>
    %slice3A_466 = vector.extract_strided_slice %select_n3A_382 {offsets = [0, 0], sizes = [256, 2], strides = [1, 1]} : vector<256x128xf32> to vector<256x2xf32>
    %concatenate3A_467 = tpu.concatenate %slice3A_465, %slice3A_466 in 1 : vector<256x126xf32>, vector<256x2xf32> -> vector<256x128xf32>
    %slice3A_468 = vector.extract_strided_slice %select_n3A_382 {offsets = [0, 126], sizes = [256, 2], strides = [1, 1]} : vector<256x128xf32> to vector<256x2xf32>
    %slice3A_469 = vector.extract_strided_slice %select_n3A_382 {offsets = [0, 0], sizes = [256, 126], strides = [1, 1]} : vector<256x128xf32> to vector<256x126xf32>
    %concatenate3A_470 = tpu.concatenate %slice3A_468, %slice3A_469 in 1 : vector<256x2xf32>, vector<256x126xf32> -> vector<256x128xf32>
    %broadcast_in_dim3A_471 = vector.shape_cast %eq3A_399 : vector<1x128xi1> to vector<1x128xi1>
    %broadcast_in_dim3A_472 = vector.broadcast %broadcast_in_dim3A_471 : vector<1x128xi1> to vector<256x128xi1>
    %select_n3A_473 = arith.select %broadcast_in_dim3A_472, %concatenate3A_467, %concatenate3A_470 : vector<256x128xi1>, vector<256x128xf32>
    %min3A_474 = arith.minimumf %select_n3A_382, %select_n3A_473 : vector<256x128xf32>
    %max3A_475 = arith.maximumf %select_n3A_382, %select_n3A_473 : vector<256x128xf32>
    %broadcast_in_dim3A_476 = vector.shape_cast %eq3A_408 : vector<1x128xi1> to vector<1x128xi1>
    %broadcast_in_dim3A_477 = vector.broadcast %broadcast_in_dim3A_476 : vector<1x128xi1> to vector<256x128xi1>
    %select_n3A_478 = arith.select %broadcast_in_dim3A_477, %min3A_474, %max3A_475 : vector<256x128xi1>, vector<256x128xf32>
    %slice3A_479 = vector.extract_strided_slice %select_n3A_385 {offsets = [0, 2], sizes = [256, 126], strides = [1, 1]} : vector<256x128xf32> to vector<256x126xf32>
    %slice3A_480 = vector.extract_strided_slice %select_n3A_385 {offsets = [0, 0], sizes = [256, 2], strides = [1, 1]} : vector<256x128xf32> to vector<256x2xf32>
    %concatenate3A_481 = tpu.concatenate %slice3A_479, %slice3A_480 in 1 : vector<256x126xf32>, vector<256x2xf32> -> vector<256x128xf32>
    %slice3A_482 = vector.extract_strided_slice %select_n3A_385 {offsets = [0, 126], sizes = [256, 2], strides = [1, 1]} : vector<256x128xf32> to vector<256x2xf32>
    %slice3A_483 = vector.extract_strided_slice %select_n3A_385 {offsets = [0, 0], sizes = [256, 126], strides = [1, 1]} : vector<256x128xf32> to vector<256x126xf32>
    %concatenate3A_484 = tpu.concatenate %slice3A_482, %slice3A_483 in 1 : vector<256x2xf32>, vector<256x126xf32> -> vector<256x128xf32>
    %broadcast_in_dim3A_485 = vector.shape_cast %eq3A_399 : vector<1x128xi1> to vector<1x128xi1>
    %broadcast_in_dim3A_486 = vector.broadcast %broadcast_in_dim3A_485 : vector<1x128xi1> to vector<256x128xi1>
    %select_n3A_487 = arith.select %broadcast_in_dim3A_486, %concatenate3A_481, %concatenate3A_484 : vector<256x128xi1>, vector<256x128xf32>
    %min3A_488 = arith.minimumf %select_n3A_385, %select_n3A_487 : vector<256x128xf32>
    %max3A_489 = arith.maximumf %select_n3A_385, %select_n3A_487 : vector<256x128xf32>
    %broadcast_in_dim3A_490 = vector.shape_cast %eq3A_408 : vector<1x128xi1> to vector<1x128xi1>
    %broadcast_in_dim3A_491 = vector.broadcast %broadcast_in_dim3A_490 : vector<1x128xi1> to vector<256x128xi1>
    %select_n3A_492 = arith.select %broadcast_in_dim3A_491, %min3A_488, %max3A_489 : vector<256x128xi1>, vector<256x128xf32>
    %slice3A_493 = vector.extract_strided_slice %select_n3A_390 {offsets = [0, 2], sizes = [256, 126], strides = [1, 1]} : vector<256x128xf32> to vector<256x126xf32>
    %slice3A_494 = vector.extract_strided_slice %select_n3A_390 {offsets = [0, 0], sizes = [256, 2], strides = [1, 1]} : vector<256x128xf32> to vector<256x2xf32>
    %concatenate3A_495 = tpu.concatenate %slice3A_493, %slice3A_494 in 1 : vector<256x126xf32>, vector<256x2xf32> -> vector<256x128xf32>
    %slice3A_496 = vector.extract_strided_slice %select_n3A_390 {offsets = [0, 126], sizes = [256, 2], strides = [1, 1]} : vector<256x128xf32> to vector<256x2xf32>
    %slice3A_497 = vector.extract_strided_slice %select_n3A_390 {offsets = [0, 0], sizes = [256, 126], strides = [1, 1]} : vector<256x128xf32> to vector<256x126xf32>
    %concatenate3A_498 = tpu.concatenate %slice3A_496, %slice3A_497 in 1 : vector<256x2xf32>, vector<256x126xf32> -> vector<256x128xf32>
    %broadcast_in_dim3A_499 = vector.shape_cast %eq3A_399 : vector<1x128xi1> to vector<1x128xi1>
    %broadcast_in_dim3A_500 = vector.broadcast %broadcast_in_dim3A_499 : vector<1x128xi1> to vector<256x128xi1>
    %select_n3A_501 = arith.select %broadcast_in_dim3A_500, %concatenate3A_495, %concatenate3A_498 : vector<256x128xi1>, vector<256x128xf32>
    %min3A_502 = arith.minimumf %select_n3A_390, %select_n3A_501 : vector<256x128xf32>
    %max3A_503 = arith.maximumf %select_n3A_390, %select_n3A_501 : vector<256x128xf32>
    %broadcast_in_dim3A_504 = vector.shape_cast %eq3A_408 : vector<1x128xi1> to vector<1x128xi1>
    %broadcast_in_dim3A_505 = vector.broadcast %broadcast_in_dim3A_504 : vector<1x128xi1> to vector<256x128xi1>
    %select_n3A_506 = arith.select %broadcast_in_dim3A_505, %min3A_502, %max3A_503 : vector<256x128xi1>, vector<256x128xf32>
    %slice3A_507 = vector.extract_strided_slice %select_n3A_393 {offsets = [0, 2], sizes = [256, 126], strides = [1, 1]} : vector<256x128xf32> to vector<256x126xf32>
    %slice3A_508 = vector.extract_strided_slice %select_n3A_393 {offsets = [0, 0], sizes = [256, 2], strides = [1, 1]} : vector<256x128xf32> to vector<256x2xf32>
    %concatenate3A_509 = tpu.concatenate %slice3A_507, %slice3A_508 in 1 : vector<256x126xf32>, vector<256x2xf32> -> vector<256x128xf32>
    %slice3A_510 = vector.extract_strided_slice %select_n3A_393 {offsets = [0, 126], sizes = [256, 2], strides = [1, 1]} : vector<256x128xf32> to vector<256x2xf32>
    %slice3A_511 = vector.extract_strided_slice %select_n3A_393 {offsets = [0, 0], sizes = [256, 126], strides = [1, 1]} : vector<256x128xf32> to vector<256x126xf32>
    %concatenate3A_512 = tpu.concatenate %slice3A_510, %slice3A_511 in 1 : vector<256x2xf32>, vector<256x126xf32> -> vector<256x128xf32>
    %broadcast_in_dim3A_513 = vector.shape_cast %eq3A_399 : vector<1x128xi1> to vector<1x128xi1>
    %broadcast_in_dim3A_514 = vector.broadcast %broadcast_in_dim3A_513 : vector<1x128xi1> to vector<256x128xi1>
    %select_n3A_515 = arith.select %broadcast_in_dim3A_514, %concatenate3A_509, %concatenate3A_512 : vector<256x128xi1>, vector<256x128xf32>
    %min3A_516 = arith.minimumf %select_n3A_393, %select_n3A_515 : vector<256x128xf32>
    %max3A_517 = arith.maximumf %select_n3A_393, %select_n3A_515 : vector<256x128xf32>
    %broadcast_in_dim3A_518 = vector.shape_cast %eq3A_408 : vector<1x128xi1> to vector<1x128xi1>
    %broadcast_in_dim3A_519 = vector.broadcast %broadcast_in_dim3A_518 : vector<1x128xi1> to vector<256x128xi1>
    %select_n3A_520 = arith.select %broadcast_in_dim3A_519, %min3A_516, %max3A_517 : vector<256x128xi1>, vector<256x128xf32>
    %and3A_521 = arith.constant 1 : i32
    %and3A_522 = vector.broadcast %and3A_521 : i32 to vector<1x128xi32>
    %and3A_523 = arith.andi %iota3A, %and3A_522 : vector<1x128xi32>
    %eq3A_524 = arith.constant 0 : i32
    %eq3A_525 = vector.broadcast %eq3A_524 : i32 to vector<1x128xi32>
    %eq3A_526 = arith.cmpi eq, %and3A_523, %eq3A_525 : vector<1x128xi32>
    %and3A_527 = arith.constant 4 : i32
    %and3A_528 = vector.broadcast %and3A_527 : i32 to vector<1x128xi32>
    %and3A_529 = arith.andi %iota3A, %and3A_528 : vector<1x128xi32>
    %eq3A_530 = arith.constant 0 : i32
    %eq3A_531 = vector.broadcast %eq3A_530 : i32 to vector<1x128xi32>
    %eq3A_532 = arith.cmpi eq, %and3A_529, %eq3A_531 : vector<1x128xi32>
    %eq3A_533 = arith.xori %eq3A_532, %eq3A_526 : vector<1x128xi1>
    %eq3A_534 = arith.constant dense<true> : vector<1x128xi1>
    %eq3A_535 = arith.xori %eq3A_533, %eq3A_534 : vector<1x128xi1>
    %slice3A_536 = vector.extract_strided_slice %select_n3A_422 {offsets = [0, 1], sizes = [256, 127], strides = [1, 1]} : vector<256x128xf32> to vector<256x127xf32>
    %slice3A_537 = vector.extract_strided_slice %select_n3A_422 {offsets = [0, 0], sizes = [256, 1], strides = [1, 1]} : vector<256x128xf32> to vector<256x1xf32>
    %concatenate3A_538 = tpu.concatenate %slice3A_536, %slice3A_537 in 1 : vector<256x127xf32>, vector<256x1xf32> -> vector<256x128xf32>
    %slice3A_539 = vector.extract_strided_slice %select_n3A_422 {offsets = [0, 127], sizes = [256, 1], strides = [1, 1]} : vector<256x128xf32> to vector<256x1xf32>
    %slice3A_540 = vector.extract_strided_slice %select_n3A_422 {offsets = [0, 0], sizes = [256, 127], strides = [1, 1]} : vector<256x128xf32> to vector<256x127xf32>
    %concatenate3A_541 = tpu.concatenate %slice3A_539, %slice3A_540 in 1 : vector<256x1xf32>, vector<256x127xf32> -> vector<256x128xf32>
    %broadcast_in_dim3A_542 = vector.shape_cast %eq3A_526 : vector<1x128xi1> to vector<1x128xi1>
    %broadcast_in_dim3A_543 = vector.broadcast %broadcast_in_dim3A_542 : vector<1x128xi1> to vector<256x128xi1>
    %select_n3A_544 = arith.select %broadcast_in_dim3A_543, %concatenate3A_538, %concatenate3A_541 : vector<256x128xi1>, vector<256x128xf32>
    %min3A_545 = arith.minimumf %select_n3A_422, %select_n3A_544 : vector<256x128xf32>
    %max3A_546 = arith.maximumf %select_n3A_422, %select_n3A_544 : vector<256x128xf32>
    %broadcast_in_dim3A_547 = vector.shape_cast %eq3A_535 : vector<1x128xi1> to vector<1x128xi1>
    %broadcast_in_dim3A_548 = vector.broadcast %broadcast_in_dim3A_547 : vector<1x128xi1> to vector<256x128xi1>
    %select_n3A_549 = arith.select %broadcast_in_dim3A_548, %min3A_545, %max3A_546 : vector<256x128xi1>, vector<256x128xf32>
    %slice3A_550 = vector.extract_strided_slice %select_n3A_436 {offsets = [0, 1], sizes = [256, 127], strides = [1, 1]} : vector<256x128xf32> to vector<256x127xf32>
    %slice3A_551 = vector.extract_strided_slice %select_n3A_436 {offsets = [0, 0], sizes = [256, 1], strides = [1, 1]} : vector<256x128xf32> to vector<256x1xf32>
    %concatenate3A_552 = tpu.concatenate %slice3A_550, %slice3A_551 in 1 : vector<256x127xf32>, vector<256x1xf32> -> vector<256x128xf32>
    %slice3A_553 = vector.extract_strided_slice %select_n3A_436 {offsets = [0, 127], sizes = [256, 1], strides = [1, 1]} : vector<256x128xf32> to vector<256x1xf32>
    %slice3A_554 = vector.extract_strided_slice %select_n3A_436 {offsets = [0, 0], sizes = [256, 127], strides = [1, 1]} : vector<256x128xf32> to vector<256x127xf32>
    %concatenate3A_555 = tpu.concatenate %slice3A_553, %slice3A_554 in 1 : vector<256x1xf32>, vector<256x127xf32> -> vector<256x128xf32>
    %broadcast_in_dim3A_556 = vector.shape_cast %eq3A_526 : vector<1x128xi1> to vector<1x128xi1>
    %broadcast_in_dim3A_557 = vector.broadcast %broadcast_in_dim3A_556 : vector<1x128xi1> to vector<256x128xi1>
    %select_n3A_558 = arith.select %broadcast_in_dim3A_557, %concatenate3A_552, %concatenate3A_555 : vector<256x128xi1>, vector<256x128xf32>
    %min3A_559 = arith.minimumf %select_n3A_436, %select_n3A_558 : vector<256x128xf32>
    %max3A_560 = arith.maximumf %select_n3A_436, %select_n3A_558 : vector<256x128xf32>
    %broadcast_in_dim3A_561 = vector.shape_cast %eq3A_535 : vector<1x128xi1> to vector<1x128xi1>
    %broadcast_in_dim3A_562 = vector.broadcast %broadcast_in_dim3A_561 : vector<1x128xi1> to vector<256x128xi1>
    %select_n3A_563 = arith.select %broadcast_in_dim3A_562, %min3A_559, %max3A_560 : vector<256x128xi1>, vector<256x128xf32>
    %slice3A_564 = vector.extract_strided_slice %select_n3A_450 {offsets = [0, 1], sizes = [256, 127], strides = [1, 1]} : vector<256x128xf32> to vector<256x127xf32>
    %slice3A_565 = vector.extract_strided_slice %select_n3A_450 {offsets = [0, 0], sizes = [256, 1], strides = [1, 1]} : vector<256x128xf32> to vector<256x1xf32>
    %concatenate3A_566 = tpu.concatenate %slice3A_564, %slice3A_565 in 1 : vector<256x127xf32>, vector<256x1xf32> -> vector<256x128xf32>
    %slice3A_567 = vector.extract_strided_slice %select_n3A_450 {offsets = [0, 127], sizes = [256, 1], strides = [1, 1]} : vector<256x128xf32> to vector<256x1xf32>
    %slice3A_568 = vector.extract_strided_slice %select_n3A_450 {offsets = [0, 0], sizes = [256, 127], strides = [1, 1]} : vector<256x128xf32> to vector<256x127xf32>
    %concatenate3A_569 = tpu.concatenate %slice3A_567, %slice3A_568 in 1 : vector<256x1xf32>, vector<256x127xf32> -> vector<256x128xf32>
    %broadcast_in_dim3A_570 = vector.shape_cast %eq3A_526 : vector<1x128xi1> to vector<1x128xi1>
    %broadcast_in_dim3A_571 = vector.broadcast %broadcast_in_dim3A_570 : vector<1x128xi1> to vector<256x128xi1>
    %select_n3A_572 = arith.select %broadcast_in_dim3A_571, %concatenate3A_566, %concatenate3A_569 : vector<256x128xi1>, vector<256x128xf32>
    %min3A_573 = arith.minimumf %select_n3A_450, %select_n3A_572 : vector<256x128xf32>
    %max3A_574 = arith.maximumf %select_n3A_450, %select_n3A_572 : vector<256x128xf32>
    %broadcast_in_dim3A_575 = vector.shape_cast %eq3A_535 : vector<1x128xi1> to vector<1x128xi1>
    %broadcast_in_dim3A_576 = vector.broadcast %broadcast_in_dim3A_575 : vector<1x128xi1> to vector<256x128xi1>
    %select_n3A_577 = arith.select %broadcast_in_dim3A_576, %min3A_573, %max3A_574 : vector<256x128xi1>, vector<256x128xf32>
    %slice3A_578 = vector.extract_strided_slice %select_n3A_464 {offsets = [0, 1], sizes = [256, 127], strides = [1, 1]} : vector<256x128xf32> to vector<256x127xf32>
    %slice3A_579 = vector.extract_strided_slice %select_n3A_464 {offsets = [0, 0], sizes = [256, 1], strides = [1, 1]} : vector<256x128xf32> to vector<256x1xf32>
    %concatenate3A_580 = tpu.concatenate %slice3A_578, %slice3A_579 in 1 : vector<256x127xf32>, vector<256x1xf32> -> vector<256x128xf32>
    %slice3A_581 = vector.extract_strided_slice %select_n3A_464 {offsets = [0, 127], sizes = [256, 1], strides = [1, 1]} : vector<256x128xf32> to vector<256x1xf32>
    %slice3A_582 = vector.extract_strided_slice %select_n3A_464 {offsets = [0, 0], sizes = [256, 127], strides = [1, 1]} : vector<256x128xf32> to vector<256x127xf32>
    %concatenate3A_583 = tpu.concatenate %slice3A_581, %slice3A_582 in 1 : vector<256x1xf32>, vector<256x127xf32> -> vector<256x128xf32>
    %broadcast_in_dim3A_584 = vector.shape_cast %eq3A_526 : vector<1x128xi1> to vector<1x128xi1>
    %broadcast_in_dim3A_585 = vector.broadcast %broadcast_in_dim3A_584 : vector<1x128xi1> to vector<256x128xi1>
    %select_n3A_586 = arith.select %broadcast_in_dim3A_585, %concatenate3A_580, %concatenate3A_583 : vector<256x128xi1>, vector<256x128xf32>
    %min3A_587 = arith.minimumf %select_n3A_464, %select_n3A_586 : vector<256x128xf32>
    %max3A_588 = arith.maximumf %select_n3A_464, %select_n3A_586 : vector<256x128xf32>
    %broadcast_in_dim3A_589 = vector.shape_cast %eq3A_535 : vector<1x128xi1> to vector<1x128xi1>
    %broadcast_in_dim3A_590 = vector.broadcast %broadcast_in_dim3A_589 : vector<1x128xi1> to vector<256x128xi1>
    %select_n3A_591 = arith.select %broadcast_in_dim3A_590, %min3A_587, %max3A_588 : vector<256x128xi1>, vector<256x128xf32>
    %slice3A_592 = vector.extract_strided_slice %select_n3A_478 {offsets = [0, 1], sizes = [256, 127], strides = [1, 1]} : vector<256x128xf32> to vector<256x127xf32>
    %slice3A_593 = vector.extract_strided_slice %select_n3A_478 {offsets = [0, 0], sizes = [256, 1], strides = [1, 1]} : vector<256x128xf32> to vector<256x1xf32>
    %concatenate3A_594 = tpu.concatenate %slice3A_592, %slice3A_593 in 1 : vector<256x127xf32>, vector<256x1xf32> -> vector<256x128xf32>
    %slice3A_595 = vector.extract_strided_slice %select_n3A_478 {offsets = [0, 127], sizes = [256, 1], strides = [1, 1]} : vector<256x128xf32> to vector<256x1xf32>
    %slice3A_596 = vector.extract_strided_slice %select_n3A_478 {offsets = [0, 0], sizes = [256, 127], strides = [1, 1]} : vector<256x128xf32> to vector<256x127xf32>
    %concatenate3A_597 = tpu.concatenate %slice3A_595, %slice3A_596 in 1 : vector<256x1xf32>, vector<256x127xf32> -> vector<256x128xf32>
    %broadcast_in_dim3A_598 = vector.shape_cast %eq3A_526 : vector<1x128xi1> to vector<1x128xi1>
    %broadcast_in_dim3A_599 = vector.broadcast %broadcast_in_dim3A_598 : vector<1x128xi1> to vector<256x128xi1>
    %select_n3A_600 = arith.select %broadcast_in_dim3A_599, %concatenate3A_594, %concatenate3A_597 : vector<256x128xi1>, vector<256x128xf32>
    %min3A_601 = arith.minimumf %select_n3A_478, %select_n3A_600 : vector<256x128xf32>
    %max3A_602 = arith.maximumf %select_n3A_478, %select_n3A_600 : vector<256x128xf32>
    %broadcast_in_dim3A_603 = vector.shape_cast %eq3A_535 : vector<1x128xi1> to vector<1x128xi1>
    %broadcast_in_dim3A_604 = vector.broadcast %broadcast_in_dim3A_603 : vector<1x128xi1> to vector<256x128xi1>
    %select_n3A_605 = arith.select %broadcast_in_dim3A_604, %min3A_601, %max3A_602 : vector<256x128xi1>, vector<256x128xf32>
    %slice3A_606 = vector.extract_strided_slice %select_n3A_492 {offsets = [0, 1], sizes = [256, 127], strides = [1, 1]} : vector<256x128xf32> to vector<256x127xf32>
    %slice3A_607 = vector.extract_strided_slice %select_n3A_492 {offsets = [0, 0], sizes = [256, 1], strides = [1, 1]} : vector<256x128xf32> to vector<256x1xf32>
    %concatenate3A_608 = tpu.concatenate %slice3A_606, %slice3A_607 in 1 : vector<256x127xf32>, vector<256x1xf32> -> vector<256x128xf32>
    %slice3A_609 = vector.extract_strided_slice %select_n3A_492 {offsets = [0, 127], sizes = [256, 1], strides = [1, 1]} : vector<256x128xf32> to vector<256x1xf32>
    %slice3A_610 = vector.extract_strided_slice %select_n3A_492 {offsets = [0, 0], sizes = [256, 127], strides = [1, 1]} : vector<256x128xf32> to vector<256x127xf32>
    %concatenate3A_611 = tpu.concatenate %slice3A_609, %slice3A_610 in 1 : vector<256x1xf32>, vector<256x127xf32> -> vector<256x128xf32>
    %broadcast_in_dim3A_612 = vector.shape_cast %eq3A_526 : vector<1x128xi1> to vector<1x128xi1>
    %broadcast_in_dim3A_613 = vector.broadcast %broadcast_in_dim3A_612 : vector<1x128xi1> to vector<256x128xi1>
    %select_n3A_614 = arith.select %broadcast_in_dim3A_613, %concatenate3A_608, %concatenate3A_611 : vector<256x128xi1>, vector<256x128xf32>
    %min3A_615 = arith.minimumf %select_n3A_492, %select_n3A_614 : vector<256x128xf32>
    %max3A_616 = arith.maximumf %select_n3A_492, %select_n3A_614 : vector<256x128xf32>
    %broadcast_in_dim3A_617 = vector.shape_cast %eq3A_535 : vector<1x128xi1> to vector<1x128xi1>
    %broadcast_in_dim3A_618 = vector.broadcast %broadcast_in_dim3A_617 : vector<1x128xi1> to vector<256x128xi1>
    %select_n3A_619 = arith.select %broadcast_in_dim3A_618, %min3A_615, %max3A_616 : vector<256x128xi1>, vector<256x128xf32>
    %slice3A_620 = vector.extract_strided_slice %select_n3A_506 {offsets = [0, 1], sizes = [256, 127], strides = [1, 1]} : vector<256x128xf32> to vector<256x127xf32>
    %slice3A_621 = vector.extract_strided_slice %select_n3A_506 {offsets = [0, 0], sizes = [256, 1], strides = [1, 1]} : vector<256x128xf32> to vector<256x1xf32>
    %concatenate3A_622 = tpu.concatenate %slice3A_620, %slice3A_621 in 1 : vector<256x127xf32>, vector<256x1xf32> -> vector<256x128xf32>
    %slice3A_623 = vector.extract_strided_slice %select_n3A_506 {offsets = [0, 127], sizes = [256, 1], strides = [1, 1]} : vector<256x128xf32> to vector<256x1xf32>
    %slice3A_624 = vector.extract_strided_slice %select_n3A_506 {offsets = [0, 0], sizes = [256, 127], strides = [1, 1]} : vector<256x128xf32> to vector<256x127xf32>
    %concatenate3A_625 = tpu.concatenate %slice3A_623, %slice3A_624 in 1 : vector<256x1xf32>, vector<256x127xf32> -> vector<256x128xf32>
    %broadcast_in_dim3A_626 = vector.shape_cast %eq3A_526 : vector<1x128xi1> to vector<1x128xi1>
    %broadcast_in_dim3A_627 = vector.broadcast %broadcast_in_dim3A_626 : vector<1x128xi1> to vector<256x128xi1>
    %select_n3A_628 = arith.select %broadcast_in_dim3A_627, %concatenate3A_622, %concatenate3A_625 : vector<256x128xi1>, vector<256x128xf32>
    %min3A_629 = arith.minimumf %select_n3A_506, %select_n3A_628 : vector<256x128xf32>
    %max3A_630 = arith.maximumf %select_n3A_506, %select_n3A_628 : vector<256x128xf32>
    %broadcast_in_dim3A_631 = vector.shape_cast %eq3A_535 : vector<1x128xi1> to vector<1x128xi1>
    %broadcast_in_dim3A_632 = vector.broadcast %broadcast_in_dim3A_631 : vector<1x128xi1> to vector<256x128xi1>
    %select_n3A_633 = arith.select %broadcast_in_dim3A_632, %min3A_629, %max3A_630 : vector<256x128xi1>, vector<256x128xf32>
    %slice3A_634 = vector.extract_strided_slice %select_n3A_520 {offsets = [0, 1], sizes = [256, 127], strides = [1, 1]} : vector<256x128xf32> to vector<256x127xf32>
    %slice3A_635 = vector.extract_strided_slice %select_n3A_520 {offsets = [0, 0], sizes = [256, 1], strides = [1, 1]} : vector<256x128xf32> to vector<256x1xf32>
    %concatenate3A_636 = tpu.concatenate %slice3A_634, %slice3A_635 in 1 : vector<256x127xf32>, vector<256x1xf32> -> vector<256x128xf32>
    %slice3A_637 = vector.extract_strided_slice %select_n3A_520 {offsets = [0, 127], sizes = [256, 1], strides = [1, 1]} : vector<256x128xf32> to vector<256x1xf32>
    %slice3A_638 = vector.extract_strided_slice %select_n3A_520 {offsets = [0, 0], sizes = [256, 127], strides = [1, 1]} : vector<256x128xf32> to vector<256x127xf32>
    %concatenate3A_639 = tpu.concatenate %slice3A_637, %slice3A_638 in 1 : vector<256x1xf32>, vector<256x127xf32> -> vector<256x128xf32>
    %broadcast_in_dim3A_640 = vector.shape_cast %eq3A_526 : vector<1x128xi1> to vector<1x128xi1>
    %broadcast_in_dim3A_641 = vector.broadcast %broadcast_in_dim3A_640 : vector<1x128xi1> to vector<256x128xi1>
    %select_n3A_642 = arith.select %broadcast_in_dim3A_641, %concatenate3A_636, %concatenate3A_639 : vector<256x128xi1>, vector<256x128xf32>
    %min3A_643 = arith.minimumf %select_n3A_520, %select_n3A_642 : vector<256x128xf32>
    %max3A_644 = arith.maximumf %select_n3A_520, %select_n3A_642 : vector<256x128xf32>
    %broadcast_in_dim3A_645 = vector.shape_cast %eq3A_535 : vector<1x128xi1> to vector<1x128xi1>
    %broadcast_in_dim3A_646 = vector.broadcast %broadcast_in_dim3A_645 : vector<1x128xi1> to vector<256x128xi1>
    %select_n3A_647 = arith.select %broadcast_in_dim3A_646, %min3A_643, %max3A_644 : vector<256x128xi1>, vector<256x128xf32>
    %and3A_648 = arith.constant 4 : i32
    %and3A_649 = vector.broadcast %and3A_648 : i32 to vector<1x128xi32>
    %and3A_650 = arith.andi %iota3A, %and3A_649 : vector<1x128xi32>
    %eq3A_651 = arith.constant 0 : i32
    %eq3A_652 = vector.broadcast %eq3A_651 : i32 to vector<1x128xi32>
    %eq3A_653 = arith.cmpi eq, %and3A_650, %eq3A_652 : vector<1x128xi32>
    %min3A_654 = arith.minimumf %select_n3A_549, %select_n3A_605 : vector<256x128xf32>
    %max3A_655 = arith.maximumf %select_n3A_549, %select_n3A_605 : vector<256x128xf32>
    %broadcast_in_dim3A_656 = vector.shape_cast %eq3A_653 : vector<1x128xi1> to vector<1x128xi1>
    %broadcast_in_dim3A_657 = vector.broadcast %broadcast_in_dim3A_656 : vector<1x128xi1> to vector<256x128xi1>
    %select_n3A_658 = arith.select %broadcast_in_dim3A_657, %min3A_654, %max3A_655 : vector<256x128xi1>, vector<256x128xf32>
    %broadcast_in_dim3A_659 = vector.shape_cast %eq3A_653 : vector<1x128xi1> to vector<1x128xi1>
    %broadcast_in_dim3A_660 = vector.broadcast %broadcast_in_dim3A_659 : vector<1x128xi1> to vector<256x128xi1>
    %select_n3A_661 = arith.select %broadcast_in_dim3A_660, %max3A_655, %min3A_654 : vector<256x128xi1>, vector<256x128xf32>
    %min3A_662 = arith.minimumf %select_n3A_563, %select_n3A_619 : vector<256x128xf32>
    %max3A_663 = arith.maximumf %select_n3A_563, %select_n3A_619 : vector<256x128xf32>
    %broadcast_in_dim3A_664 = vector.shape_cast %eq3A_653 : vector<1x128xi1> to vector<1x128xi1>
    %broadcast_in_dim3A_665 = vector.broadcast %broadcast_in_dim3A_664 : vector<1x128xi1> to vector<256x128xi1>
    %select_n3A_666 = arith.select %broadcast_in_dim3A_665, %min3A_662, %max3A_663 : vector<256x128xi1>, vector<256x128xf32>
    %broadcast_in_dim3A_667 = vector.shape_cast %eq3A_653 : vector<1x128xi1> to vector<1x128xi1>
    %broadcast_in_dim3A_668 = vector.broadcast %broadcast_in_dim3A_667 : vector<1x128xi1> to vector<256x128xi1>
    %select_n3A_669 = arith.select %broadcast_in_dim3A_668, %max3A_663, %min3A_662 : vector<256x128xi1>, vector<256x128xf32>
    %min3A_670 = arith.minimumf %select_n3A_577, %select_n3A_633 : vector<256x128xf32>
    %max3A_671 = arith.maximumf %select_n3A_577, %select_n3A_633 : vector<256x128xf32>
    %broadcast_in_dim3A_672 = vector.shape_cast %eq3A_653 : vector<1x128xi1> to vector<1x128xi1>
    %broadcast_in_dim3A_673 = vector.broadcast %broadcast_in_dim3A_672 : vector<1x128xi1> to vector<256x128xi1>
    %select_n3A_674 = arith.select %broadcast_in_dim3A_673, %min3A_670, %max3A_671 : vector<256x128xi1>, vector<256x128xf32>
    %broadcast_in_dim3A_675 = vector.shape_cast %eq3A_653 : vector<1x128xi1> to vector<1x128xi1>
    %broadcast_in_dim3A_676 = vector.broadcast %broadcast_in_dim3A_675 : vector<1x128xi1> to vector<256x128xi1>
    %select_n3A_677 = arith.select %broadcast_in_dim3A_676, %max3A_671, %min3A_670 : vector<256x128xi1>, vector<256x128xf32>
    %min3A_678 = arith.minimumf %select_n3A_591, %select_n3A_647 : vector<256x128xf32>
    %max3A_679 = arith.maximumf %select_n3A_591, %select_n3A_647 : vector<256x128xf32>
    %broadcast_in_dim3A_680 = vector.shape_cast %eq3A_653 : vector<1x128xi1> to vector<1x128xi1>
    %broadcast_in_dim3A_681 = vector.broadcast %broadcast_in_dim3A_680 : vector<1x128xi1> to vector<256x128xi1>
    %select_n3A_682 = arith.select %broadcast_in_dim3A_681, %min3A_678, %max3A_679 : vector<256x128xi1>, vector<256x128xf32>
    %broadcast_in_dim3A_683 = vector.shape_cast %eq3A_653 : vector<1x128xi1> to vector<1x128xi1>
    %broadcast_in_dim3A_684 = vector.broadcast %broadcast_in_dim3A_683 : vector<1x128xi1> to vector<256x128xi1>
    %select_n3A_685 = arith.select %broadcast_in_dim3A_684, %max3A_679, %min3A_678 : vector<256x128xi1>, vector<256x128xf32>
    %and3A_686 = arith.constant 4 : i32
    %and3A_687 = vector.broadcast %and3A_686 : i32 to vector<1x128xi32>
    %and3A_688 = arith.andi %iota3A, %and3A_687 : vector<1x128xi32>
    %eq3A_689 = arith.constant 0 : i32
    %eq3A_690 = vector.broadcast %eq3A_689 : i32 to vector<1x128xi32>
    %eq3A_691 = arith.cmpi eq, %and3A_688, %eq3A_690 : vector<1x128xi32>
    %min3A_692 = arith.minimumf %select_n3A_658, %select_n3A_674 : vector<256x128xf32>
    %max3A_693 = arith.maximumf %select_n3A_658, %select_n3A_674 : vector<256x128xf32>
    %broadcast_in_dim3A_694 = vector.shape_cast %eq3A_691 : vector<1x128xi1> to vector<1x128xi1>
    %broadcast_in_dim3A_695 = vector.broadcast %broadcast_in_dim3A_694 : vector<1x128xi1> to vector<256x128xi1>
    %select_n3A_696 = arith.select %broadcast_in_dim3A_695, %min3A_692, %max3A_693 : vector<256x128xi1>, vector<256x128xf32>
    %broadcast_in_dim3A_697 = vector.shape_cast %eq3A_691 : vector<1x128xi1> to vector<1x128xi1>
    %broadcast_in_dim3A_698 = vector.broadcast %broadcast_in_dim3A_697 : vector<1x128xi1> to vector<256x128xi1>
    %select_n3A_699 = arith.select %broadcast_in_dim3A_698, %max3A_693, %min3A_692 : vector<256x128xi1>, vector<256x128xf32>
    %min3A_700 = arith.minimumf %select_n3A_666, %select_n3A_682 : vector<256x128xf32>
    %max3A_701 = arith.maximumf %select_n3A_666, %select_n3A_682 : vector<256x128xf32>
    %broadcast_in_dim3A_702 = vector.shape_cast %eq3A_691 : vector<1x128xi1> to vector<1x128xi1>
    %broadcast_in_dim3A_703 = vector.broadcast %broadcast_in_dim3A_702 : vector<1x128xi1> to vector<256x128xi1>
    %select_n3A_704 = arith.select %broadcast_in_dim3A_703, %min3A_700, %max3A_701 : vector<256x128xi1>, vector<256x128xf32>
    %broadcast_in_dim3A_705 = vector.shape_cast %eq3A_691 : vector<1x128xi1> to vector<1x128xi1>
    %broadcast_in_dim3A_706 = vector.broadcast %broadcast_in_dim3A_705 : vector<1x128xi1> to vector<256x128xi1>
    %select_n3A_707 = arith.select %broadcast_in_dim3A_706, %max3A_701, %min3A_700 : vector<256x128xi1>, vector<256x128xf32>
    %min3A_708 = arith.minimumf %select_n3A_661, %select_n3A_677 : vector<256x128xf32>
    %max3A_709 = arith.maximumf %select_n3A_661, %select_n3A_677 : vector<256x128xf32>
    %broadcast_in_dim3A_710 = vector.shape_cast %eq3A_691 : vector<1x128xi1> to vector<1x128xi1>
    %broadcast_in_dim3A_711 = vector.broadcast %broadcast_in_dim3A_710 : vector<1x128xi1> to vector<256x128xi1>
    %select_n3A_712 = arith.select %broadcast_in_dim3A_711, %min3A_708, %max3A_709 : vector<256x128xi1>, vector<256x128xf32>
    %broadcast_in_dim3A_713 = vector.shape_cast %eq3A_691 : vector<1x128xi1> to vector<1x128xi1>
    %broadcast_in_dim3A_714 = vector.broadcast %broadcast_in_dim3A_713 : vector<1x128xi1> to vector<256x128xi1>
    %select_n3A_715 = arith.select %broadcast_in_dim3A_714, %max3A_709, %min3A_708 : vector<256x128xi1>, vector<256x128xf32>
    %min3A_716 = arith.minimumf %select_n3A_669, %select_n3A_685 : vector<256x128xf32>
    %max3A_717 = arith.maximumf %select_n3A_669, %select_n3A_685 : vector<256x128xf32>
    %broadcast_in_dim3A_718 = vector.shape_cast %eq3A_691 : vector<1x128xi1> to vector<1x128xi1>
    %broadcast_in_dim3A_719 = vector.broadcast %broadcast_in_dim3A_718 : vector<1x128xi1> to vector<256x128xi1>
    %select_n3A_720 = arith.select %broadcast_in_dim3A_719, %min3A_716, %max3A_717 : vector<256x128xi1>, vector<256x128xf32>
    %broadcast_in_dim3A_721 = vector.shape_cast %eq3A_691 : vector<1x128xi1> to vector<1x128xi1>
    %broadcast_in_dim3A_722 = vector.broadcast %broadcast_in_dim3A_721 : vector<1x128xi1> to vector<256x128xi1>
    %select_n3A_723 = arith.select %broadcast_in_dim3A_722, %max3A_717, %min3A_716 : vector<256x128xi1>, vector<256x128xf32>
    %and3A_724 = arith.constant 4 : i32
    %and3A_725 = vector.broadcast %and3A_724 : i32 to vector<1x128xi32>
    %and3A_726 = arith.andi %iota3A, %and3A_725 : vector<1x128xi32>
    %eq3A_727 = arith.constant 0 : i32
    %eq3A_728 = vector.broadcast %eq3A_727 : i32 to vector<1x128xi32>
    %eq3A_729 = arith.cmpi eq, %and3A_726, %eq3A_728 : vector<1x128xi32>
    %min3A_730 = arith.minimumf %select_n3A_696, %select_n3A_704 : vector<256x128xf32>
    %max3A_731 = arith.maximumf %select_n3A_696, %select_n3A_704 : vector<256x128xf32>
    %broadcast_in_dim3A_732 = vector.shape_cast %eq3A_729 : vector<1x128xi1> to vector<1x128xi1>
    %broadcast_in_dim3A_733 = vector.broadcast %broadcast_in_dim3A_732 : vector<1x128xi1> to vector<256x128xi1>
    %select_n3A_734 = arith.select %broadcast_in_dim3A_733, %min3A_730, %max3A_731 : vector<256x128xi1>, vector<256x128xf32>
    %broadcast_in_dim3A_735 = vector.shape_cast %eq3A_729 : vector<1x128xi1> to vector<1x128xi1>
    %broadcast_in_dim3A_736 = vector.broadcast %broadcast_in_dim3A_735 : vector<1x128xi1> to vector<256x128xi1>
    %select_n3A_737 = arith.select %broadcast_in_dim3A_736, %max3A_731, %min3A_730 : vector<256x128xi1>, vector<256x128xf32>
    %min3A_738 = arith.minimumf %select_n3A_699, %select_n3A_707 : vector<256x128xf32>
    %max3A_739 = arith.maximumf %select_n3A_699, %select_n3A_707 : vector<256x128xf32>
    %broadcast_in_dim3A_740 = vector.shape_cast %eq3A_729 : vector<1x128xi1> to vector<1x128xi1>
    %broadcast_in_dim3A_741 = vector.broadcast %broadcast_in_dim3A_740 : vector<1x128xi1> to vector<256x128xi1>
    %select_n3A_742 = arith.select %broadcast_in_dim3A_741, %min3A_738, %max3A_739 : vector<256x128xi1>, vector<256x128xf32>
    %broadcast_in_dim3A_743 = vector.shape_cast %eq3A_729 : vector<1x128xi1> to vector<1x128xi1>
    %broadcast_in_dim3A_744 = vector.broadcast %broadcast_in_dim3A_743 : vector<1x128xi1> to vector<256x128xi1>
    %select_n3A_745 = arith.select %broadcast_in_dim3A_744, %max3A_739, %min3A_738 : vector<256x128xi1>, vector<256x128xf32>
    %min3A_746 = arith.minimumf %select_n3A_712, %select_n3A_720 : vector<256x128xf32>
    %max3A_747 = arith.maximumf %select_n3A_712, %select_n3A_720 : vector<256x128xf32>
    %broadcast_in_dim3A_748 = vector.shape_cast %eq3A_729 : vector<1x128xi1> to vector<1x128xi1>
    %broadcast_in_dim3A_749 = vector.broadcast %broadcast_in_dim3A_748 : vector<1x128xi1> to vector<256x128xi1>
    %select_n3A_750 = arith.select %broadcast_in_dim3A_749, %min3A_746, %max3A_747 : vector<256x128xi1>, vector<256x128xf32>
    %broadcast_in_dim3A_751 = vector.shape_cast %eq3A_729 : vector<1x128xi1> to vector<1x128xi1>
    %broadcast_in_dim3A_752 = vector.broadcast %broadcast_in_dim3A_751 : vector<1x128xi1> to vector<256x128xi1>
    %select_n3A_753 = arith.select %broadcast_in_dim3A_752, %max3A_747, %min3A_746 : vector<256x128xi1>, vector<256x128xf32>
    %min3A_754 = arith.minimumf %select_n3A_715, %select_n3A_723 : vector<256x128xf32>
    %max3A_755 = arith.maximumf %select_n3A_715, %select_n3A_723 : vector<256x128xf32>
    %broadcast_in_dim3A_756 = vector.shape_cast %eq3A_729 : vector<1x128xi1> to vector<1x128xi1>
    %broadcast_in_dim3A_757 = vector.broadcast %broadcast_in_dim3A_756 : vector<1x128xi1> to vector<256x128xi1>
    %select_n3A_758 = arith.select %broadcast_in_dim3A_757, %min3A_754, %max3A_755 : vector<256x128xi1>, vector<256x128xf32>
    %broadcast_in_dim3A_759 = vector.shape_cast %eq3A_729 : vector<1x128xi1> to vector<1x128xi1>
    %broadcast_in_dim3A_760 = vector.broadcast %broadcast_in_dim3A_759 : vector<1x128xi1> to vector<256x128xi1>
    %select_n3A_761 = arith.select %broadcast_in_dim3A_760, %max3A_755, %min3A_754 : vector<256x128xi1>, vector<256x128xf32>
    %and3A_762 = arith.constant 4 : i32
    %and3A_763 = vector.broadcast %and3A_762 : i32 to vector<1x128xi32>
    %and3A_764 = arith.andi %iota3A, %and3A_763 : vector<1x128xi32>
    %eq3A_765 = arith.constant 0 : i32
    %eq3A_766 = vector.broadcast %eq3A_765 : i32 to vector<1x128xi32>
    %eq3A_767 = arith.cmpi eq, %and3A_764, %eq3A_766 : vector<1x128xi32>
    %and3A_768 = arith.constant 8 : i32
    %and3A_769 = vector.broadcast %and3A_768 : i32 to vector<1x128xi32>
    %and3A_770 = arith.andi %iota3A, %and3A_769 : vector<1x128xi32>
    %eq3A_771 = arith.constant 0 : i32
    %eq3A_772 = vector.broadcast %eq3A_771 : i32 to vector<1x128xi32>
    %eq3A_773 = arith.cmpi eq, %and3A_770, %eq3A_772 : vector<1x128xi32>
    %eq3A_774 = arith.xori %eq3A_773, %eq3A_767 : vector<1x128xi1>
    %eq3A_775 = arith.constant dense<true> : vector<1x128xi1>
    %eq3A_776 = arith.xori %eq3A_774, %eq3A_775 : vector<1x128xi1>
    %slice3A_777 = vector.extract_strided_slice %select_n3A_734 {offsets = [0, 4], sizes = [256, 124], strides = [1, 1]} : vector<256x128xf32> to vector<256x124xf32>
    %slice3A_778 = vector.extract_strided_slice %select_n3A_734 {offsets = [0, 0], sizes = [256, 4], strides = [1, 1]} : vector<256x128xf32> to vector<256x4xf32>
    %concatenate3A_779 = tpu.concatenate %slice3A_777, %slice3A_778 in 1 : vector<256x124xf32>, vector<256x4xf32> -> vector<256x128xf32>
    %slice3A_780 = vector.extract_strided_slice %select_n3A_734 {offsets = [0, 124], sizes = [256, 4], strides = [1, 1]} : vector<256x128xf32> to vector<256x4xf32>
    %slice3A_781 = vector.extract_strided_slice %select_n3A_734 {offsets = [0, 0], sizes = [256, 124], strides = [1, 1]} : vector<256x128xf32> to vector<256x124xf32>
    %concatenate3A_782 = tpu.concatenate %slice3A_780, %slice3A_781 in 1 : vector<256x4xf32>, vector<256x124xf32> -> vector<256x128xf32>
    %broadcast_in_dim3A_783 = vector.shape_cast %eq3A_767 : vector<1x128xi1> to vector<1x128xi1>
    %broadcast_in_dim3A_784 = vector.broadcast %broadcast_in_dim3A_783 : vector<1x128xi1> to vector<256x128xi1>
    %select_n3A_785 = arith.select %broadcast_in_dim3A_784, %concatenate3A_779, %concatenate3A_782 : vector<256x128xi1>, vector<256x128xf32>
    %min3A_786 = arith.minimumf %select_n3A_734, %select_n3A_785 : vector<256x128xf32>
    %max3A_787 = arith.maximumf %select_n3A_734, %select_n3A_785 : vector<256x128xf32>
    %broadcast_in_dim3A_788 = vector.shape_cast %eq3A_776 : vector<1x128xi1> to vector<1x128xi1>
    %broadcast_in_dim3A_789 = vector.broadcast %broadcast_in_dim3A_788 : vector<1x128xi1> to vector<256x128xi1>
    %select_n3A_790 = arith.select %broadcast_in_dim3A_789, %min3A_786, %max3A_787 : vector<256x128xi1>, vector<256x128xf32>
    %slice3A_791 = vector.extract_strided_slice %select_n3A_737 {offsets = [0, 4], sizes = [256, 124], strides = [1, 1]} : vector<256x128xf32> to vector<256x124xf32>
    %slice3A_792 = vector.extract_strided_slice %select_n3A_737 {offsets = [0, 0], sizes = [256, 4], strides = [1, 1]} : vector<256x128xf32> to vector<256x4xf32>
    %concatenate3A_793 = tpu.concatenate %slice3A_791, %slice3A_792 in 1 : vector<256x124xf32>, vector<256x4xf32> -> vector<256x128xf32>
    %slice3A_794 = vector.extract_strided_slice %select_n3A_737 {offsets = [0, 124], sizes = [256, 4], strides = [1, 1]} : vector<256x128xf32> to vector<256x4xf32>
    %slice3A_795 = vector.extract_strided_slice %select_n3A_737 {offsets = [0, 0], sizes = [256, 124], strides = [1, 1]} : vector<256x128xf32> to vector<256x124xf32>
    %concatenate3A_796 = tpu.concatenate %slice3A_794, %slice3A_795 in 1 : vector<256x4xf32>, vector<256x124xf32> -> vector<256x128xf32>
    %broadcast_in_dim3A_797 = vector.shape_cast %eq3A_767 : vector<1x128xi1> to vector<1x128xi1>
    %broadcast_in_dim3A_798 = vector.broadcast %broadcast_in_dim3A_797 : vector<1x128xi1> to vector<256x128xi1>
    %select_n3A_799 = arith.select %broadcast_in_dim3A_798, %concatenate3A_793, %concatenate3A_796 : vector<256x128xi1>, vector<256x128xf32>
    %min3A_800 = arith.minimumf %select_n3A_737, %select_n3A_799 : vector<256x128xf32>
    %max3A_801 = arith.maximumf %select_n3A_737, %select_n3A_799 : vector<256x128xf32>
    %broadcast_in_dim3A_802 = vector.shape_cast %eq3A_776 : vector<1x128xi1> to vector<1x128xi1>
    %broadcast_in_dim3A_803 = vector.broadcast %broadcast_in_dim3A_802 : vector<1x128xi1> to vector<256x128xi1>
    %select_n3A_804 = arith.select %broadcast_in_dim3A_803, %min3A_800, %max3A_801 : vector<256x128xi1>, vector<256x128xf32>
    %slice3A_805 = vector.extract_strided_slice %select_n3A_742 {offsets = [0, 4], sizes = [256, 124], strides = [1, 1]} : vector<256x128xf32> to vector<256x124xf32>
    %slice3A_806 = vector.extract_strided_slice %select_n3A_742 {offsets = [0, 0], sizes = [256, 4], strides = [1, 1]} : vector<256x128xf32> to vector<256x4xf32>
    %concatenate3A_807 = tpu.concatenate %slice3A_805, %slice3A_806 in 1 : vector<256x124xf32>, vector<256x4xf32> -> vector<256x128xf32>
    %slice3A_808 = vector.extract_strided_slice %select_n3A_742 {offsets = [0, 124], sizes = [256, 4], strides = [1, 1]} : vector<256x128xf32> to vector<256x4xf32>
    %slice3A_809 = vector.extract_strided_slice %select_n3A_742 {offsets = [0, 0], sizes = [256, 124], strides = [1, 1]} : vector<256x128xf32> to vector<256x124xf32>
    %concatenate3A_810 = tpu.concatenate %slice3A_808, %slice3A_809 in 1 : vector<256x4xf32>, vector<256x124xf32> -> vector<256x128xf32>
    %broadcast_in_dim3A_811 = vector.shape_cast %eq3A_767 : vector<1x128xi1> to vector<1x128xi1>
    %broadcast_in_dim3A_812 = vector.broadcast %broadcast_in_dim3A_811 : vector<1x128xi1> to vector<256x128xi1>
    %select_n3A_813 = arith.select %broadcast_in_dim3A_812, %concatenate3A_807, %concatenate3A_810 : vector<256x128xi1>, vector<256x128xf32>
    %min3A_814 = arith.minimumf %select_n3A_742, %select_n3A_813 : vector<256x128xf32>
    %max3A_815 = arith.maximumf %select_n3A_742, %select_n3A_813 : vector<256x128xf32>
    %broadcast_in_dim3A_816 = vector.shape_cast %eq3A_776 : vector<1x128xi1> to vector<1x128xi1>
    %broadcast_in_dim3A_817 = vector.broadcast %broadcast_in_dim3A_816 : vector<1x128xi1> to vector<256x128xi1>
    %select_n3A_818 = arith.select %broadcast_in_dim3A_817, %min3A_814, %max3A_815 : vector<256x128xi1>, vector<256x128xf32>
    %slice3A_819 = vector.extract_strided_slice %select_n3A_745 {offsets = [0, 4], sizes = [256, 124], strides = [1, 1]} : vector<256x128xf32> to vector<256x124xf32>
    %slice3A_820 = vector.extract_strided_slice %select_n3A_745 {offsets = [0, 0], sizes = [256, 4], strides = [1, 1]} : vector<256x128xf32> to vector<256x4xf32>
    %concatenate3A_821 = tpu.concatenate %slice3A_819, %slice3A_820 in 1 : vector<256x124xf32>, vector<256x4xf32> -> vector<256x128xf32>
    %slice3A_822 = vector.extract_strided_slice %select_n3A_745 {offsets = [0, 124], sizes = [256, 4], strides = [1, 1]} : vector<256x128xf32> to vector<256x4xf32>
    %slice3A_823 = vector.extract_strided_slice %select_n3A_745 {offsets = [0, 0], sizes = [256, 124], strides = [1, 1]} : vector<256x128xf32> to vector<256x124xf32>
    %concatenate3A_824 = tpu.concatenate %slice3A_822, %slice3A_823 in 1 : vector<256x4xf32>, vector<256x124xf32> -> vector<256x128xf32>
    %broadcast_in_dim3A_825 = vector.shape_cast %eq3A_767 : vector<1x128xi1> to vector<1x128xi1>
    %broadcast_in_dim3A_826 = vector.broadcast %broadcast_in_dim3A_825 : vector<1x128xi1> to vector<256x128xi1>
    %select_n3A_827 = arith.select %broadcast_in_dim3A_826, %concatenate3A_821, %concatenate3A_824 : vector<256x128xi1>, vector<256x128xf32>
    %min3A_828 = arith.minimumf %select_n3A_745, %select_n3A_827 : vector<256x128xf32>
    %max3A_829 = arith.maximumf %select_n3A_745, %select_n3A_827 : vector<256x128xf32>
    %broadcast_in_dim3A_830 = vector.shape_cast %eq3A_776 : vector<1x128xi1> to vector<1x128xi1>
    %broadcast_in_dim3A_831 = vector.broadcast %broadcast_in_dim3A_830 : vector<1x128xi1> to vector<256x128xi1>
    %select_n3A_832 = arith.select %broadcast_in_dim3A_831, %min3A_828, %max3A_829 : vector<256x128xi1>, vector<256x128xf32>
    %slice3A_833 = vector.extract_strided_slice %select_n3A_750 {offsets = [0, 4], sizes = [256, 124], strides = [1, 1]} : vector<256x128xf32> to vector<256x124xf32>
    %slice3A_834 = vector.extract_strided_slice %select_n3A_750 {offsets = [0, 0], sizes = [256, 4], strides = [1, 1]} : vector<256x128xf32> to vector<256x4xf32>
    %concatenate3A_835 = tpu.concatenate %slice3A_833, %slice3A_834 in 1 : vector<256x124xf32>, vector<256x4xf32> -> vector<256x128xf32>
    %slice3A_836 = vector.extract_strided_slice %select_n3A_750 {offsets = [0, 124], sizes = [256, 4], strides = [1, 1]} : vector<256x128xf32> to vector<256x4xf32>
    %slice3A_837 = vector.extract_strided_slice %select_n3A_750 {offsets = [0, 0], sizes = [256, 124], strides = [1, 1]} : vector<256x128xf32> to vector<256x124xf32>
    %concatenate3A_838 = tpu.concatenate %slice3A_836, %slice3A_837 in 1 : vector<256x4xf32>, vector<256x124xf32> -> vector<256x128xf32>
    %broadcast_in_dim3A_839 = vector.shape_cast %eq3A_767 : vector<1x128xi1> to vector<1x128xi1>
    %broadcast_in_dim3A_840 = vector.broadcast %broadcast_in_dim3A_839 : vector<1x128xi1> to vector<256x128xi1>
    %select_n3A_841 = arith.select %broadcast_in_dim3A_840, %concatenate3A_835, %concatenate3A_838 : vector<256x128xi1>, vector<256x128xf32>
    %min3A_842 = arith.minimumf %select_n3A_750, %select_n3A_841 : vector<256x128xf32>
    %max3A_843 = arith.maximumf %select_n3A_750, %select_n3A_841 : vector<256x128xf32>
    %broadcast_in_dim3A_844 = vector.shape_cast %eq3A_776 : vector<1x128xi1> to vector<1x128xi1>
    %broadcast_in_dim3A_845 = vector.broadcast %broadcast_in_dim3A_844 : vector<1x128xi1> to vector<256x128xi1>
    %select_n3A_846 = arith.select %broadcast_in_dim3A_845, %min3A_842, %max3A_843 : vector<256x128xi1>, vector<256x128xf32>
    %slice3A_847 = vector.extract_strided_slice %select_n3A_753 {offsets = [0, 4], sizes = [256, 124], strides = [1, 1]} : vector<256x128xf32> to vector<256x124xf32>
    %slice3A_848 = vector.extract_strided_slice %select_n3A_753 {offsets = [0, 0], sizes = [256, 4], strides = [1, 1]} : vector<256x128xf32> to vector<256x4xf32>
    %concatenate3A_849 = tpu.concatenate %slice3A_847, %slice3A_848 in 1 : vector<256x124xf32>, vector<256x4xf32> -> vector<256x128xf32>
    %slice3A_850 = vector.extract_strided_slice %select_n3A_753 {offsets = [0, 124], sizes = [256, 4], strides = [1, 1]} : vector<256x128xf32> to vector<256x4xf32>
    %slice3A_851 = vector.extract_strided_slice %select_n3A_753 {offsets = [0, 0], sizes = [256, 124], strides = [1, 1]} : vector<256x128xf32> to vector<256x124xf32>
    %concatenate3A_852 = tpu.concatenate %slice3A_850, %slice3A_851 in 1 : vector<256x4xf32>, vector<256x124xf32> -> vector<256x128xf32>
    %broadcast_in_dim3A_853 = vector.shape_cast %eq3A_767 : vector<1x128xi1> to vector<1x128xi1>
    %broadcast_in_dim3A_854 = vector.broadcast %broadcast_in_dim3A_853 : vector<1x128xi1> to vector<256x128xi1>
    %select_n3A_855 = arith.select %broadcast_in_dim3A_854, %concatenate3A_849, %concatenate3A_852 : vector<256x128xi1>, vector<256x128xf32>
    %min3A_856 = arith.minimumf %select_n3A_753, %select_n3A_855 : vector<256x128xf32>
    %max3A_857 = arith.maximumf %select_n3A_753, %select_n3A_855 : vector<256x128xf32>
    %broadcast_in_dim3A_858 = vector.shape_cast %eq3A_776 : vector<1x128xi1> to vector<1x128xi1>
    %broadcast_in_dim3A_859 = vector.broadcast %broadcast_in_dim3A_858 : vector<1x128xi1> to vector<256x128xi1>
    %select_n3A_860 = arith.select %broadcast_in_dim3A_859, %min3A_856, %max3A_857 : vector<256x128xi1>, vector<256x128xf32>
    %slice3A_861 = vector.extract_strided_slice %select_n3A_758 {offsets = [0, 4], sizes = [256, 124], strides = [1, 1]} : vector<256x128xf32> to vector<256x124xf32>
    %slice3A_862 = vector.extract_strided_slice %select_n3A_758 {offsets = [0, 0], sizes = [256, 4], strides = [1, 1]} : vector<256x128xf32> to vector<256x4xf32>
    %concatenate3A_863 = tpu.concatenate %slice3A_861, %slice3A_862 in 1 : vector<256x124xf32>, vector<256x4xf32> -> vector<256x128xf32>
    %slice3A_864 = vector.extract_strided_slice %select_n3A_758 {offsets = [0, 124], sizes = [256, 4], strides = [1, 1]} : vector<256x128xf32> to vector<256x4xf32>
    %slice3A_865 = vector.extract_strided_slice %select_n3A_758 {offsets = [0, 0], sizes = [256, 124], strides = [1, 1]} : vector<256x128xf32> to vector<256x124xf32>
    %concatenate3A_866 = tpu.concatenate %slice3A_864, %slice3A_865 in 1 : vector<256x4xf32>, vector<256x124xf32> -> vector<256x128xf32>
    %broadcast_in_dim3A_867 = vector.shape_cast %eq3A_767 : vector<1x128xi1> to vector<1x128xi1>
    %broadcast_in_dim3A_868 = vector.broadcast %broadcast_in_dim3A_867 : vector<1x128xi1> to vector<256x128xi1>
    %select_n3A_869 = arith.select %broadcast_in_dim3A_868, %concatenate3A_863, %concatenate3A_866 : vector<256x128xi1>, vector<256x128xf32>
    %min3A_870 = arith.minimumf %select_n3A_758, %select_n3A_869 : vector<256x128xf32>
    %max3A_871 = arith.maximumf %select_n3A_758, %select_n3A_869 : vector<256x128xf32>
    %broadcast_in_dim3A_872 = vector.shape_cast %eq3A_776 : vector<1x128xi1> to vector<1x128xi1>
    %broadcast_in_dim3A_873 = vector.broadcast %broadcast_in_dim3A_872 : vector<1x128xi1> to vector<256x128xi1>
    %select_n3A_874 = arith.select %broadcast_in_dim3A_873, %min3A_870, %max3A_871 : vector<256x128xi1>, vector<256x128xf32>
    %slice3A_875 = vector.extract_strided_slice %select_n3A_761 {offsets = [0, 4], sizes = [256, 124], strides = [1, 1]} : vector<256x128xf32> to vector<256x124xf32>
    %slice3A_876 = vector.extract_strided_slice %select_n3A_761 {offsets = [0, 0], sizes = [256, 4], strides = [1, 1]} : vector<256x128xf32> to vector<256x4xf32>
    %concatenate3A_877 = tpu.concatenate %slice3A_875, %slice3A_876 in 1 : vector<256x124xf32>, vector<256x4xf32> -> vector<256x128xf32>
    %slice3A_878 = vector.extract_strided_slice %select_n3A_761 {offsets = [0, 124], sizes = [256, 4], strides = [1, 1]} : vector<256x128xf32> to vector<256x4xf32>
    %slice3A_879 = vector.extract_strided_slice %select_n3A_761 {offsets = [0, 0], sizes = [256, 124], strides = [1, 1]} : vector<256x128xf32> to vector<256x124xf32>
    %concatenate3A_880 = tpu.concatenate %slice3A_878, %slice3A_879 in 1 : vector<256x4xf32>, vector<256x124xf32> -> vector<256x128xf32>
    %broadcast_in_dim3A_881 = vector.shape_cast %eq3A_767 : vector<1x128xi1> to vector<1x128xi1>
    %broadcast_in_dim3A_882 = vector.broadcast %broadcast_in_dim3A_881 : vector<1x128xi1> to vector<256x128xi1>
    %select_n3A_883 = arith.select %broadcast_in_dim3A_882, %concatenate3A_877, %concatenate3A_880 : vector<256x128xi1>, vector<256x128xf32>
    %min3A_884 = arith.minimumf %select_n3A_761, %select_n3A_883 : vector<256x128xf32>
    %max3A_885 = arith.maximumf %select_n3A_761, %select_n3A_883 : vector<256x128xf32>
    %broadcast_in_dim3A_886 = vector.shape_cast %eq3A_776 : vector<1x128xi1> to vector<1x128xi1>
    %broadcast_in_dim3A_887 = vector.broadcast %broadcast_in_dim3A_886 : vector<1x128xi1> to vector<256x128xi1>
    %select_n3A_888 = arith.select %broadcast_in_dim3A_887, %min3A_884, %max3A_885 : vector<256x128xi1>, vector<256x128xf32>
    %and3A_889 = arith.constant 2 : i32
    %and3A_890 = vector.broadcast %and3A_889 : i32 to vector<1x128xi32>
    %and3A_891 = arith.andi %iota3A, %and3A_890 : vector<1x128xi32>
    %eq3A_892 = arith.constant 0 : i32
    %eq3A_893 = vector.broadcast %eq3A_892 : i32 to vector<1x128xi32>
    %eq3A_894 = arith.cmpi eq, %and3A_891, %eq3A_893 : vector<1x128xi32>
    %and3A_895 = arith.constant 8 : i32
    %and3A_896 = vector.broadcast %and3A_895 : i32 to vector<1x128xi32>
    %and3A_897 = arith.andi %iota3A, %and3A_896 : vector<1x128xi32>
    %eq3A_898 = arith.constant 0 : i32
    %eq3A_899 = vector.broadcast %eq3A_898 : i32 to vector<1x128xi32>
    %eq3A_900 = arith.cmpi eq, %and3A_897, %eq3A_899 : vector<1x128xi32>
    %eq3A_901 = arith.xori %eq3A_900, %eq3A_894 : vector<1x128xi1>
    %eq3A_902 = arith.constant dense<true> : vector<1x128xi1>
    %eq3A_903 = arith.xori %eq3A_901, %eq3A_902 : vector<1x128xi1>
    %slice3A_904 = vector.extract_strided_slice %select_n3A_790 {offsets = [0, 2], sizes = [256, 126], strides = [1, 1]} : vector<256x128xf32> to vector<256x126xf32>
    %slice3A_905 = vector.extract_strided_slice %select_n3A_790 {offsets = [0, 0], sizes = [256, 2], strides = [1, 1]} : vector<256x128xf32> to vector<256x2xf32>
    %concatenate3A_906 = tpu.concatenate %slice3A_904, %slice3A_905 in 1 : vector<256x126xf32>, vector<256x2xf32> -> vector<256x128xf32>
    %slice3A_907 = vector.extract_strided_slice %select_n3A_790 {offsets = [0, 126], sizes = [256, 2], strides = [1, 1]} : vector<256x128xf32> to vector<256x2xf32>
    %slice3A_908 = vector.extract_strided_slice %select_n3A_790 {offsets = [0, 0], sizes = [256, 126], strides = [1, 1]} : vector<256x128xf32> to vector<256x126xf32>
    %concatenate3A_909 = tpu.concatenate %slice3A_907, %slice3A_908 in 1 : vector<256x2xf32>, vector<256x126xf32> -> vector<256x128xf32>
    %broadcast_in_dim3A_910 = vector.shape_cast %eq3A_894 : vector<1x128xi1> to vector<1x128xi1>
    %broadcast_in_dim3A_911 = vector.broadcast %broadcast_in_dim3A_910 : vector<1x128xi1> to vector<256x128xi1>
    %select_n3A_912 = arith.select %broadcast_in_dim3A_911, %concatenate3A_906, %concatenate3A_909 : vector<256x128xi1>, vector<256x128xf32>
    %min3A_913 = arith.minimumf %select_n3A_790, %select_n3A_912 : vector<256x128xf32>
    %max3A_914 = arith.maximumf %select_n3A_790, %select_n3A_912 : vector<256x128xf32>
    %broadcast_in_dim3A_915 = vector.shape_cast %eq3A_903 : vector<1x128xi1> to vector<1x128xi1>
    %broadcast_in_dim3A_916 = vector.broadcast %broadcast_in_dim3A_915 : vector<1x128xi1> to vector<256x128xi1>
    %select_n3A_917 = arith.select %broadcast_in_dim3A_916, %min3A_913, %max3A_914 : vector<256x128xi1>, vector<256x128xf32>
    %slice3A_918 = vector.extract_strided_slice %select_n3A_804 {offsets = [0, 2], sizes = [256, 126], strides = [1, 1]} : vector<256x128xf32> to vector<256x126xf32>
    %slice3A_919 = vector.extract_strided_slice %select_n3A_804 {offsets = [0, 0], sizes = [256, 2], strides = [1, 1]} : vector<256x128xf32> to vector<256x2xf32>
    %concatenate3A_920 = tpu.concatenate %slice3A_918, %slice3A_919 in 1 : vector<256x126xf32>, vector<256x2xf32> -> vector<256x128xf32>
    %slice3A_921 = vector.extract_strided_slice %select_n3A_804 {offsets = [0, 126], sizes = [256, 2], strides = [1, 1]} : vector<256x128xf32> to vector<256x2xf32>
    %slice3A_922 = vector.extract_strided_slice %select_n3A_804 {offsets = [0, 0], sizes = [256, 126], strides = [1, 1]} : vector<256x128xf32> to vector<256x126xf32>
    %concatenate3A_923 = tpu.concatenate %slice3A_921, %slice3A_922 in 1 : vector<256x2xf32>, vector<256x126xf32> -> vector<256x128xf32>
    %broadcast_in_dim3A_924 = vector.shape_cast %eq3A_894 : vector<1x128xi1> to vector<1x128xi1>
    %broadcast_in_dim3A_925 = vector.broadcast %broadcast_in_dim3A_924 : vector<1x128xi1> to vector<256x128xi1>
    %select_n3A_926 = arith.select %broadcast_in_dim3A_925, %concatenate3A_920, %concatenate3A_923 : vector<256x128xi1>, vector<256x128xf32>
    %min3A_927 = arith.minimumf %select_n3A_804, %select_n3A_926 : vector<256x128xf32>
    %max3A_928 = arith.maximumf %select_n3A_804, %select_n3A_926 : vector<256x128xf32>
    %broadcast_in_dim3A_929 = vector.shape_cast %eq3A_903 : vector<1x128xi1> to vector<1x128xi1>
    %broadcast_in_dim3A_930 = vector.broadcast %broadcast_in_dim3A_929 : vector<1x128xi1> to vector<256x128xi1>
    %select_n3A_931 = arith.select %broadcast_in_dim3A_930, %min3A_927, %max3A_928 : vector<256x128xi1>, vector<256x128xf32>
    %slice3A_932 = vector.extract_strided_slice %select_n3A_818 {offsets = [0, 2], sizes = [256, 126], strides = [1, 1]} : vector<256x128xf32> to vector<256x126xf32>
    %slice3A_933 = vector.extract_strided_slice %select_n3A_818 {offsets = [0, 0], sizes = [256, 2], strides = [1, 1]} : vector<256x128xf32> to vector<256x2xf32>
    %concatenate3A_934 = tpu.concatenate %slice3A_932, %slice3A_933 in 1 : vector<256x126xf32>, vector<256x2xf32> -> vector<256x128xf32>
    %slice3A_935 = vector.extract_strided_slice %select_n3A_818 {offsets = [0, 126], sizes = [256, 2], strides = [1, 1]} : vector<256x128xf32> to vector<256x2xf32>
    %slice3A_936 = vector.extract_strided_slice %select_n3A_818 {offsets = [0, 0], sizes = [256, 126], strides = [1, 1]} : vector<256x128xf32> to vector<256x126xf32>
    %concatenate3A_937 = tpu.concatenate %slice3A_935, %slice3A_936 in 1 : vector<256x2xf32>, vector<256x126xf32> -> vector<256x128xf32>
    %broadcast_in_dim3A_938 = vector.shape_cast %eq3A_894 : vector<1x128xi1> to vector<1x128xi1>
    %broadcast_in_dim3A_939 = vector.broadcast %broadcast_in_dim3A_938 : vector<1x128xi1> to vector<256x128xi1>
    %select_n3A_940 = arith.select %broadcast_in_dim3A_939, %concatenate3A_934, %concatenate3A_937 : vector<256x128xi1>, vector<256x128xf32>
    %min3A_941 = arith.minimumf %select_n3A_818, %select_n3A_940 : vector<256x128xf32>
    %max3A_942 = arith.maximumf %select_n3A_818, %select_n3A_940 : vector<256x128xf32>
    %broadcast_in_dim3A_943 = vector.shape_cast %eq3A_903 : vector<1x128xi1> to vector<1x128xi1>
    %broadcast_in_dim3A_944 = vector.broadcast %broadcast_in_dim3A_943 : vector<1x128xi1> to vector<256x128xi1>
    %select_n3A_945 = arith.select %broadcast_in_dim3A_944, %min3A_941, %max3A_942 : vector<256x128xi1>, vector<256x128xf32>
    %slice3A_946 = vector.extract_strided_slice %select_n3A_832 {offsets = [0, 2], sizes = [256, 126], strides = [1, 1]} : vector<256x128xf32> to vector<256x126xf32>
    %slice3A_947 = vector.extract_strided_slice %select_n3A_832 {offsets = [0, 0], sizes = [256, 2], strides = [1, 1]} : vector<256x128xf32> to vector<256x2xf32>
    %concatenate3A_948 = tpu.concatenate %slice3A_946, %slice3A_947 in 1 : vector<256x126xf32>, vector<256x2xf32> -> vector<256x128xf32>
    %slice3A_949 = vector.extract_strided_slice %select_n3A_832 {offsets = [0, 126], sizes = [256, 2], strides = [1, 1]} : vector<256x128xf32> to vector<256x2xf32>
    %slice3A_950 = vector.extract_strided_slice %select_n3A_832 {offsets = [0, 0], sizes = [256, 126], strides = [1, 1]} : vector<256x128xf32> to vector<256x126xf32>
    %concatenate3A_951 = tpu.concatenate %slice3A_949, %slice3A_950 in 1 : vector<256x2xf32>, vector<256x126xf32> -> vector<256x128xf32>
    %broadcast_in_dim3A_952 = vector.shape_cast %eq3A_894 : vector<1x128xi1> to vector<1x128xi1>
    %broadcast_in_dim3A_953 = vector.broadcast %broadcast_in_dim3A_952 : vector<1x128xi1> to vector<256x128xi1>
    %select_n3A_954 = arith.select %broadcast_in_dim3A_953, %concatenate3A_948, %concatenate3A_951 : vector<256x128xi1>, vector<256x128xf32>
    %min3A_955 = arith.minimumf %select_n3A_832, %select_n3A_954 : vector<256x128xf32>
    %max3A_956 = arith.maximumf %select_n3A_832, %select_n3A_954 : vector<256x128xf32>
    %broadcast_in_dim3A_957 = vector.shape_cast %eq3A_903 : vector<1x128xi1> to vector<1x128xi1>
    %broadcast_in_dim3A_958 = vector.broadcast %broadcast_in_dim3A_957 : vector<1x128xi1> to vector<256x128xi1>
    %select_n3A_959 = arith.select %broadcast_in_dim3A_958, %min3A_955, %max3A_956 : vector<256x128xi1>, vector<256x128xf32>
    %slice3A_960 = vector.extract_strided_slice %select_n3A_846 {offsets = [0, 2], sizes = [256, 126], strides = [1, 1]} : vector<256x128xf32> to vector<256x126xf32>
    %slice3A_961 = vector.extract_strided_slice %select_n3A_846 {offsets = [0, 0], sizes = [256, 2], strides = [1, 1]} : vector<256x128xf32> to vector<256x2xf32>
    %concatenate3A_962 = tpu.concatenate %slice3A_960, %slice3A_961 in 1 : vector<256x126xf32>, vector<256x2xf32> -> vector<256x128xf32>
    %slice3A_963 = vector.extract_strided_slice %select_n3A_846 {offsets = [0, 126], sizes = [256, 2], strides = [1, 1]} : vector<256x128xf32> to vector<256x2xf32>
    %slice3A_964 = vector.extract_strided_slice %select_n3A_846 {offsets = [0, 0], sizes = [256, 126], strides = [1, 1]} : vector<256x128xf32> to vector<256x126xf32>
    %concatenate3A_965 = tpu.concatenate %slice3A_963, %slice3A_964 in 1 : vector<256x2xf32>, vector<256x126xf32> -> vector<256x128xf32>
    %broadcast_in_dim3A_966 = vector.shape_cast %eq3A_894 : vector<1x128xi1> to vector<1x128xi1>
    %broadcast_in_dim3A_967 = vector.broadcast %broadcast_in_dim3A_966 : vector<1x128xi1> to vector<256x128xi1>
    %select_n3A_968 = arith.select %broadcast_in_dim3A_967, %concatenate3A_962, %concatenate3A_965 : vector<256x128xi1>, vector<256x128xf32>
    %min3A_969 = arith.minimumf %select_n3A_846, %select_n3A_968 : vector<256x128xf32>
    %max3A_970 = arith.maximumf %select_n3A_846, %select_n3A_968 : vector<256x128xf32>
    %broadcast_in_dim3A_971 = vector.shape_cast %eq3A_903 : vector<1x128xi1> to vector<1x128xi1>
    %broadcast_in_dim3A_972 = vector.broadcast %broadcast_in_dim3A_971 : vector<1x128xi1> to vector<256x128xi1>
    %select_n3A_973 = arith.select %broadcast_in_dim3A_972, %min3A_969, %max3A_970 : vector<256x128xi1>, vector<256x128xf32>
    %slice3A_974 = vector.extract_strided_slice %select_n3A_860 {offsets = [0, 2], sizes = [256, 126], strides = [1, 1]} : vector<256x128xf32> to vector<256x126xf32>
    %slice3A_975 = vector.extract_strided_slice %select_n3A_860 {offsets = [0, 0], sizes = [256, 2], strides = [1, 1]} : vector<256x128xf32> to vector<256x2xf32>
    %concatenate3A_976 = tpu.concatenate %slice3A_974, %slice3A_975 in 1 : vector<256x126xf32>, vector<256x2xf32> -> vector<256x128xf32>
    %slice3A_977 = vector.extract_strided_slice %select_n3A_860 {offsets = [0, 126], sizes = [256, 2], strides = [1, 1]} : vector<256x128xf32> to vector<256x2xf32>
    %slice3A_978 = vector.extract_strided_slice %select_n3A_860 {offsets = [0, 0], sizes = [256, 126], strides = [1, 1]} : vector<256x128xf32> to vector<256x126xf32>
    %concatenate3A_979 = tpu.concatenate %slice3A_977, %slice3A_978 in 1 : vector<256x2xf32>, vector<256x126xf32> -> vector<256x128xf32>
    %broadcast_in_dim3A_980 = vector.shape_cast %eq3A_894 : vector<1x128xi1> to vector<1x128xi1>
    %broadcast_in_dim3A_981 = vector.broadcast %broadcast_in_dim3A_980 : vector<1x128xi1> to vector<256x128xi1>
    %select_n3A_982 = arith.select %broadcast_in_dim3A_981, %concatenate3A_976, %concatenate3A_979 : vector<256x128xi1>, vector<256x128xf32>
    %min3A_983 = arith.minimumf %select_n3A_860, %select_n3A_982 : vector<256x128xf32>
    %max3A_984 = arith.maximumf %select_n3A_860, %select_n3A_982 : vector<256x128xf32>
    %broadcast_in_dim3A_985 = vector.shape_cast %eq3A_903 : vector<1x128xi1> to vector<1x128xi1>
    %broadcast_in_dim3A_986 = vector.broadcast %broadcast_in_dim3A_985 : vector<1x128xi1> to vector<256x128xi1>
    %select_n3A_987 = arith.select %broadcast_in_dim3A_986, %min3A_983, %max3A_984 : vector<256x128xi1>, vector<256x128xf32>
    %slice3A_988 = vector.extract_strided_slice %select_n3A_874 {offsets = [0, 2], sizes = [256, 126], strides = [1, 1]} : vector<256x128xf32> to vector<256x126xf32>
    %slice3A_989 = vector.extract_strided_slice %select_n3A_874 {offsets = [0, 0], sizes = [256, 2], strides = [1, 1]} : vector<256x128xf32> to vector<256x2xf32>
    %concatenate3A_990 = tpu.concatenate %slice3A_988, %slice3A_989 in 1 : vector<256x126xf32>, vector<256x2xf32> -> vector<256x128xf32>
    %slice3A_991 = vector.extract_strided_slice %select_n3A_874 {offsets = [0, 126], sizes = [256, 2], strides = [1, 1]} : vector<256x128xf32> to vector<256x2xf32>
    %slice3A_992 = vector.extract_strided_slice %select_n3A_874 {offsets = [0, 0], sizes = [256, 126], strides = [1, 1]} : vector<256x128xf32> to vector<256x126xf32>
    %concatenate3A_993 = tpu.concatenate %slice3A_991, %slice3A_992 in 1 : vector<256x2xf32>, vector<256x126xf32> -> vector<256x128xf32>
    %broadcast_in_dim3A_994 = vector.shape_cast %eq3A_894 : vector<1x128xi1> to vector<1x128xi1>
    %broadcast_in_dim3A_995 = vector.broadcast %broadcast_in_dim3A_994 : vector<1x128xi1> to vector<256x128xi1>
    %select_n3A_996 = arith.select %broadcast_in_dim3A_995, %concatenate3A_990, %concatenate3A_993 : vector<256x128xi1>, vector<256x128xf32>
    %min3A_997 = arith.minimumf %select_n3A_874, %select_n3A_996 : vector<256x128xf32>
    %max3A_998 = arith.maximumf %select_n3A_874, %select_n3A_996 : vector<256x128xf32>
    %broadcast_in_dim3A_999 = vector.shape_cast %eq3A_903 : vector<1x128xi1> to vector<1x128xi1>
    %broadcast_in_dim3A_1000 = vector.broadcast %broadcast_in_dim3A_999 : vector<1x128xi1> to vector<256x128xi1>
    %select_n3A_1001 = arith.select %broadcast_in_dim3A_1000, %min3A_997, %max3A_998 : vector<256x128xi1>, vector<256x128xf32>
    %slice3A_1002 = vector.extract_strided_slice %select_n3A_888 {offsets = [0, 2], sizes = [256, 126], strides = [1, 1]} : vector<256x128xf32> to vector<256x126xf32>
    %slice3A_1003 = vector.extract_strided_slice %select_n3A_888 {offsets = [0, 0], sizes = [256, 2], strides = [1, 1]} : vector<256x128xf32> to vector<256x2xf32>
    %concatenate3A_1004 = tpu.concatenate %slice3A_1002, %slice3A_1003 in 1 : vector<256x126xf32>, vector<256x2xf32> -> vector<256x128xf32>
    %slice3A_1005 = vector.extract_strided_slice %select_n3A_888 {offsets = [0, 126], sizes = [256, 2], strides = [1, 1]} : vector<256x128xf32> to vector<256x2xf32>
    %slice3A_1006 = vector.extract_strided_slice %select_n3A_888 {offsets = [0, 0], sizes = [256, 126], strides = [1, 1]} : vector<256x128xf32> to vector<256x126xf32>
    %concatenate3A_1007 = tpu.concatenate %slice3A_1005, %slice3A_1006 in 1 : vector<256x2xf32>, vector<256x126xf32> -> vector<256x128xf32>
    %broadcast_in_dim3A_1008 = vector.shape_cast %eq3A_894 : vector<1x128xi1> to vector<1x128xi1>
    %broadcast_in_dim3A_1009 = vector.broadcast %broadcast_in_dim3A_1008 : vector<1x128xi1> to vector<256x128xi1>
    %select_n3A_1010 = arith.select %broadcast_in_dim3A_1009, %concatenate3A_1004, %concatenate3A_1007 : vector<256x128xi1>, vector<256x128xf32>
    %min3A_1011 = arith.minimumf %select_n3A_888, %select_n3A_1010 : vector<256x128xf32>
    %max3A_1012 = arith.maximumf %select_n3A_888, %select_n3A_1010 : vector<256x128xf32>
    %broadcast_in_dim3A_1013 = vector.shape_cast %eq3A_903 : vector<1x128xi1> to vector<1x128xi1>
    %broadcast_in_dim3A_1014 = vector.broadcast %broadcast_in_dim3A_1013 : vector<1x128xi1> to vector<256x128xi1>
    %select_n3A_1015 = arith.select %broadcast_in_dim3A_1014, %min3A_1011, %max3A_1012 : vector<256x128xi1>, vector<256x128xf32>
    %and3A_1016 = arith.constant 1 : i32
    %and3A_1017 = vector.broadcast %and3A_1016 : i32 to vector<1x128xi32>
    %and3A_1018 = arith.andi %iota3A, %and3A_1017 : vector<1x128xi32>
    %eq3A_1019 = arith.constant 0 : i32
    %eq3A_1020 = vector.broadcast %eq3A_1019 : i32 to vector<1x128xi32>
    %eq3A_1021 = arith.cmpi eq, %and3A_1018, %eq3A_1020 : vector<1x128xi32>
    %and3A_1022 = arith.constant 8 : i32
    %and3A_1023 = vector.broadcast %and3A_1022 : i32 to vector<1x128xi32>
    %and3A_1024 = arith.andi %iota3A, %and3A_1023 : vector<1x128xi32>
    %eq3A_1025 = arith.constant 0 : i32
    %eq3A_1026 = vector.broadcast %eq3A_1025 : i32 to vector<1x128xi32>
    %eq3A_1027 = arith.cmpi eq, %and3A_1024, %eq3A_1026 : vector<1x128xi32>
    %eq3A_1028 = arith.xori %eq3A_1027, %eq3A_1021 : vector<1x128xi1>
    %eq3A_1029 = arith.constant dense<true> : vector<1x128xi1>
    %eq3A_1030 = arith.xori %eq3A_1028, %eq3A_1029 : vector<1x128xi1>
    %slice3A_1031 = vector.extract_strided_slice %select_n3A_917 {offsets = [0, 1], sizes = [256, 127], strides = [1, 1]} : vector<256x128xf32> to vector<256x127xf32>
    %slice3A_1032 = vector.extract_strided_slice %select_n3A_917 {offsets = [0, 0], sizes = [256, 1], strides = [1, 1]} : vector<256x128xf32> to vector<256x1xf32>
    %concatenate3A_1033 = tpu.concatenate %slice3A_1031, %slice3A_1032 in 1 : vector<256x127xf32>, vector<256x1xf32> -> vector<256x128xf32>
    %slice3A_1034 = vector.extract_strided_slice %select_n3A_917 {offsets = [0, 127], sizes = [256, 1], strides = [1, 1]} : vector<256x128xf32> to vector<256x1xf32>
    %slice3A_1035 = vector.extract_strided_slice %select_n3A_917 {offsets = [0, 0], sizes = [256, 127], strides = [1, 1]} : vector<256x128xf32> to vector<256x127xf32>
    %concatenate3A_1036 = tpu.concatenate %slice3A_1034, %slice3A_1035 in 1 : vector<256x1xf32>, vector<256x127xf32> -> vector<256x128xf32>
    %broadcast_in_dim3A_1037 = vector.shape_cast %eq3A_1021 : vector<1x128xi1> to vector<1x128xi1>
    %broadcast_in_dim3A_1038 = vector.broadcast %broadcast_in_dim3A_1037 : vector<1x128xi1> to vector<256x128xi1>
    %select_n3A_1039 = arith.select %broadcast_in_dim3A_1038, %concatenate3A_1033, %concatenate3A_1036 : vector<256x128xi1>, vector<256x128xf32>
    %min3A_1040 = arith.minimumf %select_n3A_917, %select_n3A_1039 : vector<256x128xf32>
    %max3A_1041 = arith.maximumf %select_n3A_917, %select_n3A_1039 : vector<256x128xf32>
    %broadcast_in_dim3A_1042 = vector.shape_cast %eq3A_1030 : vector<1x128xi1> to vector<1x128xi1>
    %broadcast_in_dim3A_1043 = vector.broadcast %broadcast_in_dim3A_1042 : vector<1x128xi1> to vector<256x128xi1>
    %select_n3A_1044 = arith.select %broadcast_in_dim3A_1043, %min3A_1040, %max3A_1041 : vector<256x128xi1>, vector<256x128xf32>
    %slice3A_1045 = vector.extract_strided_slice %select_n3A_931 {offsets = [0, 1], sizes = [256, 127], strides = [1, 1]} : vector<256x128xf32> to vector<256x127xf32>
    %slice3A_1046 = vector.extract_strided_slice %select_n3A_931 {offsets = [0, 0], sizes = [256, 1], strides = [1, 1]} : vector<256x128xf32> to vector<256x1xf32>
    %concatenate3A_1047 = tpu.concatenate %slice3A_1045, %slice3A_1046 in 1 : vector<256x127xf32>, vector<256x1xf32> -> vector<256x128xf32>
    %slice3A_1048 = vector.extract_strided_slice %select_n3A_931 {offsets = [0, 127], sizes = [256, 1], strides = [1, 1]} : vector<256x128xf32> to vector<256x1xf32>
    %slice3A_1049 = vector.extract_strided_slice %select_n3A_931 {offsets = [0, 0], sizes = [256, 127], strides = [1, 1]} : vector<256x128xf32> to vector<256x127xf32>
    %concatenate3A_1050 = tpu.concatenate %slice3A_1048, %slice3A_1049 in 1 : vector<256x1xf32>, vector<256x127xf32> -> vector<256x128xf32>
    %broadcast_in_dim3A_1051 = vector.shape_cast %eq3A_1021 : vector<1x128xi1> to vector<1x128xi1>
    %broadcast_in_dim3A_1052 = vector.broadcast %broadcast_in_dim3A_1051 : vector<1x128xi1> to vector<256x128xi1>
    %select_n3A_1053 = arith.select %broadcast_in_dim3A_1052, %concatenate3A_1047, %concatenate3A_1050 : vector<256x128xi1>, vector<256x128xf32>
    %min3A_1054 = arith.minimumf %select_n3A_931, %select_n3A_1053 : vector<256x128xf32>
    %max3A_1055 = arith.maximumf %select_n3A_931, %select_n3A_1053 : vector<256x128xf32>
    %broadcast_in_dim3A_1056 = vector.shape_cast %eq3A_1030 : vector<1x128xi1> to vector<1x128xi1>
    %broadcast_in_dim3A_1057 = vector.broadcast %broadcast_in_dim3A_1056 : vector<1x128xi1> to vector<256x128xi1>
    %select_n3A_1058 = arith.select %broadcast_in_dim3A_1057, %min3A_1054, %max3A_1055 : vector<256x128xi1>, vector<256x128xf32>
    %slice3A_1059 = vector.extract_strided_slice %select_n3A_945 {offsets = [0, 1], sizes = [256, 127], strides = [1, 1]} : vector<256x128xf32> to vector<256x127xf32>
    %slice3A_1060 = vector.extract_strided_slice %select_n3A_945 {offsets = [0, 0], sizes = [256, 1], strides = [1, 1]} : vector<256x128xf32> to vector<256x1xf32>
    %concatenate3A_1061 = tpu.concatenate %slice3A_1059, %slice3A_1060 in 1 : vector<256x127xf32>, vector<256x1xf32> -> vector<256x128xf32>
    %slice3A_1062 = vector.extract_strided_slice %select_n3A_945 {offsets = [0, 127], sizes = [256, 1], strides = [1, 1]} : vector<256x128xf32> to vector<256x1xf32>
    %slice3A_1063 = vector.extract_strided_slice %select_n3A_945 {offsets = [0, 0], sizes = [256, 127], strides = [1, 1]} : vector<256x128xf32> to vector<256x127xf32>
    %concatenate3A_1064 = tpu.concatenate %slice3A_1062, %slice3A_1063 in 1 : vector<256x1xf32>, vector<256x127xf32> -> vector<256x128xf32>
    %broadcast_in_dim3A_1065 = vector.shape_cast %eq3A_1021 : vector<1x128xi1> to vector<1x128xi1>
    %broadcast_in_dim3A_1066 = vector.broadcast %broadcast_in_dim3A_1065 : vector<1x128xi1> to vector<256x128xi1>
    %select_n3A_1067 = arith.select %broadcast_in_dim3A_1066, %concatenate3A_1061, %concatenate3A_1064 : vector<256x128xi1>, vector<256x128xf32>
    %min3A_1068 = arith.minimumf %select_n3A_945, %select_n3A_1067 : vector<256x128xf32>
    %max3A_1069 = arith.maximumf %select_n3A_945, %select_n3A_1067 : vector<256x128xf32>
    %broadcast_in_dim3A_1070 = vector.shape_cast %eq3A_1030 : vector<1x128xi1> to vector<1x128xi1>
    %broadcast_in_dim3A_1071 = vector.broadcast %broadcast_in_dim3A_1070 : vector<1x128xi1> to vector<256x128xi1>
    %select_n3A_1072 = arith.select %broadcast_in_dim3A_1071, %min3A_1068, %max3A_1069 : vector<256x128xi1>, vector<256x128xf32>
    %slice3A_1073 = vector.extract_strided_slice %select_n3A_959 {offsets = [0, 1], sizes = [256, 127], strides = [1, 1]} : vector<256x128xf32> to vector<256x127xf32>
    %slice3A_1074 = vector.extract_strided_slice %select_n3A_959 {offsets = [0, 0], sizes = [256, 1], strides = [1, 1]} : vector<256x128xf32> to vector<256x1xf32>
    %concatenate3A_1075 = tpu.concatenate %slice3A_1073, %slice3A_1074 in 1 : vector<256x127xf32>, vector<256x1xf32> -> vector<256x128xf32>
    %slice3A_1076 = vector.extract_strided_slice %select_n3A_959 {offsets = [0, 127], sizes = [256, 1], strides = [1, 1]} : vector<256x128xf32> to vector<256x1xf32>
    %slice3A_1077 = vector.extract_strided_slice %select_n3A_959 {offsets = [0, 0], sizes = [256, 127], strides = [1, 1]} : vector<256x128xf32> to vector<256x127xf32>
    %concatenate3A_1078 = tpu.concatenate %slice3A_1076, %slice3A_1077 in 1 : vector<256x1xf32>, vector<256x127xf32> -> vector<256x128xf32>
    %broadcast_in_dim3A_1079 = vector.shape_cast %eq3A_1021 : vector<1x128xi1> to vector<1x128xi1>
    %broadcast_in_dim3A_1080 = vector.broadcast %broadcast_in_dim3A_1079 : vector<1x128xi1> to vector<256x128xi1>
    %select_n3A_1081 = arith.select %broadcast_in_dim3A_1080, %concatenate3A_1075, %concatenate3A_1078 : vector<256x128xi1>, vector<256x128xf32>
    %min3A_1082 = arith.minimumf %select_n3A_959, %select_n3A_1081 : vector<256x128xf32>
    %max3A_1083 = arith.maximumf %select_n3A_959, %select_n3A_1081 : vector<256x128xf32>
    %broadcast_in_dim3A_1084 = vector.shape_cast %eq3A_1030 : vector<1x128xi1> to vector<1x128xi1>
    %broadcast_in_dim3A_1085 = vector.broadcast %broadcast_in_dim3A_1084 : vector<1x128xi1> to vector<256x128xi1>
    %select_n3A_1086 = arith.select %broadcast_in_dim3A_1085, %min3A_1082, %max3A_1083 : vector<256x128xi1>, vector<256x128xf32>
    %slice3A_1087 = vector.extract_strided_slice %select_n3A_973 {offsets = [0, 1], sizes = [256, 127], strides = [1, 1]} : vector<256x128xf32> to vector<256x127xf32>
    %slice3A_1088 = vector.extract_strided_slice %select_n3A_973 {offsets = [0, 0], sizes = [256, 1], strides = [1, 1]} : vector<256x128xf32> to vector<256x1xf32>
    %concatenate3A_1089 = tpu.concatenate %slice3A_1087, %slice3A_1088 in 1 : vector<256x127xf32>, vector<256x1xf32> -> vector<256x128xf32>
    %slice3A_1090 = vector.extract_strided_slice %select_n3A_973 {offsets = [0, 127], sizes = [256, 1], strides = [1, 1]} : vector<256x128xf32> to vector<256x1xf32>
    %slice3A_1091 = vector.extract_strided_slice %select_n3A_973 {offsets = [0, 0], sizes = [256, 127], strides = [1, 1]} : vector<256x128xf32> to vector<256x127xf32>
    %concatenate3A_1092 = tpu.concatenate %slice3A_1090, %slice3A_1091 in 1 : vector<256x1xf32>, vector<256x127xf32> -> vector<256x128xf32>
    %broadcast_in_dim3A_1093 = vector.shape_cast %eq3A_1021 : vector<1x128xi1> to vector<1x128xi1>
    %broadcast_in_dim3A_1094 = vector.broadcast %broadcast_in_dim3A_1093 : vector<1x128xi1> to vector<256x128xi1>
    %select_n3A_1095 = arith.select %broadcast_in_dim3A_1094, %concatenate3A_1089, %concatenate3A_1092 : vector<256x128xi1>, vector<256x128xf32>
    %min3A_1096 = arith.minimumf %select_n3A_973, %select_n3A_1095 : vector<256x128xf32>
    %max3A_1097 = arith.maximumf %select_n3A_973, %select_n3A_1095 : vector<256x128xf32>
    %broadcast_in_dim3A_1098 = vector.shape_cast %eq3A_1030 : vector<1x128xi1> to vector<1x128xi1>
    %broadcast_in_dim3A_1099 = vector.broadcast %broadcast_in_dim3A_1098 : vector<1x128xi1> to vector<256x128xi1>
    %select_n3A_1100 = arith.select %broadcast_in_dim3A_1099, %min3A_1096, %max3A_1097 : vector<256x128xi1>, vector<256x128xf32>
    %slice3A_1101 = vector.extract_strided_slice %select_n3A_987 {offsets = [0, 1], sizes = [256, 127], strides = [1, 1]} : vector<256x128xf32> to vector<256x127xf32>
    %slice3A_1102 = vector.extract_strided_slice %select_n3A_987 {offsets = [0, 0], sizes = [256, 1], strides = [1, 1]} : vector<256x128xf32> to vector<256x1xf32>
    %concatenate3A_1103 = tpu.concatenate %slice3A_1101, %slice3A_1102 in 1 : vector<256x127xf32>, vector<256x1xf32> -> vector<256x128xf32>
    %slice3A_1104 = vector.extract_strided_slice %select_n3A_987 {offsets = [0, 127], sizes = [256, 1], strides = [1, 1]} : vector<256x128xf32> to vector<256x1xf32>
    %slice3A_1105 = vector.extract_strided_slice %select_n3A_987 {offsets = [0, 0], sizes = [256, 127], strides = [1, 1]} : vector<256x128xf32> to vector<256x127xf32>
    %concatenate3A_1106 = tpu.concatenate %slice3A_1104, %slice3A_1105 in 1 : vector<256x1xf32>, vector<256x127xf32> -> vector<256x128xf32>
    %broadcast_in_dim3A_1107 = vector.shape_cast %eq3A_1021 : vector<1x128xi1> to vector<1x128xi1>
    %broadcast_in_dim3A_1108 = vector.broadcast %broadcast_in_dim3A_1107 : vector<1x128xi1> to vector<256x128xi1>
    %select_n3A_1109 = arith.select %broadcast_in_dim3A_1108, %concatenate3A_1103, %concatenate3A_1106 : vector<256x128xi1>, vector<256x128xf32>
    %min3A_1110 = arith.minimumf %select_n3A_987, %select_n3A_1109 : vector<256x128xf32>
    %max3A_1111 = arith.maximumf %select_n3A_987, %select_n3A_1109 : vector<256x128xf32>
    %broadcast_in_dim3A_1112 = vector.shape_cast %eq3A_1030 : vector<1x128xi1> to vector<1x128xi1>
    %broadcast_in_dim3A_1113 = vector.broadcast %broadcast_in_dim3A_1112 : vector<1x128xi1> to vector<256x128xi1>
    %select_n3A_1114 = arith.select %broadcast_in_dim3A_1113, %min3A_1110, %max3A_1111 : vector<256x128xi1>, vector<256x128xf32>
    %slice3A_1115 = vector.extract_strided_slice %select_n3A_1001 {offsets = [0, 1], sizes = [256, 127], strides = [1, 1]} : vector<256x128xf32> to vector<256x127xf32>
    %slice3A_1116 = vector.extract_strided_slice %select_n3A_1001 {offsets = [0, 0], sizes = [256, 1], strides = [1, 1]} : vector<256x128xf32> to vector<256x1xf32>
    %concatenate3A_1117 = tpu.concatenate %slice3A_1115, %slice3A_1116 in 1 : vector<256x127xf32>, vector<256x1xf32> -> vector<256x128xf32>
    %slice3A_1118 = vector.extract_strided_slice %select_n3A_1001 {offsets = [0, 127], sizes = [256, 1], strides = [1, 1]} : vector<256x128xf32> to vector<256x1xf32>
    %slice3A_1119 = vector.extract_strided_slice %select_n3A_1001 {offsets = [0, 0], sizes = [256, 127], strides = [1, 1]} : vector<256x128xf32> to vector<256x127xf32>
    %concatenate3A_1120 = tpu.concatenate %slice3A_1118, %slice3A_1119 in 1 : vector<256x1xf32>, vector<256x127xf32> -> vector<256x128xf32>
    %broadcast_in_dim3A_1121 = vector.shape_cast %eq3A_1021 : vector<1x128xi1> to vector<1x128xi1>
    %broadcast_in_dim3A_1122 = vector.broadcast %broadcast_in_dim3A_1121 : vector<1x128xi1> to vector<256x128xi1>
    %select_n3A_1123 = arith.select %broadcast_in_dim3A_1122, %concatenate3A_1117, %concatenate3A_1120 : vector<256x128xi1>, vector<256x128xf32>
    %min3A_1124 = arith.minimumf %select_n3A_1001, %select_n3A_1123 : vector<256x128xf32>
    %max3A_1125 = arith.maximumf %select_n3A_1001, %select_n3A_1123 : vector<256x128xf32>
    %broadcast_in_dim3A_1126 = vector.shape_cast %eq3A_1030 : vector<1x128xi1> to vector<1x128xi1>
    %broadcast_in_dim3A_1127 = vector.broadcast %broadcast_in_dim3A_1126 : vector<1x128xi1> to vector<256x128xi1>
    %select_n3A_1128 = arith.select %broadcast_in_dim3A_1127, %min3A_1124, %max3A_1125 : vector<256x128xi1>, vector<256x128xf32>
    %slice3A_1129 = vector.extract_strided_slice %select_n3A_1015 {offsets = [0, 1], sizes = [256, 127], strides = [1, 1]} : vector<256x128xf32> to vector<256x127xf32>
    %slice3A_1130 = vector.extract_strided_slice %select_n3A_1015 {offsets = [0, 0], sizes = [256, 1], strides = [1, 1]} : vector<256x128xf32> to vector<256x1xf32>
    %concatenate3A_1131 = tpu.concatenate %slice3A_1129, %slice3A_1130 in 1 : vector<256x127xf32>, vector<256x1xf32> -> vector<256x128xf32>
    %slice3A_1132 = vector.extract_strided_slice %select_n3A_1015 {offsets = [0, 127], sizes = [256, 1], strides = [1, 1]} : vector<256x128xf32> to vector<256x1xf32>
    %slice3A_1133 = vector.extract_strided_slice %select_n3A_1015 {offsets = [0, 0], sizes = [256, 127], strides = [1, 1]} : vector<256x128xf32> to vector<256x127xf32>
    %concatenate3A_1134 = tpu.concatenate %slice3A_1132, %slice3A_1133 in 1 : vector<256x1xf32>, vector<256x127xf32> -> vector<256x128xf32>
    %broadcast_in_dim3A_1135 = vector.shape_cast %eq3A_1021 : vector<1x128xi1> to vector<1x128xi1>
    %broadcast_in_dim3A_1136 = vector.broadcast %broadcast_in_dim3A_1135 : vector<1x128xi1> to vector<256x128xi1>
    %select_n3A_1137 = arith.select %broadcast_in_dim3A_1136, %concatenate3A_1131, %concatenate3A_1134 : vector<256x128xi1>, vector<256x128xf32>
    %min3A_1138 = arith.minimumf %select_n3A_1015, %select_n3A_1137 : vector<256x128xf32>
    %max3A_1139 = arith.maximumf %select_n3A_1015, %select_n3A_1137 : vector<256x128xf32>
    %broadcast_in_dim3A_1140 = vector.shape_cast %eq3A_1030 : vector<1x128xi1> to vector<1x128xi1>
    %broadcast_in_dim3A_1141 = vector.broadcast %broadcast_in_dim3A_1140 : vector<1x128xi1> to vector<256x128xi1>
    %select_n3A_1142 = arith.select %broadcast_in_dim3A_1141, %min3A_1138, %max3A_1139 : vector<256x128xi1>, vector<256x128xf32>
    %and3A_1143 = arith.constant 8 : i32
    %and3A_1144 = vector.broadcast %and3A_1143 : i32 to vector<1x128xi32>
    %and3A_1145 = arith.andi %iota3A, %and3A_1144 : vector<1x128xi32>
    %eq3A_1146 = arith.constant 0 : i32
    %eq3A_1147 = vector.broadcast %eq3A_1146 : i32 to vector<1x128xi32>
    %eq3A_1148 = arith.cmpi eq, %and3A_1145, %eq3A_1147 : vector<1x128xi32>
    %min3A_1149 = arith.minimumf %select_n3A_1044, %select_n3A_1100 : vector<256x128xf32>
    %max3A_1150 = arith.maximumf %select_n3A_1044, %select_n3A_1100 : vector<256x128xf32>
    %broadcast_in_dim3A_1151 = vector.shape_cast %eq3A_1148 : vector<1x128xi1> to vector<1x128xi1>
    %broadcast_in_dim3A_1152 = vector.broadcast %broadcast_in_dim3A_1151 : vector<1x128xi1> to vector<256x128xi1>
    %select_n3A_1153 = arith.select %broadcast_in_dim3A_1152, %min3A_1149, %max3A_1150 : vector<256x128xi1>, vector<256x128xf32>
    %broadcast_in_dim3A_1154 = vector.shape_cast %eq3A_1148 : vector<1x128xi1> to vector<1x128xi1>
    %broadcast_in_dim3A_1155 = vector.broadcast %broadcast_in_dim3A_1154 : vector<1x128xi1> to vector<256x128xi1>
    %select_n3A_1156 = arith.select %broadcast_in_dim3A_1155, %max3A_1150, %min3A_1149 : vector<256x128xi1>, vector<256x128xf32>
    %min3A_1157 = arith.minimumf %select_n3A_1058, %select_n3A_1114 : vector<256x128xf32>
    %max3A_1158 = arith.maximumf %select_n3A_1058, %select_n3A_1114 : vector<256x128xf32>
    %broadcast_in_dim3A_1159 = vector.shape_cast %eq3A_1148 : vector<1x128xi1> to vector<1x128xi1>
    %broadcast_in_dim3A_1160 = vector.broadcast %broadcast_in_dim3A_1159 : vector<1x128xi1> to vector<256x128xi1>
    %select_n3A_1161 = arith.select %broadcast_in_dim3A_1160, %min3A_1157, %max3A_1158 : vector<256x128xi1>, vector<256x128xf32>
    %broadcast_in_dim3A_1162 = vector.shape_cast %eq3A_1148 : vector<1x128xi1> to vector<1x128xi1>
    %broadcast_in_dim3A_1163 = vector.broadcast %broadcast_in_dim3A_1162 : vector<1x128xi1> to vector<256x128xi1>
    %select_n3A_1164 = arith.select %broadcast_in_dim3A_1163, %max3A_1158, %min3A_1157 : vector<256x128xi1>, vector<256x128xf32>
    %min3A_1165 = arith.minimumf %select_n3A_1072, %select_n3A_1128 : vector<256x128xf32>
    %max3A_1166 = arith.maximumf %select_n3A_1072, %select_n3A_1128 : vector<256x128xf32>
    %broadcast_in_dim3A_1167 = vector.shape_cast %eq3A_1148 : vector<1x128xi1> to vector<1x128xi1>
    %broadcast_in_dim3A_1168 = vector.broadcast %broadcast_in_dim3A_1167 : vector<1x128xi1> to vector<256x128xi1>
    %select_n3A_1169 = arith.select %broadcast_in_dim3A_1168, %min3A_1165, %max3A_1166 : vector<256x128xi1>, vector<256x128xf32>
    %broadcast_in_dim3A_1170 = vector.shape_cast %eq3A_1148 : vector<1x128xi1> to vector<1x128xi1>
    %broadcast_in_dim3A_1171 = vector.broadcast %broadcast_in_dim3A_1170 : vector<1x128xi1> to vector<256x128xi1>
    %select_n3A_1172 = arith.select %broadcast_in_dim3A_1171, %max3A_1166, %min3A_1165 : vector<256x128xi1>, vector<256x128xf32>
    %min3A_1173 = arith.minimumf %select_n3A_1086, %select_n3A_1142 : vector<256x128xf32>
    %max3A_1174 = arith.maximumf %select_n3A_1086, %select_n3A_1142 : vector<256x128xf32>
    %broadcast_in_dim3A_1175 = vector.shape_cast %eq3A_1148 : vector<1x128xi1> to vector<1x128xi1>
    %broadcast_in_dim3A_1176 = vector.broadcast %broadcast_in_dim3A_1175 : vector<1x128xi1> to vector<256x128xi1>
    %select_n3A_1177 = arith.select %broadcast_in_dim3A_1176, %min3A_1173, %max3A_1174 : vector<256x128xi1>, vector<256x128xf32>
    %broadcast_in_dim3A_1178 = vector.shape_cast %eq3A_1148 : vector<1x128xi1> to vector<1x128xi1>
    %broadcast_in_dim3A_1179 = vector.broadcast %broadcast_in_dim3A_1178 : vector<1x128xi1> to vector<256x128xi1>
    %select_n3A_1180 = arith.select %broadcast_in_dim3A_1179, %max3A_1174, %min3A_1173 : vector<256x128xi1>, vector<256x128xf32>
    %and3A_1181 = arith.constant 8 : i32
    %and3A_1182 = vector.broadcast %and3A_1181 : i32 to vector<1x128xi32>
    %and3A_1183 = arith.andi %iota3A, %and3A_1182 : vector<1x128xi32>
    %eq3A_1184 = arith.constant 0 : i32
    %eq3A_1185 = vector.broadcast %eq3A_1184 : i32 to vector<1x128xi32>
    %eq3A_1186 = arith.cmpi eq, %and3A_1183, %eq3A_1185 : vector<1x128xi32>
    %min3A_1187 = arith.minimumf %select_n3A_1153, %select_n3A_1169 : vector<256x128xf32>
    %max3A_1188 = arith.maximumf %select_n3A_1153, %select_n3A_1169 : vector<256x128xf32>
    %broadcast_in_dim3A_1189 = vector.shape_cast %eq3A_1186 : vector<1x128xi1> to vector<1x128xi1>
    %broadcast_in_dim3A_1190 = vector.broadcast %broadcast_in_dim3A_1189 : vector<1x128xi1> to vector<256x128xi1>
    %select_n3A_1191 = arith.select %broadcast_in_dim3A_1190, %min3A_1187, %max3A_1188 : vector<256x128xi1>, vector<256x128xf32>
    %broadcast_in_dim3A_1192 = vector.shape_cast %eq3A_1186 : vector<1x128xi1> to vector<1x128xi1>
    %broadcast_in_dim3A_1193 = vector.broadcast %broadcast_in_dim3A_1192 : vector<1x128xi1> to vector<256x128xi1>
    %select_n3A_1194 = arith.select %broadcast_in_dim3A_1193, %max3A_1188, %min3A_1187 : vector<256x128xi1>, vector<256x128xf32>
    %min3A_1195 = arith.minimumf %select_n3A_1161, %select_n3A_1177 : vector<256x128xf32>
    %max3A_1196 = arith.maximumf %select_n3A_1161, %select_n3A_1177 : vector<256x128xf32>
    %broadcast_in_dim3A_1197 = vector.shape_cast %eq3A_1186 : vector<1x128xi1> to vector<1x128xi1>
    %broadcast_in_dim3A_1198 = vector.broadcast %broadcast_in_dim3A_1197 : vector<1x128xi1> to vector<256x128xi1>
    %select_n3A_1199 = arith.select %broadcast_in_dim3A_1198, %min3A_1195, %max3A_1196 : vector<256x128xi1>, vector<256x128xf32>
    %broadcast_in_dim3A_1200 = vector.shape_cast %eq3A_1186 : vector<1x128xi1> to vector<1x128xi1>
    %broadcast_in_dim3A_1201 = vector.broadcast %broadcast_in_dim3A_1200 : vector<1x128xi1> to vector<256x128xi1>
    %select_n3A_1202 = arith.select %broadcast_in_dim3A_1201, %max3A_1196, %min3A_1195 : vector<256x128xi1>, vector<256x128xf32>
    %min3A_1203 = arith.minimumf %select_n3A_1156, %select_n3A_1172 : vector<256x128xf32>
    %max3A_1204 = arith.maximumf %select_n3A_1156, %select_n3A_1172 : vector<256x128xf32>
    %broadcast_in_dim3A_1205 = vector.shape_cast %eq3A_1186 : vector<1x128xi1> to vector<1x128xi1>
    %broadcast_in_dim3A_1206 = vector.broadcast %broadcast_in_dim3A_1205 : vector<1x128xi1> to vector<256x128xi1>
    %select_n3A_1207 = arith.select %broadcast_in_dim3A_1206, %min3A_1203, %max3A_1204 : vector<256x128xi1>, vector<256x128xf32>
    %broadcast_in_dim3A_1208 = vector.shape_cast %eq3A_1186 : vector<1x128xi1> to vector<1x128xi1>
    %broadcast_in_dim3A_1209 = vector.broadcast %broadcast_in_dim3A_1208 : vector<1x128xi1> to vector<256x128xi1>
    %select_n3A_1210 = arith.select %broadcast_in_dim3A_1209, %max3A_1204, %min3A_1203 : vector<256x128xi1>, vector<256x128xf32>
    %min3A_1211 = arith.minimumf %select_n3A_1164, %select_n3A_1180 : vector<256x128xf32>
    %max3A_1212 = arith.maximumf %select_n3A_1164, %select_n3A_1180 : vector<256x128xf32>
    %broadcast_in_dim3A_1213 = vector.shape_cast %eq3A_1186 : vector<1x128xi1> to vector<1x128xi1>
    %broadcast_in_dim3A_1214 = vector.broadcast %broadcast_in_dim3A_1213 : vector<1x128xi1> to vector<256x128xi1>
    %select_n3A_1215 = arith.select %broadcast_in_dim3A_1214, %min3A_1211, %max3A_1212 : vector<256x128xi1>, vector<256x128xf32>
    %broadcast_in_dim3A_1216 = vector.shape_cast %eq3A_1186 : vector<1x128xi1> to vector<1x128xi1>
    %broadcast_in_dim3A_1217 = vector.broadcast %broadcast_in_dim3A_1216 : vector<1x128xi1> to vector<256x128xi1>
    %select_n3A_1218 = arith.select %broadcast_in_dim3A_1217, %max3A_1212, %min3A_1211 : vector<256x128xi1>, vector<256x128xf32>
    %and3A_1219 = arith.constant 8 : i32
    %and3A_1220 = vector.broadcast %and3A_1219 : i32 to vector<1x128xi32>
    %and3A_1221 = arith.andi %iota3A, %and3A_1220 : vector<1x128xi32>
    %eq3A_1222 = arith.constant 0 : i32
    %eq3A_1223 = vector.broadcast %eq3A_1222 : i32 to vector<1x128xi32>
    %eq3A_1224 = arith.cmpi eq, %and3A_1221, %eq3A_1223 : vector<1x128xi32>
    %min3A_1225 = arith.minimumf %select_n3A_1191, %select_n3A_1199 : vector<256x128xf32>
    %max3A_1226 = arith.maximumf %select_n3A_1191, %select_n3A_1199 : vector<256x128xf32>
    %broadcast_in_dim3A_1227 = vector.shape_cast %eq3A_1224 : vector<1x128xi1> to vector<1x128xi1>
    %broadcast_in_dim3A_1228 = vector.broadcast %broadcast_in_dim3A_1227 : vector<1x128xi1> to vector<256x128xi1>
    %select_n3A_1229 = arith.select %broadcast_in_dim3A_1228, %min3A_1225, %max3A_1226 : vector<256x128xi1>, vector<256x128xf32>
    %broadcast_in_dim3A_1230 = vector.shape_cast %eq3A_1224 : vector<1x128xi1> to vector<1x128xi1>
    %broadcast_in_dim3A_1231 = vector.broadcast %broadcast_in_dim3A_1230 : vector<1x128xi1> to vector<256x128xi1>
    %select_n3A_1232 = arith.select %broadcast_in_dim3A_1231, %max3A_1226, %min3A_1225 : vector<256x128xi1>, vector<256x128xf32>
    %min3A_1233 = arith.minimumf %select_n3A_1194, %select_n3A_1202 : vector<256x128xf32>
    %max3A_1234 = arith.maximumf %select_n3A_1194, %select_n3A_1202 : vector<256x128xf32>
    %broadcast_in_dim3A_1235 = vector.shape_cast %eq3A_1224 : vector<1x128xi1> to vector<1x128xi1>
    %broadcast_in_dim3A_1236 = vector.broadcast %broadcast_in_dim3A_1235 : vector<1x128xi1> to vector<256x128xi1>
    %select_n3A_1237 = arith.select %broadcast_in_dim3A_1236, %min3A_1233, %max3A_1234 : vector<256x128xi1>, vector<256x128xf32>
    %broadcast_in_dim3A_1238 = vector.shape_cast %eq3A_1224 : vector<1x128xi1> to vector<1x128xi1>
    %broadcast_in_dim3A_1239 = vector.broadcast %broadcast_in_dim3A_1238 : vector<1x128xi1> to vector<256x128xi1>
    %select_n3A_1240 = arith.select %broadcast_in_dim3A_1239, %max3A_1234, %min3A_1233 : vector<256x128xi1>, vector<256x128xf32>
    %min3A_1241 = arith.minimumf %select_n3A_1207, %select_n3A_1215 : vector<256x128xf32>
    %max3A_1242 = arith.maximumf %select_n3A_1207, %select_n3A_1215 : vector<256x128xf32>
    %broadcast_in_dim3A_1243 = vector.shape_cast %eq3A_1224 : vector<1x128xi1> to vector<1x128xi1>
    %broadcast_in_dim3A_1244 = vector.broadcast %broadcast_in_dim3A_1243 : vector<1x128xi1> to vector<256x128xi1>
    %select_n3A_1245 = arith.select %broadcast_in_dim3A_1244, %min3A_1241, %max3A_1242 : vector<256x128xi1>, vector<256x128xf32>
    %broadcast_in_dim3A_1246 = vector.shape_cast %eq3A_1224 : vector<1x128xi1> to vector<1x128xi1>
    %broadcast_in_dim3A_1247 = vector.broadcast %broadcast_in_dim3A_1246 : vector<1x128xi1> to vector<256x128xi1>
    %select_n3A_1248 = arith.select %broadcast_in_dim3A_1247, %max3A_1242, %min3A_1241 : vector<256x128xi1>, vector<256x128xf32>
    %min3A_1249 = arith.minimumf %select_n3A_1210, %select_n3A_1218 : vector<256x128xf32>
    %max3A_1250 = arith.maximumf %select_n3A_1210, %select_n3A_1218 : vector<256x128xf32>
    %broadcast_in_dim3A_1251 = vector.shape_cast %eq3A_1224 : vector<1x128xi1> to vector<1x128xi1>
    %broadcast_in_dim3A_1252 = vector.broadcast %broadcast_in_dim3A_1251 : vector<1x128xi1> to vector<256x128xi1>
    %select_n3A_1253 = arith.select %broadcast_in_dim3A_1252, %min3A_1249, %max3A_1250 : vector<256x128xi1>, vector<256x128xf32>
    %broadcast_in_dim3A_1254 = vector.shape_cast %eq3A_1224 : vector<1x128xi1> to vector<1x128xi1>
    %broadcast_in_dim3A_1255 = vector.broadcast %broadcast_in_dim3A_1254 : vector<1x128xi1> to vector<256x128xi1>
    %select_n3A_1256 = arith.select %broadcast_in_dim3A_1255, %max3A_1250, %min3A_1249 : vector<256x128xi1>, vector<256x128xf32>
    %and3A_1257 = arith.constant 8 : i32
    %and3A_1258 = vector.broadcast %and3A_1257 : i32 to vector<1x128xi32>
    %and3A_1259 = arith.andi %iota3A, %and3A_1258 : vector<1x128xi32>
    %eq3A_1260 = arith.constant 0 : i32
    %eq3A_1261 = vector.broadcast %eq3A_1260 : i32 to vector<1x128xi32>
    %eq3A_1262 = arith.cmpi eq, %and3A_1259, %eq3A_1261 : vector<1x128xi32>
    %and3A_1263 = arith.constant 16 : i32
    %and3A_1264 = vector.broadcast %and3A_1263 : i32 to vector<1x128xi32>
    %and3A_1265 = arith.andi %iota3A, %and3A_1264 : vector<1x128xi32>
    %eq3A_1266 = arith.constant 0 : i32
    %eq3A_1267 = vector.broadcast %eq3A_1266 : i32 to vector<1x128xi32>
    %eq3A_1268 = arith.cmpi eq, %and3A_1265, %eq3A_1267 : vector<1x128xi32>
    %eq3A_1269 = arith.xori %eq3A_1268, %eq3A_1262 : vector<1x128xi1>
    %eq3A_1270 = arith.constant dense<true> : vector<1x128xi1>
    %eq3A_1271 = arith.xori %eq3A_1269, %eq3A_1270 : vector<1x128xi1>
    %slice3A_1272 = vector.extract_strided_slice %select_n3A_1229 {offsets = [0, 8], sizes = [256, 120], strides = [1, 1]} : vector<256x128xf32> to vector<256x120xf32>
    %slice3A_1273 = vector.extract_strided_slice %select_n3A_1229 {offsets = [0, 0], sizes = [256, 8], strides = [1, 1]} : vector<256x128xf32> to vector<256x8xf32>
    %concatenate3A_1274 = tpu.concatenate %slice3A_1272, %slice3A_1273 in 1 : vector<256x120xf32>, vector<256x8xf32> -> vector<256x128xf32>
    %slice3A_1275 = vector.extract_strided_slice %select_n3A_1229 {offsets = [0, 120], sizes = [256, 8], strides = [1, 1]} : vector<256x128xf32> to vector<256x8xf32>
    %slice3A_1276 = vector.extract_strided_slice %select_n3A_1229 {offsets = [0, 0], sizes = [256, 120], strides = [1, 1]} : vector<256x128xf32> to vector<256x120xf32>
    %concatenate3A_1277 = tpu.concatenate %slice3A_1275, %slice3A_1276 in 1 : vector<256x8xf32>, vector<256x120xf32> -> vector<256x128xf32>
    %broadcast_in_dim3A_1278 = vector.shape_cast %eq3A_1262 : vector<1x128xi1> to vector<1x128xi1>
    %broadcast_in_dim3A_1279 = vector.broadcast %broadcast_in_dim3A_1278 : vector<1x128xi1> to vector<256x128xi1>
    %select_n3A_1280 = arith.select %broadcast_in_dim3A_1279, %concatenate3A_1274, %concatenate3A_1277 : vector<256x128xi1>, vector<256x128xf32>
    %min3A_1281 = arith.minimumf %select_n3A_1229, %select_n3A_1280 : vector<256x128xf32>
    %max3A_1282 = arith.maximumf %select_n3A_1229, %select_n3A_1280 : vector<256x128xf32>
    %broadcast_in_dim3A_1283 = vector.shape_cast %eq3A_1271 : vector<1x128xi1> to vector<1x128xi1>
    %broadcast_in_dim3A_1284 = vector.broadcast %broadcast_in_dim3A_1283 : vector<1x128xi1> to vector<256x128xi1>
    %select_n3A_1285 = arith.select %broadcast_in_dim3A_1284, %min3A_1281, %max3A_1282 : vector<256x128xi1>, vector<256x128xf32>
    %slice3A_1286 = vector.extract_strided_slice %select_n3A_1232 {offsets = [0, 8], sizes = [256, 120], strides = [1, 1]} : vector<256x128xf32> to vector<256x120xf32>
    %slice3A_1287 = vector.extract_strided_slice %select_n3A_1232 {offsets = [0, 0], sizes = [256, 8], strides = [1, 1]} : vector<256x128xf32> to vector<256x8xf32>
    %concatenate3A_1288 = tpu.concatenate %slice3A_1286, %slice3A_1287 in 1 : vector<256x120xf32>, vector<256x8xf32> -> vector<256x128xf32>
    %slice3A_1289 = vector.extract_strided_slice %select_n3A_1232 {offsets = [0, 120], sizes = [256, 8], strides = [1, 1]} : vector<256x128xf32> to vector<256x8xf32>
    %slice3A_1290 = vector.extract_strided_slice %select_n3A_1232 {offsets = [0, 0], sizes = [256, 120], strides = [1, 1]} : vector<256x128xf32> to vector<256x120xf32>
    %concatenate3A_1291 = tpu.concatenate %slice3A_1289, %slice3A_1290 in 1 : vector<256x8xf32>, vector<256x120xf32> -> vector<256x128xf32>
    %broadcast_in_dim3A_1292 = vector.shape_cast %eq3A_1262 : vector<1x128xi1> to vector<1x128xi1>
    %broadcast_in_dim3A_1293 = vector.broadcast %broadcast_in_dim3A_1292 : vector<1x128xi1> to vector<256x128xi1>
    %select_n3A_1294 = arith.select %broadcast_in_dim3A_1293, %concatenate3A_1288, %concatenate3A_1291 : vector<256x128xi1>, vector<256x128xf32>
    %min3A_1295 = arith.minimumf %select_n3A_1232, %select_n3A_1294 : vector<256x128xf32>
    %max3A_1296 = arith.maximumf %select_n3A_1232, %select_n3A_1294 : vector<256x128xf32>
    %broadcast_in_dim3A_1297 = vector.shape_cast %eq3A_1271 : vector<1x128xi1> to vector<1x128xi1>
    %broadcast_in_dim3A_1298 = vector.broadcast %broadcast_in_dim3A_1297 : vector<1x128xi1> to vector<256x128xi1>
    %select_n3A_1299 = arith.select %broadcast_in_dim3A_1298, %min3A_1295, %max3A_1296 : vector<256x128xi1>, vector<256x128xf32>
    %slice3A_1300 = vector.extract_strided_slice %select_n3A_1237 {offsets = [0, 8], sizes = [256, 120], strides = [1, 1]} : vector<256x128xf32> to vector<256x120xf32>
    %slice3A_1301 = vector.extract_strided_slice %select_n3A_1237 {offsets = [0, 0], sizes = [256, 8], strides = [1, 1]} : vector<256x128xf32> to vector<256x8xf32>
    %concatenate3A_1302 = tpu.concatenate %slice3A_1300, %slice3A_1301 in 1 : vector<256x120xf32>, vector<256x8xf32> -> vector<256x128xf32>
    %slice3A_1303 = vector.extract_strided_slice %select_n3A_1237 {offsets = [0, 120], sizes = [256, 8], strides = [1, 1]} : vector<256x128xf32> to vector<256x8xf32>
    %slice3A_1304 = vector.extract_strided_slice %select_n3A_1237 {offsets = [0, 0], sizes = [256, 120], strides = [1, 1]} : vector<256x128xf32> to vector<256x120xf32>
    %concatenate3A_1305 = tpu.concatenate %slice3A_1303, %slice3A_1304 in 1 : vector<256x8xf32>, vector<256x120xf32> -> vector<256x128xf32>
    %broadcast_in_dim3A_1306 = vector.shape_cast %eq3A_1262 : vector<1x128xi1> to vector<1x128xi1>
    %broadcast_in_dim3A_1307 = vector.broadcast %broadcast_in_dim3A_1306 : vector<1x128xi1> to vector<256x128xi1>
    %select_n3A_1308 = arith.select %broadcast_in_dim3A_1307, %concatenate3A_1302, %concatenate3A_1305 : vector<256x128xi1>, vector<256x128xf32>
    %min3A_1309 = arith.minimumf %select_n3A_1237, %select_n3A_1308 : vector<256x128xf32>
    %max3A_1310 = arith.maximumf %select_n3A_1237, %select_n3A_1308 : vector<256x128xf32>
    %broadcast_in_dim3A_1311 = vector.shape_cast %eq3A_1271 : vector<1x128xi1> to vector<1x128xi1>
    %broadcast_in_dim3A_1312 = vector.broadcast %broadcast_in_dim3A_1311 : vector<1x128xi1> to vector<256x128xi1>
    %select_n3A_1313 = arith.select %broadcast_in_dim3A_1312, %min3A_1309, %max3A_1310 : vector<256x128xi1>, vector<256x128xf32>
    %slice3A_1314 = vector.extract_strided_slice %select_n3A_1240 {offsets = [0, 8], sizes = [256, 120], strides = [1, 1]} : vector<256x128xf32> to vector<256x120xf32>
    %slice3A_1315 = vector.extract_strided_slice %select_n3A_1240 {offsets = [0, 0], sizes = [256, 8], strides = [1, 1]} : vector<256x128xf32> to vector<256x8xf32>
    %concatenate3A_1316 = tpu.concatenate %slice3A_1314, %slice3A_1315 in 1 : vector<256x120xf32>, vector<256x8xf32> -> vector<256x128xf32>
    %slice3A_1317 = vector.extract_strided_slice %select_n3A_1240 {offsets = [0, 120], sizes = [256, 8], strides = [1, 1]} : vector<256x128xf32> to vector<256x8xf32>
    %slice3A_1318 = vector.extract_strided_slice %select_n3A_1240 {offsets = [0, 0], sizes = [256, 120], strides = [1, 1]} : vector<256x128xf32> to vector<256x120xf32>
    %concatenate3A_1319 = tpu.concatenate %slice3A_1317, %slice3A_1318 in 1 : vector<256x8xf32>, vector<256x120xf32> -> vector<256x128xf32>
    %broadcast_in_dim3A_1320 = vector.shape_cast %eq3A_1262 : vector<1x128xi1> to vector<1x128xi1>
    %broadcast_in_dim3A_1321 = vector.broadcast %broadcast_in_dim3A_1320 : vector<1x128xi1> to vector<256x128xi1>
    %select_n3A_1322 = arith.select %broadcast_in_dim3A_1321, %concatenate3A_1316, %concatenate3A_1319 : vector<256x128xi1>, vector<256x128xf32>
    %min3A_1323 = arith.minimumf %select_n3A_1240, %select_n3A_1322 : vector<256x128xf32>
    %max3A_1324 = arith.maximumf %select_n3A_1240, %select_n3A_1322 : vector<256x128xf32>
    %broadcast_in_dim3A_1325 = vector.shape_cast %eq3A_1271 : vector<1x128xi1> to vector<1x128xi1>
    %broadcast_in_dim3A_1326 = vector.broadcast %broadcast_in_dim3A_1325 : vector<1x128xi1> to vector<256x128xi1>
    %select_n3A_1327 = arith.select %broadcast_in_dim3A_1326, %min3A_1323, %max3A_1324 : vector<256x128xi1>, vector<256x128xf32>
    %slice3A_1328 = vector.extract_strided_slice %select_n3A_1245 {offsets = [0, 8], sizes = [256, 120], strides = [1, 1]} : vector<256x128xf32> to vector<256x120xf32>
    %slice3A_1329 = vector.extract_strided_slice %select_n3A_1245 {offsets = [0, 0], sizes = [256, 8], strides = [1, 1]} : vector<256x128xf32> to vector<256x8xf32>
    %concatenate3A_1330 = tpu.concatenate %slice3A_1328, %slice3A_1329 in 1 : vector<256x120xf32>, vector<256x8xf32> -> vector<256x128xf32>
    %slice3A_1331 = vector.extract_strided_slice %select_n3A_1245 {offsets = [0, 120], sizes = [256, 8], strides = [1, 1]} : vector<256x128xf32> to vector<256x8xf32>
    %slice3A_1332 = vector.extract_strided_slice %select_n3A_1245 {offsets = [0, 0], sizes = [256, 120], strides = [1, 1]} : vector<256x128xf32> to vector<256x120xf32>
    %concatenate3A_1333 = tpu.concatenate %slice3A_1331, %slice3A_1332 in 1 : vector<256x8xf32>, vector<256x120xf32> -> vector<256x128xf32>
    %broadcast_in_dim3A_1334 = vector.shape_cast %eq3A_1262 : vector<1x128xi1> to vector<1x128xi1>
    %broadcast_in_dim3A_1335 = vector.broadcast %broadcast_in_dim3A_1334 : vector<1x128xi1> to vector<256x128xi1>
    %select_n3A_1336 = arith.select %broadcast_in_dim3A_1335, %concatenate3A_1330, %concatenate3A_1333 : vector<256x128xi1>, vector<256x128xf32>
    %min3A_1337 = arith.minimumf %select_n3A_1245, %select_n3A_1336 : vector<256x128xf32>
    %max3A_1338 = arith.maximumf %select_n3A_1245, %select_n3A_1336 : vector<256x128xf32>
    %broadcast_in_dim3A_1339 = vector.shape_cast %eq3A_1271 : vector<1x128xi1> to vector<1x128xi1>
    %broadcast_in_dim3A_1340 = vector.broadcast %broadcast_in_dim3A_1339 : vector<1x128xi1> to vector<256x128xi1>
    %select_n3A_1341 = arith.select %broadcast_in_dim3A_1340, %min3A_1337, %max3A_1338 : vector<256x128xi1>, vector<256x128xf32>
    %slice3A_1342 = vector.extract_strided_slice %select_n3A_1248 {offsets = [0, 8], sizes = [256, 120], strides = [1, 1]} : vector<256x128xf32> to vector<256x120xf32>
    %slice3A_1343 = vector.extract_strided_slice %select_n3A_1248 {offsets = [0, 0], sizes = [256, 8], strides = [1, 1]} : vector<256x128xf32> to vector<256x8xf32>
    %concatenate3A_1344 = tpu.concatenate %slice3A_1342, %slice3A_1343 in 1 : vector<256x120xf32>, vector<256x8xf32> -> vector<256x128xf32>
    %slice3A_1345 = vector.extract_strided_slice %select_n3A_1248 {offsets = [0, 120], sizes = [256, 8], strides = [1, 1]} : vector<256x128xf32> to vector<256x8xf32>
    %slice3A_1346 = vector.extract_strided_slice %select_n3A_1248 {offsets = [0, 0], sizes = [256, 120], strides = [1, 1]} : vector<256x128xf32> to vector<256x120xf32>
    %concatenate3A_1347 = tpu.concatenate %slice3A_1345, %slice3A_1346 in 1 : vector<256x8xf32>, vector<256x120xf32> -> vector<256x128xf32>
    %broadcast_in_dim3A_1348 = vector.shape_cast %eq3A_1262 : vector<1x128xi1> to vector<1x128xi1>
    %broadcast_in_dim3A_1349 = vector.broadcast %broadcast_in_dim3A_1348 : vector<1x128xi1> to vector<256x128xi1>
    %select_n3A_1350 = arith.select %broadcast_in_dim3A_1349, %concatenate3A_1344, %concatenate3A_1347 : vector<256x128xi1>, vector<256x128xf32>
    %min3A_1351 = arith.minimumf %select_n3A_1248, %select_n3A_1350 : vector<256x128xf32>
    %max3A_1352 = arith.maximumf %select_n3A_1248, %select_n3A_1350 : vector<256x128xf32>
    %broadcast_in_dim3A_1353 = vector.shape_cast %eq3A_1271 : vector<1x128xi1> to vector<1x128xi1>
    %broadcast_in_dim3A_1354 = vector.broadcast %broadcast_in_dim3A_1353 : vector<1x128xi1> to vector<256x128xi1>
    %select_n3A_1355 = arith.select %broadcast_in_dim3A_1354, %min3A_1351, %max3A_1352 : vector<256x128xi1>, vector<256x128xf32>
    %slice3A_1356 = vector.extract_strided_slice %select_n3A_1253 {offsets = [0, 8], sizes = [256, 120], strides = [1, 1]} : vector<256x128xf32> to vector<256x120xf32>
    %slice3A_1357 = vector.extract_strided_slice %select_n3A_1253 {offsets = [0, 0], sizes = [256, 8], strides = [1, 1]} : vector<256x128xf32> to vector<256x8xf32>
    %concatenate3A_1358 = tpu.concatenate %slice3A_1356, %slice3A_1357 in 1 : vector<256x120xf32>, vector<256x8xf32> -> vector<256x128xf32>
    %slice3A_1359 = vector.extract_strided_slice %select_n3A_1253 {offsets = [0, 120], sizes = [256, 8], strides = [1, 1]} : vector<256x128xf32> to vector<256x8xf32>
    %slice3A_1360 = vector.extract_strided_slice %select_n3A_1253 {offsets = [0, 0], sizes = [256, 120], strides = [1, 1]} : vector<256x128xf32> to vector<256x120xf32>
    %concatenate3A_1361 = tpu.concatenate %slice3A_1359, %slice3A_1360 in 1 : vector<256x8xf32>, vector<256x120xf32> -> vector<256x128xf32>
    %broadcast_in_dim3A_1362 = vector.shape_cast %eq3A_1262 : vector<1x128xi1> to vector<1x128xi1>
    %broadcast_in_dim3A_1363 = vector.broadcast %broadcast_in_dim3A_1362 : vector<1x128xi1> to vector<256x128xi1>
    %select_n3A_1364 = arith.select %broadcast_in_dim3A_1363, %concatenate3A_1358, %concatenate3A_1361 : vector<256x128xi1>, vector<256x128xf32>
    %min3A_1365 = arith.minimumf %select_n3A_1253, %select_n3A_1364 : vector<256x128xf32>
    %max3A_1366 = arith.maximumf %select_n3A_1253, %select_n3A_1364 : vector<256x128xf32>
    %broadcast_in_dim3A_1367 = vector.shape_cast %eq3A_1271 : vector<1x128xi1> to vector<1x128xi1>
    %broadcast_in_dim3A_1368 = vector.broadcast %broadcast_in_dim3A_1367 : vector<1x128xi1> to vector<256x128xi1>
    %select_n3A_1369 = arith.select %broadcast_in_dim3A_1368, %min3A_1365, %max3A_1366 : vector<256x128xi1>, vector<256x128xf32>
    %slice3A_1370 = vector.extract_strided_slice %select_n3A_1256 {offsets = [0, 8], sizes = [256, 120], strides = [1, 1]} : vector<256x128xf32> to vector<256x120xf32>
    %slice3A_1371 = vector.extract_strided_slice %select_n3A_1256 {offsets = [0, 0], sizes = [256, 8], strides = [1, 1]} : vector<256x128xf32> to vector<256x8xf32>
    %concatenate3A_1372 = tpu.concatenate %slice3A_1370, %slice3A_1371 in 1 : vector<256x120xf32>, vector<256x8xf32> -> vector<256x128xf32>
    %slice3A_1373 = vector.extract_strided_slice %select_n3A_1256 {offsets = [0, 120], sizes = [256, 8], strides = [1, 1]} : vector<256x128xf32> to vector<256x8xf32>
    %slice3A_1374 = vector.extract_strided_slice %select_n3A_1256 {offsets = [0, 0], sizes = [256, 120], strides = [1, 1]} : vector<256x128xf32> to vector<256x120xf32>
    %concatenate3A_1375 = tpu.concatenate %slice3A_1373, %slice3A_1374 in 1 : vector<256x8xf32>, vector<256x120xf32> -> vector<256x128xf32>
    %broadcast_in_dim3A_1376 = vector.shape_cast %eq3A_1262 : vector<1x128xi1> to vector<1x128xi1>
    %broadcast_in_dim3A_1377 = vector.broadcast %broadcast_in_dim3A_1376 : vector<1x128xi1> to vector<256x128xi1>
    %select_n3A_1378 = arith.select %broadcast_in_dim3A_1377, %concatenate3A_1372, %concatenate3A_1375 : vector<256x128xi1>, vector<256x128xf32>
    %min3A_1379 = arith.minimumf %select_n3A_1256, %select_n3A_1378 : vector<256x128xf32>
    %max3A_1380 = arith.maximumf %select_n3A_1256, %select_n3A_1378 : vector<256x128xf32>
    %broadcast_in_dim3A_1381 = vector.shape_cast %eq3A_1271 : vector<1x128xi1> to vector<1x128xi1>
    %broadcast_in_dim3A_1382 = vector.broadcast %broadcast_in_dim3A_1381 : vector<1x128xi1> to vector<256x128xi1>
    %select_n3A_1383 = arith.select %broadcast_in_dim3A_1382, %min3A_1379, %max3A_1380 : vector<256x128xi1>, vector<256x128xf32>
    %and3A_1384 = arith.constant 4 : i32
    %and3A_1385 = vector.broadcast %and3A_1384 : i32 to vector<1x128xi32>
    %and3A_1386 = arith.andi %iota3A, %and3A_1385 : vector<1x128xi32>
    %eq3A_1387 = arith.constant 0 : i32
    %eq3A_1388 = vector.broadcast %eq3A_1387 : i32 to vector<1x128xi32>
    %eq3A_1389 = arith.cmpi eq, %and3A_1386, %eq3A_1388 : vector<1x128xi32>
    %and3A_1390 = arith.constant 16 : i32
    %and3A_1391 = vector.broadcast %and3A_1390 : i32 to vector<1x128xi32>
    %and3A_1392 = arith.andi %iota3A, %and3A_1391 : vector<1x128xi32>
    %eq3A_1393 = arith.constant 0 : i32
    %eq3A_1394 = vector.broadcast %eq3A_1393 : i32 to vector<1x128xi32>
    %eq3A_1395 = arith.cmpi eq, %and3A_1392, %eq3A_1394 : vector<1x128xi32>
    %eq3A_1396 = arith.xori %eq3A_1395, %eq3A_1389 : vector<1x128xi1>
    %eq3A_1397 = arith.constant dense<true> : vector<1x128xi1>
    %eq3A_1398 = arith.xori %eq3A_1396, %eq3A_1397 : vector<1x128xi1>
    %slice3A_1399 = vector.extract_strided_slice %select_n3A_1285 {offsets = [0, 4], sizes = [256, 124], strides = [1, 1]} : vector<256x128xf32> to vector<256x124xf32>
    %slice3A_1400 = vector.extract_strided_slice %select_n3A_1285 {offsets = [0, 0], sizes = [256, 4], strides = [1, 1]} : vector<256x128xf32> to vector<256x4xf32>
    %concatenate3A_1401 = tpu.concatenate %slice3A_1399, %slice3A_1400 in 1 : vector<256x124xf32>, vector<256x4xf32> -> vector<256x128xf32>
    %slice3A_1402 = vector.extract_strided_slice %select_n3A_1285 {offsets = [0, 124], sizes = [256, 4], strides = [1, 1]} : vector<256x128xf32> to vector<256x4xf32>
    %slice3A_1403 = vector.extract_strided_slice %select_n3A_1285 {offsets = [0, 0], sizes = [256, 124], strides = [1, 1]} : vector<256x128xf32> to vector<256x124xf32>
    %concatenate3A_1404 = tpu.concatenate %slice3A_1402, %slice3A_1403 in 1 : vector<256x4xf32>, vector<256x124xf32> -> vector<256x128xf32>
    %broadcast_in_dim3A_1405 = vector.shape_cast %eq3A_1389 : vector<1x128xi1> to vector<1x128xi1>
    %broadcast_in_dim3A_1406 = vector.broadcast %broadcast_in_dim3A_1405 : vector<1x128xi1> to vector<256x128xi1>
    %select_n3A_1407 = arith.select %broadcast_in_dim3A_1406, %concatenate3A_1401, %concatenate3A_1404 : vector<256x128xi1>, vector<256x128xf32>
    %min3A_1408 = arith.minimumf %select_n3A_1285, %select_n3A_1407 : vector<256x128xf32>
    %max3A_1409 = arith.maximumf %select_n3A_1285, %select_n3A_1407 : vector<256x128xf32>
    %broadcast_in_dim3A_1410 = vector.shape_cast %eq3A_1398 : vector<1x128xi1> to vector<1x128xi1>
    %broadcast_in_dim3A_1411 = vector.broadcast %broadcast_in_dim3A_1410 : vector<1x128xi1> to vector<256x128xi1>
    %select_n3A_1412 = arith.select %broadcast_in_dim3A_1411, %min3A_1408, %max3A_1409 : vector<256x128xi1>, vector<256x128xf32>
    %slice3A_1413 = vector.extract_strided_slice %select_n3A_1299 {offsets = [0, 4], sizes = [256, 124], strides = [1, 1]} : vector<256x128xf32> to vector<256x124xf32>
    %slice3A_1414 = vector.extract_strided_slice %select_n3A_1299 {offsets = [0, 0], sizes = [256, 4], strides = [1, 1]} : vector<256x128xf32> to vector<256x4xf32>
    %concatenate3A_1415 = tpu.concatenate %slice3A_1413, %slice3A_1414 in 1 : vector<256x124xf32>, vector<256x4xf32> -> vector<256x128xf32>
    %slice3A_1416 = vector.extract_strided_slice %select_n3A_1299 {offsets = [0, 124], sizes = [256, 4], strides = [1, 1]} : vector<256x128xf32> to vector<256x4xf32>
    %slice3A_1417 = vector.extract_strided_slice %select_n3A_1299 {offsets = [0, 0], sizes = [256, 124], strides = [1, 1]} : vector<256x128xf32> to vector<256x124xf32>
    %concatenate3A_1418 = tpu.concatenate %slice3A_1416, %slice3A_1417 in 1 : vector<256x4xf32>, vector<256x124xf32> -> vector<256x128xf32>
    %broadcast_in_dim3A_1419 = vector.shape_cast %eq3A_1389 : vector<1x128xi1> to vector<1x128xi1>
    %broadcast_in_dim3A_1420 = vector.broadcast %broadcast_in_dim3A_1419 : vector<1x128xi1> to vector<256x128xi1>
    %select_n3A_1421 = arith.select %broadcast_in_dim3A_1420, %concatenate3A_1415, %concatenate3A_1418 : vector<256x128xi1>, vector<256x128xf32>
    %min3A_1422 = arith.minimumf %select_n3A_1299, %select_n3A_1421 : vector<256x128xf32>
    %max3A_1423 = arith.maximumf %select_n3A_1299, %select_n3A_1421 : vector<256x128xf32>
    %broadcast_in_dim3A_1424 = vector.shape_cast %eq3A_1398 : vector<1x128xi1> to vector<1x128xi1>
    %broadcast_in_dim3A_1425 = vector.broadcast %broadcast_in_dim3A_1424 : vector<1x128xi1> to vector<256x128xi1>
    %select_n3A_1426 = arith.select %broadcast_in_dim3A_1425, %min3A_1422, %max3A_1423 : vector<256x128xi1>, vector<256x128xf32>
    %slice3A_1427 = vector.extract_strided_slice %select_n3A_1313 {offsets = [0, 4], sizes = [256, 124], strides = [1, 1]} : vector<256x128xf32> to vector<256x124xf32>
    %slice3A_1428 = vector.extract_strided_slice %select_n3A_1313 {offsets = [0, 0], sizes = [256, 4], strides = [1, 1]} : vector<256x128xf32> to vector<256x4xf32>
    %concatenate3A_1429 = tpu.concatenate %slice3A_1427, %slice3A_1428 in 1 : vector<256x124xf32>, vector<256x4xf32> -> vector<256x128xf32>
    %slice3A_1430 = vector.extract_strided_slice %select_n3A_1313 {offsets = [0, 124], sizes = [256, 4], strides = [1, 1]} : vector<256x128xf32> to vector<256x4xf32>
    %slice3A_1431 = vector.extract_strided_slice %select_n3A_1313 {offsets = [0, 0], sizes = [256, 124], strides = [1, 1]} : vector<256x128xf32> to vector<256x124xf32>
    %concatenate3A_1432 = tpu.concatenate %slice3A_1430, %slice3A_1431 in 1 : vector<256x4xf32>, vector<256x124xf32> -> vector<256x128xf32>
    %broadcast_in_dim3A_1433 = vector.shape_cast %eq3A_1389 : vector<1x128xi1> to vector<1x128xi1>
    %broadcast_in_dim3A_1434 = vector.broadcast %broadcast_in_dim3A_1433 : vector<1x128xi1> to vector<256x128xi1>
    %select_n3A_1435 = arith.select %broadcast_in_dim3A_1434, %concatenate3A_1429, %concatenate3A_1432 : vector<256x128xi1>, vector<256x128xf32>
    %min3A_1436 = arith.minimumf %select_n3A_1313, %select_n3A_1435 : vector<256x128xf32>
    %max3A_1437 = arith.maximumf %select_n3A_1313, %select_n3A_1435 : vector<256x128xf32>
    %broadcast_in_dim3A_1438 = vector.shape_cast %eq3A_1398 : vector<1x128xi1> to vector<1x128xi1>
    %broadcast_in_dim3A_1439 = vector.broadcast %broadcast_in_dim3A_1438 : vector<1x128xi1> to vector<256x128xi1>
    %select_n3A_1440 = arith.select %broadcast_in_dim3A_1439, %min3A_1436, %max3A_1437 : vector<256x128xi1>, vector<256x128xf32>
    %slice3A_1441 = vector.extract_strided_slice %select_n3A_1327 {offsets = [0, 4], sizes = [256, 124], strides = [1, 1]} : vector<256x128xf32> to vector<256x124xf32>
    %slice3A_1442 = vector.extract_strided_slice %select_n3A_1327 {offsets = [0, 0], sizes = [256, 4], strides = [1, 1]} : vector<256x128xf32> to vector<256x4xf32>
    %concatenate3A_1443 = tpu.concatenate %slice3A_1441, %slice3A_1442 in 1 : vector<256x124xf32>, vector<256x4xf32> -> vector<256x128xf32>
    %slice3A_1444 = vector.extract_strided_slice %select_n3A_1327 {offsets = [0, 124], sizes = [256, 4], strides = [1, 1]} : vector<256x128xf32> to vector<256x4xf32>
    %slice3A_1445 = vector.extract_strided_slice %select_n3A_1327 {offsets = [0, 0], sizes = [256, 124], strides = [1, 1]} : vector<256x128xf32> to vector<256x124xf32>
    %concatenate3A_1446 = tpu.concatenate %slice3A_1444, %slice3A_1445 in 1 : vector<256x4xf32>, vector<256x124xf32> -> vector<256x128xf32>
    %broadcast_in_dim3A_1447 = vector.shape_cast %eq3A_1389 : vector<1x128xi1> to vector<1x128xi1>
    %broadcast_in_dim3A_1448 = vector.broadcast %broadcast_in_dim3A_1447 : vector<1x128xi1> to vector<256x128xi1>
    %select_n3A_1449 = arith.select %broadcast_in_dim3A_1448, %concatenate3A_1443, %concatenate3A_1446 : vector<256x128xi1>, vector<256x128xf32>
    %min3A_1450 = arith.minimumf %select_n3A_1327, %select_n3A_1449 : vector<256x128xf32>
    %max3A_1451 = arith.maximumf %select_n3A_1327, %select_n3A_1449 : vector<256x128xf32>
    %broadcast_in_dim3A_1452 = vector.shape_cast %eq3A_1398 : vector<1x128xi1> to vector<1x128xi1>
    %broadcast_in_dim3A_1453 = vector.broadcast %broadcast_in_dim3A_1452 : vector<1x128xi1> to vector<256x128xi1>
    %select_n3A_1454 = arith.select %broadcast_in_dim3A_1453, %min3A_1450, %max3A_1451 : vector<256x128xi1>, vector<256x128xf32>
    %slice3A_1455 = vector.extract_strided_slice %select_n3A_1341 {offsets = [0, 4], sizes = [256, 124], strides = [1, 1]} : vector<256x128xf32> to vector<256x124xf32>
    %slice3A_1456 = vector.extract_strided_slice %select_n3A_1341 {offsets = [0, 0], sizes = [256, 4], strides = [1, 1]} : vector<256x128xf32> to vector<256x4xf32>
    %concatenate3A_1457 = tpu.concatenate %slice3A_1455, %slice3A_1456 in 1 : vector<256x124xf32>, vector<256x4xf32> -> vector<256x128xf32>
    %slice3A_1458 = vector.extract_strided_slice %select_n3A_1341 {offsets = [0, 124], sizes = [256, 4], strides = [1, 1]} : vector<256x128xf32> to vector<256x4xf32>
    %slice3A_1459 = vector.extract_strided_slice %select_n3A_1341 {offsets = [0, 0], sizes = [256, 124], strides = [1, 1]} : vector<256x128xf32> to vector<256x124xf32>
    %concatenate3A_1460 = tpu.concatenate %slice3A_1458, %slice3A_1459 in 1 : vector<256x4xf32>, vector<256x124xf32> -> vector<256x128xf32>
    %broadcast_in_dim3A_1461 = vector.shape_cast %eq3A_1389 : vector<1x128xi1> to vector<1x128xi1>
    %broadcast_in_dim3A_1462 = vector.broadcast %broadcast_in_dim3A_1461 : vector<1x128xi1> to vector<256x128xi1>
    %select_n3A_1463 = arith.select %broadcast_in_dim3A_1462, %concatenate3A_1457, %concatenate3A_1460 : vector<256x128xi1>, vector<256x128xf32>
    %min3A_1464 = arith.minimumf %select_n3A_1341, %select_n3A_1463 : vector<256x128xf32>
    %max3A_1465 = arith.maximumf %select_n3A_1341, %select_n3A_1463 : vector<256x128xf32>
    %broadcast_in_dim3A_1466 = vector.shape_cast %eq3A_1398 : vector<1x128xi1> to vector<1x128xi1>
    %broadcast_in_dim3A_1467 = vector.broadcast %broadcast_in_dim3A_1466 : vector<1x128xi1> to vector<256x128xi1>
    %select_n3A_1468 = arith.select %broadcast_in_dim3A_1467, %min3A_1464, %max3A_1465 : vector<256x128xi1>, vector<256x128xf32>
    %slice3A_1469 = vector.extract_strided_slice %select_n3A_1355 {offsets = [0, 4], sizes = [256, 124], strides = [1, 1]} : vector<256x128xf32> to vector<256x124xf32>
    %slice3A_1470 = vector.extract_strided_slice %select_n3A_1355 {offsets = [0, 0], sizes = [256, 4], strides = [1, 1]} : vector<256x128xf32> to vector<256x4xf32>
    %concatenate3A_1471 = tpu.concatenate %slice3A_1469, %slice3A_1470 in 1 : vector<256x124xf32>, vector<256x4xf32> -> vector<256x128xf32>
    %slice3A_1472 = vector.extract_strided_slice %select_n3A_1355 {offsets = [0, 124], sizes = [256, 4], strides = [1, 1]} : vector<256x128xf32> to vector<256x4xf32>
    %slice3A_1473 = vector.extract_strided_slice %select_n3A_1355 {offsets = [0, 0], sizes = [256, 124], strides = [1, 1]} : vector<256x128xf32> to vector<256x124xf32>
    %concatenate3A_1474 = tpu.concatenate %slice3A_1472, %slice3A_1473 in 1 : vector<256x4xf32>, vector<256x124xf32> -> vector<256x128xf32>
    %broadcast_in_dim3A_1475 = vector.shape_cast %eq3A_1389 : vector<1x128xi1> to vector<1x128xi1>
    %broadcast_in_dim3A_1476 = vector.broadcast %broadcast_in_dim3A_1475 : vector<1x128xi1> to vector<256x128xi1>
    %select_n3A_1477 = arith.select %broadcast_in_dim3A_1476, %concatenate3A_1471, %concatenate3A_1474 : vector<256x128xi1>, vector<256x128xf32>
    %min3A_1478 = arith.minimumf %select_n3A_1355, %select_n3A_1477 : vector<256x128xf32>
    %max3A_1479 = arith.maximumf %select_n3A_1355, %select_n3A_1477 : vector<256x128xf32>
    %broadcast_in_dim3A_1480 = vector.shape_cast %eq3A_1398 : vector<1x128xi1> to vector<1x128xi1>
    %broadcast_in_dim3A_1481 = vector.broadcast %broadcast_in_dim3A_1480 : vector<1x128xi1> to vector<256x128xi1>
    %select_n3A_1482 = arith.select %broadcast_in_dim3A_1481, %min3A_1478, %max3A_1479 : vector<256x128xi1>, vector<256x128xf32>
    %slice3A_1483 = vector.extract_strided_slice %select_n3A_1369 {offsets = [0, 4], sizes = [256, 124], strides = [1, 1]} : vector<256x128xf32> to vector<256x124xf32>
    %slice3A_1484 = vector.extract_strided_slice %select_n3A_1369 {offsets = [0, 0], sizes = [256, 4], strides = [1, 1]} : vector<256x128xf32> to vector<256x4xf32>
    %concatenate3A_1485 = tpu.concatenate %slice3A_1483, %slice3A_1484 in 1 : vector<256x124xf32>, vector<256x4xf32> -> vector<256x128xf32>
    %slice3A_1486 = vector.extract_strided_slice %select_n3A_1369 {offsets = [0, 124], sizes = [256, 4], strides = [1, 1]} : vector<256x128xf32> to vector<256x4xf32>
    %slice3A_1487 = vector.extract_strided_slice %select_n3A_1369 {offsets = [0, 0], sizes = [256, 124], strides = [1, 1]} : vector<256x128xf32> to vector<256x124xf32>
    %concatenate3A_1488 = tpu.concatenate %slice3A_1486, %slice3A_1487 in 1 : vector<256x4xf32>, vector<256x124xf32> -> vector<256x128xf32>
    %broadcast_in_dim3A_1489 = vector.shape_cast %eq3A_1389 : vector<1x128xi1> to vector<1x128xi1>
    %broadcast_in_dim3A_1490 = vector.broadcast %broadcast_in_dim3A_1489 : vector<1x128xi1> to vector<256x128xi1>
    %select_n3A_1491 = arith.select %broadcast_in_dim3A_1490, %concatenate3A_1485, %concatenate3A_1488 : vector<256x128xi1>, vector<256x128xf32>
    %min3A_1492 = arith.minimumf %select_n3A_1369, %select_n3A_1491 : vector<256x128xf32>
    %max3A_1493 = arith.maximumf %select_n3A_1369, %select_n3A_1491 : vector<256x128xf32>
    %broadcast_in_dim3A_1494 = vector.shape_cast %eq3A_1398 : vector<1x128xi1> to vector<1x128xi1>
    %broadcast_in_dim3A_1495 = vector.broadcast %broadcast_in_dim3A_1494 : vector<1x128xi1> to vector<256x128xi1>
    %select_n3A_1496 = arith.select %broadcast_in_dim3A_1495, %min3A_1492, %max3A_1493 : vector<256x128xi1>, vector<256x128xf32>
    %slice3A_1497 = vector.extract_strided_slice %select_n3A_1383 {offsets = [0, 4], sizes = [256, 124], strides = [1, 1]} : vector<256x128xf32> to vector<256x124xf32>
    %slice3A_1498 = vector.extract_strided_slice %select_n3A_1383 {offsets = [0, 0], sizes = [256, 4], strides = [1, 1]} : vector<256x128xf32> to vector<256x4xf32>
    %concatenate3A_1499 = tpu.concatenate %slice3A_1497, %slice3A_1498 in 1 : vector<256x124xf32>, vector<256x4xf32> -> vector<256x128xf32>
    %slice3A_1500 = vector.extract_strided_slice %select_n3A_1383 {offsets = [0, 124], sizes = [256, 4], strides = [1, 1]} : vector<256x128xf32> to vector<256x4xf32>
    %slice3A_1501 = vector.extract_strided_slice %select_n3A_1383 {offsets = [0, 0], sizes = [256, 124], strides = [1, 1]} : vector<256x128xf32> to vector<256x124xf32>
    %concatenate3A_1502 = tpu.concatenate %slice3A_1500, %slice3A_1501 in 1 : vector<256x4xf32>, vector<256x124xf32> -> vector<256x128xf32>
    %broadcast_in_dim3A_1503 = vector.shape_cast %eq3A_1389 : vector<1x128xi1> to vector<1x128xi1>
    %broadcast_in_dim3A_1504 = vector.broadcast %broadcast_in_dim3A_1503 : vector<1x128xi1> to vector<256x128xi1>
    %select_n3A_1505 = arith.select %broadcast_in_dim3A_1504, %concatenate3A_1499, %concatenate3A_1502 : vector<256x128xi1>, vector<256x128xf32>
    %min3A_1506 = arith.minimumf %select_n3A_1383, %select_n3A_1505 : vector<256x128xf32>
    %max3A_1507 = arith.maximumf %select_n3A_1383, %select_n3A_1505 : vector<256x128xf32>
    %broadcast_in_dim3A_1508 = vector.shape_cast %eq3A_1398 : vector<1x128xi1> to vector<1x128xi1>
    %broadcast_in_dim3A_1509 = vector.broadcast %broadcast_in_dim3A_1508 : vector<1x128xi1> to vector<256x128xi1>
    %select_n3A_1510 = arith.select %broadcast_in_dim3A_1509, %min3A_1506, %max3A_1507 : vector<256x128xi1>, vector<256x128xf32>
    %and3A_1511 = arith.constant 2 : i32
    %and3A_1512 = vector.broadcast %and3A_1511 : i32 to vector<1x128xi32>
    %and3A_1513 = arith.andi %iota3A, %and3A_1512 : vector<1x128xi32>
    %eq3A_1514 = arith.constant 0 : i32
    %eq3A_1515 = vector.broadcast %eq3A_1514 : i32 to vector<1x128xi32>
    %eq3A_1516 = arith.cmpi eq, %and3A_1513, %eq3A_1515 : vector<1x128xi32>
    %and3A_1517 = arith.constant 16 : i32
    %and3A_1518 = vector.broadcast %and3A_1517 : i32 to vector<1x128xi32>
    %and3A_1519 = arith.andi %iota3A, %and3A_1518 : vector<1x128xi32>
    %eq3A_1520 = arith.constant 0 : i32
    %eq3A_1521 = vector.broadcast %eq3A_1520 : i32 to vector<1x128xi32>
    %eq3A_1522 = arith.cmpi eq, %and3A_1519, %eq3A_1521 : vector<1x128xi32>
    %eq3A_1523 = arith.xori %eq3A_1522, %eq3A_1516 : vector<1x128xi1>
    %eq3A_1524 = arith.constant dense<true> : vector<1x128xi1>
    %eq3A_1525 = arith.xori %eq3A_1523, %eq3A_1524 : vector<1x128xi1>
    %slice3A_1526 = vector.extract_strided_slice %select_n3A_1412 {offsets = [0, 2], sizes = [256, 126], strides = [1, 1]} : vector<256x128xf32> to vector<256x126xf32>
    %slice3A_1527 = vector.extract_strided_slice %select_n3A_1412 {offsets = [0, 0], sizes = [256, 2], strides = [1, 1]} : vector<256x128xf32> to vector<256x2xf32>
    %concatenate3A_1528 = tpu.concatenate %slice3A_1526, %slice3A_1527 in 1 : vector<256x126xf32>, vector<256x2xf32> -> vector<256x128xf32>
    %slice3A_1529 = vector.extract_strided_slice %select_n3A_1412 {offsets = [0, 126], sizes = [256, 2], strides = [1, 1]} : vector<256x128xf32> to vector<256x2xf32>
    %slice3A_1530 = vector.extract_strided_slice %select_n3A_1412 {offsets = [0, 0], sizes = [256, 126], strides = [1, 1]} : vector<256x128xf32> to vector<256x126xf32>
    %concatenate3A_1531 = tpu.concatenate %slice3A_1529, %slice3A_1530 in 1 : vector<256x2xf32>, vector<256x126xf32> -> vector<256x128xf32>
    %broadcast_in_dim3A_1532 = vector.shape_cast %eq3A_1516 : vector<1x128xi1> to vector<1x128xi1>
    %broadcast_in_dim3A_1533 = vector.broadcast %broadcast_in_dim3A_1532 : vector<1x128xi1> to vector<256x128xi1>
    %select_n3A_1534 = arith.select %broadcast_in_dim3A_1533, %concatenate3A_1528, %concatenate3A_1531 : vector<256x128xi1>, vector<256x128xf32>
    %min3A_1535 = arith.minimumf %select_n3A_1412, %select_n3A_1534 : vector<256x128xf32>
    %max3A_1536 = arith.maximumf %select_n3A_1412, %select_n3A_1534 : vector<256x128xf32>
    %broadcast_in_dim3A_1537 = vector.shape_cast %eq3A_1525 : vector<1x128xi1> to vector<1x128xi1>
    %broadcast_in_dim3A_1538 = vector.broadcast %broadcast_in_dim3A_1537 : vector<1x128xi1> to vector<256x128xi1>
    %select_n3A_1539 = arith.select %broadcast_in_dim3A_1538, %min3A_1535, %max3A_1536 : vector<256x128xi1>, vector<256x128xf32>
    %slice3A_1540 = vector.extract_strided_slice %select_n3A_1426 {offsets = [0, 2], sizes = [256, 126], strides = [1, 1]} : vector<256x128xf32> to vector<256x126xf32>
    %slice3A_1541 = vector.extract_strided_slice %select_n3A_1426 {offsets = [0, 0], sizes = [256, 2], strides = [1, 1]} : vector<256x128xf32> to vector<256x2xf32>
    %concatenate3A_1542 = tpu.concatenate %slice3A_1540, %slice3A_1541 in 1 : vector<256x126xf32>, vector<256x2xf32> -> vector<256x128xf32>
    %slice3A_1543 = vector.extract_strided_slice %select_n3A_1426 {offsets = [0, 126], sizes = [256, 2], strides = [1, 1]} : vector<256x128xf32> to vector<256x2xf32>
    %slice3A_1544 = vector.extract_strided_slice %select_n3A_1426 {offsets = [0, 0], sizes = [256, 126], strides = [1, 1]} : vector<256x128xf32> to vector<256x126xf32>
    %concatenate3A_1545 = tpu.concatenate %slice3A_1543, %slice3A_1544 in 1 : vector<256x2xf32>, vector<256x126xf32> -> vector<256x128xf32>
    %broadcast_in_dim3A_1546 = vector.shape_cast %eq3A_1516 : vector<1x128xi1> to vector<1x128xi1>
    %broadcast_in_dim3A_1547 = vector.broadcast %broadcast_in_dim3A_1546 : vector<1x128xi1> to vector<256x128xi1>
    %select_n3A_1548 = arith.select %broadcast_in_dim3A_1547, %concatenate3A_1542, %concatenate3A_1545 : vector<256x128xi1>, vector<256x128xf32>
    %min3A_1549 = arith.minimumf %select_n3A_1426, %select_n3A_1548 : vector<256x128xf32>
    %max3A_1550 = arith.maximumf %select_n3A_1426, %select_n3A_1548 : vector<256x128xf32>
    %broadcast_in_dim3A_1551 = vector.shape_cast %eq3A_1525 : vector<1x128xi1> to vector<1x128xi1>
    %broadcast_in_dim3A_1552 = vector.broadcast %broadcast_in_dim3A_1551 : vector<1x128xi1> to vector<256x128xi1>
    %select_n3A_1553 = arith.select %broadcast_in_dim3A_1552, %min3A_1549, %max3A_1550 : vector<256x128xi1>, vector<256x128xf32>
    %slice3A_1554 = vector.extract_strided_slice %select_n3A_1440 {offsets = [0, 2], sizes = [256, 126], strides = [1, 1]} : vector<256x128xf32> to vector<256x126xf32>
    %slice3A_1555 = vector.extract_strided_slice %select_n3A_1440 {offsets = [0, 0], sizes = [256, 2], strides = [1, 1]} : vector<256x128xf32> to vector<256x2xf32>
    %concatenate3A_1556 = tpu.concatenate %slice3A_1554, %slice3A_1555 in 1 : vector<256x126xf32>, vector<256x2xf32> -> vector<256x128xf32>
    %slice3A_1557 = vector.extract_strided_slice %select_n3A_1440 {offsets = [0, 126], sizes = [256, 2], strides = [1, 1]} : vector<256x128xf32> to vector<256x2xf32>
    %slice3A_1558 = vector.extract_strided_slice %select_n3A_1440 {offsets = [0, 0], sizes = [256, 126], strides = [1, 1]} : vector<256x128xf32> to vector<256x126xf32>
    %concatenate3A_1559 = tpu.concatenate %slice3A_1557, %slice3A_1558 in 1 : vector<256x2xf32>, vector<256x126xf32> -> vector<256x128xf32>
    %broadcast_in_dim3A_1560 = vector.shape_cast %eq3A_1516 : vector<1x128xi1> to vector<1x128xi1>
    %broadcast_in_dim3A_1561 = vector.broadcast %broadcast_in_dim3A_1560 : vector<1x128xi1> to vector<256x128xi1>
    %select_n3A_1562 = arith.select %broadcast_in_dim3A_1561, %concatenate3A_1556, %concatenate3A_1559 : vector<256x128xi1>, vector<256x128xf32>
    %min3A_1563 = arith.minimumf %select_n3A_1440, %select_n3A_1562 : vector<256x128xf32>
    %max3A_1564 = arith.maximumf %select_n3A_1440, %select_n3A_1562 : vector<256x128xf32>
    %broadcast_in_dim3A_1565 = vector.shape_cast %eq3A_1525 : vector<1x128xi1> to vector<1x128xi1>
    %broadcast_in_dim3A_1566 = vector.broadcast %broadcast_in_dim3A_1565 : vector<1x128xi1> to vector<256x128xi1>
    %select_n3A_1567 = arith.select %broadcast_in_dim3A_1566, %min3A_1563, %max3A_1564 : vector<256x128xi1>, vector<256x128xf32>
    %slice3A_1568 = vector.extract_strided_slice %select_n3A_1454 {offsets = [0, 2], sizes = [256, 126], strides = [1, 1]} : vector<256x128xf32> to vector<256x126xf32>
    %slice3A_1569 = vector.extract_strided_slice %select_n3A_1454 {offsets = [0, 0], sizes = [256, 2], strides = [1, 1]} : vector<256x128xf32> to vector<256x2xf32>
    %concatenate3A_1570 = tpu.concatenate %slice3A_1568, %slice3A_1569 in 1 : vector<256x126xf32>, vector<256x2xf32> -> vector<256x128xf32>
    %slice3A_1571 = vector.extract_strided_slice %select_n3A_1454 {offsets = [0, 126], sizes = [256, 2], strides = [1, 1]} : vector<256x128xf32> to vector<256x2xf32>
    %slice3A_1572 = vector.extract_strided_slice %select_n3A_1454 {offsets = [0, 0], sizes = [256, 126], strides = [1, 1]} : vector<256x128xf32> to vector<256x126xf32>
    %concatenate3A_1573 = tpu.concatenate %slice3A_1571, %slice3A_1572 in 1 : vector<256x2xf32>, vector<256x126xf32> -> vector<256x128xf32>
    %broadcast_in_dim3A_1574 = vector.shape_cast %eq3A_1516 : vector<1x128xi1> to vector<1x128xi1>
    %broadcast_in_dim3A_1575 = vector.broadcast %broadcast_in_dim3A_1574 : vector<1x128xi1> to vector<256x128xi1>
    %select_n3A_1576 = arith.select %broadcast_in_dim3A_1575, %concatenate3A_1570, %concatenate3A_1573 : vector<256x128xi1>, vector<256x128xf32>
    %min3A_1577 = arith.minimumf %select_n3A_1454, %select_n3A_1576 : vector<256x128xf32>
    %max3A_1578 = arith.maximumf %select_n3A_1454, %select_n3A_1576 : vector<256x128xf32>
    %broadcast_in_dim3A_1579 = vector.shape_cast %eq3A_1525 : vector<1x128xi1> to vector<1x128xi1>
    %broadcast_in_dim3A_1580 = vector.broadcast %broadcast_in_dim3A_1579 : vector<1x128xi1> to vector<256x128xi1>
    %select_n3A_1581 = arith.select %broadcast_in_dim3A_1580, %min3A_1577, %max3A_1578 : vector<256x128xi1>, vector<256x128xf32>
    %slice3A_1582 = vector.extract_strided_slice %select_n3A_1468 {offsets = [0, 2], sizes = [256, 126], strides = [1, 1]} : vector<256x128xf32> to vector<256x126xf32>
    %slice3A_1583 = vector.extract_strided_slice %select_n3A_1468 {offsets = [0, 0], sizes = [256, 2], strides = [1, 1]} : vector<256x128xf32> to vector<256x2xf32>
    %concatenate3A_1584 = tpu.concatenate %slice3A_1582, %slice3A_1583 in 1 : vector<256x126xf32>, vector<256x2xf32> -> vector<256x128xf32>
    %slice3A_1585 = vector.extract_strided_slice %select_n3A_1468 {offsets = [0, 126], sizes = [256, 2], strides = [1, 1]} : vector<256x128xf32> to vector<256x2xf32>
    %slice3A_1586 = vector.extract_strided_slice %select_n3A_1468 {offsets = [0, 0], sizes = [256, 126], strides = [1, 1]} : vector<256x128xf32> to vector<256x126xf32>
    %concatenate3A_1587 = tpu.concatenate %slice3A_1585, %slice3A_1586 in 1 : vector<256x2xf32>, vector<256x126xf32> -> vector<256x128xf32>
    %broadcast_in_dim3A_1588 = vector.shape_cast %eq3A_1516 : vector<1x128xi1> to vector<1x128xi1>
    %broadcast_in_dim3A_1589 = vector.broadcast %broadcast_in_dim3A_1588 : vector<1x128xi1> to vector<256x128xi1>
    %select_n3A_1590 = arith.select %broadcast_in_dim3A_1589, %concatenate3A_1584, %concatenate3A_1587 : vector<256x128xi1>, vector<256x128xf32>
    %min3A_1591 = arith.minimumf %select_n3A_1468, %select_n3A_1590 : vector<256x128xf32>
    %max3A_1592 = arith.maximumf %select_n3A_1468, %select_n3A_1590 : vector<256x128xf32>
    %broadcast_in_dim3A_1593 = vector.shape_cast %eq3A_1525 : vector<1x128xi1> to vector<1x128xi1>
    %broadcast_in_dim3A_1594 = vector.broadcast %broadcast_in_dim3A_1593 : vector<1x128xi1> to vector<256x128xi1>
    %select_n3A_1595 = arith.select %broadcast_in_dim3A_1594, %min3A_1591, %max3A_1592 : vector<256x128xi1>, vector<256x128xf32>
    %slice3A_1596 = vector.extract_strided_slice %select_n3A_1482 {offsets = [0, 2], sizes = [256, 126], strides = [1, 1]} : vector<256x128xf32> to vector<256x126xf32>
    %slice3A_1597 = vector.extract_strided_slice %select_n3A_1482 {offsets = [0, 0], sizes = [256, 2], strides = [1, 1]} : vector<256x128xf32> to vector<256x2xf32>
    %concatenate3A_1598 = tpu.concatenate %slice3A_1596, %slice3A_1597 in 1 : vector<256x126xf32>, vector<256x2xf32> -> vector<256x128xf32>
    %slice3A_1599 = vector.extract_strided_slice %select_n3A_1482 {offsets = [0, 126], sizes = [256, 2], strides = [1, 1]} : vector<256x128xf32> to vector<256x2xf32>
    %slice3A_1600 = vector.extract_strided_slice %select_n3A_1482 {offsets = [0, 0], sizes = [256, 126], strides = [1, 1]} : vector<256x128xf32> to vector<256x126xf32>
    %concatenate3A_1601 = tpu.concatenate %slice3A_1599, %slice3A_1600 in 1 : vector<256x2xf32>, vector<256x126xf32> -> vector<256x128xf32>
    %broadcast_in_dim3A_1602 = vector.shape_cast %eq3A_1516 : vector<1x128xi1> to vector<1x128xi1>
    %broadcast_in_dim3A_1603 = vector.broadcast %broadcast_in_dim3A_1602 : vector<1x128xi1> to vector<256x128xi1>
    %select_n3A_1604 = arith.select %broadcast_in_dim3A_1603, %concatenate3A_1598, %concatenate3A_1601 : vector<256x128xi1>, vector<256x128xf32>
    %min3A_1605 = arith.minimumf %select_n3A_1482, %select_n3A_1604 : vector<256x128xf32>
    %max3A_1606 = arith.maximumf %select_n3A_1482, %select_n3A_1604 : vector<256x128xf32>
    %broadcast_in_dim3A_1607 = vector.shape_cast %eq3A_1525 : vector<1x128xi1> to vector<1x128xi1>
    %broadcast_in_dim3A_1608 = vector.broadcast %broadcast_in_dim3A_1607 : vector<1x128xi1> to vector<256x128xi1>
    %select_n3A_1609 = arith.select %broadcast_in_dim3A_1608, %min3A_1605, %max3A_1606 : vector<256x128xi1>, vector<256x128xf32>
    %slice3A_1610 = vector.extract_strided_slice %select_n3A_1496 {offsets = [0, 2], sizes = [256, 126], strides = [1, 1]} : vector<256x128xf32> to vector<256x126xf32>
    %slice3A_1611 = vector.extract_strided_slice %select_n3A_1496 {offsets = [0, 0], sizes = [256, 2], strides = [1, 1]} : vector<256x128xf32> to vector<256x2xf32>
    %concatenate3A_1612 = tpu.concatenate %slice3A_1610, %slice3A_1611 in 1 : vector<256x126xf32>, vector<256x2xf32> -> vector<256x128xf32>
    %slice3A_1613 = vector.extract_strided_slice %select_n3A_1496 {offsets = [0, 126], sizes = [256, 2], strides = [1, 1]} : vector<256x128xf32> to vector<256x2xf32>
    %slice3A_1614 = vector.extract_strided_slice %select_n3A_1496 {offsets = [0, 0], sizes = [256, 126], strides = [1, 1]} : vector<256x128xf32> to vector<256x126xf32>
    %concatenate3A_1615 = tpu.concatenate %slice3A_1613, %slice3A_1614 in 1 : vector<256x2xf32>, vector<256x126xf32> -> vector<256x128xf32>
    %broadcast_in_dim3A_1616 = vector.shape_cast %eq3A_1516 : vector<1x128xi1> to vector<1x128xi1>
    %broadcast_in_dim3A_1617 = vector.broadcast %broadcast_in_dim3A_1616 : vector<1x128xi1> to vector<256x128xi1>
    %select_n3A_1618 = arith.select %broadcast_in_dim3A_1617, %concatenate3A_1612, %concatenate3A_1615 : vector<256x128xi1>, vector<256x128xf32>
    %min3A_1619 = arith.minimumf %select_n3A_1496, %select_n3A_1618 : vector<256x128xf32>
    %max3A_1620 = arith.maximumf %select_n3A_1496, %select_n3A_1618 : vector<256x128xf32>
    %broadcast_in_dim3A_1621 = vector.shape_cast %eq3A_1525 : vector<1x128xi1> to vector<1x128xi1>
    %broadcast_in_dim3A_1622 = vector.broadcast %broadcast_in_dim3A_1621 : vector<1x128xi1> to vector<256x128xi1>
    %select_n3A_1623 = arith.select %broadcast_in_dim3A_1622, %min3A_1619, %max3A_1620 : vector<256x128xi1>, vector<256x128xf32>
    %slice3A_1624 = vector.extract_strided_slice %select_n3A_1510 {offsets = [0, 2], sizes = [256, 126], strides = [1, 1]} : vector<256x128xf32> to vector<256x126xf32>
    %slice3A_1625 = vector.extract_strided_slice %select_n3A_1510 {offsets = [0, 0], sizes = [256, 2], strides = [1, 1]} : vector<256x128xf32> to vector<256x2xf32>
    %concatenate3A_1626 = tpu.concatenate %slice3A_1624, %slice3A_1625 in 1 : vector<256x126xf32>, vector<256x2xf32> -> vector<256x128xf32>
    %slice3A_1627 = vector.extract_strided_slice %select_n3A_1510 {offsets = [0, 126], sizes = [256, 2], strides = [1, 1]} : vector<256x128xf32> to vector<256x2xf32>
    %slice3A_1628 = vector.extract_strided_slice %select_n3A_1510 {offsets = [0, 0], sizes = [256, 126], strides = [1, 1]} : vector<256x128xf32> to vector<256x126xf32>
    %concatenate3A_1629 = tpu.concatenate %slice3A_1627, %slice3A_1628 in 1 : vector<256x2xf32>, vector<256x126xf32> -> vector<256x128xf32>
    %broadcast_in_dim3A_1630 = vector.shape_cast %eq3A_1516 : vector<1x128xi1> to vector<1x128xi1>
    %broadcast_in_dim3A_1631 = vector.broadcast %broadcast_in_dim3A_1630 : vector<1x128xi1> to vector<256x128xi1>
    %select_n3A_1632 = arith.select %broadcast_in_dim3A_1631, %concatenate3A_1626, %concatenate3A_1629 : vector<256x128xi1>, vector<256x128xf32>
    %min3A_1633 = arith.minimumf %select_n3A_1510, %select_n3A_1632 : vector<256x128xf32>
    %max3A_1634 = arith.maximumf %select_n3A_1510, %select_n3A_1632 : vector<256x128xf32>
    %broadcast_in_dim3A_1635 = vector.shape_cast %eq3A_1525 : vector<1x128xi1> to vector<1x128xi1>
    %broadcast_in_dim3A_1636 = vector.broadcast %broadcast_in_dim3A_1635 : vector<1x128xi1> to vector<256x128xi1>
    %select_n3A_1637 = arith.select %broadcast_in_dim3A_1636, %min3A_1633, %max3A_1634 : vector<256x128xi1>, vector<256x128xf32>
    %and3A_1638 = arith.constant 1 : i32
    %and3A_1639 = vector.broadcast %and3A_1638 : i32 to vector<1x128xi32>
    %and3A_1640 = arith.andi %iota3A, %and3A_1639 : vector<1x128xi32>
    %eq3A_1641 = arith.constant 0 : i32
    %eq3A_1642 = vector.broadcast %eq3A_1641 : i32 to vector<1x128xi32>
    %eq3A_1643 = arith.cmpi eq, %and3A_1640, %eq3A_1642 : vector<1x128xi32>
    %and3A_1644 = arith.constant 16 : i32
    %and3A_1645 = vector.broadcast %and3A_1644 : i32 to vector<1x128xi32>
    %and3A_1646 = arith.andi %iota3A, %and3A_1645 : vector<1x128xi32>
    %eq3A_1647 = arith.constant 0 : i32
    %eq3A_1648 = vector.broadcast %eq3A_1647 : i32 to vector<1x128xi32>
    %eq3A_1649 = arith.cmpi eq, %and3A_1646, %eq3A_1648 : vector<1x128xi32>
    %eq3A_1650 = arith.xori %eq3A_1649, %eq3A_1643 : vector<1x128xi1>
    %eq3A_1651 = arith.constant dense<true> : vector<1x128xi1>
    %eq3A_1652 = arith.xori %eq3A_1650, %eq3A_1651 : vector<1x128xi1>
    %slice3A_1653 = vector.extract_strided_slice %select_n3A_1539 {offsets = [0, 1], sizes = [256, 127], strides = [1, 1]} : vector<256x128xf32> to vector<256x127xf32>
    %slice3A_1654 = vector.extract_strided_slice %select_n3A_1539 {offsets = [0, 0], sizes = [256, 1], strides = [1, 1]} : vector<256x128xf32> to vector<256x1xf32>
    %concatenate3A_1655 = tpu.concatenate %slice3A_1653, %slice3A_1654 in 1 : vector<256x127xf32>, vector<256x1xf32> -> vector<256x128xf32>
    %slice3A_1656 = vector.extract_strided_slice %select_n3A_1539 {offsets = [0, 127], sizes = [256, 1], strides = [1, 1]} : vector<256x128xf32> to vector<256x1xf32>
    %slice3A_1657 = vector.extract_strided_slice %select_n3A_1539 {offsets = [0, 0], sizes = [256, 127], strides = [1, 1]} : vector<256x128xf32> to vector<256x127xf32>
    %concatenate3A_1658 = tpu.concatenate %slice3A_1656, %slice3A_1657 in 1 : vector<256x1xf32>, vector<256x127xf32> -> vector<256x128xf32>
    %broadcast_in_dim3A_1659 = vector.shape_cast %eq3A_1643 : vector<1x128xi1> to vector<1x128xi1>
    %broadcast_in_dim3A_1660 = vector.broadcast %broadcast_in_dim3A_1659 : vector<1x128xi1> to vector<256x128xi1>
    %select_n3A_1661 = arith.select %broadcast_in_dim3A_1660, %concatenate3A_1655, %concatenate3A_1658 : vector<256x128xi1>, vector<256x128xf32>
    %min3A_1662 = arith.minimumf %select_n3A_1539, %select_n3A_1661 : vector<256x128xf32>
    %max3A_1663 = arith.maximumf %select_n3A_1539, %select_n3A_1661 : vector<256x128xf32>
    %broadcast_in_dim3A_1664 = vector.shape_cast %eq3A_1652 : vector<1x128xi1> to vector<1x128xi1>
    %broadcast_in_dim3A_1665 = vector.broadcast %broadcast_in_dim3A_1664 : vector<1x128xi1> to vector<256x128xi1>
    %select_n3A_1666 = arith.select %broadcast_in_dim3A_1665, %min3A_1662, %max3A_1663 : vector<256x128xi1>, vector<256x128xf32>
    %slice3A_1667 = vector.extract_strided_slice %select_n3A_1553 {offsets = [0, 1], sizes = [256, 127], strides = [1, 1]} : vector<256x128xf32> to vector<256x127xf32>
    %slice3A_1668 = vector.extract_strided_slice %select_n3A_1553 {offsets = [0, 0], sizes = [256, 1], strides = [1, 1]} : vector<256x128xf32> to vector<256x1xf32>
    %concatenate3A_1669 = tpu.concatenate %slice3A_1667, %slice3A_1668 in 1 : vector<256x127xf32>, vector<256x1xf32> -> vector<256x128xf32>
    %slice3A_1670 = vector.extract_strided_slice %select_n3A_1553 {offsets = [0, 127], sizes = [256, 1], strides = [1, 1]} : vector<256x128xf32> to vector<256x1xf32>
    %slice3A_1671 = vector.extract_strided_slice %select_n3A_1553 {offsets = [0, 0], sizes = [256, 127], strides = [1, 1]} : vector<256x128xf32> to vector<256x127xf32>
    %concatenate3A_1672 = tpu.concatenate %slice3A_1670, %slice3A_1671 in 1 : vector<256x1xf32>, vector<256x127xf32> -> vector<256x128xf32>
    %broadcast_in_dim3A_1673 = vector.shape_cast %eq3A_1643 : vector<1x128xi1> to vector<1x128xi1>
    %broadcast_in_dim3A_1674 = vector.broadcast %broadcast_in_dim3A_1673 : vector<1x128xi1> to vector<256x128xi1>
    %select_n3A_1675 = arith.select %broadcast_in_dim3A_1674, %concatenate3A_1669, %concatenate3A_1672 : vector<256x128xi1>, vector<256x128xf32>
    %min3A_1676 = arith.minimumf %select_n3A_1553, %select_n3A_1675 : vector<256x128xf32>
    %max3A_1677 = arith.maximumf %select_n3A_1553, %select_n3A_1675 : vector<256x128xf32>
    %broadcast_in_dim3A_1678 = vector.shape_cast %eq3A_1652 : vector<1x128xi1> to vector<1x128xi1>
    %broadcast_in_dim3A_1679 = vector.broadcast %broadcast_in_dim3A_1678 : vector<1x128xi1> to vector<256x128xi1>
    %select_n3A_1680 = arith.select %broadcast_in_dim3A_1679, %min3A_1676, %max3A_1677 : vector<256x128xi1>, vector<256x128xf32>
    %slice3A_1681 = vector.extract_strided_slice %select_n3A_1567 {offsets = [0, 1], sizes = [256, 127], strides = [1, 1]} : vector<256x128xf32> to vector<256x127xf32>
    %slice3A_1682 = vector.extract_strided_slice %select_n3A_1567 {offsets = [0, 0], sizes = [256, 1], strides = [1, 1]} : vector<256x128xf32> to vector<256x1xf32>
    %concatenate3A_1683 = tpu.concatenate %slice3A_1681, %slice3A_1682 in 1 : vector<256x127xf32>, vector<256x1xf32> -> vector<256x128xf32>
    %slice3A_1684 = vector.extract_strided_slice %select_n3A_1567 {offsets = [0, 127], sizes = [256, 1], strides = [1, 1]} : vector<256x128xf32> to vector<256x1xf32>
    %slice3A_1685 = vector.extract_strided_slice %select_n3A_1567 {offsets = [0, 0], sizes = [256, 127], strides = [1, 1]} : vector<256x128xf32> to vector<256x127xf32>
    %concatenate3A_1686 = tpu.concatenate %slice3A_1684, %slice3A_1685 in 1 : vector<256x1xf32>, vector<256x127xf32> -> vector<256x128xf32>
    %broadcast_in_dim3A_1687 = vector.shape_cast %eq3A_1643 : vector<1x128xi1> to vector<1x128xi1>
    %broadcast_in_dim3A_1688 = vector.broadcast %broadcast_in_dim3A_1687 : vector<1x128xi1> to vector<256x128xi1>
    %select_n3A_1689 = arith.select %broadcast_in_dim3A_1688, %concatenate3A_1683, %concatenate3A_1686 : vector<256x128xi1>, vector<256x128xf32>
    %min3A_1690 = arith.minimumf %select_n3A_1567, %select_n3A_1689 : vector<256x128xf32>
    %max3A_1691 = arith.maximumf %select_n3A_1567, %select_n3A_1689 : vector<256x128xf32>
    %broadcast_in_dim3A_1692 = vector.shape_cast %eq3A_1652 : vector<1x128xi1> to vector<1x128xi1>
    %broadcast_in_dim3A_1693 = vector.broadcast %broadcast_in_dim3A_1692 : vector<1x128xi1> to vector<256x128xi1>
    %select_n3A_1694 = arith.select %broadcast_in_dim3A_1693, %min3A_1690, %max3A_1691 : vector<256x128xi1>, vector<256x128xf32>
    %slice3A_1695 = vector.extract_strided_slice %select_n3A_1581 {offsets = [0, 1], sizes = [256, 127], strides = [1, 1]} : vector<256x128xf32> to vector<256x127xf32>
    %slice3A_1696 = vector.extract_strided_slice %select_n3A_1581 {offsets = [0, 0], sizes = [256, 1], strides = [1, 1]} : vector<256x128xf32> to vector<256x1xf32>
    %concatenate3A_1697 = tpu.concatenate %slice3A_1695, %slice3A_1696 in 1 : vector<256x127xf32>, vector<256x1xf32> -> vector<256x128xf32>
    %slice3A_1698 = vector.extract_strided_slice %select_n3A_1581 {offsets = [0, 127], sizes = [256, 1], strides = [1, 1]} : vector<256x128xf32> to vector<256x1xf32>
    %slice3A_1699 = vector.extract_strided_slice %select_n3A_1581 {offsets = [0, 0], sizes = [256, 127], strides = [1, 1]} : vector<256x128xf32> to vector<256x127xf32>
    %concatenate3A_1700 = tpu.concatenate %slice3A_1698, %slice3A_1699 in 1 : vector<256x1xf32>, vector<256x127xf32> -> vector<256x128xf32>
    %broadcast_in_dim3A_1701 = vector.shape_cast %eq3A_1643 : vector<1x128xi1> to vector<1x128xi1>
    %broadcast_in_dim3A_1702 = vector.broadcast %broadcast_in_dim3A_1701 : vector<1x128xi1> to vector<256x128xi1>
    %select_n3A_1703 = arith.select %broadcast_in_dim3A_1702, %concatenate3A_1697, %concatenate3A_1700 : vector<256x128xi1>, vector<256x128xf32>
    %min3A_1704 = arith.minimumf %select_n3A_1581, %select_n3A_1703 : vector<256x128xf32>
    %max3A_1705 = arith.maximumf %select_n3A_1581, %select_n3A_1703 : vector<256x128xf32>
    %broadcast_in_dim3A_1706 = vector.shape_cast %eq3A_1652 : vector<1x128xi1> to vector<1x128xi1>
    %broadcast_in_dim3A_1707 = vector.broadcast %broadcast_in_dim3A_1706 : vector<1x128xi1> to vector<256x128xi1>
    %select_n3A_1708 = arith.select %broadcast_in_dim3A_1707, %min3A_1704, %max3A_1705 : vector<256x128xi1>, vector<256x128xf32>
    %slice3A_1709 = vector.extract_strided_slice %select_n3A_1595 {offsets = [0, 1], sizes = [256, 127], strides = [1, 1]} : vector<256x128xf32> to vector<256x127xf32>
    %slice3A_1710 = vector.extract_strided_slice %select_n3A_1595 {offsets = [0, 0], sizes = [256, 1], strides = [1, 1]} : vector<256x128xf32> to vector<256x1xf32>
    %concatenate3A_1711 = tpu.concatenate %slice3A_1709, %slice3A_1710 in 1 : vector<256x127xf32>, vector<256x1xf32> -> vector<256x128xf32>
    %slice3A_1712 = vector.extract_strided_slice %select_n3A_1595 {offsets = [0, 127], sizes = [256, 1], strides = [1, 1]} : vector<256x128xf32> to vector<256x1xf32>
    %slice3A_1713 = vector.extract_strided_slice %select_n3A_1595 {offsets = [0, 0], sizes = [256, 127], strides = [1, 1]} : vector<256x128xf32> to vector<256x127xf32>
    %concatenate3A_1714 = tpu.concatenate %slice3A_1712, %slice3A_1713 in 1 : vector<256x1xf32>, vector<256x127xf32> -> vector<256x128xf32>
    %broadcast_in_dim3A_1715 = vector.shape_cast %eq3A_1643 : vector<1x128xi1> to vector<1x128xi1>
    %broadcast_in_dim3A_1716 = vector.broadcast %broadcast_in_dim3A_1715 : vector<1x128xi1> to vector<256x128xi1>
    %select_n3A_1717 = arith.select %broadcast_in_dim3A_1716, %concatenate3A_1711, %concatenate3A_1714 : vector<256x128xi1>, vector<256x128xf32>
    %min3A_1718 = arith.minimumf %select_n3A_1595, %select_n3A_1717 : vector<256x128xf32>
    %max3A_1719 = arith.maximumf %select_n3A_1595, %select_n3A_1717 : vector<256x128xf32>
    %broadcast_in_dim3A_1720 = vector.shape_cast %eq3A_1652 : vector<1x128xi1> to vector<1x128xi1>
    %broadcast_in_dim3A_1721 = vector.broadcast %broadcast_in_dim3A_1720 : vector<1x128xi1> to vector<256x128xi1>
    %select_n3A_1722 = arith.select %broadcast_in_dim3A_1721, %min3A_1718, %max3A_1719 : vector<256x128xi1>, vector<256x128xf32>
    %slice3A_1723 = vector.extract_strided_slice %select_n3A_1609 {offsets = [0, 1], sizes = [256, 127], strides = [1, 1]} : vector<256x128xf32> to vector<256x127xf32>
    %slice3A_1724 = vector.extract_strided_slice %select_n3A_1609 {offsets = [0, 0], sizes = [256, 1], strides = [1, 1]} : vector<256x128xf32> to vector<256x1xf32>
    %concatenate3A_1725 = tpu.concatenate %slice3A_1723, %slice3A_1724 in 1 : vector<256x127xf32>, vector<256x1xf32> -> vector<256x128xf32>
    %slice3A_1726 = vector.extract_strided_slice %select_n3A_1609 {offsets = [0, 127], sizes = [256, 1], strides = [1, 1]} : vector<256x128xf32> to vector<256x1xf32>
    %slice3A_1727 = vector.extract_strided_slice %select_n3A_1609 {offsets = [0, 0], sizes = [256, 127], strides = [1, 1]} : vector<256x128xf32> to vector<256x127xf32>
    %concatenate3A_1728 = tpu.concatenate %slice3A_1726, %slice3A_1727 in 1 : vector<256x1xf32>, vector<256x127xf32> -> vector<256x128xf32>
    %broadcast_in_dim3A_1729 = vector.shape_cast %eq3A_1643 : vector<1x128xi1> to vector<1x128xi1>
    %broadcast_in_dim3A_1730 = vector.broadcast %broadcast_in_dim3A_1729 : vector<1x128xi1> to vector<256x128xi1>
    %select_n3A_1731 = arith.select %broadcast_in_dim3A_1730, %concatenate3A_1725, %concatenate3A_1728 : vector<256x128xi1>, vector<256x128xf32>
    %min3A_1732 = arith.minimumf %select_n3A_1609, %select_n3A_1731 : vector<256x128xf32>
    %max3A_1733 = arith.maximumf %select_n3A_1609, %select_n3A_1731 : vector<256x128xf32>
    %broadcast_in_dim3A_1734 = vector.shape_cast %eq3A_1652 : vector<1x128xi1> to vector<1x128xi1>
    %broadcast_in_dim3A_1735 = vector.broadcast %broadcast_in_dim3A_1734 : vector<1x128xi1> to vector<256x128xi1>
    %select_n3A_1736 = arith.select %broadcast_in_dim3A_1735, %min3A_1732, %max3A_1733 : vector<256x128xi1>, vector<256x128xf32>
    %slice3A_1737 = vector.extract_strided_slice %select_n3A_1623 {offsets = [0, 1], sizes = [256, 127], strides = [1, 1]} : vector<256x128xf32> to vector<256x127xf32>
    %slice3A_1738 = vector.extract_strided_slice %select_n3A_1623 {offsets = [0, 0], sizes = [256, 1], strides = [1, 1]} : vector<256x128xf32> to vector<256x1xf32>
    %concatenate3A_1739 = tpu.concatenate %slice3A_1737, %slice3A_1738 in 1 : vector<256x127xf32>, vector<256x1xf32> -> vector<256x128xf32>
    %slice3A_1740 = vector.extract_strided_slice %select_n3A_1623 {offsets = [0, 127], sizes = [256, 1], strides = [1, 1]} : vector<256x128xf32> to vector<256x1xf32>
    %slice3A_1741 = vector.extract_strided_slice %select_n3A_1623 {offsets = [0, 0], sizes = [256, 127], strides = [1, 1]} : vector<256x128xf32> to vector<256x127xf32>
    %concatenate3A_1742 = tpu.concatenate %slice3A_1740, %slice3A_1741 in 1 : vector<256x1xf32>, vector<256x127xf32> -> vector<256x128xf32>
    %broadcast_in_dim3A_1743 = vector.shape_cast %eq3A_1643 : vector<1x128xi1> to vector<1x128xi1>
    %broadcast_in_dim3A_1744 = vector.broadcast %broadcast_in_dim3A_1743 : vector<1x128xi1> to vector<256x128xi1>
    %select_n3A_1745 = arith.select %broadcast_in_dim3A_1744, %concatenate3A_1739, %concatenate3A_1742 : vector<256x128xi1>, vector<256x128xf32>
    %min3A_1746 = arith.minimumf %select_n3A_1623, %select_n3A_1745 : vector<256x128xf32>
    %max3A_1747 = arith.maximumf %select_n3A_1623, %select_n3A_1745 : vector<256x128xf32>
    %broadcast_in_dim3A_1748 = vector.shape_cast %eq3A_1652 : vector<1x128xi1> to vector<1x128xi1>
    %broadcast_in_dim3A_1749 = vector.broadcast %broadcast_in_dim3A_1748 : vector<1x128xi1> to vector<256x128xi1>
    %select_n3A_1750 = arith.select %broadcast_in_dim3A_1749, %min3A_1746, %max3A_1747 : vector<256x128xi1>, vector<256x128xf32>
    %slice3A_1751 = vector.extract_strided_slice %select_n3A_1637 {offsets = [0, 1], sizes = [256, 127], strides = [1, 1]} : vector<256x128xf32> to vector<256x127xf32>
    %slice3A_1752 = vector.extract_strided_slice %select_n3A_1637 {offsets = [0, 0], sizes = [256, 1], strides = [1, 1]} : vector<256x128xf32> to vector<256x1xf32>
    %concatenate3A_1753 = tpu.concatenate %slice3A_1751, %slice3A_1752 in 1 : vector<256x127xf32>, vector<256x1xf32> -> vector<256x128xf32>
    %slice3A_1754 = vector.extract_strided_slice %select_n3A_1637 {offsets = [0, 127], sizes = [256, 1], strides = [1, 1]} : vector<256x128xf32> to vector<256x1xf32>
    %slice3A_1755 = vector.extract_strided_slice %select_n3A_1637 {offsets = [0, 0], sizes = [256, 127], strides = [1, 1]} : vector<256x128xf32> to vector<256x127xf32>
    %concatenate3A_1756 = tpu.concatenate %slice3A_1754, %slice3A_1755 in 1 : vector<256x1xf32>, vector<256x127xf32> -> vector<256x128xf32>
    %broadcast_in_dim3A_1757 = vector.shape_cast %eq3A_1643 : vector<1x128xi1> to vector<1x128xi1>
    %broadcast_in_dim3A_1758 = vector.broadcast %broadcast_in_dim3A_1757 : vector<1x128xi1> to vector<256x128xi1>
    %select_n3A_1759 = arith.select %broadcast_in_dim3A_1758, %concatenate3A_1753, %concatenate3A_1756 : vector<256x128xi1>, vector<256x128xf32>
    %min3A_1760 = arith.minimumf %select_n3A_1637, %select_n3A_1759 : vector<256x128xf32>
    %max3A_1761 = arith.maximumf %select_n3A_1637, %select_n3A_1759 : vector<256x128xf32>
    %broadcast_in_dim3A_1762 = vector.shape_cast %eq3A_1652 : vector<1x128xi1> to vector<1x128xi1>
    %broadcast_in_dim3A_1763 = vector.broadcast %broadcast_in_dim3A_1762 : vector<1x128xi1> to vector<256x128xi1>
    %select_n3A_1764 = arith.select %broadcast_in_dim3A_1763, %min3A_1760, %max3A_1761 : vector<256x128xi1>, vector<256x128xf32>
    %and3A_1765 = arith.constant 16 : i32
    %and3A_1766 = vector.broadcast %and3A_1765 : i32 to vector<1x128xi32>
    %and3A_1767 = arith.andi %iota3A, %and3A_1766 : vector<1x128xi32>
    %eq3A_1768 = arith.constant 0 : i32
    %eq3A_1769 = vector.broadcast %eq3A_1768 : i32 to vector<1x128xi32>
    %eq3A_1770 = arith.cmpi eq, %and3A_1767, %eq3A_1769 : vector<1x128xi32>
    %min3A_1771 = arith.minimumf %select_n3A_1666, %select_n3A_1722 : vector<256x128xf32>
    %max3A_1772 = arith.maximumf %select_n3A_1666, %select_n3A_1722 : vector<256x128xf32>
    %broadcast_in_dim3A_1773 = vector.shape_cast %eq3A_1770 : vector<1x128xi1> to vector<1x128xi1>
    %broadcast_in_dim3A_1774 = vector.broadcast %broadcast_in_dim3A_1773 : vector<1x128xi1> to vector<256x128xi1>
    %select_n3A_1775 = arith.select %broadcast_in_dim3A_1774, %min3A_1771, %max3A_1772 : vector<256x128xi1>, vector<256x128xf32>
    %broadcast_in_dim3A_1776 = vector.shape_cast %eq3A_1770 : vector<1x128xi1> to vector<1x128xi1>
    %broadcast_in_dim3A_1777 = vector.broadcast %broadcast_in_dim3A_1776 : vector<1x128xi1> to vector<256x128xi1>
    %select_n3A_1778 = arith.select %broadcast_in_dim3A_1777, %max3A_1772, %min3A_1771 : vector<256x128xi1>, vector<256x128xf32>
    %min3A_1779 = arith.minimumf %select_n3A_1680, %select_n3A_1736 : vector<256x128xf32>
    %max3A_1780 = arith.maximumf %select_n3A_1680, %select_n3A_1736 : vector<256x128xf32>
    %broadcast_in_dim3A_1781 = vector.shape_cast %eq3A_1770 : vector<1x128xi1> to vector<1x128xi1>
    %broadcast_in_dim3A_1782 = vector.broadcast %broadcast_in_dim3A_1781 : vector<1x128xi1> to vector<256x128xi1>
    %select_n3A_1783 = arith.select %broadcast_in_dim3A_1782, %min3A_1779, %max3A_1780 : vector<256x128xi1>, vector<256x128xf32>
    %broadcast_in_dim3A_1784 = vector.shape_cast %eq3A_1770 : vector<1x128xi1> to vector<1x128xi1>
    %broadcast_in_dim3A_1785 = vector.broadcast %broadcast_in_dim3A_1784 : vector<1x128xi1> to vector<256x128xi1>
    %select_n3A_1786 = arith.select %broadcast_in_dim3A_1785, %max3A_1780, %min3A_1779 : vector<256x128xi1>, vector<256x128xf32>
    %min3A_1787 = arith.minimumf %select_n3A_1694, %select_n3A_1750 : vector<256x128xf32>
    %max3A_1788 = arith.maximumf %select_n3A_1694, %select_n3A_1750 : vector<256x128xf32>
    %broadcast_in_dim3A_1789 = vector.shape_cast %eq3A_1770 : vector<1x128xi1> to vector<1x128xi1>
    %broadcast_in_dim3A_1790 = vector.broadcast %broadcast_in_dim3A_1789 : vector<1x128xi1> to vector<256x128xi1>
    %select_n3A_1791 = arith.select %broadcast_in_dim3A_1790, %min3A_1787, %max3A_1788 : vector<256x128xi1>, vector<256x128xf32>
    %broadcast_in_dim3A_1792 = vector.shape_cast %eq3A_1770 : vector<1x128xi1> to vector<1x128xi1>
    %broadcast_in_dim3A_1793 = vector.broadcast %broadcast_in_dim3A_1792 : vector<1x128xi1> to vector<256x128xi1>
    %select_n3A_1794 = arith.select %broadcast_in_dim3A_1793, %max3A_1788, %min3A_1787 : vector<256x128xi1>, vector<256x128xf32>
    %min3A_1795 = arith.minimumf %select_n3A_1708, %select_n3A_1764 : vector<256x128xf32>
    %max3A_1796 = arith.maximumf %select_n3A_1708, %select_n3A_1764 : vector<256x128xf32>
    %broadcast_in_dim3A_1797 = vector.shape_cast %eq3A_1770 : vector<1x128xi1> to vector<1x128xi1>
    %broadcast_in_dim3A_1798 = vector.broadcast %broadcast_in_dim3A_1797 : vector<1x128xi1> to vector<256x128xi1>
    %select_n3A_1799 = arith.select %broadcast_in_dim3A_1798, %min3A_1795, %max3A_1796 : vector<256x128xi1>, vector<256x128xf32>
    %broadcast_in_dim3A_1800 = vector.shape_cast %eq3A_1770 : vector<1x128xi1> to vector<1x128xi1>
    %broadcast_in_dim3A_1801 = vector.broadcast %broadcast_in_dim3A_1800 : vector<1x128xi1> to vector<256x128xi1>
    %select_n3A_1802 = arith.select %broadcast_in_dim3A_1801, %max3A_1796, %min3A_1795 : vector<256x128xi1>, vector<256x128xf32>
    %and3A_1803 = arith.constant 16 : i32
    %and3A_1804 = vector.broadcast %and3A_1803 : i32 to vector<1x128xi32>
    %and3A_1805 = arith.andi %iota3A, %and3A_1804 : vector<1x128xi32>
    %eq3A_1806 = arith.constant 0 : i32
    %eq3A_1807 = vector.broadcast %eq3A_1806 : i32 to vector<1x128xi32>
    %eq3A_1808 = arith.cmpi eq, %and3A_1805, %eq3A_1807 : vector<1x128xi32>
    %min3A_1809 = arith.minimumf %select_n3A_1775, %select_n3A_1791 : vector<256x128xf32>
    %max3A_1810 = arith.maximumf %select_n3A_1775, %select_n3A_1791 : vector<256x128xf32>
    %broadcast_in_dim3A_1811 = vector.shape_cast %eq3A_1808 : vector<1x128xi1> to vector<1x128xi1>
    %broadcast_in_dim3A_1812 = vector.broadcast %broadcast_in_dim3A_1811 : vector<1x128xi1> to vector<256x128xi1>
    %select_n3A_1813 = arith.select %broadcast_in_dim3A_1812, %min3A_1809, %max3A_1810 : vector<256x128xi1>, vector<256x128xf32>
    %broadcast_in_dim3A_1814 = vector.shape_cast %eq3A_1808 : vector<1x128xi1> to vector<1x128xi1>
    %broadcast_in_dim3A_1815 = vector.broadcast %broadcast_in_dim3A_1814 : vector<1x128xi1> to vector<256x128xi1>
    %select_n3A_1816 = arith.select %broadcast_in_dim3A_1815, %max3A_1810, %min3A_1809 : vector<256x128xi1>, vector<256x128xf32>
    %min3A_1817 = arith.minimumf %select_n3A_1783, %select_n3A_1799 : vector<256x128xf32>
    %max3A_1818 = arith.maximumf %select_n3A_1783, %select_n3A_1799 : vector<256x128xf32>
    %broadcast_in_dim3A_1819 = vector.shape_cast %eq3A_1808 : vector<1x128xi1> to vector<1x128xi1>
    %broadcast_in_dim3A_1820 = vector.broadcast %broadcast_in_dim3A_1819 : vector<1x128xi1> to vector<256x128xi1>
    %select_n3A_1821 = arith.select %broadcast_in_dim3A_1820, %min3A_1817, %max3A_1818 : vector<256x128xi1>, vector<256x128xf32>
    %broadcast_in_dim3A_1822 = vector.shape_cast %eq3A_1808 : vector<1x128xi1> to vector<1x128xi1>
    %broadcast_in_dim3A_1823 = vector.broadcast %broadcast_in_dim3A_1822 : vector<1x128xi1> to vector<256x128xi1>
    %select_n3A_1824 = arith.select %broadcast_in_dim3A_1823, %max3A_1818, %min3A_1817 : vector<256x128xi1>, vector<256x128xf32>
    %min3A_1825 = arith.minimumf %select_n3A_1778, %select_n3A_1794 : vector<256x128xf32>
    %max3A_1826 = arith.maximumf %select_n3A_1778, %select_n3A_1794 : vector<256x128xf32>
    %broadcast_in_dim3A_1827 = vector.shape_cast %eq3A_1808 : vector<1x128xi1> to vector<1x128xi1>
    %broadcast_in_dim3A_1828 = vector.broadcast %broadcast_in_dim3A_1827 : vector<1x128xi1> to vector<256x128xi1>
    %select_n3A_1829 = arith.select %broadcast_in_dim3A_1828, %min3A_1825, %max3A_1826 : vector<256x128xi1>, vector<256x128xf32>
    %broadcast_in_dim3A_1830 = vector.shape_cast %eq3A_1808 : vector<1x128xi1> to vector<1x128xi1>
    %broadcast_in_dim3A_1831 = vector.broadcast %broadcast_in_dim3A_1830 : vector<1x128xi1> to vector<256x128xi1>
    %select_n3A_1832 = arith.select %broadcast_in_dim3A_1831, %max3A_1826, %min3A_1825 : vector<256x128xi1>, vector<256x128xf32>
    %min3A_1833 = arith.minimumf %select_n3A_1786, %select_n3A_1802 : vector<256x128xf32>
    %max3A_1834 = arith.maximumf %select_n3A_1786, %select_n3A_1802 : vector<256x128xf32>
    %broadcast_in_dim3A_1835 = vector.shape_cast %eq3A_1808 : vector<1x128xi1> to vector<1x128xi1>
    %broadcast_in_dim3A_1836 = vector.broadcast %broadcast_in_dim3A_1835 : vector<1x128xi1> to vector<256x128xi1>
    %select_n3A_1837 = arith.select %broadcast_in_dim3A_1836, %min3A_1833, %max3A_1834 : vector<256x128xi1>, vector<256x128xf32>
    %broadcast_in_dim3A_1838 = vector.shape_cast %eq3A_1808 : vector<1x128xi1> to vector<1x128xi1>
    %broadcast_in_dim3A_1839 = vector.broadcast %broadcast_in_dim3A_1838 : vector<1x128xi1> to vector<256x128xi1>
    %select_n3A_1840 = arith.select %broadcast_in_dim3A_1839, %max3A_1834, %min3A_1833 : vector<256x128xi1>, vector<256x128xf32>
    %and3A_1841 = arith.constant 16 : i32
    %and3A_1842 = vector.broadcast %and3A_1841 : i32 to vector<1x128xi32>
    %and3A_1843 = arith.andi %iota3A, %and3A_1842 : vector<1x128xi32>
    %eq3A_1844 = arith.constant 0 : i32
    %eq3A_1845 = vector.broadcast %eq3A_1844 : i32 to vector<1x128xi32>
    %eq3A_1846 = arith.cmpi eq, %and3A_1843, %eq3A_1845 : vector<1x128xi32>
    %min3A_1847 = arith.minimumf %select_n3A_1813, %select_n3A_1821 : vector<256x128xf32>
    %max3A_1848 = arith.maximumf %select_n3A_1813, %select_n3A_1821 : vector<256x128xf32>
    %broadcast_in_dim3A_1849 = vector.shape_cast %eq3A_1846 : vector<1x128xi1> to vector<1x128xi1>
    %broadcast_in_dim3A_1850 = vector.broadcast %broadcast_in_dim3A_1849 : vector<1x128xi1> to vector<256x128xi1>
    %select_n3A_1851 = arith.select %broadcast_in_dim3A_1850, %min3A_1847, %max3A_1848 : vector<256x128xi1>, vector<256x128xf32>
    %broadcast_in_dim3A_1852 = vector.shape_cast %eq3A_1846 : vector<1x128xi1> to vector<1x128xi1>
    %broadcast_in_dim3A_1853 = vector.broadcast %broadcast_in_dim3A_1852 : vector<1x128xi1> to vector<256x128xi1>
    %select_n3A_1854 = arith.select %broadcast_in_dim3A_1853, %max3A_1848, %min3A_1847 : vector<256x128xi1>, vector<256x128xf32>
    %min3A_1855 = arith.minimumf %select_n3A_1816, %select_n3A_1824 : vector<256x128xf32>
    %max3A_1856 = arith.maximumf %select_n3A_1816, %select_n3A_1824 : vector<256x128xf32>
    %broadcast_in_dim3A_1857 = vector.shape_cast %eq3A_1846 : vector<1x128xi1> to vector<1x128xi1>
    %broadcast_in_dim3A_1858 = vector.broadcast %broadcast_in_dim3A_1857 : vector<1x128xi1> to vector<256x128xi1>
    %select_n3A_1859 = arith.select %broadcast_in_dim3A_1858, %min3A_1855, %max3A_1856 : vector<256x128xi1>, vector<256x128xf32>
    %broadcast_in_dim3A_1860 = vector.shape_cast %eq3A_1846 : vector<1x128xi1> to vector<1x128xi1>
    %broadcast_in_dim3A_1861 = vector.broadcast %broadcast_in_dim3A_1860 : vector<1x128xi1> to vector<256x128xi1>
    %select_n3A_1862 = arith.select %broadcast_in_dim3A_1861, %max3A_1856, %min3A_1855 : vector<256x128xi1>, vector<256x128xf32>
    %min3A_1863 = arith.minimumf %select_n3A_1829, %select_n3A_1837 : vector<256x128xf32>
    %max3A_1864 = arith.maximumf %select_n3A_1829, %select_n3A_1837 : vector<256x128xf32>
    %broadcast_in_dim3A_1865 = vector.shape_cast %eq3A_1846 : vector<1x128xi1> to vector<1x128xi1>
    %broadcast_in_dim3A_1866 = vector.broadcast %broadcast_in_dim3A_1865 : vector<1x128xi1> to vector<256x128xi1>
    %select_n3A_1867 = arith.select %broadcast_in_dim3A_1866, %min3A_1863, %max3A_1864 : vector<256x128xi1>, vector<256x128xf32>
    %broadcast_in_dim3A_1868 = vector.shape_cast %eq3A_1846 : vector<1x128xi1> to vector<1x128xi1>
    %broadcast_in_dim3A_1869 = vector.broadcast %broadcast_in_dim3A_1868 : vector<1x128xi1> to vector<256x128xi1>
    %select_n3A_1870 = arith.select %broadcast_in_dim3A_1869, %max3A_1864, %min3A_1863 : vector<256x128xi1>, vector<256x128xf32>
    %min3A_1871 = arith.minimumf %select_n3A_1832, %select_n3A_1840 : vector<256x128xf32>
    %max3A_1872 = arith.maximumf %select_n3A_1832, %select_n3A_1840 : vector<256x128xf32>
    %broadcast_in_dim3A_1873 = vector.shape_cast %eq3A_1846 : vector<1x128xi1> to vector<1x128xi1>
    %broadcast_in_dim3A_1874 = vector.broadcast %broadcast_in_dim3A_1873 : vector<1x128xi1> to vector<256x128xi1>
    %select_n3A_1875 = arith.select %broadcast_in_dim3A_1874, %min3A_1871, %max3A_1872 : vector<256x128xi1>, vector<256x128xf32>
    %broadcast_in_dim3A_1876 = vector.shape_cast %eq3A_1846 : vector<1x128xi1> to vector<1x128xi1>
    %broadcast_in_dim3A_1877 = vector.broadcast %broadcast_in_dim3A_1876 : vector<1x128xi1> to vector<256x128xi1>
    %select_n3A_1878 = arith.select %broadcast_in_dim3A_1877, %max3A_1872, %min3A_1871 : vector<256x128xi1>, vector<256x128xf32>
    %and3A_1879 = arith.constant 16 : i32
    %and3A_1880 = vector.broadcast %and3A_1879 : i32 to vector<1x128xi32>
    %and3A_1881 = arith.andi %iota3A, %and3A_1880 : vector<1x128xi32>
    %eq3A_1882 = arith.constant 0 : i32
    %eq3A_1883 = vector.broadcast %eq3A_1882 : i32 to vector<1x128xi32>
    %eq3A_1884 = arith.cmpi eq, %and3A_1881, %eq3A_1883 : vector<1x128xi32>
    %and3A_1885 = arith.constant 32 : i32
    %and3A_1886 = vector.broadcast %and3A_1885 : i32 to vector<1x128xi32>
    %and3A_1887 = arith.andi %iota3A, %and3A_1886 : vector<1x128xi32>
    %eq3A_1888 = arith.constant 0 : i32
    %eq3A_1889 = vector.broadcast %eq3A_1888 : i32 to vector<1x128xi32>
    %eq3A_1890 = arith.cmpi eq, %and3A_1887, %eq3A_1889 : vector<1x128xi32>
    %eq3A_1891 = arith.xori %eq3A_1890, %eq3A_1884 : vector<1x128xi1>
    %eq3A_1892 = arith.constant dense<true> : vector<1x128xi1>
    %eq3A_1893 = arith.xori %eq3A_1891, %eq3A_1892 : vector<1x128xi1>
    %slice3A_1894 = vector.extract_strided_slice %select_n3A_1851 {offsets = [0, 16], sizes = [256, 112], strides = [1, 1]} : vector<256x128xf32> to vector<256x112xf32>
    %slice3A_1895 = vector.extract_strided_slice %select_n3A_1851 {offsets = [0, 0], sizes = [256, 16], strides = [1, 1]} : vector<256x128xf32> to vector<256x16xf32>
    %concatenate3A_1896 = tpu.concatenate %slice3A_1894, %slice3A_1895 in 1 : vector<256x112xf32>, vector<256x16xf32> -> vector<256x128xf32>
    %slice3A_1897 = vector.extract_strided_slice %select_n3A_1851 {offsets = [0, 112], sizes = [256, 16], strides = [1, 1]} : vector<256x128xf32> to vector<256x16xf32>
    %slice3A_1898 = vector.extract_strided_slice %select_n3A_1851 {offsets = [0, 0], sizes = [256, 112], strides = [1, 1]} : vector<256x128xf32> to vector<256x112xf32>
    %concatenate3A_1899 = tpu.concatenate %slice3A_1897, %slice3A_1898 in 1 : vector<256x16xf32>, vector<256x112xf32> -> vector<256x128xf32>
    %broadcast_in_dim3A_1900 = vector.shape_cast %eq3A_1884 : vector<1x128xi1> to vector<1x128xi1>
    %broadcast_in_dim3A_1901 = vector.broadcast %broadcast_in_dim3A_1900 : vector<1x128xi1> to vector<256x128xi1>
    %select_n3A_1902 = arith.select %broadcast_in_dim3A_1901, %concatenate3A_1896, %concatenate3A_1899 : vector<256x128xi1>, vector<256x128xf32>
    %min3A_1903 = arith.minimumf %select_n3A_1851, %select_n3A_1902 : vector<256x128xf32>
    %max3A_1904 = arith.maximumf %select_n3A_1851, %select_n3A_1902 : vector<256x128xf32>
    %broadcast_in_dim3A_1905 = vector.shape_cast %eq3A_1893 : vector<1x128xi1> to vector<1x128xi1>
    %broadcast_in_dim3A_1906 = vector.broadcast %broadcast_in_dim3A_1905 : vector<1x128xi1> to vector<256x128xi1>
    %select_n3A_1907 = arith.select %broadcast_in_dim3A_1906, %min3A_1903, %max3A_1904 : vector<256x128xi1>, vector<256x128xf32>
    %slice3A_1908 = vector.extract_strided_slice %select_n3A_1854 {offsets = [0, 16], sizes = [256, 112], strides = [1, 1]} : vector<256x128xf32> to vector<256x112xf32>
    %slice3A_1909 = vector.extract_strided_slice %select_n3A_1854 {offsets = [0, 0], sizes = [256, 16], strides = [1, 1]} : vector<256x128xf32> to vector<256x16xf32>
    %concatenate3A_1910 = tpu.concatenate %slice3A_1908, %slice3A_1909 in 1 : vector<256x112xf32>, vector<256x16xf32> -> vector<256x128xf32>
    %slice3A_1911 = vector.extract_strided_slice %select_n3A_1854 {offsets = [0, 112], sizes = [256, 16], strides = [1, 1]} : vector<256x128xf32> to vector<256x16xf32>
    %slice3A_1912 = vector.extract_strided_slice %select_n3A_1854 {offsets = [0, 0], sizes = [256, 112], strides = [1, 1]} : vector<256x128xf32> to vector<256x112xf32>
    %concatenate3A_1913 = tpu.concatenate %slice3A_1911, %slice3A_1912 in 1 : vector<256x16xf32>, vector<256x112xf32> -> vector<256x128xf32>
    %broadcast_in_dim3A_1914 = vector.shape_cast %eq3A_1884 : vector<1x128xi1> to vector<1x128xi1>
    %broadcast_in_dim3A_1915 = vector.broadcast %broadcast_in_dim3A_1914 : vector<1x128xi1> to vector<256x128xi1>
    %select_n3A_1916 = arith.select %broadcast_in_dim3A_1915, %concatenate3A_1910, %concatenate3A_1913 : vector<256x128xi1>, vector<256x128xf32>
    %min3A_1917 = arith.minimumf %select_n3A_1854, %select_n3A_1916 : vector<256x128xf32>
    %max3A_1918 = arith.maximumf %select_n3A_1854, %select_n3A_1916 : vector<256x128xf32>
    %broadcast_in_dim3A_1919 = vector.shape_cast %eq3A_1893 : vector<1x128xi1> to vector<1x128xi1>
    %broadcast_in_dim3A_1920 = vector.broadcast %broadcast_in_dim3A_1919 : vector<1x128xi1> to vector<256x128xi1>
    %select_n3A_1921 = arith.select %broadcast_in_dim3A_1920, %min3A_1917, %max3A_1918 : vector<256x128xi1>, vector<256x128xf32>
    %slice3A_1922 = vector.extract_strided_slice %select_n3A_1859 {offsets = [0, 16], sizes = [256, 112], strides = [1, 1]} : vector<256x128xf32> to vector<256x112xf32>
    %slice3A_1923 = vector.extract_strided_slice %select_n3A_1859 {offsets = [0, 0], sizes = [256, 16], strides = [1, 1]} : vector<256x128xf32> to vector<256x16xf32>
    %concatenate3A_1924 = tpu.concatenate %slice3A_1922, %slice3A_1923 in 1 : vector<256x112xf32>, vector<256x16xf32> -> vector<256x128xf32>
    %slice3A_1925 = vector.extract_strided_slice %select_n3A_1859 {offsets = [0, 112], sizes = [256, 16], strides = [1, 1]} : vector<256x128xf32> to vector<256x16xf32>
    %slice3A_1926 = vector.extract_strided_slice %select_n3A_1859 {offsets = [0, 0], sizes = [256, 112], strides = [1, 1]} : vector<256x128xf32> to vector<256x112xf32>
    %concatenate3A_1927 = tpu.concatenate %slice3A_1925, %slice3A_1926 in 1 : vector<256x16xf32>, vector<256x112xf32> -> vector<256x128xf32>
    %broadcast_in_dim3A_1928 = vector.shape_cast %eq3A_1884 : vector<1x128xi1> to vector<1x128xi1>
    %broadcast_in_dim3A_1929 = vector.broadcast %broadcast_in_dim3A_1928 : vector<1x128xi1> to vector<256x128xi1>
    %select_n3A_1930 = arith.select %broadcast_in_dim3A_1929, %concatenate3A_1924, %concatenate3A_1927 : vector<256x128xi1>, vector<256x128xf32>
    %min3A_1931 = arith.minimumf %select_n3A_1859, %select_n3A_1930 : vector<256x128xf32>
    %max3A_1932 = arith.maximumf %select_n3A_1859, %select_n3A_1930 : vector<256x128xf32>
    %broadcast_in_dim3A_1933 = vector.shape_cast %eq3A_1893 : vector<1x128xi1> to vector<1x128xi1>
    %broadcast_in_dim3A_1934 = vector.broadcast %broadcast_in_dim3A_1933 : vector<1x128xi1> to vector<256x128xi1>
    %select_n3A_1935 = arith.select %broadcast_in_dim3A_1934, %min3A_1931, %max3A_1932 : vector<256x128xi1>, vector<256x128xf32>
    %slice3A_1936 = vector.extract_strided_slice %select_n3A_1862 {offsets = [0, 16], sizes = [256, 112], strides = [1, 1]} : vector<256x128xf32> to vector<256x112xf32>
    %slice3A_1937 = vector.extract_strided_slice %select_n3A_1862 {offsets = [0, 0], sizes = [256, 16], strides = [1, 1]} : vector<256x128xf32> to vector<256x16xf32>
    %concatenate3A_1938 = tpu.concatenate %slice3A_1936, %slice3A_1937 in 1 : vector<256x112xf32>, vector<256x16xf32> -> vector<256x128xf32>
    %slice3A_1939 = vector.extract_strided_slice %select_n3A_1862 {offsets = [0, 112], sizes = [256, 16], strides = [1, 1]} : vector<256x128xf32> to vector<256x16xf32>
    %slice3A_1940 = vector.extract_strided_slice %select_n3A_1862 {offsets = [0, 0], sizes = [256, 112], strides = [1, 1]} : vector<256x128xf32> to vector<256x112xf32>
    %concatenate3A_1941 = tpu.concatenate %slice3A_1939, %slice3A_1940 in 1 : vector<256x16xf32>, vector<256x112xf32> -> vector<256x128xf32>
    %broadcast_in_dim3A_1942 = vector.shape_cast %eq3A_1884 : vector<1x128xi1> to vector<1x128xi1>
    %broadcast_in_dim3A_1943 = vector.broadcast %broadcast_in_dim3A_1942 : vector<1x128xi1> to vector<256x128xi1>
    %select_n3A_1944 = arith.select %broadcast_in_dim3A_1943, %concatenate3A_1938, %concatenate3A_1941 : vector<256x128xi1>, vector<256x128xf32>
    %min3A_1945 = arith.minimumf %select_n3A_1862, %select_n3A_1944 : vector<256x128xf32>
    %max3A_1946 = arith.maximumf %select_n3A_1862, %select_n3A_1944 : vector<256x128xf32>
    %broadcast_in_dim3A_1947 = vector.shape_cast %eq3A_1893 : vector<1x128xi1> to vector<1x128xi1>
    %broadcast_in_dim3A_1948 = vector.broadcast %broadcast_in_dim3A_1947 : vector<1x128xi1> to vector<256x128xi1>
    %select_n3A_1949 = arith.select %broadcast_in_dim3A_1948, %min3A_1945, %max3A_1946 : vector<256x128xi1>, vector<256x128xf32>
    %slice3A_1950 = vector.extract_strided_slice %select_n3A_1867 {offsets = [0, 16], sizes = [256, 112], strides = [1, 1]} : vector<256x128xf32> to vector<256x112xf32>
    %slice3A_1951 = vector.extract_strided_slice %select_n3A_1867 {offsets = [0, 0], sizes = [256, 16], strides = [1, 1]} : vector<256x128xf32> to vector<256x16xf32>
    %concatenate3A_1952 = tpu.concatenate %slice3A_1950, %slice3A_1951 in 1 : vector<256x112xf32>, vector<256x16xf32> -> vector<256x128xf32>
    %slice3A_1953 = vector.extract_strided_slice %select_n3A_1867 {offsets = [0, 112], sizes = [256, 16], strides = [1, 1]} : vector<256x128xf32> to vector<256x16xf32>
    %slice3A_1954 = vector.extract_strided_slice %select_n3A_1867 {offsets = [0, 0], sizes = [256, 112], strides = [1, 1]} : vector<256x128xf32> to vector<256x112xf32>
    %concatenate3A_1955 = tpu.concatenate %slice3A_1953, %slice3A_1954 in 1 : vector<256x16xf32>, vector<256x112xf32> -> vector<256x128xf32>
    %broadcast_in_dim3A_1956 = vector.shape_cast %eq3A_1884 : vector<1x128xi1> to vector<1x128xi1>
    %broadcast_in_dim3A_1957 = vector.broadcast %broadcast_in_dim3A_1956 : vector<1x128xi1> to vector<256x128xi1>
    %select_n3A_1958 = arith.select %broadcast_in_dim3A_1957, %concatenate3A_1952, %concatenate3A_1955 : vector<256x128xi1>, vector<256x128xf32>
    %min3A_1959 = arith.minimumf %select_n3A_1867, %select_n3A_1958 : vector<256x128xf32>
    %max3A_1960 = arith.maximumf %select_n3A_1867, %select_n3A_1958 : vector<256x128xf32>
    %broadcast_in_dim3A_1961 = vector.shape_cast %eq3A_1893 : vector<1x128xi1> to vector<1x128xi1>
    %broadcast_in_dim3A_1962 = vector.broadcast %broadcast_in_dim3A_1961 : vector<1x128xi1> to vector<256x128xi1>
    %select_n3A_1963 = arith.select %broadcast_in_dim3A_1962, %min3A_1959, %max3A_1960 : vector<256x128xi1>, vector<256x128xf32>
    %slice3A_1964 = vector.extract_strided_slice %select_n3A_1870 {offsets = [0, 16], sizes = [256, 112], strides = [1, 1]} : vector<256x128xf32> to vector<256x112xf32>
    %slice3A_1965 = vector.extract_strided_slice %select_n3A_1870 {offsets = [0, 0], sizes = [256, 16], strides = [1, 1]} : vector<256x128xf32> to vector<256x16xf32>
    %concatenate3A_1966 = tpu.concatenate %slice3A_1964, %slice3A_1965 in 1 : vector<256x112xf32>, vector<256x16xf32> -> vector<256x128xf32>
    %slice3A_1967 = vector.extract_strided_slice %select_n3A_1870 {offsets = [0, 112], sizes = [256, 16], strides = [1, 1]} : vector<256x128xf32> to vector<256x16xf32>
    %slice3A_1968 = vector.extract_strided_slice %select_n3A_1870 {offsets = [0, 0], sizes = [256, 112], strides = [1, 1]} : vector<256x128xf32> to vector<256x112xf32>
    %concatenate3A_1969 = tpu.concatenate %slice3A_1967, %slice3A_1968 in 1 : vector<256x16xf32>, vector<256x112xf32> -> vector<256x128xf32>
    %broadcast_in_dim3A_1970 = vector.shape_cast %eq3A_1884 : vector<1x128xi1> to vector<1x128xi1>
    %broadcast_in_dim3A_1971 = vector.broadcast %broadcast_in_dim3A_1970 : vector<1x128xi1> to vector<256x128xi1>
    %select_n3A_1972 = arith.select %broadcast_in_dim3A_1971, %concatenate3A_1966, %concatenate3A_1969 : vector<256x128xi1>, vector<256x128xf32>
    %min3A_1973 = arith.minimumf %select_n3A_1870, %select_n3A_1972 : vector<256x128xf32>
    %max3A_1974 = arith.maximumf %select_n3A_1870, %select_n3A_1972 : vector<256x128xf32>
    %broadcast_in_dim3A_1975 = vector.shape_cast %eq3A_1893 : vector<1x128xi1> to vector<1x128xi1>
    %broadcast_in_dim3A_1976 = vector.broadcast %broadcast_in_dim3A_1975 : vector<1x128xi1> to vector<256x128xi1>
    %select_n3A_1977 = arith.select %broadcast_in_dim3A_1976, %min3A_1973, %max3A_1974 : vector<256x128xi1>, vector<256x128xf32>
    %slice3A_1978 = vector.extract_strided_slice %select_n3A_1875 {offsets = [0, 16], sizes = [256, 112], strides = [1, 1]} : vector<256x128xf32> to vector<256x112xf32>
    %slice3A_1979 = vector.extract_strided_slice %select_n3A_1875 {offsets = [0, 0], sizes = [256, 16], strides = [1, 1]} : vector<256x128xf32> to vector<256x16xf32>
    %concatenate3A_1980 = tpu.concatenate %slice3A_1978, %slice3A_1979 in 1 : vector<256x112xf32>, vector<256x16xf32> -> vector<256x128xf32>
    %slice3A_1981 = vector.extract_strided_slice %select_n3A_1875 {offsets = [0, 112], sizes = [256, 16], strides = [1, 1]} : vector<256x128xf32> to vector<256x16xf32>
    %slice3A_1982 = vector.extract_strided_slice %select_n3A_1875 {offsets = [0, 0], sizes = [256, 112], strides = [1, 1]} : vector<256x128xf32> to vector<256x112xf32>
    %concatenate3A_1983 = tpu.concatenate %slice3A_1981, %slice3A_1982 in 1 : vector<256x16xf32>, vector<256x112xf32> -> vector<256x128xf32>
    %broadcast_in_dim3A_1984 = vector.shape_cast %eq3A_1884 : vector<1x128xi1> to vector<1x128xi1>
    %broadcast_in_dim3A_1985 = vector.broadcast %broadcast_in_dim3A_1984 : vector<1x128xi1> to vector<256x128xi1>
    %select_n3A_1986 = arith.select %broadcast_in_dim3A_1985, %concatenate3A_1980, %concatenate3A_1983 : vector<256x128xi1>, vector<256x128xf32>
    %min3A_1987 = arith.minimumf %select_n3A_1875, %select_n3A_1986 : vector<256x128xf32>
    %max3A_1988 = arith.maximumf %select_n3A_1875, %select_n3A_1986 : vector<256x128xf32>
    %broadcast_in_dim3A_1989 = vector.shape_cast %eq3A_1893 : vector<1x128xi1> to vector<1x128xi1>
    %broadcast_in_dim3A_1990 = vector.broadcast %broadcast_in_dim3A_1989 : vector<1x128xi1> to vector<256x128xi1>
    %select_n3A_1991 = arith.select %broadcast_in_dim3A_1990, %min3A_1987, %max3A_1988 : vector<256x128xi1>, vector<256x128xf32>
    %slice3A_1992 = vector.extract_strided_slice %select_n3A_1878 {offsets = [0, 16], sizes = [256, 112], strides = [1, 1]} : vector<256x128xf32> to vector<256x112xf32>
    %slice3A_1993 = vector.extract_strided_slice %select_n3A_1878 {offsets = [0, 0], sizes = [256, 16], strides = [1, 1]} : vector<256x128xf32> to vector<256x16xf32>
    %concatenate3A_1994 = tpu.concatenate %slice3A_1992, %slice3A_1993 in 1 : vector<256x112xf32>, vector<256x16xf32> -> vector<256x128xf32>
    %slice3A_1995 = vector.extract_strided_slice %select_n3A_1878 {offsets = [0, 112], sizes = [256, 16], strides = [1, 1]} : vector<256x128xf32> to vector<256x16xf32>
    %slice3A_1996 = vector.extract_strided_slice %select_n3A_1878 {offsets = [0, 0], sizes = [256, 112], strides = [1, 1]} : vector<256x128xf32> to vector<256x112xf32>
    %concatenate3A_1997 = tpu.concatenate %slice3A_1995, %slice3A_1996 in 1 : vector<256x16xf32>, vector<256x112xf32> -> vector<256x128xf32>
    %broadcast_in_dim3A_1998 = vector.shape_cast %eq3A_1884 : vector<1x128xi1> to vector<1x128xi1>
    %broadcast_in_dim3A_1999 = vector.broadcast %broadcast_in_dim3A_1998 : vector<1x128xi1> to vector<256x128xi1>
    %select_n3A_2000 = arith.select %broadcast_in_dim3A_1999, %concatenate3A_1994, %concatenate3A_1997 : vector<256x128xi1>, vector<256x128xf32>
    %min3A_2001 = arith.minimumf %select_n3A_1878, %select_n3A_2000 : vector<256x128xf32>
    %max3A_2002 = arith.maximumf %select_n3A_1878, %select_n3A_2000 : vector<256x128xf32>
    %broadcast_in_dim3A_2003 = vector.shape_cast %eq3A_1893 : vector<1x128xi1> to vector<1x128xi1>
    %broadcast_in_dim3A_2004 = vector.broadcast %broadcast_in_dim3A_2003 : vector<1x128xi1> to vector<256x128xi1>
    %select_n3A_2005 = arith.select %broadcast_in_dim3A_2004, %min3A_2001, %max3A_2002 : vector<256x128xi1>, vector<256x128xf32>
    %and3A_2006 = arith.constant 8 : i32
    %and3A_2007 = vector.broadcast %and3A_2006 : i32 to vector<1x128xi32>
    %and3A_2008 = arith.andi %iota3A, %and3A_2007 : vector<1x128xi32>
    %eq3A_2009 = arith.constant 0 : i32
    %eq3A_2010 = vector.broadcast %eq3A_2009 : i32 to vector<1x128xi32>
    %eq3A_2011 = arith.cmpi eq, %and3A_2008, %eq3A_2010 : vector<1x128xi32>
    %and3A_2012 = arith.constant 32 : i32
    %and3A_2013 = vector.broadcast %and3A_2012 : i32 to vector<1x128xi32>
    %and3A_2014 = arith.andi %iota3A, %and3A_2013 : vector<1x128xi32>
    %eq3A_2015 = arith.constant 0 : i32
    %eq3A_2016 = vector.broadcast %eq3A_2015 : i32 to vector<1x128xi32>
    %eq3A_2017 = arith.cmpi eq, %and3A_2014, %eq3A_2016 : vector<1x128xi32>
    %eq3A_2018 = arith.xori %eq3A_2017, %eq3A_2011 : vector<1x128xi1>
    %eq3A_2019 = arith.constant dense<true> : vector<1x128xi1>
    %eq3A_2020 = arith.xori %eq3A_2018, %eq3A_2019 : vector<1x128xi1>
    %slice3A_2021 = vector.extract_strided_slice %select_n3A_1907 {offsets = [0, 8], sizes = [256, 120], strides = [1, 1]} : vector<256x128xf32> to vector<256x120xf32>
    %slice3A_2022 = vector.extract_strided_slice %select_n3A_1907 {offsets = [0, 0], sizes = [256, 8], strides = [1, 1]} : vector<256x128xf32> to vector<256x8xf32>
    %concatenate3A_2023 = tpu.concatenate %slice3A_2021, %slice3A_2022 in 1 : vector<256x120xf32>, vector<256x8xf32> -> vector<256x128xf32>
    %slice3A_2024 = vector.extract_strided_slice %select_n3A_1907 {offsets = [0, 120], sizes = [256, 8], strides = [1, 1]} : vector<256x128xf32> to vector<256x8xf32>
    %slice3A_2025 = vector.extract_strided_slice %select_n3A_1907 {offsets = [0, 0], sizes = [256, 120], strides = [1, 1]} : vector<256x128xf32> to vector<256x120xf32>
    %concatenate3A_2026 = tpu.concatenate %slice3A_2024, %slice3A_2025 in 1 : vector<256x8xf32>, vector<256x120xf32> -> vector<256x128xf32>
    %broadcast_in_dim3A_2027 = vector.shape_cast %eq3A_2011 : vector<1x128xi1> to vector<1x128xi1>
    %broadcast_in_dim3A_2028 = vector.broadcast %broadcast_in_dim3A_2027 : vector<1x128xi1> to vector<256x128xi1>
    %select_n3A_2029 = arith.select %broadcast_in_dim3A_2028, %concatenate3A_2023, %concatenate3A_2026 : vector<256x128xi1>, vector<256x128xf32>
    %min3A_2030 = arith.minimumf %select_n3A_1907, %select_n3A_2029 : vector<256x128xf32>
    %max3A_2031 = arith.maximumf %select_n3A_1907, %select_n3A_2029 : vector<256x128xf32>
    %broadcast_in_dim3A_2032 = vector.shape_cast %eq3A_2020 : vector<1x128xi1> to vector<1x128xi1>
    %broadcast_in_dim3A_2033 = vector.broadcast %broadcast_in_dim3A_2032 : vector<1x128xi1> to vector<256x128xi1>
    %select_n3A_2034 = arith.select %broadcast_in_dim3A_2033, %min3A_2030, %max3A_2031 : vector<256x128xi1>, vector<256x128xf32>
    %slice3A_2035 = vector.extract_strided_slice %select_n3A_1921 {offsets = [0, 8], sizes = [256, 120], strides = [1, 1]} : vector<256x128xf32> to vector<256x120xf32>
    %slice3A_2036 = vector.extract_strided_slice %select_n3A_1921 {offsets = [0, 0], sizes = [256, 8], strides = [1, 1]} : vector<256x128xf32> to vector<256x8xf32>
    %concatenate3A_2037 = tpu.concatenate %slice3A_2035, %slice3A_2036 in 1 : vector<256x120xf32>, vector<256x8xf32> -> vector<256x128xf32>
    %slice3A_2038 = vector.extract_strided_slice %select_n3A_1921 {offsets = [0, 120], sizes = [256, 8], strides = [1, 1]} : vector<256x128xf32> to vector<256x8xf32>
    %slice3A_2039 = vector.extract_strided_slice %select_n3A_1921 {offsets = [0, 0], sizes = [256, 120], strides = [1, 1]} : vector<256x128xf32> to vector<256x120xf32>
    %concatenate3A_2040 = tpu.concatenate %slice3A_2038, %slice3A_2039 in 1 : vector<256x8xf32>, vector<256x120xf32> -> vector<256x128xf32>
    %broadcast_in_dim3A_2041 = vector.shape_cast %eq3A_2011 : vector<1x128xi1> to vector<1x128xi1>
    %broadcast_in_dim3A_2042 = vector.broadcast %broadcast_in_dim3A_2041 : vector<1x128xi1> to vector<256x128xi1>
    %select_n3A_2043 = arith.select %broadcast_in_dim3A_2042, %concatenate3A_2037, %concatenate3A_2040 : vector<256x128xi1>, vector<256x128xf32>
    %min3A_2044 = arith.minimumf %select_n3A_1921, %select_n3A_2043 : vector<256x128xf32>
    %max3A_2045 = arith.maximumf %select_n3A_1921, %select_n3A_2043 : vector<256x128xf32>
    %broadcast_in_dim3A_2046 = vector.shape_cast %eq3A_2020 : vector<1x128xi1> to vector<1x128xi1>
    %broadcast_in_dim3A_2047 = vector.broadcast %broadcast_in_dim3A_2046 : vector<1x128xi1> to vector<256x128xi1>
    %select_n3A_2048 = arith.select %broadcast_in_dim3A_2047, %min3A_2044, %max3A_2045 : vector<256x128xi1>, vector<256x128xf32>
    %slice3A_2049 = vector.extract_strided_slice %select_n3A_1935 {offsets = [0, 8], sizes = [256, 120], strides = [1, 1]} : vector<256x128xf32> to vector<256x120xf32>
    %slice3A_2050 = vector.extract_strided_slice %select_n3A_1935 {offsets = [0, 0], sizes = [256, 8], strides = [1, 1]} : vector<256x128xf32> to vector<256x8xf32>
    %concatenate3A_2051 = tpu.concatenate %slice3A_2049, %slice3A_2050 in 1 : vector<256x120xf32>, vector<256x8xf32> -> vector<256x128xf32>
    %slice3A_2052 = vector.extract_strided_slice %select_n3A_1935 {offsets = [0, 120], sizes = [256, 8], strides = [1, 1]} : vector<256x128xf32> to vector<256x8xf32>
    %slice3A_2053 = vector.extract_strided_slice %select_n3A_1935 {offsets = [0, 0], sizes = [256, 120], strides = [1, 1]} : vector<256x128xf32> to vector<256x120xf32>
    %concatenate3A_2054 = tpu.concatenate %slice3A_2052, %slice3A_2053 in 1 : vector<256x8xf32>, vector<256x120xf32> -> vector<256x128xf32>
    %broadcast_in_dim3A_2055 = vector.shape_cast %eq3A_2011 : vector<1x128xi1> to vector<1x128xi1>
    %broadcast_in_dim3A_2056 = vector.broadcast %broadcast_in_dim3A_2055 : vector<1x128xi1> to vector<256x128xi1>
    %select_n3A_2057 = arith.select %broadcast_in_dim3A_2056, %concatenate3A_2051, %concatenate3A_2054 : vector<256x128xi1>, vector<256x128xf32>
    %min3A_2058 = arith.minimumf %select_n3A_1935, %select_n3A_2057 : vector<256x128xf32>
    %max3A_2059 = arith.maximumf %select_n3A_1935, %select_n3A_2057 : vector<256x128xf32>
    %broadcast_in_dim3A_2060 = vector.shape_cast %eq3A_2020 : vector<1x128xi1> to vector<1x128xi1>
    %broadcast_in_dim3A_2061 = vector.broadcast %broadcast_in_dim3A_2060 : vector<1x128xi1> to vector<256x128xi1>
    %select_n3A_2062 = arith.select %broadcast_in_dim3A_2061, %min3A_2058, %max3A_2059 : vector<256x128xi1>, vector<256x128xf32>
    %slice3A_2063 = vector.extract_strided_slice %select_n3A_1949 {offsets = [0, 8], sizes = [256, 120], strides = [1, 1]} : vector<256x128xf32> to vector<256x120xf32>
    %slice3A_2064 = vector.extract_strided_slice %select_n3A_1949 {offsets = [0, 0], sizes = [256, 8], strides = [1, 1]} : vector<256x128xf32> to vector<256x8xf32>
    %concatenate3A_2065 = tpu.concatenate %slice3A_2063, %slice3A_2064 in 1 : vector<256x120xf32>, vector<256x8xf32> -> vector<256x128xf32>
    %slice3A_2066 = vector.extract_strided_slice %select_n3A_1949 {offsets = [0, 120], sizes = [256, 8], strides = [1, 1]} : vector<256x128xf32> to vector<256x8xf32>
    %slice3A_2067 = vector.extract_strided_slice %select_n3A_1949 {offsets = [0, 0], sizes = [256, 120], strides = [1, 1]} : vector<256x128xf32> to vector<256x120xf32>
    %concatenate3A_2068 = tpu.concatenate %slice3A_2066, %slice3A_2067 in 1 : vector<256x8xf32>, vector<256x120xf32> -> vector<256x128xf32>
    %broadcast_in_dim3A_2069 = vector.shape_cast %eq3A_2011 : vector<1x128xi1> to vector<1x128xi1>
    %broadcast_in_dim3A_2070 = vector.broadcast %broadcast_in_dim3A_2069 : vector<1x128xi1> to vector<256x128xi1>
    %select_n3A_2071 = arith.select %broadcast_in_dim3A_2070, %concatenate3A_2065, %concatenate3A_2068 : vector<256x128xi1>, vector<256x128xf32>
    %min3A_2072 = arith.minimumf %select_n3A_1949, %select_n3A_2071 : vector<256x128xf32>
    %max3A_2073 = arith.maximumf %select_n3A_1949, %select_n3A_2071 : vector<256x128xf32>
    %broadcast_in_dim3A_2074 = vector.shape_cast %eq3A_2020 : vector<1x128xi1> to vector<1x128xi1>
    %broadcast_in_dim3A_2075 = vector.broadcast %broadcast_in_dim3A_2074 : vector<1x128xi1> to vector<256x128xi1>
    %select_n3A_2076 = arith.select %broadcast_in_dim3A_2075, %min3A_2072, %max3A_2073 : vector<256x128xi1>, vector<256x128xf32>
    %slice3A_2077 = vector.extract_strided_slice %select_n3A_1963 {offsets = [0, 8], sizes = [256, 120], strides = [1, 1]} : vector<256x128xf32> to vector<256x120xf32>
    %slice3A_2078 = vector.extract_strided_slice %select_n3A_1963 {offsets = [0, 0], sizes = [256, 8], strides = [1, 1]} : vector<256x128xf32> to vector<256x8xf32>
    %concatenate3A_2079 = tpu.concatenate %slice3A_2077, %slice3A_2078 in 1 : vector<256x120xf32>, vector<256x8xf32> -> vector<256x128xf32>
    %slice3A_2080 = vector.extract_strided_slice %select_n3A_1963 {offsets = [0, 120], sizes = [256, 8], strides = [1, 1]} : vector<256x128xf32> to vector<256x8xf32>
    %slice3A_2081 = vector.extract_strided_slice %select_n3A_1963 {offsets = [0, 0], sizes = [256, 120], strides = [1, 1]} : vector<256x128xf32> to vector<256x120xf32>
    %concatenate3A_2082 = tpu.concatenate %slice3A_2080, %slice3A_2081 in 1 : vector<256x8xf32>, vector<256x120xf32> -> vector<256x128xf32>
    %broadcast_in_dim3A_2083 = vector.shape_cast %eq3A_2011 : vector<1x128xi1> to vector<1x128xi1>
    %broadcast_in_dim3A_2084 = vector.broadcast %broadcast_in_dim3A_2083 : vector<1x128xi1> to vector<256x128xi1>
    %select_n3A_2085 = arith.select %broadcast_in_dim3A_2084, %concatenate3A_2079, %concatenate3A_2082 : vector<256x128xi1>, vector<256x128xf32>
    %min3A_2086 = arith.minimumf %select_n3A_1963, %select_n3A_2085 : vector<256x128xf32>
    %max3A_2087 = arith.maximumf %select_n3A_1963, %select_n3A_2085 : vector<256x128xf32>
    %broadcast_in_dim3A_2088 = vector.shape_cast %eq3A_2020 : vector<1x128xi1> to vector<1x128xi1>
    %broadcast_in_dim3A_2089 = vector.broadcast %broadcast_in_dim3A_2088 : vector<1x128xi1> to vector<256x128xi1>
    %select_n3A_2090 = arith.select %broadcast_in_dim3A_2089, %min3A_2086, %max3A_2087 : vector<256x128xi1>, vector<256x128xf32>
    %slice3A_2091 = vector.extract_strided_slice %select_n3A_1977 {offsets = [0, 8], sizes = [256, 120], strides = [1, 1]} : vector<256x128xf32> to vector<256x120xf32>
    %slice3A_2092 = vector.extract_strided_slice %select_n3A_1977 {offsets = [0, 0], sizes = [256, 8], strides = [1, 1]} : vector<256x128xf32> to vector<256x8xf32>
    %concatenate3A_2093 = tpu.concatenate %slice3A_2091, %slice3A_2092 in 1 : vector<256x120xf32>, vector<256x8xf32> -> vector<256x128xf32>
    %slice3A_2094 = vector.extract_strided_slice %select_n3A_1977 {offsets = [0, 120], sizes = [256, 8], strides = [1, 1]} : vector<256x128xf32> to vector<256x8xf32>
    %slice3A_2095 = vector.extract_strided_slice %select_n3A_1977 {offsets = [0, 0], sizes = [256, 120], strides = [1, 1]} : vector<256x128xf32> to vector<256x120xf32>
    %concatenate3A_2096 = tpu.concatenate %slice3A_2094, %slice3A_2095 in 1 : vector<256x8xf32>, vector<256x120xf32> -> vector<256x128xf32>
    %broadcast_in_dim3A_2097 = vector.shape_cast %eq3A_2011 : vector<1x128xi1> to vector<1x128xi1>
    %broadcast_in_dim3A_2098 = vector.broadcast %broadcast_in_dim3A_2097 : vector<1x128xi1> to vector<256x128xi1>
    %select_n3A_2099 = arith.select %broadcast_in_dim3A_2098, %concatenate3A_2093, %concatenate3A_2096 : vector<256x128xi1>, vector<256x128xf32>
    %min3A_2100 = arith.minimumf %select_n3A_1977, %select_n3A_2099 : vector<256x128xf32>
    %max3A_2101 = arith.maximumf %select_n3A_1977, %select_n3A_2099 : vector<256x128xf32>
    %broadcast_in_dim3A_2102 = vector.shape_cast %eq3A_2020 : vector<1x128xi1> to vector<1x128xi1>
    %broadcast_in_dim3A_2103 = vector.broadcast %broadcast_in_dim3A_2102 : vector<1x128xi1> to vector<256x128xi1>
    %select_n3A_2104 = arith.select %broadcast_in_dim3A_2103, %min3A_2100, %max3A_2101 : vector<256x128xi1>, vector<256x128xf32>
    %slice3A_2105 = vector.extract_strided_slice %select_n3A_1991 {offsets = [0, 8], sizes = [256, 120], strides = [1, 1]} : vector<256x128xf32> to vector<256x120xf32>
    %slice3A_2106 = vector.extract_strided_slice %select_n3A_1991 {offsets = [0, 0], sizes = [256, 8], strides = [1, 1]} : vector<256x128xf32> to vector<256x8xf32>
    %concatenate3A_2107 = tpu.concatenate %slice3A_2105, %slice3A_2106 in 1 : vector<256x120xf32>, vector<256x8xf32> -> vector<256x128xf32>
    %slice3A_2108 = vector.extract_strided_slice %select_n3A_1991 {offsets = [0, 120], sizes = [256, 8], strides = [1, 1]} : vector<256x128xf32> to vector<256x8xf32>
    %slice3A_2109 = vector.extract_strided_slice %select_n3A_1991 {offsets = [0, 0], sizes = [256, 120], strides = [1, 1]} : vector<256x128xf32> to vector<256x120xf32>
    %concatenate3A_2110 = tpu.concatenate %slice3A_2108, %slice3A_2109 in 1 : vector<256x8xf32>, vector<256x120xf32> -> vector<256x128xf32>
    %broadcast_in_dim3A_2111 = vector.shape_cast %eq3A_2011 : vector<1x128xi1> to vector<1x128xi1>
    %broadcast_in_dim3A_2112 = vector.broadcast %broadcast_in_dim3A_2111 : vector<1x128xi1> to vector<256x128xi1>
    %select_n3A_2113 = arith.select %broadcast_in_dim3A_2112, %concatenate3A_2107, %concatenate3A_2110 : vector<256x128xi1>, vector<256x128xf32>
    %min3A_2114 = arith.minimumf %select_n3A_1991, %select_n3A_2113 : vector<256x128xf32>
    %max3A_2115 = arith.maximumf %select_n3A_1991, %select_n3A_2113 : vector<256x128xf32>
    %broadcast_in_dim3A_2116 = vector.shape_cast %eq3A_2020 : vector<1x128xi1> to vector<1x128xi1>
    %broadcast_in_dim3A_2117 = vector.broadcast %broadcast_in_dim3A_2116 : vector<1x128xi1> to vector<256x128xi1>
    %select_n3A_2118 = arith.select %broadcast_in_dim3A_2117, %min3A_2114, %max3A_2115 : vector<256x128xi1>, vector<256x128xf32>
    %slice3A_2119 = vector.extract_strided_slice %select_n3A_2005 {offsets = [0, 8], sizes = [256, 120], strides = [1, 1]} : vector<256x128xf32> to vector<256x120xf32>
    %slice3A_2120 = vector.extract_strided_slice %select_n3A_2005 {offsets = [0, 0], sizes = [256, 8], strides = [1, 1]} : vector<256x128xf32> to vector<256x8xf32>
    %concatenate3A_2121 = tpu.concatenate %slice3A_2119, %slice3A_2120 in 1 : vector<256x120xf32>, vector<256x8xf32> -> vector<256x128xf32>
    %slice3A_2122 = vector.extract_strided_slice %select_n3A_2005 {offsets = [0, 120], sizes = [256, 8], strides = [1, 1]} : vector<256x128xf32> to vector<256x8xf32>
    %slice3A_2123 = vector.extract_strided_slice %select_n3A_2005 {offsets = [0, 0], sizes = [256, 120], strides = [1, 1]} : vector<256x128xf32> to vector<256x120xf32>
    %concatenate3A_2124 = tpu.concatenate %slice3A_2122, %slice3A_2123 in 1 : vector<256x8xf32>, vector<256x120xf32> -> vector<256x128xf32>
    %broadcast_in_dim3A_2125 = vector.shape_cast %eq3A_2011 : vector<1x128xi1> to vector<1x128xi1>
    %broadcast_in_dim3A_2126 = vector.broadcast %broadcast_in_dim3A_2125 : vector<1x128xi1> to vector<256x128xi1>
    %select_n3A_2127 = arith.select %broadcast_in_dim3A_2126, %concatenate3A_2121, %concatenate3A_2124 : vector<256x128xi1>, vector<256x128xf32>
    %min3A_2128 = arith.minimumf %select_n3A_2005, %select_n3A_2127 : vector<256x128xf32>
    %max3A_2129 = arith.maximumf %select_n3A_2005, %select_n3A_2127 : vector<256x128xf32>
    %broadcast_in_dim3A_2130 = vector.shape_cast %eq3A_2020 : vector<1x128xi1> to vector<1x128xi1>
    %broadcast_in_dim3A_2131 = vector.broadcast %broadcast_in_dim3A_2130 : vector<1x128xi1> to vector<256x128xi1>
    %select_n3A_2132 = arith.select %broadcast_in_dim3A_2131, %min3A_2128, %max3A_2129 : vector<256x128xi1>, vector<256x128xf32>
    %and3A_2133 = arith.constant 4 : i32
    %and3A_2134 = vector.broadcast %and3A_2133 : i32 to vector<1x128xi32>
    %and3A_2135 = arith.andi %iota3A, %and3A_2134 : vector<1x128xi32>
    %eq3A_2136 = arith.constant 0 : i32
    %eq3A_2137 = vector.broadcast %eq3A_2136 : i32 to vector<1x128xi32>
    %eq3A_2138 = arith.cmpi eq, %and3A_2135, %eq3A_2137 : vector<1x128xi32>
    %and3A_2139 = arith.constant 32 : i32
    %and3A_2140 = vector.broadcast %and3A_2139 : i32 to vector<1x128xi32>
    %and3A_2141 = arith.andi %iota3A, %and3A_2140 : vector<1x128xi32>
    %eq3A_2142 = arith.constant 0 : i32
    %eq3A_2143 = vector.broadcast %eq3A_2142 : i32 to vector<1x128xi32>
    %eq3A_2144 = arith.cmpi eq, %and3A_2141, %eq3A_2143 : vector<1x128xi32>
    %eq3A_2145 = arith.xori %eq3A_2144, %eq3A_2138 : vector<1x128xi1>
    %eq3A_2146 = arith.constant dense<true> : vector<1x128xi1>
    %eq3A_2147 = arith.xori %eq3A_2145, %eq3A_2146 : vector<1x128xi1>
    %slice3A_2148 = vector.extract_strided_slice %select_n3A_2034 {offsets = [0, 4], sizes = [256, 124], strides = [1, 1]} : vector<256x128xf32> to vector<256x124xf32>
    %slice3A_2149 = vector.extract_strided_slice %select_n3A_2034 {offsets = [0, 0], sizes = [256, 4], strides = [1, 1]} : vector<256x128xf32> to vector<256x4xf32>
    %concatenate3A_2150 = tpu.concatenate %slice3A_2148, %slice3A_2149 in 1 : vector<256x124xf32>, vector<256x4xf32> -> vector<256x128xf32>
    %slice3A_2151 = vector.extract_strided_slice %select_n3A_2034 {offsets = [0, 124], sizes = [256, 4], strides = [1, 1]} : vector<256x128xf32> to vector<256x4xf32>
    %slice3A_2152 = vector.extract_strided_slice %select_n3A_2034 {offsets = [0, 0], sizes = [256, 124], strides = [1, 1]} : vector<256x128xf32> to vector<256x124xf32>
    %concatenate3A_2153 = tpu.concatenate %slice3A_2151, %slice3A_2152 in 1 : vector<256x4xf32>, vector<256x124xf32> -> vector<256x128xf32>
    %broadcast_in_dim3A_2154 = vector.shape_cast %eq3A_2138 : vector<1x128xi1> to vector<1x128xi1>
    %broadcast_in_dim3A_2155 = vector.broadcast %broadcast_in_dim3A_2154 : vector<1x128xi1> to vector<256x128xi1>
    %select_n3A_2156 = arith.select %broadcast_in_dim3A_2155, %concatenate3A_2150, %concatenate3A_2153 : vector<256x128xi1>, vector<256x128xf32>
    %min3A_2157 = arith.minimumf %select_n3A_2034, %select_n3A_2156 : vector<256x128xf32>
    %max3A_2158 = arith.maximumf %select_n3A_2034, %select_n3A_2156 : vector<256x128xf32>
    %broadcast_in_dim3A_2159 = vector.shape_cast %eq3A_2147 : vector<1x128xi1> to vector<1x128xi1>
    %broadcast_in_dim3A_2160 = vector.broadcast %broadcast_in_dim3A_2159 : vector<1x128xi1> to vector<256x128xi1>
    %select_n3A_2161 = arith.select %broadcast_in_dim3A_2160, %min3A_2157, %max3A_2158 : vector<256x128xi1>, vector<256x128xf32>
    %slice3A_2162 = vector.extract_strided_slice %select_n3A_2048 {offsets = [0, 4], sizes = [256, 124], strides = [1, 1]} : vector<256x128xf32> to vector<256x124xf32>
    %slice3A_2163 = vector.extract_strided_slice %select_n3A_2048 {offsets = [0, 0], sizes = [256, 4], strides = [1, 1]} : vector<256x128xf32> to vector<256x4xf32>
    %concatenate3A_2164 = tpu.concatenate %slice3A_2162, %slice3A_2163 in 1 : vector<256x124xf32>, vector<256x4xf32> -> vector<256x128xf32>
    %slice3A_2165 = vector.extract_strided_slice %select_n3A_2048 {offsets = [0, 124], sizes = [256, 4], strides = [1, 1]} : vector<256x128xf32> to vector<256x4xf32>
    %slice3A_2166 = vector.extract_strided_slice %select_n3A_2048 {offsets = [0, 0], sizes = [256, 124], strides = [1, 1]} : vector<256x128xf32> to vector<256x124xf32>
    %concatenate3A_2167 = tpu.concatenate %slice3A_2165, %slice3A_2166 in 1 : vector<256x4xf32>, vector<256x124xf32> -> vector<256x128xf32>
    %broadcast_in_dim3A_2168 = vector.shape_cast %eq3A_2138 : vector<1x128xi1> to vector<1x128xi1>
    %broadcast_in_dim3A_2169 = vector.broadcast %broadcast_in_dim3A_2168 : vector<1x128xi1> to vector<256x128xi1>
    %select_n3A_2170 = arith.select %broadcast_in_dim3A_2169, %concatenate3A_2164, %concatenate3A_2167 : vector<256x128xi1>, vector<256x128xf32>
    %min3A_2171 = arith.minimumf %select_n3A_2048, %select_n3A_2170 : vector<256x128xf32>
    %max3A_2172 = arith.maximumf %select_n3A_2048, %select_n3A_2170 : vector<256x128xf32>
    %broadcast_in_dim3A_2173 = vector.shape_cast %eq3A_2147 : vector<1x128xi1> to vector<1x128xi1>
    %broadcast_in_dim3A_2174 = vector.broadcast %broadcast_in_dim3A_2173 : vector<1x128xi1> to vector<256x128xi1>
    %select_n3A_2175 = arith.select %broadcast_in_dim3A_2174, %min3A_2171, %max3A_2172 : vector<256x128xi1>, vector<256x128xf32>
    %slice3A_2176 = vector.extract_strided_slice %select_n3A_2062 {offsets = [0, 4], sizes = [256, 124], strides = [1, 1]} : vector<256x128xf32> to vector<256x124xf32>
    %slice3A_2177 = vector.extract_strided_slice %select_n3A_2062 {offsets = [0, 0], sizes = [256, 4], strides = [1, 1]} : vector<256x128xf32> to vector<256x4xf32>
    %concatenate3A_2178 = tpu.concatenate %slice3A_2176, %slice3A_2177 in 1 : vector<256x124xf32>, vector<256x4xf32> -> vector<256x128xf32>
    %slice3A_2179 = vector.extract_strided_slice %select_n3A_2062 {offsets = [0, 124], sizes = [256, 4], strides = [1, 1]} : vector<256x128xf32> to vector<256x4xf32>
    %slice3A_2180 = vector.extract_strided_slice %select_n3A_2062 {offsets = [0, 0], sizes = [256, 124], strides = [1, 1]} : vector<256x128xf32> to vector<256x124xf32>
    %concatenate3A_2181 = tpu.concatenate %slice3A_2179, %slice3A_2180 in 1 : vector<256x4xf32>, vector<256x124xf32> -> vector<256x128xf32>
    %broadcast_in_dim3A_2182 = vector.shape_cast %eq3A_2138 : vector<1x128xi1> to vector<1x128xi1>
    %broadcast_in_dim3A_2183 = vector.broadcast %broadcast_in_dim3A_2182 : vector<1x128xi1> to vector<256x128xi1>
    %select_n3A_2184 = arith.select %broadcast_in_dim3A_2183, %concatenate3A_2178, %concatenate3A_2181 : vector<256x128xi1>, vector<256x128xf32>
    %min3A_2185 = arith.minimumf %select_n3A_2062, %select_n3A_2184 : vector<256x128xf32>
    %max3A_2186 = arith.maximumf %select_n3A_2062, %select_n3A_2184 : vector<256x128xf32>
    %broadcast_in_dim3A_2187 = vector.shape_cast %eq3A_2147 : vector<1x128xi1> to vector<1x128xi1>
    %broadcast_in_dim3A_2188 = vector.broadcast %broadcast_in_dim3A_2187 : vector<1x128xi1> to vector<256x128xi1>
    %select_n3A_2189 = arith.select %broadcast_in_dim3A_2188, %min3A_2185, %max3A_2186 : vector<256x128xi1>, vector<256x128xf32>
    %slice3A_2190 = vector.extract_strided_slice %select_n3A_2076 {offsets = [0, 4], sizes = [256, 124], strides = [1, 1]} : vector<256x128xf32> to vector<256x124xf32>
    %slice3A_2191 = vector.extract_strided_slice %select_n3A_2076 {offsets = [0, 0], sizes = [256, 4], strides = [1, 1]} : vector<256x128xf32> to vector<256x4xf32>
    %concatenate3A_2192 = tpu.concatenate %slice3A_2190, %slice3A_2191 in 1 : vector<256x124xf32>, vector<256x4xf32> -> vector<256x128xf32>
    %slice3A_2193 = vector.extract_strided_slice %select_n3A_2076 {offsets = [0, 124], sizes = [256, 4], strides = [1, 1]} : vector<256x128xf32> to vector<256x4xf32>
    %slice3A_2194 = vector.extract_strided_slice %select_n3A_2076 {offsets = [0, 0], sizes = [256, 124], strides = [1, 1]} : vector<256x128xf32> to vector<256x124xf32>
    %concatenate3A_2195 = tpu.concatenate %slice3A_2193, %slice3A_2194 in 1 : vector<256x4xf32>, vector<256x124xf32> -> vector<256x128xf32>
    %broadcast_in_dim3A_2196 = vector.shape_cast %eq3A_2138 : vector<1x128xi1> to vector<1x128xi1>
    %broadcast_in_dim3A_2197 = vector.broadcast %broadcast_in_dim3A_2196 : vector<1x128xi1> to vector<256x128xi1>
    %select_n3A_2198 = arith.select %broadcast_in_dim3A_2197, %concatenate3A_2192, %concatenate3A_2195 : vector<256x128xi1>, vector<256x128xf32>
    %min3A_2199 = arith.minimumf %select_n3A_2076, %select_n3A_2198 : vector<256x128xf32>
    %max3A_2200 = arith.maximumf %select_n3A_2076, %select_n3A_2198 : vector<256x128xf32>
    %broadcast_in_dim3A_2201 = vector.shape_cast %eq3A_2147 : vector<1x128xi1> to vector<1x128xi1>
    %broadcast_in_dim3A_2202 = vector.broadcast %broadcast_in_dim3A_2201 : vector<1x128xi1> to vector<256x128xi1>
    %select_n3A_2203 = arith.select %broadcast_in_dim3A_2202, %min3A_2199, %max3A_2200 : vector<256x128xi1>, vector<256x128xf32>
    %slice3A_2204 = vector.extract_strided_slice %select_n3A_2090 {offsets = [0, 4], sizes = [256, 124], strides = [1, 1]} : vector<256x128xf32> to vector<256x124xf32>
    %slice3A_2205 = vector.extract_strided_slice %select_n3A_2090 {offsets = [0, 0], sizes = [256, 4], strides = [1, 1]} : vector<256x128xf32> to vector<256x4xf32>
    %concatenate3A_2206 = tpu.concatenate %slice3A_2204, %slice3A_2205 in 1 : vector<256x124xf32>, vector<256x4xf32> -> vector<256x128xf32>
    %slice3A_2207 = vector.extract_strided_slice %select_n3A_2090 {offsets = [0, 124], sizes = [256, 4], strides = [1, 1]} : vector<256x128xf32> to vector<256x4xf32>
    %slice3A_2208 = vector.extract_strided_slice %select_n3A_2090 {offsets = [0, 0], sizes = [256, 124], strides = [1, 1]} : vector<256x128xf32> to vector<256x124xf32>
    %concatenate3A_2209 = tpu.concatenate %slice3A_2207, %slice3A_2208 in 1 : vector<256x4xf32>, vector<256x124xf32> -> vector<256x128xf32>
    %broadcast_in_dim3A_2210 = vector.shape_cast %eq3A_2138 : vector<1x128xi1> to vector<1x128xi1>
    %broadcast_in_dim3A_2211 = vector.broadcast %broadcast_in_dim3A_2210 : vector<1x128xi1> to vector<256x128xi1>
    %select_n3A_2212 = arith.select %broadcast_in_dim3A_2211, %concatenate3A_2206, %concatenate3A_2209 : vector<256x128xi1>, vector<256x128xf32>
    %min3A_2213 = arith.minimumf %select_n3A_2090, %select_n3A_2212 : vector<256x128xf32>
    %max3A_2214 = arith.maximumf %select_n3A_2090, %select_n3A_2212 : vector<256x128xf32>
    %broadcast_in_dim3A_2215 = vector.shape_cast %eq3A_2147 : vector<1x128xi1> to vector<1x128xi1>
    %broadcast_in_dim3A_2216 = vector.broadcast %broadcast_in_dim3A_2215 : vector<1x128xi1> to vector<256x128xi1>
    %select_n3A_2217 = arith.select %broadcast_in_dim3A_2216, %min3A_2213, %max3A_2214 : vector<256x128xi1>, vector<256x128xf32>
    %slice3A_2218 = vector.extract_strided_slice %select_n3A_2104 {offsets = [0, 4], sizes = [256, 124], strides = [1, 1]} : vector<256x128xf32> to vector<256x124xf32>
    %slice3A_2219 = vector.extract_strided_slice %select_n3A_2104 {offsets = [0, 0], sizes = [256, 4], strides = [1, 1]} : vector<256x128xf32> to vector<256x4xf32>
    %concatenate3A_2220 = tpu.concatenate %slice3A_2218, %slice3A_2219 in 1 : vector<256x124xf32>, vector<256x4xf32> -> vector<256x128xf32>
    %slice3A_2221 = vector.extract_strided_slice %select_n3A_2104 {offsets = [0, 124], sizes = [256, 4], strides = [1, 1]} : vector<256x128xf32> to vector<256x4xf32>
    %slice3A_2222 = vector.extract_strided_slice %select_n3A_2104 {offsets = [0, 0], sizes = [256, 124], strides = [1, 1]} : vector<256x128xf32> to vector<256x124xf32>
    %concatenate3A_2223 = tpu.concatenate %slice3A_2221, %slice3A_2222 in 1 : vector<256x4xf32>, vector<256x124xf32> -> vector<256x128xf32>
    %broadcast_in_dim3A_2224 = vector.shape_cast %eq3A_2138 : vector<1x128xi1> to vector<1x128xi1>
    %broadcast_in_dim3A_2225 = vector.broadcast %broadcast_in_dim3A_2224 : vector<1x128xi1> to vector<256x128xi1>
    %select_n3A_2226 = arith.select %broadcast_in_dim3A_2225, %concatenate3A_2220, %concatenate3A_2223 : vector<256x128xi1>, vector<256x128xf32>
    %min3A_2227 = arith.minimumf %select_n3A_2104, %select_n3A_2226 : vector<256x128xf32>
    %max3A_2228 = arith.maximumf %select_n3A_2104, %select_n3A_2226 : vector<256x128xf32>
    %broadcast_in_dim3A_2229 = vector.shape_cast %eq3A_2147 : vector<1x128xi1> to vector<1x128xi1>
    %broadcast_in_dim3A_2230 = vector.broadcast %broadcast_in_dim3A_2229 : vector<1x128xi1> to vector<256x128xi1>
    %select_n3A_2231 = arith.select %broadcast_in_dim3A_2230, %min3A_2227, %max3A_2228 : vector<256x128xi1>, vector<256x128xf32>
    %slice3A_2232 = vector.extract_strided_slice %select_n3A_2118 {offsets = [0, 4], sizes = [256, 124], strides = [1, 1]} : vector<256x128xf32> to vector<256x124xf32>
    %slice3A_2233 = vector.extract_strided_slice %select_n3A_2118 {offsets = [0, 0], sizes = [256, 4], strides = [1, 1]} : vector<256x128xf32> to vector<256x4xf32>
    %concatenate3A_2234 = tpu.concatenate %slice3A_2232, %slice3A_2233 in 1 : vector<256x124xf32>, vector<256x4xf32> -> vector<256x128xf32>
    %slice3A_2235 = vector.extract_strided_slice %select_n3A_2118 {offsets = [0, 124], sizes = [256, 4], strides = [1, 1]} : vector<256x128xf32> to vector<256x4xf32>
    %slice3A_2236 = vector.extract_strided_slice %select_n3A_2118 {offsets = [0, 0], sizes = [256, 124], strides = [1, 1]} : vector<256x128xf32> to vector<256x124xf32>
    %concatenate3A_2237 = tpu.concatenate %slice3A_2235, %slice3A_2236 in 1 : vector<256x4xf32>, vector<256x124xf32> -> vector<256x128xf32>
    %broadcast_in_dim3A_2238 = vector.shape_cast %eq3A_2138 : vector<1x128xi1> to vector<1x128xi1>
    %broadcast_in_dim3A_2239 = vector.broadcast %broadcast_in_dim3A_2238 : vector<1x128xi1> to vector<256x128xi1>
    %select_n3A_2240 = arith.select %broadcast_in_dim3A_2239, %concatenate3A_2234, %concatenate3A_2237 : vector<256x128xi1>, vector<256x128xf32>
    %min3A_2241 = arith.minimumf %select_n3A_2118, %select_n3A_2240 : vector<256x128xf32>
    %max3A_2242 = arith.maximumf %select_n3A_2118, %select_n3A_2240 : vector<256x128xf32>
    %broadcast_in_dim3A_2243 = vector.shape_cast %eq3A_2147 : vector<1x128xi1> to vector<1x128xi1>
    %broadcast_in_dim3A_2244 = vector.broadcast %broadcast_in_dim3A_2243 : vector<1x128xi1> to vector<256x128xi1>
    %select_n3A_2245 = arith.select %broadcast_in_dim3A_2244, %min3A_2241, %max3A_2242 : vector<256x128xi1>, vector<256x128xf32>
    %slice3A_2246 = vector.extract_strided_slice %select_n3A_2132 {offsets = [0, 4], sizes = [256, 124], strides = [1, 1]} : vector<256x128xf32> to vector<256x124xf32>
    %slice3A_2247 = vector.extract_strided_slice %select_n3A_2132 {offsets = [0, 0], sizes = [256, 4], strides = [1, 1]} : vector<256x128xf32> to vector<256x4xf32>
    %concatenate3A_2248 = tpu.concatenate %slice3A_2246, %slice3A_2247 in 1 : vector<256x124xf32>, vector<256x4xf32> -> vector<256x128xf32>
    %slice3A_2249 = vector.extract_strided_slice %select_n3A_2132 {offsets = [0, 124], sizes = [256, 4], strides = [1, 1]} : vector<256x128xf32> to vector<256x4xf32>
    %slice3A_2250 = vector.extract_strided_slice %select_n3A_2132 {offsets = [0, 0], sizes = [256, 124], strides = [1, 1]} : vector<256x128xf32> to vector<256x124xf32>
    %concatenate3A_2251 = tpu.concatenate %slice3A_2249, %slice3A_2250 in 1 : vector<256x4xf32>, vector<256x124xf32> -> vector<256x128xf32>
    %broadcast_in_dim3A_2252 = vector.shape_cast %eq3A_2138 : vector<1x128xi1> to vector<1x128xi1>
    %broadcast_in_dim3A_2253 = vector.broadcast %broadcast_in_dim3A_2252 : vector<1x128xi1> to vector<256x128xi1>
    %select_n3A_2254 = arith.select %broadcast_in_dim3A_2253, %concatenate3A_2248, %concatenate3A_2251 : vector<256x128xi1>, vector<256x128xf32>
    %min3A_2255 = arith.minimumf %select_n3A_2132, %select_n3A_2254 : vector<256x128xf32>
    %max3A_2256 = arith.maximumf %select_n3A_2132, %select_n3A_2254 : vector<256x128xf32>
    %broadcast_in_dim3A_2257 = vector.shape_cast %eq3A_2147 : vector<1x128xi1> to vector<1x128xi1>
    %broadcast_in_dim3A_2258 = vector.broadcast %broadcast_in_dim3A_2257 : vector<1x128xi1> to vector<256x128xi1>
    %select_n3A_2259 = arith.select %broadcast_in_dim3A_2258, %min3A_2255, %max3A_2256 : vector<256x128xi1>, vector<256x128xf32>
    %and3A_2260 = arith.constant 2 : i32
    %and3A_2261 = vector.broadcast %and3A_2260 : i32 to vector<1x128xi32>
    %and3A_2262 = arith.andi %iota3A, %and3A_2261 : vector<1x128xi32>
    %eq3A_2263 = arith.constant 0 : i32
    %eq3A_2264 = vector.broadcast %eq3A_2263 : i32 to vector<1x128xi32>
    %eq3A_2265 = arith.cmpi eq, %and3A_2262, %eq3A_2264 : vector<1x128xi32>
    %and3A_2266 = arith.constant 32 : i32
    %and3A_2267 = vector.broadcast %and3A_2266 : i32 to vector<1x128xi32>
    %and3A_2268 = arith.andi %iota3A, %and3A_2267 : vector<1x128xi32>
    %eq3A_2269 = arith.constant 0 : i32
    %eq3A_2270 = vector.broadcast %eq3A_2269 : i32 to vector<1x128xi32>
    %eq3A_2271 = arith.cmpi eq, %and3A_2268, %eq3A_2270 : vector<1x128xi32>
    %eq3A_2272 = arith.xori %eq3A_2271, %eq3A_2265 : vector<1x128xi1>
    %eq3A_2273 = arith.constant dense<true> : vector<1x128xi1>
    %eq3A_2274 = arith.xori %eq3A_2272, %eq3A_2273 : vector<1x128xi1>
    %slice3A_2275 = vector.extract_strided_slice %select_n3A_2161 {offsets = [0, 2], sizes = [256, 126], strides = [1, 1]} : vector<256x128xf32> to vector<256x126xf32>
    %slice3A_2276 = vector.extract_strided_slice %select_n3A_2161 {offsets = [0, 0], sizes = [256, 2], strides = [1, 1]} : vector<256x128xf32> to vector<256x2xf32>
    %concatenate3A_2277 = tpu.concatenate %slice3A_2275, %slice3A_2276 in 1 : vector<256x126xf32>, vector<256x2xf32> -> vector<256x128xf32>
    %slice3A_2278 = vector.extract_strided_slice %select_n3A_2161 {offsets = [0, 126], sizes = [256, 2], strides = [1, 1]} : vector<256x128xf32> to vector<256x2xf32>
    %slice3A_2279 = vector.extract_strided_slice %select_n3A_2161 {offsets = [0, 0], sizes = [256, 126], strides = [1, 1]} : vector<256x128xf32> to vector<256x126xf32>
    %concatenate3A_2280 = tpu.concatenate %slice3A_2278, %slice3A_2279 in 1 : vector<256x2xf32>, vector<256x126xf32> -> vector<256x128xf32>
    %broadcast_in_dim3A_2281 = vector.shape_cast %eq3A_2265 : vector<1x128xi1> to vector<1x128xi1>
    %broadcast_in_dim3A_2282 = vector.broadcast %broadcast_in_dim3A_2281 : vector<1x128xi1> to vector<256x128xi1>
    %select_n3A_2283 = arith.select %broadcast_in_dim3A_2282, %concatenate3A_2277, %concatenate3A_2280 : vector<256x128xi1>, vector<256x128xf32>
    %min3A_2284 = arith.minimumf %select_n3A_2161, %select_n3A_2283 : vector<256x128xf32>
    %max3A_2285 = arith.maximumf %select_n3A_2161, %select_n3A_2283 : vector<256x128xf32>
    %broadcast_in_dim3A_2286 = vector.shape_cast %eq3A_2274 : vector<1x128xi1> to vector<1x128xi1>
    %broadcast_in_dim3A_2287 = vector.broadcast %broadcast_in_dim3A_2286 : vector<1x128xi1> to vector<256x128xi1>
    %select_n3A_2288 = arith.select %broadcast_in_dim3A_2287, %min3A_2284, %max3A_2285 : vector<256x128xi1>, vector<256x128xf32>
    %slice3A_2289 = vector.extract_strided_slice %select_n3A_2175 {offsets = [0, 2], sizes = [256, 126], strides = [1, 1]} : vector<256x128xf32> to vector<256x126xf32>
    %slice3A_2290 = vector.extract_strided_slice %select_n3A_2175 {offsets = [0, 0], sizes = [256, 2], strides = [1, 1]} : vector<256x128xf32> to vector<256x2xf32>
    %concatenate3A_2291 = tpu.concatenate %slice3A_2289, %slice3A_2290 in 1 : vector<256x126xf32>, vector<256x2xf32> -> vector<256x128xf32>
    %slice3A_2292 = vector.extract_strided_slice %select_n3A_2175 {offsets = [0, 126], sizes = [256, 2], strides = [1, 1]} : vector<256x128xf32> to vector<256x2xf32>
    %slice3A_2293 = vector.extract_strided_slice %select_n3A_2175 {offsets = [0, 0], sizes = [256, 126], strides = [1, 1]} : vector<256x128xf32> to vector<256x126xf32>
    %concatenate3A_2294 = tpu.concatenate %slice3A_2292, %slice3A_2293 in 1 : vector<256x2xf32>, vector<256x126xf32> -> vector<256x128xf32>
    %broadcast_in_dim3A_2295 = vector.shape_cast %eq3A_2265 : vector<1x128xi1> to vector<1x128xi1>
    %broadcast_in_dim3A_2296 = vector.broadcast %broadcast_in_dim3A_2295 : vector<1x128xi1> to vector<256x128xi1>
    %select_n3A_2297 = arith.select %broadcast_in_dim3A_2296, %concatenate3A_2291, %concatenate3A_2294 : vector<256x128xi1>, vector<256x128xf32>
    %min3A_2298 = arith.minimumf %select_n3A_2175, %select_n3A_2297 : vector<256x128xf32>
    %max3A_2299 = arith.maximumf %select_n3A_2175, %select_n3A_2297 : vector<256x128xf32>
    %broadcast_in_dim3A_2300 = vector.shape_cast %eq3A_2274 : vector<1x128xi1> to vector<1x128xi1>
    %broadcast_in_dim3A_2301 = vector.broadcast %broadcast_in_dim3A_2300 : vector<1x128xi1> to vector<256x128xi1>
    %select_n3A_2302 = arith.select %broadcast_in_dim3A_2301, %min3A_2298, %max3A_2299 : vector<256x128xi1>, vector<256x128xf32>
    %slice3A_2303 = vector.extract_strided_slice %select_n3A_2189 {offsets = [0, 2], sizes = [256, 126], strides = [1, 1]} : vector<256x128xf32> to vector<256x126xf32>
    %slice3A_2304 = vector.extract_strided_slice %select_n3A_2189 {offsets = [0, 0], sizes = [256, 2], strides = [1, 1]} : vector<256x128xf32> to vector<256x2xf32>
    %concatenate3A_2305 = tpu.concatenate %slice3A_2303, %slice3A_2304 in 1 : vector<256x126xf32>, vector<256x2xf32> -> vector<256x128xf32>
    %slice3A_2306 = vector.extract_strided_slice %select_n3A_2189 {offsets = [0, 126], sizes = [256, 2], strides = [1, 1]} : vector<256x128xf32> to vector<256x2xf32>
    %slice3A_2307 = vector.extract_strided_slice %select_n3A_2189 {offsets = [0, 0], sizes = [256, 126], strides = [1, 1]} : vector<256x128xf32> to vector<256x126xf32>
    %concatenate3A_2308 = tpu.concatenate %slice3A_2306, %slice3A_2307 in 1 : vector<256x2xf32>, vector<256x126xf32> -> vector<256x128xf32>
    %broadcast_in_dim3A_2309 = vector.shape_cast %eq3A_2265 : vector<1x128xi1> to vector<1x128xi1>
    %broadcast_in_dim3A_2310 = vector.broadcast %broadcast_in_dim3A_2309 : vector<1x128xi1> to vector<256x128xi1>
    %select_n3A_2311 = arith.select %broadcast_in_dim3A_2310, %concatenate3A_2305, %concatenate3A_2308 : vector<256x128xi1>, vector<256x128xf32>
    %min3A_2312 = arith.minimumf %select_n3A_2189, %select_n3A_2311 : vector<256x128xf32>
    %max3A_2313 = arith.maximumf %select_n3A_2189, %select_n3A_2311 : vector<256x128xf32>
    %broadcast_in_dim3A_2314 = vector.shape_cast %eq3A_2274 : vector<1x128xi1> to vector<1x128xi1>
    %broadcast_in_dim3A_2315 = vector.broadcast %broadcast_in_dim3A_2314 : vector<1x128xi1> to vector<256x128xi1>
    %select_n3A_2316 = arith.select %broadcast_in_dim3A_2315, %min3A_2312, %max3A_2313 : vector<256x128xi1>, vector<256x128xf32>
    %slice3A_2317 = vector.extract_strided_slice %select_n3A_2203 {offsets = [0, 2], sizes = [256, 126], strides = [1, 1]} : vector<256x128xf32> to vector<256x126xf32>
    %slice3A_2318 = vector.extract_strided_slice %select_n3A_2203 {offsets = [0, 0], sizes = [256, 2], strides = [1, 1]} : vector<256x128xf32> to vector<256x2xf32>
    %concatenate3A_2319 = tpu.concatenate %slice3A_2317, %slice3A_2318 in 1 : vector<256x126xf32>, vector<256x2xf32> -> vector<256x128xf32>
    %slice3A_2320 = vector.extract_strided_slice %select_n3A_2203 {offsets = [0, 126], sizes = [256, 2], strides = [1, 1]} : vector<256x128xf32> to vector<256x2xf32>
    %slice3A_2321 = vector.extract_strided_slice %select_n3A_2203 {offsets = [0, 0], sizes = [256, 126], strides = [1, 1]} : vector<256x128xf32> to vector<256x126xf32>
    %concatenate3A_2322 = tpu.concatenate %slice3A_2320, %slice3A_2321 in 1 : vector<256x2xf32>, vector<256x126xf32> -> vector<256x128xf32>
    %broadcast_in_dim3A_2323 = vector.shape_cast %eq3A_2265 : vector<1x128xi1> to vector<1x128xi1>
    %broadcast_in_dim3A_2324 = vector.broadcast %broadcast_in_dim3A_2323 : vector<1x128xi1> to vector<256x128xi1>
    %select_n3A_2325 = arith.select %broadcast_in_dim3A_2324, %concatenate3A_2319, %concatenate3A_2322 : vector<256x128xi1>, vector<256x128xf32>
    %min3A_2326 = arith.minimumf %select_n3A_2203, %select_n3A_2325 : vector<256x128xf32>
    %max3A_2327 = arith.maximumf %select_n3A_2203, %select_n3A_2325 : vector<256x128xf32>
    %broadcast_in_dim3A_2328 = vector.shape_cast %eq3A_2274 : vector<1x128xi1> to vector<1x128xi1>
    %broadcast_in_dim3A_2329 = vector.broadcast %broadcast_in_dim3A_2328 : vector<1x128xi1> to vector<256x128xi1>
    %select_n3A_2330 = arith.select %broadcast_in_dim3A_2329, %min3A_2326, %max3A_2327 : vector<256x128xi1>, vector<256x128xf32>
    %slice3A_2331 = vector.extract_strided_slice %select_n3A_2217 {offsets = [0, 2], sizes = [256, 126], strides = [1, 1]} : vector<256x128xf32> to vector<256x126xf32>
    %slice3A_2332 = vector.extract_strided_slice %select_n3A_2217 {offsets = [0, 0], sizes = [256, 2], strides = [1, 1]} : vector<256x128xf32> to vector<256x2xf32>
    %concatenate3A_2333 = tpu.concatenate %slice3A_2331, %slice3A_2332 in 1 : vector<256x126xf32>, vector<256x2xf32> -> vector<256x128xf32>
    %slice3A_2334 = vector.extract_strided_slice %select_n3A_2217 {offsets = [0, 126], sizes = [256, 2], strides = [1, 1]} : vector<256x128xf32> to vector<256x2xf32>
    %slice3A_2335 = vector.extract_strided_slice %select_n3A_2217 {offsets = [0, 0], sizes = [256, 126], strides = [1, 1]} : vector<256x128xf32> to vector<256x126xf32>
    %concatenate3A_2336 = tpu.concatenate %slice3A_2334, %slice3A_2335 in 1 : vector<256x2xf32>, vector<256x126xf32> -> vector<256x128xf32>
    %broadcast_in_dim3A_2337 = vector.shape_cast %eq3A_2265 : vector<1x128xi1> to vector<1x128xi1>
    %broadcast_in_dim3A_2338 = vector.broadcast %broadcast_in_dim3A_2337 : vector<1x128xi1> to vector<256x128xi1>
    %select_n3A_2339 = arith.select %broadcast_in_dim3A_2338, %concatenate3A_2333, %concatenate3A_2336 : vector<256x128xi1>, vector<256x128xf32>
    %min3A_2340 = arith.minimumf %select_n3A_2217, %select_n3A_2339 : vector<256x128xf32>
    %max3A_2341 = arith.maximumf %select_n3A_2217, %select_n3A_2339 : vector<256x128xf32>
    %broadcast_in_dim3A_2342 = vector.shape_cast %eq3A_2274 : vector<1x128xi1> to vector<1x128xi1>
    %broadcast_in_dim3A_2343 = vector.broadcast %broadcast_in_dim3A_2342 : vector<1x128xi1> to vector<256x128xi1>
    %select_n3A_2344 = arith.select %broadcast_in_dim3A_2343, %min3A_2340, %max3A_2341 : vector<256x128xi1>, vector<256x128xf32>
    %slice3A_2345 = vector.extract_strided_slice %select_n3A_2231 {offsets = [0, 2], sizes = [256, 126], strides = [1, 1]} : vector<256x128xf32> to vector<256x126xf32>
    %slice3A_2346 = vector.extract_strided_slice %select_n3A_2231 {offsets = [0, 0], sizes = [256, 2], strides = [1, 1]} : vector<256x128xf32> to vector<256x2xf32>
    %concatenate3A_2347 = tpu.concatenate %slice3A_2345, %slice3A_2346 in 1 : vector<256x126xf32>, vector<256x2xf32> -> vector<256x128xf32>
    %slice3A_2348 = vector.extract_strided_slice %select_n3A_2231 {offsets = [0, 126], sizes = [256, 2], strides = [1, 1]} : vector<256x128xf32> to vector<256x2xf32>
    %slice3A_2349 = vector.extract_strided_slice %select_n3A_2231 {offsets = [0, 0], sizes = [256, 126], strides = [1, 1]} : vector<256x128xf32> to vector<256x126xf32>
    %concatenate3A_2350 = tpu.concatenate %slice3A_2348, %slice3A_2349 in 1 : vector<256x2xf32>, vector<256x126xf32> -> vector<256x128xf32>
    %broadcast_in_dim3A_2351 = vector.shape_cast %eq3A_2265 : vector<1x128xi1> to vector<1x128xi1>
    %broadcast_in_dim3A_2352 = vector.broadcast %broadcast_in_dim3A_2351 : vector<1x128xi1> to vector<256x128xi1>
    %select_n3A_2353 = arith.select %broadcast_in_dim3A_2352, %concatenate3A_2347, %concatenate3A_2350 : vector<256x128xi1>, vector<256x128xf32>
    %min3A_2354 = arith.minimumf %select_n3A_2231, %select_n3A_2353 : vector<256x128xf32>
    %max3A_2355 = arith.maximumf %select_n3A_2231, %select_n3A_2353 : vector<256x128xf32>
    %broadcast_in_dim3A_2356 = vector.shape_cast %eq3A_2274 : vector<1x128xi1> to vector<1x128xi1>
    %broadcast_in_dim3A_2357 = vector.broadcast %broadcast_in_dim3A_2356 : vector<1x128xi1> to vector<256x128xi1>
    %select_n3A_2358 = arith.select %broadcast_in_dim3A_2357, %min3A_2354, %max3A_2355 : vector<256x128xi1>, vector<256x128xf32>
    %slice3A_2359 = vector.extract_strided_slice %select_n3A_2245 {offsets = [0, 2], sizes = [256, 126], strides = [1, 1]} : vector<256x128xf32> to vector<256x126xf32>
    %slice3A_2360 = vector.extract_strided_slice %select_n3A_2245 {offsets = [0, 0], sizes = [256, 2], strides = [1, 1]} : vector<256x128xf32> to vector<256x2xf32>
    %concatenate3A_2361 = tpu.concatenate %slice3A_2359, %slice3A_2360 in 1 : vector<256x126xf32>, vector<256x2xf32> -> vector<256x128xf32>
    %slice3A_2362 = vector.extract_strided_slice %select_n3A_2245 {offsets = [0, 126], sizes = [256, 2], strides = [1, 1]} : vector<256x128xf32> to vector<256x2xf32>
    %slice3A_2363 = vector.extract_strided_slice %select_n3A_2245 {offsets = [0, 0], sizes = [256, 126], strides = [1, 1]} : vector<256x128xf32> to vector<256x126xf32>
    %concatenate3A_2364 = tpu.concatenate %slice3A_2362, %slice3A_2363 in 1 : vector<256x2xf32>, vector<256x126xf32> -> vector<256x128xf32>
    %broadcast_in_dim3A_2365 = vector.shape_cast %eq3A_2265 : vector<1x128xi1> to vector<1x128xi1>
    %broadcast_in_dim3A_2366 = vector.broadcast %broadcast_in_dim3A_2365 : vector<1x128xi1> to vector<256x128xi1>
    %select_n3A_2367 = arith.select %broadcast_in_dim3A_2366, %concatenate3A_2361, %concatenate3A_2364 : vector<256x128xi1>, vector<256x128xf32>
    %min3A_2368 = arith.minimumf %select_n3A_2245, %select_n3A_2367 : vector<256x128xf32>
    %max3A_2369 = arith.maximumf %select_n3A_2245, %select_n3A_2367 : vector<256x128xf32>
    %broadcast_in_dim3A_2370 = vector.shape_cast %eq3A_2274 : vector<1x128xi1> to vector<1x128xi1>
    %broadcast_in_dim3A_2371 = vector.broadcast %broadcast_in_dim3A_2370 : vector<1x128xi1> to vector<256x128xi1>
    %select_n3A_2372 = arith.select %broadcast_in_dim3A_2371, %min3A_2368, %max3A_2369 : vector<256x128xi1>, vector<256x128xf32>
    %slice3A_2373 = vector.extract_strided_slice %select_n3A_2259 {offsets = [0, 2], sizes = [256, 126], strides = [1, 1]} : vector<256x128xf32> to vector<256x126xf32>
    %slice3A_2374 = vector.extract_strided_slice %select_n3A_2259 {offsets = [0, 0], sizes = [256, 2], strides = [1, 1]} : vector<256x128xf32> to vector<256x2xf32>
    %concatenate3A_2375 = tpu.concatenate %slice3A_2373, %slice3A_2374 in 1 : vector<256x126xf32>, vector<256x2xf32> -> vector<256x128xf32>
    %slice3A_2376 = vector.extract_strided_slice %select_n3A_2259 {offsets = [0, 126], sizes = [256, 2], strides = [1, 1]} : vector<256x128xf32> to vector<256x2xf32>
    %slice3A_2377 = vector.extract_strided_slice %select_n3A_2259 {offsets = [0, 0], sizes = [256, 126], strides = [1, 1]} : vector<256x128xf32> to vector<256x126xf32>
    %concatenate3A_2378 = tpu.concatenate %slice3A_2376, %slice3A_2377 in 1 : vector<256x2xf32>, vector<256x126xf32> -> vector<256x128xf32>
    %broadcast_in_dim3A_2379 = vector.shape_cast %eq3A_2265 : vector<1x128xi1> to vector<1x128xi1>
    %broadcast_in_dim3A_2380 = vector.broadcast %broadcast_in_dim3A_2379 : vector<1x128xi1> to vector<256x128xi1>
    %select_n3A_2381 = arith.select %broadcast_in_dim3A_2380, %concatenate3A_2375, %concatenate3A_2378 : vector<256x128xi1>, vector<256x128xf32>
    %min3A_2382 = arith.minimumf %select_n3A_2259, %select_n3A_2381 : vector<256x128xf32>
    %max3A_2383 = arith.maximumf %select_n3A_2259, %select_n3A_2381 : vector<256x128xf32>
    %broadcast_in_dim3A_2384 = vector.shape_cast %eq3A_2274 : vector<1x128xi1> to vector<1x128xi1>
    %broadcast_in_dim3A_2385 = vector.broadcast %broadcast_in_dim3A_2384 : vector<1x128xi1> to vector<256x128xi1>
    %select_n3A_2386 = arith.select %broadcast_in_dim3A_2385, %min3A_2382, %max3A_2383 : vector<256x128xi1>, vector<256x128xf32>
    %and3A_2387 = arith.constant 1 : i32
    %and3A_2388 = vector.broadcast %and3A_2387 : i32 to vector<1x128xi32>
    %and3A_2389 = arith.andi %iota3A, %and3A_2388 : vector<1x128xi32>
    %eq3A_2390 = arith.constant 0 : i32
    %eq3A_2391 = vector.broadcast %eq3A_2390 : i32 to vector<1x128xi32>
    %eq3A_2392 = arith.cmpi eq, %and3A_2389, %eq3A_2391 : vector<1x128xi32>
    %and3A_2393 = arith.constant 32 : i32
    %and3A_2394 = vector.broadcast %and3A_2393 : i32 to vector<1x128xi32>
    %and3A_2395 = arith.andi %iota3A, %and3A_2394 : vector<1x128xi32>
    %eq3A_2396 = arith.constant 0 : i32
    %eq3A_2397 = vector.broadcast %eq3A_2396 : i32 to vector<1x128xi32>
    %eq3A_2398 = arith.cmpi eq, %and3A_2395, %eq3A_2397 : vector<1x128xi32>
    %eq3A_2399 = arith.xori %eq3A_2398, %eq3A_2392 : vector<1x128xi1>
    %eq3A_2400 = arith.constant dense<true> : vector<1x128xi1>
    %eq3A_2401 = arith.xori %eq3A_2399, %eq3A_2400 : vector<1x128xi1>
    %slice3A_2402 = vector.extract_strided_slice %select_n3A_2288 {offsets = [0, 1], sizes = [256, 127], strides = [1, 1]} : vector<256x128xf32> to vector<256x127xf32>
    %slice3A_2403 = vector.extract_strided_slice %select_n3A_2288 {offsets = [0, 0], sizes = [256, 1], strides = [1, 1]} : vector<256x128xf32> to vector<256x1xf32>
    %concatenate3A_2404 = tpu.concatenate %slice3A_2402, %slice3A_2403 in 1 : vector<256x127xf32>, vector<256x1xf32> -> vector<256x128xf32>
    %slice3A_2405 = vector.extract_strided_slice %select_n3A_2288 {offsets = [0, 127], sizes = [256, 1], strides = [1, 1]} : vector<256x128xf32> to vector<256x1xf32>
    %slice3A_2406 = vector.extract_strided_slice %select_n3A_2288 {offsets = [0, 0], sizes = [256, 127], strides = [1, 1]} : vector<256x128xf32> to vector<256x127xf32>
    %concatenate3A_2407 = tpu.concatenate %slice3A_2405, %slice3A_2406 in 1 : vector<256x1xf32>, vector<256x127xf32> -> vector<256x128xf32>
    %broadcast_in_dim3A_2408 = vector.shape_cast %eq3A_2392 : vector<1x128xi1> to vector<1x128xi1>
    %broadcast_in_dim3A_2409 = vector.broadcast %broadcast_in_dim3A_2408 : vector<1x128xi1> to vector<256x128xi1>
    %select_n3A_2410 = arith.select %broadcast_in_dim3A_2409, %concatenate3A_2404, %concatenate3A_2407 : vector<256x128xi1>, vector<256x128xf32>
    %min3A_2411 = arith.minimumf %select_n3A_2288, %select_n3A_2410 : vector<256x128xf32>
    %max3A_2412 = arith.maximumf %select_n3A_2288, %select_n3A_2410 : vector<256x128xf32>
    %broadcast_in_dim3A_2413 = vector.shape_cast %eq3A_2401 : vector<1x128xi1> to vector<1x128xi1>
    %broadcast_in_dim3A_2414 = vector.broadcast %broadcast_in_dim3A_2413 : vector<1x128xi1> to vector<256x128xi1>
    %select_n3A_2415 = arith.select %broadcast_in_dim3A_2414, %min3A_2411, %max3A_2412 : vector<256x128xi1>, vector<256x128xf32>
    %slice3A_2416 = vector.extract_strided_slice %select_n3A_2302 {offsets = [0, 1], sizes = [256, 127], strides = [1, 1]} : vector<256x128xf32> to vector<256x127xf32>
    %slice3A_2417 = vector.extract_strided_slice %select_n3A_2302 {offsets = [0, 0], sizes = [256, 1], strides = [1, 1]} : vector<256x128xf32> to vector<256x1xf32>
    %concatenate3A_2418 = tpu.concatenate %slice3A_2416, %slice3A_2417 in 1 : vector<256x127xf32>, vector<256x1xf32> -> vector<256x128xf32>
    %slice3A_2419 = vector.extract_strided_slice %select_n3A_2302 {offsets = [0, 127], sizes = [256, 1], strides = [1, 1]} : vector<256x128xf32> to vector<256x1xf32>
    %slice3A_2420 = vector.extract_strided_slice %select_n3A_2302 {offsets = [0, 0], sizes = [256, 127], strides = [1, 1]} : vector<256x128xf32> to vector<256x127xf32>
    %concatenate3A_2421 = tpu.concatenate %slice3A_2419, %slice3A_2420 in 1 : vector<256x1xf32>, vector<256x127xf32> -> vector<256x128xf32>
    %broadcast_in_dim3A_2422 = vector.shape_cast %eq3A_2392 : vector<1x128xi1> to vector<1x128xi1>
    %broadcast_in_dim3A_2423 = vector.broadcast %broadcast_in_dim3A_2422 : vector<1x128xi1> to vector<256x128xi1>
    %select_n3A_2424 = arith.select %broadcast_in_dim3A_2423, %concatenate3A_2418, %concatenate3A_2421 : vector<256x128xi1>, vector<256x128xf32>
    %min3A_2425 = arith.minimumf %select_n3A_2302, %select_n3A_2424 : vector<256x128xf32>
    %max3A_2426 = arith.maximumf %select_n3A_2302, %select_n3A_2424 : vector<256x128xf32>
    %broadcast_in_dim3A_2427 = vector.shape_cast %eq3A_2401 : vector<1x128xi1> to vector<1x128xi1>
    %broadcast_in_dim3A_2428 = vector.broadcast %broadcast_in_dim3A_2427 : vector<1x128xi1> to vector<256x128xi1>
    %select_n3A_2429 = arith.select %broadcast_in_dim3A_2428, %min3A_2425, %max3A_2426 : vector<256x128xi1>, vector<256x128xf32>
    %slice3A_2430 = vector.extract_strided_slice %select_n3A_2316 {offsets = [0, 1], sizes = [256, 127], strides = [1, 1]} : vector<256x128xf32> to vector<256x127xf32>
    %slice3A_2431 = vector.extract_strided_slice %select_n3A_2316 {offsets = [0, 0], sizes = [256, 1], strides = [1, 1]} : vector<256x128xf32> to vector<256x1xf32>
    %concatenate3A_2432 = tpu.concatenate %slice3A_2430, %slice3A_2431 in 1 : vector<256x127xf32>, vector<256x1xf32> -> vector<256x128xf32>
    %slice3A_2433 = vector.extract_strided_slice %select_n3A_2316 {offsets = [0, 127], sizes = [256, 1], strides = [1, 1]} : vector<256x128xf32> to vector<256x1xf32>
    %slice3A_2434 = vector.extract_strided_slice %select_n3A_2316 {offsets = [0, 0], sizes = [256, 127], strides = [1, 1]} : vector<256x128xf32> to vector<256x127xf32>
    %concatenate3A_2435 = tpu.concatenate %slice3A_2433, %slice3A_2434 in 1 : vector<256x1xf32>, vector<256x127xf32> -> vector<256x128xf32>
    %broadcast_in_dim3A_2436 = vector.shape_cast %eq3A_2392 : vector<1x128xi1> to vector<1x128xi1>
    %broadcast_in_dim3A_2437 = vector.broadcast %broadcast_in_dim3A_2436 : vector<1x128xi1> to vector<256x128xi1>
    %select_n3A_2438 = arith.select %broadcast_in_dim3A_2437, %concatenate3A_2432, %concatenate3A_2435 : vector<256x128xi1>, vector<256x128xf32>
    %min3A_2439 = arith.minimumf %select_n3A_2316, %select_n3A_2438 : vector<256x128xf32>
    %max3A_2440 = arith.maximumf %select_n3A_2316, %select_n3A_2438 : vector<256x128xf32>
    %broadcast_in_dim3A_2441 = vector.shape_cast %eq3A_2401 : vector<1x128xi1> to vector<1x128xi1>
    %broadcast_in_dim3A_2442 = vector.broadcast %broadcast_in_dim3A_2441 : vector<1x128xi1> to vector<256x128xi1>
    %select_n3A_2443 = arith.select %broadcast_in_dim3A_2442, %min3A_2439, %max3A_2440 : vector<256x128xi1>, vector<256x128xf32>
    %slice3A_2444 = vector.extract_strided_slice %select_n3A_2330 {offsets = [0, 1], sizes = [256, 127], strides = [1, 1]} : vector<256x128xf32> to vector<256x127xf32>
    %slice3A_2445 = vector.extract_strided_slice %select_n3A_2330 {offsets = [0, 0], sizes = [256, 1], strides = [1, 1]} : vector<256x128xf32> to vector<256x1xf32>
    %concatenate3A_2446 = tpu.concatenate %slice3A_2444, %slice3A_2445 in 1 : vector<256x127xf32>, vector<256x1xf32> -> vector<256x128xf32>
    %slice3A_2447 = vector.extract_strided_slice %select_n3A_2330 {offsets = [0, 127], sizes = [256, 1], strides = [1, 1]} : vector<256x128xf32> to vector<256x1xf32>
    %slice3A_2448 = vector.extract_strided_slice %select_n3A_2330 {offsets = [0, 0], sizes = [256, 127], strides = [1, 1]} : vector<256x128xf32> to vector<256x127xf32>
    %concatenate3A_2449 = tpu.concatenate %slice3A_2447, %slice3A_2448 in 1 : vector<256x1xf32>, vector<256x127xf32> -> vector<256x128xf32>
    %broadcast_in_dim3A_2450 = vector.shape_cast %eq3A_2392 : vector<1x128xi1> to vector<1x128xi1>
    %broadcast_in_dim3A_2451 = vector.broadcast %broadcast_in_dim3A_2450 : vector<1x128xi1> to vector<256x128xi1>
    %select_n3A_2452 = arith.select %broadcast_in_dim3A_2451, %concatenate3A_2446, %concatenate3A_2449 : vector<256x128xi1>, vector<256x128xf32>
    %min3A_2453 = arith.minimumf %select_n3A_2330, %select_n3A_2452 : vector<256x128xf32>
    %max3A_2454 = arith.maximumf %select_n3A_2330, %select_n3A_2452 : vector<256x128xf32>
    %broadcast_in_dim3A_2455 = vector.shape_cast %eq3A_2401 : vector<1x128xi1> to vector<1x128xi1>
    %broadcast_in_dim3A_2456 = vector.broadcast %broadcast_in_dim3A_2455 : vector<1x128xi1> to vector<256x128xi1>
    %select_n3A_2457 = arith.select %broadcast_in_dim3A_2456, %min3A_2453, %max3A_2454 : vector<256x128xi1>, vector<256x128xf32>
    %slice3A_2458 = vector.extract_strided_slice %select_n3A_2344 {offsets = [0, 1], sizes = [256, 127], strides = [1, 1]} : vector<256x128xf32> to vector<256x127xf32>
    %slice3A_2459 = vector.extract_strided_slice %select_n3A_2344 {offsets = [0, 0], sizes = [256, 1], strides = [1, 1]} : vector<256x128xf32> to vector<256x1xf32>
    %concatenate3A_2460 = tpu.concatenate %slice3A_2458, %slice3A_2459 in 1 : vector<256x127xf32>, vector<256x1xf32> -> vector<256x128xf32>
    %slice3A_2461 = vector.extract_strided_slice %select_n3A_2344 {offsets = [0, 127], sizes = [256, 1], strides = [1, 1]} : vector<256x128xf32> to vector<256x1xf32>
    %slice3A_2462 = vector.extract_strided_slice %select_n3A_2344 {offsets = [0, 0], sizes = [256, 127], strides = [1, 1]} : vector<256x128xf32> to vector<256x127xf32>
    %concatenate3A_2463 = tpu.concatenate %slice3A_2461, %slice3A_2462 in 1 : vector<256x1xf32>, vector<256x127xf32> -> vector<256x128xf32>
    %broadcast_in_dim3A_2464 = vector.shape_cast %eq3A_2392 : vector<1x128xi1> to vector<1x128xi1>
    %broadcast_in_dim3A_2465 = vector.broadcast %broadcast_in_dim3A_2464 : vector<1x128xi1> to vector<256x128xi1>
    %select_n3A_2466 = arith.select %broadcast_in_dim3A_2465, %concatenate3A_2460, %concatenate3A_2463 : vector<256x128xi1>, vector<256x128xf32>
    %min3A_2467 = arith.minimumf %select_n3A_2344, %select_n3A_2466 : vector<256x128xf32>
    %max3A_2468 = arith.maximumf %select_n3A_2344, %select_n3A_2466 : vector<256x128xf32>
    %broadcast_in_dim3A_2469 = vector.shape_cast %eq3A_2401 : vector<1x128xi1> to vector<1x128xi1>
    %broadcast_in_dim3A_2470 = vector.broadcast %broadcast_in_dim3A_2469 : vector<1x128xi1> to vector<256x128xi1>
    %select_n3A_2471 = arith.select %broadcast_in_dim3A_2470, %min3A_2467, %max3A_2468 : vector<256x128xi1>, vector<256x128xf32>
    %slice3A_2472 = vector.extract_strided_slice %select_n3A_2358 {offsets = [0, 1], sizes = [256, 127], strides = [1, 1]} : vector<256x128xf32> to vector<256x127xf32>
    %slice3A_2473 = vector.extract_strided_slice %select_n3A_2358 {offsets = [0, 0], sizes = [256, 1], strides = [1, 1]} : vector<256x128xf32> to vector<256x1xf32>
    %concatenate3A_2474 = tpu.concatenate %slice3A_2472, %slice3A_2473 in 1 : vector<256x127xf32>, vector<256x1xf32> -> vector<256x128xf32>
    %slice3A_2475 = vector.extract_strided_slice %select_n3A_2358 {offsets = [0, 127], sizes = [256, 1], strides = [1, 1]} : vector<256x128xf32> to vector<256x1xf32>
    %slice3A_2476 = vector.extract_strided_slice %select_n3A_2358 {offsets = [0, 0], sizes = [256, 127], strides = [1, 1]} : vector<256x128xf32> to vector<256x127xf32>
    %concatenate3A_2477 = tpu.concatenate %slice3A_2475, %slice3A_2476 in 1 : vector<256x1xf32>, vector<256x127xf32> -> vector<256x128xf32>
    %broadcast_in_dim3A_2478 = vector.shape_cast %eq3A_2392 : vector<1x128xi1> to vector<1x128xi1>
    %broadcast_in_dim3A_2479 = vector.broadcast %broadcast_in_dim3A_2478 : vector<1x128xi1> to vector<256x128xi1>
    %select_n3A_2480 = arith.select %broadcast_in_dim3A_2479, %concatenate3A_2474, %concatenate3A_2477 : vector<256x128xi1>, vector<256x128xf32>
    %min3A_2481 = arith.minimumf %select_n3A_2358, %select_n3A_2480 : vector<256x128xf32>
    %max3A_2482 = arith.maximumf %select_n3A_2358, %select_n3A_2480 : vector<256x128xf32>
    %broadcast_in_dim3A_2483 = vector.shape_cast %eq3A_2401 : vector<1x128xi1> to vector<1x128xi1>
    %broadcast_in_dim3A_2484 = vector.broadcast %broadcast_in_dim3A_2483 : vector<1x128xi1> to vector<256x128xi1>
    %select_n3A_2485 = arith.select %broadcast_in_dim3A_2484, %min3A_2481, %max3A_2482 : vector<256x128xi1>, vector<256x128xf32>
    %slice3A_2486 = vector.extract_strided_slice %select_n3A_2372 {offsets = [0, 1], sizes = [256, 127], strides = [1, 1]} : vector<256x128xf32> to vector<256x127xf32>
    %slice3A_2487 = vector.extract_strided_slice %select_n3A_2372 {offsets = [0, 0], sizes = [256, 1], strides = [1, 1]} : vector<256x128xf32> to vector<256x1xf32>
    %concatenate3A_2488 = tpu.concatenate %slice3A_2486, %slice3A_2487 in 1 : vector<256x127xf32>, vector<256x1xf32> -> vector<256x128xf32>
    %slice3A_2489 = vector.extract_strided_slice %select_n3A_2372 {offsets = [0, 127], sizes = [256, 1], strides = [1, 1]} : vector<256x128xf32> to vector<256x1xf32>
    %slice3A_2490 = vector.extract_strided_slice %select_n3A_2372 {offsets = [0, 0], sizes = [256, 127], strides = [1, 1]} : vector<256x128xf32> to vector<256x127xf32>
    %concatenate3A_2491 = tpu.concatenate %slice3A_2489, %slice3A_2490 in 1 : vector<256x1xf32>, vector<256x127xf32> -> vector<256x128xf32>
    %broadcast_in_dim3A_2492 = vector.shape_cast %eq3A_2392 : vector<1x128xi1> to vector<1x128xi1>
    %broadcast_in_dim3A_2493 = vector.broadcast %broadcast_in_dim3A_2492 : vector<1x128xi1> to vector<256x128xi1>
    %select_n3A_2494 = arith.select %broadcast_in_dim3A_2493, %concatenate3A_2488, %concatenate3A_2491 : vector<256x128xi1>, vector<256x128xf32>
    %min3A_2495 = arith.minimumf %select_n3A_2372, %select_n3A_2494 : vector<256x128xf32>
    %max3A_2496 = arith.maximumf %select_n3A_2372, %select_n3A_2494 : vector<256x128xf32>
    %broadcast_in_dim3A_2497 = vector.shape_cast %eq3A_2401 : vector<1x128xi1> to vector<1x128xi1>
    %broadcast_in_dim3A_2498 = vector.broadcast %broadcast_in_dim3A_2497 : vector<1x128xi1> to vector<256x128xi1>
    %select_n3A_2499 = arith.select %broadcast_in_dim3A_2498, %min3A_2495, %max3A_2496 : vector<256x128xi1>, vector<256x128xf32>
    %slice3A_2500 = vector.extract_strided_slice %select_n3A_2386 {offsets = [0, 1], sizes = [256, 127], strides = [1, 1]} : vector<256x128xf32> to vector<256x127xf32>
    %slice3A_2501 = vector.extract_strided_slice %select_n3A_2386 {offsets = [0, 0], sizes = [256, 1], strides = [1, 1]} : vector<256x128xf32> to vector<256x1xf32>
    %concatenate3A_2502 = tpu.concatenate %slice3A_2500, %slice3A_2501 in 1 : vector<256x127xf32>, vector<256x1xf32> -> vector<256x128xf32>
    %slice3A_2503 = vector.extract_strided_slice %select_n3A_2386 {offsets = [0, 127], sizes = [256, 1], strides = [1, 1]} : vector<256x128xf32> to vector<256x1xf32>
    %slice3A_2504 = vector.extract_strided_slice %select_n3A_2386 {offsets = [0, 0], sizes = [256, 127], strides = [1, 1]} : vector<256x128xf32> to vector<256x127xf32>
    %concatenate3A_2505 = tpu.concatenate %slice3A_2503, %slice3A_2504 in 1 : vector<256x1xf32>, vector<256x127xf32> -> vector<256x128xf32>
    %broadcast_in_dim3A_2506 = vector.shape_cast %eq3A_2392 : vector<1x128xi1> to vector<1x128xi1>
    %broadcast_in_dim3A_2507 = vector.broadcast %broadcast_in_dim3A_2506 : vector<1x128xi1> to vector<256x128xi1>
    %select_n3A_2508 = arith.select %broadcast_in_dim3A_2507, %concatenate3A_2502, %concatenate3A_2505 : vector<256x128xi1>, vector<256x128xf32>
    %min3A_2509 = arith.minimumf %select_n3A_2386, %select_n3A_2508 : vector<256x128xf32>
    %max3A_2510 = arith.maximumf %select_n3A_2386, %select_n3A_2508 : vector<256x128xf32>
    %broadcast_in_dim3A_2511 = vector.shape_cast %eq3A_2401 : vector<1x128xi1> to vector<1x128xi1>
    %broadcast_in_dim3A_2512 = vector.broadcast %broadcast_in_dim3A_2511 : vector<1x128xi1> to vector<256x128xi1>
    %select_n3A_2513 = arith.select %broadcast_in_dim3A_2512, %min3A_2509, %max3A_2510 : vector<256x128xi1>, vector<256x128xf32>
    %and3A_2514 = arith.constant 32 : i32
    %and3A_2515 = vector.broadcast %and3A_2514 : i32 to vector<1x128xi32>
    %and3A_2516 = arith.andi %iota3A, %and3A_2515 : vector<1x128xi32>
    %eq3A_2517 = arith.constant 0 : i32
    %eq3A_2518 = vector.broadcast %eq3A_2517 : i32 to vector<1x128xi32>
    %eq3A_2519 = arith.cmpi eq, %and3A_2516, %eq3A_2518 : vector<1x128xi32>
    %min3A_2520 = arith.minimumf %select_n3A_2415, %select_n3A_2471 : vector<256x128xf32>
    %max3A_2521 = arith.maximumf %select_n3A_2415, %select_n3A_2471 : vector<256x128xf32>
    %broadcast_in_dim3A_2522 = vector.shape_cast %eq3A_2519 : vector<1x128xi1> to vector<1x128xi1>
    %broadcast_in_dim3A_2523 = vector.broadcast %broadcast_in_dim3A_2522 : vector<1x128xi1> to vector<256x128xi1>
    %select_n3A_2524 = arith.select %broadcast_in_dim3A_2523, %min3A_2520, %max3A_2521 : vector<256x128xi1>, vector<256x128xf32>
    %broadcast_in_dim3A_2525 = vector.shape_cast %eq3A_2519 : vector<1x128xi1> to vector<1x128xi1>
    %broadcast_in_dim3A_2526 = vector.broadcast %broadcast_in_dim3A_2525 : vector<1x128xi1> to vector<256x128xi1>
    %select_n3A_2527 = arith.select %broadcast_in_dim3A_2526, %max3A_2521, %min3A_2520 : vector<256x128xi1>, vector<256x128xf32>
    %min3A_2528 = arith.minimumf %select_n3A_2429, %select_n3A_2485 : vector<256x128xf32>
    %max3A_2529 = arith.maximumf %select_n3A_2429, %select_n3A_2485 : vector<256x128xf32>
    %broadcast_in_dim3A_2530 = vector.shape_cast %eq3A_2519 : vector<1x128xi1> to vector<1x128xi1>
    %broadcast_in_dim3A_2531 = vector.broadcast %broadcast_in_dim3A_2530 : vector<1x128xi1> to vector<256x128xi1>
    %select_n3A_2532 = arith.select %broadcast_in_dim3A_2531, %min3A_2528, %max3A_2529 : vector<256x128xi1>, vector<256x128xf32>
    %broadcast_in_dim3A_2533 = vector.shape_cast %eq3A_2519 : vector<1x128xi1> to vector<1x128xi1>
    %broadcast_in_dim3A_2534 = vector.broadcast %broadcast_in_dim3A_2533 : vector<1x128xi1> to vector<256x128xi1>
    %select_n3A_2535 = arith.select %broadcast_in_dim3A_2534, %max3A_2529, %min3A_2528 : vector<256x128xi1>, vector<256x128xf32>
    %min3A_2536 = arith.minimumf %select_n3A_2443, %select_n3A_2499 : vector<256x128xf32>
    %max3A_2537 = arith.maximumf %select_n3A_2443, %select_n3A_2499 : vector<256x128xf32>
    %broadcast_in_dim3A_2538 = vector.shape_cast %eq3A_2519 : vector<1x128xi1> to vector<1x128xi1>
    %broadcast_in_dim3A_2539 = vector.broadcast %broadcast_in_dim3A_2538 : vector<1x128xi1> to vector<256x128xi1>
    %select_n3A_2540 = arith.select %broadcast_in_dim3A_2539, %min3A_2536, %max3A_2537 : vector<256x128xi1>, vector<256x128xf32>
    %broadcast_in_dim3A_2541 = vector.shape_cast %eq3A_2519 : vector<1x128xi1> to vector<1x128xi1>
    %broadcast_in_dim3A_2542 = vector.broadcast %broadcast_in_dim3A_2541 : vector<1x128xi1> to vector<256x128xi1>
    %select_n3A_2543 = arith.select %broadcast_in_dim3A_2542, %max3A_2537, %min3A_2536 : vector<256x128xi1>, vector<256x128xf32>
    %min3A_2544 = arith.minimumf %select_n3A_2457, %select_n3A_2513 : vector<256x128xf32>
    %max3A_2545 = arith.maximumf %select_n3A_2457, %select_n3A_2513 : vector<256x128xf32>
    %broadcast_in_dim3A_2546 = vector.shape_cast %eq3A_2519 : vector<1x128xi1> to vector<1x128xi1>
    %broadcast_in_dim3A_2547 = vector.broadcast %broadcast_in_dim3A_2546 : vector<1x128xi1> to vector<256x128xi1>
    %select_n3A_2548 = arith.select %broadcast_in_dim3A_2547, %min3A_2544, %max3A_2545 : vector<256x128xi1>, vector<256x128xf32>
    %broadcast_in_dim3A_2549 = vector.shape_cast %eq3A_2519 : vector<1x128xi1> to vector<1x128xi1>
    %broadcast_in_dim3A_2550 = vector.broadcast %broadcast_in_dim3A_2549 : vector<1x128xi1> to vector<256x128xi1>
    %select_n3A_2551 = arith.select %broadcast_in_dim3A_2550, %max3A_2545, %min3A_2544 : vector<256x128xi1>, vector<256x128xf32>
    %and3A_2552 = arith.constant 32 : i32
    %and3A_2553 = vector.broadcast %and3A_2552 : i32 to vector<1x128xi32>
    %and3A_2554 = arith.andi %iota3A, %and3A_2553 : vector<1x128xi32>
    %eq3A_2555 = arith.constant 0 : i32
    %eq3A_2556 = vector.broadcast %eq3A_2555 : i32 to vector<1x128xi32>
    %eq3A_2557 = arith.cmpi eq, %and3A_2554, %eq3A_2556 : vector<1x128xi32>
    %min3A_2558 = arith.minimumf %select_n3A_2524, %select_n3A_2540 : vector<256x128xf32>
    %max3A_2559 = arith.maximumf %select_n3A_2524, %select_n3A_2540 : vector<256x128xf32>
    %broadcast_in_dim3A_2560 = vector.shape_cast %eq3A_2557 : vector<1x128xi1> to vector<1x128xi1>
    %broadcast_in_dim3A_2561 = vector.broadcast %broadcast_in_dim3A_2560 : vector<1x128xi1> to vector<256x128xi1>
    %select_n3A_2562 = arith.select %broadcast_in_dim3A_2561, %min3A_2558, %max3A_2559 : vector<256x128xi1>, vector<256x128xf32>
    %broadcast_in_dim3A_2563 = vector.shape_cast %eq3A_2557 : vector<1x128xi1> to vector<1x128xi1>
    %broadcast_in_dim3A_2564 = vector.broadcast %broadcast_in_dim3A_2563 : vector<1x128xi1> to vector<256x128xi1>
    %select_n3A_2565 = arith.select %broadcast_in_dim3A_2564, %max3A_2559, %min3A_2558 : vector<256x128xi1>, vector<256x128xf32>
    %min3A_2566 = arith.minimumf %select_n3A_2532, %select_n3A_2548 : vector<256x128xf32>
    %max3A_2567 = arith.maximumf %select_n3A_2532, %select_n3A_2548 : vector<256x128xf32>
    %broadcast_in_dim3A_2568 = vector.shape_cast %eq3A_2557 : vector<1x128xi1> to vector<1x128xi1>
    %broadcast_in_dim3A_2569 = vector.broadcast %broadcast_in_dim3A_2568 : vector<1x128xi1> to vector<256x128xi1>
    %select_n3A_2570 = arith.select %broadcast_in_dim3A_2569, %min3A_2566, %max3A_2567 : vector<256x128xi1>, vector<256x128xf32>
    %broadcast_in_dim3A_2571 = vector.shape_cast %eq3A_2557 : vector<1x128xi1> to vector<1x128xi1>
    %broadcast_in_dim3A_2572 = vector.broadcast %broadcast_in_dim3A_2571 : vector<1x128xi1> to vector<256x128xi1>
    %select_n3A_2573 = arith.select %broadcast_in_dim3A_2572, %max3A_2567, %min3A_2566 : vector<256x128xi1>, vector<256x128xf32>
    %min3A_2574 = arith.minimumf %select_n3A_2527, %select_n3A_2543 : vector<256x128xf32>
    %max3A_2575 = arith.maximumf %select_n3A_2527, %select_n3A_2543 : vector<256x128xf32>
    %broadcast_in_dim3A_2576 = vector.shape_cast %eq3A_2557 : vector<1x128xi1> to vector<1x128xi1>
    %broadcast_in_dim3A_2577 = vector.broadcast %broadcast_in_dim3A_2576 : vector<1x128xi1> to vector<256x128xi1>
    %select_n3A_2578 = arith.select %broadcast_in_dim3A_2577, %min3A_2574, %max3A_2575 : vector<256x128xi1>, vector<256x128xf32>
    %broadcast_in_dim3A_2579 = vector.shape_cast %eq3A_2557 : vector<1x128xi1> to vector<1x128xi1>
    %broadcast_in_dim3A_2580 = vector.broadcast %broadcast_in_dim3A_2579 : vector<1x128xi1> to vector<256x128xi1>
    %select_n3A_2581 = arith.select %broadcast_in_dim3A_2580, %max3A_2575, %min3A_2574 : vector<256x128xi1>, vector<256x128xf32>
    %min3A_2582 = arith.minimumf %select_n3A_2535, %select_n3A_2551 : vector<256x128xf32>
    %max3A_2583 = arith.maximumf %select_n3A_2535, %select_n3A_2551 : vector<256x128xf32>
    %broadcast_in_dim3A_2584 = vector.shape_cast %eq3A_2557 : vector<1x128xi1> to vector<1x128xi1>
    %broadcast_in_dim3A_2585 = vector.broadcast %broadcast_in_dim3A_2584 : vector<1x128xi1> to vector<256x128xi1>
    %select_n3A_2586 = arith.select %broadcast_in_dim3A_2585, %min3A_2582, %max3A_2583 : vector<256x128xi1>, vector<256x128xf32>
    %broadcast_in_dim3A_2587 = vector.shape_cast %eq3A_2557 : vector<1x128xi1> to vector<1x128xi1>
    %broadcast_in_dim3A_2588 = vector.broadcast %broadcast_in_dim3A_2587 : vector<1x128xi1> to vector<256x128xi1>
    %select_n3A_2589 = arith.select %broadcast_in_dim3A_2588, %max3A_2583, %min3A_2582 : vector<256x128xi1>, vector<256x128xf32>
    %and3A_2590 = arith.constant 32 : i32
    %and3A_2591 = vector.broadcast %and3A_2590 : i32 to vector<1x128xi32>
    %and3A_2592 = arith.andi %iota3A, %and3A_2591 : vector<1x128xi32>
    %eq3A_2593 = arith.constant 0 : i32
    %eq3A_2594 = vector.broadcast %eq3A_2593 : i32 to vector<1x128xi32>
    %eq3A_2595 = arith.cmpi eq, %and3A_2592, %eq3A_2594 : vector<1x128xi32>
    %min3A_2596 = arith.minimumf %select_n3A_2562, %select_n3A_2570 : vector<256x128xf32>
    %max3A_2597 = arith.maximumf %select_n3A_2562, %select_n3A_2570 : vector<256x128xf32>
    %broadcast_in_dim3A_2598 = vector.shape_cast %eq3A_2595 : vector<1x128xi1> to vector<1x128xi1>
    %broadcast_in_dim3A_2599 = vector.broadcast %broadcast_in_dim3A_2598 : vector<1x128xi1> to vector<256x128xi1>
    %select_n3A_2600 = arith.select %broadcast_in_dim3A_2599, %min3A_2596, %max3A_2597 : vector<256x128xi1>, vector<256x128xf32>
    %broadcast_in_dim3A_2601 = vector.shape_cast %eq3A_2595 : vector<1x128xi1> to vector<1x128xi1>
    %broadcast_in_dim3A_2602 = vector.broadcast %broadcast_in_dim3A_2601 : vector<1x128xi1> to vector<256x128xi1>
    %select_n3A_2603 = arith.select %broadcast_in_dim3A_2602, %max3A_2597, %min3A_2596 : vector<256x128xi1>, vector<256x128xf32>
    %min3A_2604 = arith.minimumf %select_n3A_2565, %select_n3A_2573 : vector<256x128xf32>
    %max3A_2605 = arith.maximumf %select_n3A_2565, %select_n3A_2573 : vector<256x128xf32>
    %broadcast_in_dim3A_2606 = vector.shape_cast %eq3A_2595 : vector<1x128xi1> to vector<1x128xi1>
    %broadcast_in_dim3A_2607 = vector.broadcast %broadcast_in_dim3A_2606 : vector<1x128xi1> to vector<256x128xi1>
    %select_n3A_2608 = arith.select %broadcast_in_dim3A_2607, %min3A_2604, %max3A_2605 : vector<256x128xi1>, vector<256x128xf32>
    %broadcast_in_dim3A_2609 = vector.shape_cast %eq3A_2595 : vector<1x128xi1> to vector<1x128xi1>
    %broadcast_in_dim3A_2610 = vector.broadcast %broadcast_in_dim3A_2609 : vector<1x128xi1> to vector<256x128xi1>
    %select_n3A_2611 = arith.select %broadcast_in_dim3A_2610, %max3A_2605, %min3A_2604 : vector<256x128xi1>, vector<256x128xf32>
    %min3A_2612 = arith.minimumf %select_n3A_2578, %select_n3A_2586 : vector<256x128xf32>
    %max3A_2613 = arith.maximumf %select_n3A_2578, %select_n3A_2586 : vector<256x128xf32>
    %broadcast_in_dim3A_2614 = vector.shape_cast %eq3A_2595 : vector<1x128xi1> to vector<1x128xi1>
    %broadcast_in_dim3A_2615 = vector.broadcast %broadcast_in_dim3A_2614 : vector<1x128xi1> to vector<256x128xi1>
    %select_n3A_2616 = arith.select %broadcast_in_dim3A_2615, %min3A_2612, %max3A_2613 : vector<256x128xi1>, vector<256x128xf32>
    %broadcast_in_dim3A_2617 = vector.shape_cast %eq3A_2595 : vector<1x128xi1> to vector<1x128xi1>
    %broadcast_in_dim3A_2618 = vector.broadcast %broadcast_in_dim3A_2617 : vector<1x128xi1> to vector<256x128xi1>
    %select_n3A_2619 = arith.select %broadcast_in_dim3A_2618, %max3A_2613, %min3A_2612 : vector<256x128xi1>, vector<256x128xf32>
    %min3A_2620 = arith.minimumf %select_n3A_2581, %select_n3A_2589 : vector<256x128xf32>
    %max3A_2621 = arith.maximumf %select_n3A_2581, %select_n3A_2589 : vector<256x128xf32>
    %broadcast_in_dim3A_2622 = vector.shape_cast %eq3A_2595 : vector<1x128xi1> to vector<1x128xi1>
    %broadcast_in_dim3A_2623 = vector.broadcast %broadcast_in_dim3A_2622 : vector<1x128xi1> to vector<256x128xi1>
    %select_n3A_2624 = arith.select %broadcast_in_dim3A_2623, %min3A_2620, %max3A_2621 : vector<256x128xi1>, vector<256x128xf32>
    %broadcast_in_dim3A_2625 = vector.shape_cast %eq3A_2595 : vector<1x128xi1> to vector<1x128xi1>
    %broadcast_in_dim3A_2626 = vector.broadcast %broadcast_in_dim3A_2625 : vector<1x128xi1> to vector<256x128xi1>
    %select_n3A_2627 = arith.select %broadcast_in_dim3A_2626, %max3A_2621, %min3A_2620 : vector<256x128xi1>, vector<256x128xf32>
    %and3A_2628 = arith.constant 32 : i32
    %and3A_2629 = vector.broadcast %and3A_2628 : i32 to vector<1x128xi32>
    %and3A_2630 = arith.andi %iota3A, %and3A_2629 : vector<1x128xi32>
    %eq3A_2631 = arith.constant 0 : i32
    %eq3A_2632 = vector.broadcast %eq3A_2631 : i32 to vector<1x128xi32>
    %eq3A_2633 = arith.cmpi eq, %and3A_2630, %eq3A_2632 : vector<1x128xi32>
    %and3A_2634 = arith.constant 64 : i32
    %and3A_2635 = vector.broadcast %and3A_2634 : i32 to vector<1x128xi32>
    %and3A_2636 = arith.andi %iota3A, %and3A_2635 : vector<1x128xi32>
    %eq3A_2637 = arith.constant 0 : i32
    %eq3A_2638 = vector.broadcast %eq3A_2637 : i32 to vector<1x128xi32>
    %eq3A_2639 = arith.cmpi eq, %and3A_2636, %eq3A_2638 : vector<1x128xi32>
    %eq3A_2640 = arith.xori %eq3A_2639, %eq3A_2633 : vector<1x128xi1>
    %eq3A_2641 = arith.constant dense<true> : vector<1x128xi1>
    %eq3A_2642 = arith.xori %eq3A_2640, %eq3A_2641 : vector<1x128xi1>
    %slice3A_2643 = vector.extract_strided_slice %select_n3A_2600 {offsets = [0, 32], sizes = [256, 96], strides = [1, 1]} : vector<256x128xf32> to vector<256x96xf32>
    %slice3A_2644 = vector.extract_strided_slice %select_n3A_2600 {offsets = [0, 0], sizes = [256, 32], strides = [1, 1]} : vector<256x128xf32> to vector<256x32xf32>
    %concatenate3A_2645 = tpu.concatenate %slice3A_2643, %slice3A_2644 in 1 : vector<256x96xf32>, vector<256x32xf32> -> vector<256x128xf32>
    %slice3A_2646 = vector.extract_strided_slice %select_n3A_2600 {offsets = [0, 96], sizes = [256, 32], strides = [1, 1]} : vector<256x128xf32> to vector<256x32xf32>
    %slice3A_2647 = vector.extract_strided_slice %select_n3A_2600 {offsets = [0, 0], sizes = [256, 96], strides = [1, 1]} : vector<256x128xf32> to vector<256x96xf32>
    %concatenate3A_2648 = tpu.concatenate %slice3A_2646, %slice3A_2647 in 1 : vector<256x32xf32>, vector<256x96xf32> -> vector<256x128xf32>
    %broadcast_in_dim3A_2649 = vector.shape_cast %eq3A_2633 : vector<1x128xi1> to vector<1x128xi1>
    %broadcast_in_dim3A_2650 = vector.broadcast %broadcast_in_dim3A_2649 : vector<1x128xi1> to vector<256x128xi1>
    %select_n3A_2651 = arith.select %broadcast_in_dim3A_2650, %concatenate3A_2645, %concatenate3A_2648 : vector<256x128xi1>, vector<256x128xf32>
    %min3A_2652 = arith.minimumf %select_n3A_2600, %select_n3A_2651 : vector<256x128xf32>
    %max3A_2653 = arith.maximumf %select_n3A_2600, %select_n3A_2651 : vector<256x128xf32>
    %broadcast_in_dim3A_2654 = vector.shape_cast %eq3A_2642 : vector<1x128xi1> to vector<1x128xi1>
    %broadcast_in_dim3A_2655 = vector.broadcast %broadcast_in_dim3A_2654 : vector<1x128xi1> to vector<256x128xi1>
    %select_n3A_2656 = arith.select %broadcast_in_dim3A_2655, %min3A_2652, %max3A_2653 : vector<256x128xi1>, vector<256x128xf32>
    %slice3A_2657 = vector.extract_strided_slice %select_n3A_2603 {offsets = [0, 32], sizes = [256, 96], strides = [1, 1]} : vector<256x128xf32> to vector<256x96xf32>
    %slice3A_2658 = vector.extract_strided_slice %select_n3A_2603 {offsets = [0, 0], sizes = [256, 32], strides = [1, 1]} : vector<256x128xf32> to vector<256x32xf32>
    %concatenate3A_2659 = tpu.concatenate %slice3A_2657, %slice3A_2658 in 1 : vector<256x96xf32>, vector<256x32xf32> -> vector<256x128xf32>
    %slice3A_2660 = vector.extract_strided_slice %select_n3A_2603 {offsets = [0, 96], sizes = [256, 32], strides = [1, 1]} : vector<256x128xf32> to vector<256x32xf32>
    %slice3A_2661 = vector.extract_strided_slice %select_n3A_2603 {offsets = [0, 0], sizes = [256, 96], strides = [1, 1]} : vector<256x128xf32> to vector<256x96xf32>
    %concatenate3A_2662 = tpu.concatenate %slice3A_2660, %slice3A_2661 in 1 : vector<256x32xf32>, vector<256x96xf32> -> vector<256x128xf32>
    %broadcast_in_dim3A_2663 = vector.shape_cast %eq3A_2633 : vector<1x128xi1> to vector<1x128xi1>
    %broadcast_in_dim3A_2664 = vector.broadcast %broadcast_in_dim3A_2663 : vector<1x128xi1> to vector<256x128xi1>
    %select_n3A_2665 = arith.select %broadcast_in_dim3A_2664, %concatenate3A_2659, %concatenate3A_2662 : vector<256x128xi1>, vector<256x128xf32>
    %min3A_2666 = arith.minimumf %select_n3A_2603, %select_n3A_2665 : vector<256x128xf32>
    %max3A_2667 = arith.maximumf %select_n3A_2603, %select_n3A_2665 : vector<256x128xf32>
    %broadcast_in_dim3A_2668 = vector.shape_cast %eq3A_2642 : vector<1x128xi1> to vector<1x128xi1>
    %broadcast_in_dim3A_2669 = vector.broadcast %broadcast_in_dim3A_2668 : vector<1x128xi1> to vector<256x128xi1>
    %select_n3A_2670 = arith.select %broadcast_in_dim3A_2669, %min3A_2666, %max3A_2667 : vector<256x128xi1>, vector<256x128xf32>
    %slice3A_2671 = vector.extract_strided_slice %select_n3A_2608 {offsets = [0, 32], sizes = [256, 96], strides = [1, 1]} : vector<256x128xf32> to vector<256x96xf32>
    %slice3A_2672 = vector.extract_strided_slice %select_n3A_2608 {offsets = [0, 0], sizes = [256, 32], strides = [1, 1]} : vector<256x128xf32> to vector<256x32xf32>
    %concatenate3A_2673 = tpu.concatenate %slice3A_2671, %slice3A_2672 in 1 : vector<256x96xf32>, vector<256x32xf32> -> vector<256x128xf32>
    %slice3A_2674 = vector.extract_strided_slice %select_n3A_2608 {offsets = [0, 96], sizes = [256, 32], strides = [1, 1]} : vector<256x128xf32> to vector<256x32xf32>
    %slice3A_2675 = vector.extract_strided_slice %select_n3A_2608 {offsets = [0, 0], sizes = [256, 96], strides = [1, 1]} : vector<256x128xf32> to vector<256x96xf32>
    %concatenate3A_2676 = tpu.concatenate %slice3A_2674, %slice3A_2675 in 1 : vector<256x32xf32>, vector<256x96xf32> -> vector<256x128xf32>
    %broadcast_in_dim3A_2677 = vector.shape_cast %eq3A_2633 : vector<1x128xi1> to vector<1x128xi1>
    %broadcast_in_dim3A_2678 = vector.broadcast %broadcast_in_dim3A_2677 : vector<1x128xi1> to vector<256x128xi1>
    %select_n3A_2679 = arith.select %broadcast_in_dim3A_2678, %concatenate3A_2673, %concatenate3A_2676 : vector<256x128xi1>, vector<256x128xf32>
    %min3A_2680 = arith.minimumf %select_n3A_2608, %select_n3A_2679 : vector<256x128xf32>
    %max3A_2681 = arith.maximumf %select_n3A_2608, %select_n3A_2679 : vector<256x128xf32>
    %broadcast_in_dim3A_2682 = vector.shape_cast %eq3A_2642 : vector<1x128xi1> to vector<1x128xi1>
    %broadcast_in_dim3A_2683 = vector.broadcast %broadcast_in_dim3A_2682 : vector<1x128xi1> to vector<256x128xi1>
    %select_n3A_2684 = arith.select %broadcast_in_dim3A_2683, %min3A_2680, %max3A_2681 : vector<256x128xi1>, vector<256x128xf32>
    %slice3A_2685 = vector.extract_strided_slice %select_n3A_2611 {offsets = [0, 32], sizes = [256, 96], strides = [1, 1]} : vector<256x128xf32> to vector<256x96xf32>
    %slice3A_2686 = vector.extract_strided_slice %select_n3A_2611 {offsets = [0, 0], sizes = [256, 32], strides = [1, 1]} : vector<256x128xf32> to vector<256x32xf32>
    %concatenate3A_2687 = tpu.concatenate %slice3A_2685, %slice3A_2686 in 1 : vector<256x96xf32>, vector<256x32xf32> -> vector<256x128xf32>
    %slice3A_2688 = vector.extract_strided_slice %select_n3A_2611 {offsets = [0, 96], sizes = [256, 32], strides = [1, 1]} : vector<256x128xf32> to vector<256x32xf32>
    %slice3A_2689 = vector.extract_strided_slice %select_n3A_2611 {offsets = [0, 0], sizes = [256, 96], strides = [1, 1]} : vector<256x128xf32> to vector<256x96xf32>
    %concatenate3A_2690 = tpu.concatenate %slice3A_2688, %slice3A_2689 in 1 : vector<256x32xf32>, vector<256x96xf32> -> vector<256x128xf32>
    %broadcast_in_dim3A_2691 = vector.shape_cast %eq3A_2633 : vector<1x128xi1> to vector<1x128xi1>
    %broadcast_in_dim3A_2692 = vector.broadcast %broadcast_in_dim3A_2691 : vector<1x128xi1> to vector<256x128xi1>
    %select_n3A_2693 = arith.select %broadcast_in_dim3A_2692, %concatenate3A_2687, %concatenate3A_2690 : vector<256x128xi1>, vector<256x128xf32>
    %min3A_2694 = arith.minimumf %select_n3A_2611, %select_n3A_2693 : vector<256x128xf32>
    %max3A_2695 = arith.maximumf %select_n3A_2611, %select_n3A_2693 : vector<256x128xf32>
    %broadcast_in_dim3A_2696 = vector.shape_cast %eq3A_2642 : vector<1x128xi1> to vector<1x128xi1>
    %broadcast_in_dim3A_2697 = vector.broadcast %broadcast_in_dim3A_2696 : vector<1x128xi1> to vector<256x128xi1>
    %select_n3A_2698 = arith.select %broadcast_in_dim3A_2697, %min3A_2694, %max3A_2695 : vector<256x128xi1>, vector<256x128xf32>
    %slice3A_2699 = vector.extract_strided_slice %select_n3A_2616 {offsets = [0, 32], sizes = [256, 96], strides = [1, 1]} : vector<256x128xf32> to vector<256x96xf32>
    %slice3A_2700 = vector.extract_strided_slice %select_n3A_2616 {offsets = [0, 0], sizes = [256, 32], strides = [1, 1]} : vector<256x128xf32> to vector<256x32xf32>
    %concatenate3A_2701 = tpu.concatenate %slice3A_2699, %slice3A_2700 in 1 : vector<256x96xf32>, vector<256x32xf32> -> vector<256x128xf32>
    %slice3A_2702 = vector.extract_strided_slice %select_n3A_2616 {offsets = [0, 96], sizes = [256, 32], strides = [1, 1]} : vector<256x128xf32> to vector<256x32xf32>
    %slice3A_2703 = vector.extract_strided_slice %select_n3A_2616 {offsets = [0, 0], sizes = [256, 96], strides = [1, 1]} : vector<256x128xf32> to vector<256x96xf32>
    %concatenate3A_2704 = tpu.concatenate %slice3A_2702, %slice3A_2703 in 1 : vector<256x32xf32>, vector<256x96xf32> -> vector<256x128xf32>
    %broadcast_in_dim3A_2705 = vector.shape_cast %eq3A_2633 : vector<1x128xi1> to vector<1x128xi1>
    %broadcast_in_dim3A_2706 = vector.broadcast %broadcast_in_dim3A_2705 : vector<1x128xi1> to vector<256x128xi1>
    %select_n3A_2707 = arith.select %broadcast_in_dim3A_2706, %concatenate3A_2701, %concatenate3A_2704 : vector<256x128xi1>, vector<256x128xf32>
    %min3A_2708 = arith.minimumf %select_n3A_2616, %select_n3A_2707 : vector<256x128xf32>
    %max3A_2709 = arith.maximumf %select_n3A_2616, %select_n3A_2707 : vector<256x128xf32>
    %broadcast_in_dim3A_2710 = vector.shape_cast %eq3A_2642 : vector<1x128xi1> to vector<1x128xi1>
    %broadcast_in_dim3A_2711 = vector.broadcast %broadcast_in_dim3A_2710 : vector<1x128xi1> to vector<256x128xi1>
    %select_n3A_2712 = arith.select %broadcast_in_dim3A_2711, %min3A_2708, %max3A_2709 : vector<256x128xi1>, vector<256x128xf32>
    %slice3A_2713 = vector.extract_strided_slice %select_n3A_2619 {offsets = [0, 32], sizes = [256, 96], strides = [1, 1]} : vector<256x128xf32> to vector<256x96xf32>
    %slice3A_2714 = vector.extract_strided_slice %select_n3A_2619 {offsets = [0, 0], sizes = [256, 32], strides = [1, 1]} : vector<256x128xf32> to vector<256x32xf32>
    %concatenate3A_2715 = tpu.concatenate %slice3A_2713, %slice3A_2714 in 1 : vector<256x96xf32>, vector<256x32xf32> -> vector<256x128xf32>
    %slice3A_2716 = vector.extract_strided_slice %select_n3A_2619 {offsets = [0, 96], sizes = [256, 32], strides = [1, 1]} : vector<256x128xf32> to vector<256x32xf32>
    %slice3A_2717 = vector.extract_strided_slice %select_n3A_2619 {offsets = [0, 0], sizes = [256, 96], strides = [1, 1]} : vector<256x128xf32> to vector<256x96xf32>
    %concatenate3A_2718 = tpu.concatenate %slice3A_2716, %slice3A_2717 in 1 : vector<256x32xf32>, vector<256x96xf32> -> vector<256x128xf32>
    %broadcast_in_dim3A_2719 = vector.shape_cast %eq3A_2633 : vector<1x128xi1> to vector<1x128xi1>
    %broadcast_in_dim3A_2720 = vector.broadcast %broadcast_in_dim3A_2719 : vector<1x128xi1> to vector<256x128xi1>
    %select_n3A_2721 = arith.select %broadcast_in_dim3A_2720, %concatenate3A_2715, %concatenate3A_2718 : vector<256x128xi1>, vector<256x128xf32>
    %min3A_2722 = arith.minimumf %select_n3A_2619, %select_n3A_2721 : vector<256x128xf32>
    %max3A_2723 = arith.maximumf %select_n3A_2619, %select_n3A_2721 : vector<256x128xf32>
    %broadcast_in_dim3A_2724 = vector.shape_cast %eq3A_2642 : vector<1x128xi1> to vector<1x128xi1>
    %broadcast_in_dim3A_2725 = vector.broadcast %broadcast_in_dim3A_2724 : vector<1x128xi1> to vector<256x128xi1>
    %select_n3A_2726 = arith.select %broadcast_in_dim3A_2725, %min3A_2722, %max3A_2723 : vector<256x128xi1>, vector<256x128xf32>
    %slice3A_2727 = vector.extract_strided_slice %select_n3A_2624 {offsets = [0, 32], sizes = [256, 96], strides = [1, 1]} : vector<256x128xf32> to vector<256x96xf32>
    %slice3A_2728 = vector.extract_strided_slice %select_n3A_2624 {offsets = [0, 0], sizes = [256, 32], strides = [1, 1]} : vector<256x128xf32> to vector<256x32xf32>
    %concatenate3A_2729 = tpu.concatenate %slice3A_2727, %slice3A_2728 in 1 : vector<256x96xf32>, vector<256x32xf32> -> vector<256x128xf32>
    %slice3A_2730 = vector.extract_strided_slice %select_n3A_2624 {offsets = [0, 96], sizes = [256, 32], strides = [1, 1]} : vector<256x128xf32> to vector<256x32xf32>
    %slice3A_2731 = vector.extract_strided_slice %select_n3A_2624 {offsets = [0, 0], sizes = [256, 96], strides = [1, 1]} : vector<256x128xf32> to vector<256x96xf32>
    %concatenate3A_2732 = tpu.concatenate %slice3A_2730, %slice3A_2731 in 1 : vector<256x32xf32>, vector<256x96xf32> -> vector<256x128xf32>
    %broadcast_in_dim3A_2733 = vector.shape_cast %eq3A_2633 : vector<1x128xi1> to vector<1x128xi1>
    %broadcast_in_dim3A_2734 = vector.broadcast %broadcast_in_dim3A_2733 : vector<1x128xi1> to vector<256x128xi1>
    %select_n3A_2735 = arith.select %broadcast_in_dim3A_2734, %concatenate3A_2729, %concatenate3A_2732 : vector<256x128xi1>, vector<256x128xf32>
    %min3A_2736 = arith.minimumf %select_n3A_2624, %select_n3A_2735 : vector<256x128xf32>
    %max3A_2737 = arith.maximumf %select_n3A_2624, %select_n3A_2735 : vector<256x128xf32>
    %broadcast_in_dim3A_2738 = vector.shape_cast %eq3A_2642 : vector<1x128xi1> to vector<1x128xi1>
    %broadcast_in_dim3A_2739 = vector.broadcast %broadcast_in_dim3A_2738 : vector<1x128xi1> to vector<256x128xi1>
    %select_n3A_2740 = arith.select %broadcast_in_dim3A_2739, %min3A_2736, %max3A_2737 : vector<256x128xi1>, vector<256x128xf32>
    %slice3A_2741 = vector.extract_strided_slice %select_n3A_2627 {offsets = [0, 32], sizes = [256, 96], strides = [1, 1]} : vector<256x128xf32> to vector<256x96xf32>
    %slice3A_2742 = vector.extract_strided_slice %select_n3A_2627 {offsets = [0, 0], sizes = [256, 32], strides = [1, 1]} : vector<256x128xf32> to vector<256x32xf32>
    %concatenate3A_2743 = tpu.concatenate %slice3A_2741, %slice3A_2742 in 1 : vector<256x96xf32>, vector<256x32xf32> -> vector<256x128xf32>
    %slice3A_2744 = vector.extract_strided_slice %select_n3A_2627 {offsets = [0, 96], sizes = [256, 32], strides = [1, 1]} : vector<256x128xf32> to vector<256x32xf32>
    %slice3A_2745 = vector.extract_strided_slice %select_n3A_2627 {offsets = [0, 0], sizes = [256, 96], strides = [1, 1]} : vector<256x128xf32> to vector<256x96xf32>
    %concatenate3A_2746 = tpu.concatenate %slice3A_2744, %slice3A_2745 in 1 : vector<256x32xf32>, vector<256x96xf32> -> vector<256x128xf32>
    %broadcast_in_dim3A_2747 = vector.shape_cast %eq3A_2633 : vector<1x128xi1> to vector<1x128xi1>
    %broadcast_in_dim3A_2748 = vector.broadcast %broadcast_in_dim3A_2747 : vector<1x128xi1> to vector<256x128xi1>
    %select_n3A_2749 = arith.select %broadcast_in_dim3A_2748, %concatenate3A_2743, %concatenate3A_2746 : vector<256x128xi1>, vector<256x128xf32>
    %min3A_2750 = arith.minimumf %select_n3A_2627, %select_n3A_2749 : vector<256x128xf32>
    %max3A_2751 = arith.maximumf %select_n3A_2627, %select_n3A_2749 : vector<256x128xf32>
    %broadcast_in_dim3A_2752 = vector.shape_cast %eq3A_2642 : vector<1x128xi1> to vector<1x128xi1>
    %broadcast_in_dim3A_2753 = vector.broadcast %broadcast_in_dim3A_2752 : vector<1x128xi1> to vector<256x128xi1>
    %select_n3A_2754 = arith.select %broadcast_in_dim3A_2753, %min3A_2750, %max3A_2751 : vector<256x128xi1>, vector<256x128xf32>
    %and3A_2755 = arith.constant 16 : i32
    %and3A_2756 = vector.broadcast %and3A_2755 : i32 to vector<1x128xi32>
    %and3A_2757 = arith.andi %iota3A, %and3A_2756 : vector<1x128xi32>
    %eq3A_2758 = arith.constant 0 : i32
    %eq3A_2759 = vector.broadcast %eq3A_2758 : i32 to vector<1x128xi32>
    %eq3A_2760 = arith.cmpi eq, %and3A_2757, %eq3A_2759 : vector<1x128xi32>
    %and3A_2761 = arith.constant 64 : i32
    %and3A_2762 = vector.broadcast %and3A_2761 : i32 to vector<1x128xi32>
    %and3A_2763 = arith.andi %iota3A, %and3A_2762 : vector<1x128xi32>
    %eq3A_2764 = arith.constant 0 : i32
    %eq3A_2765 = vector.broadcast %eq3A_2764 : i32 to vector<1x128xi32>
    %eq3A_2766 = arith.cmpi eq, %and3A_2763, %eq3A_2765 : vector<1x128xi32>
    %eq3A_2767 = arith.xori %eq3A_2766, %eq3A_2760 : vector<1x128xi1>
    %eq3A_2768 = arith.constant dense<true> : vector<1x128xi1>
    %eq3A_2769 = arith.xori %eq3A_2767, %eq3A_2768 : vector<1x128xi1>
    %slice3A_2770 = vector.extract_strided_slice %select_n3A_2656 {offsets = [0, 16], sizes = [256, 112], strides = [1, 1]} : vector<256x128xf32> to vector<256x112xf32>
    %slice3A_2771 = vector.extract_strided_slice %select_n3A_2656 {offsets = [0, 0], sizes = [256, 16], strides = [1, 1]} : vector<256x128xf32> to vector<256x16xf32>
    %concatenate3A_2772 = tpu.concatenate %slice3A_2770, %slice3A_2771 in 1 : vector<256x112xf32>, vector<256x16xf32> -> vector<256x128xf32>
    %slice3A_2773 = vector.extract_strided_slice %select_n3A_2656 {offsets = [0, 112], sizes = [256, 16], strides = [1, 1]} : vector<256x128xf32> to vector<256x16xf32>
    %slice3A_2774 = vector.extract_strided_slice %select_n3A_2656 {offsets = [0, 0], sizes = [256, 112], strides = [1, 1]} : vector<256x128xf32> to vector<256x112xf32>
    %concatenate3A_2775 = tpu.concatenate %slice3A_2773, %slice3A_2774 in 1 : vector<256x16xf32>, vector<256x112xf32> -> vector<256x128xf32>
    %broadcast_in_dim3A_2776 = vector.shape_cast %eq3A_2760 : vector<1x128xi1> to vector<1x128xi1>
    %broadcast_in_dim3A_2777 = vector.broadcast %broadcast_in_dim3A_2776 : vector<1x128xi1> to vector<256x128xi1>
    %select_n3A_2778 = arith.select %broadcast_in_dim3A_2777, %concatenate3A_2772, %concatenate3A_2775 : vector<256x128xi1>, vector<256x128xf32>
    %min3A_2779 = arith.minimumf %select_n3A_2656, %select_n3A_2778 : vector<256x128xf32>
    %max3A_2780 = arith.maximumf %select_n3A_2656, %select_n3A_2778 : vector<256x128xf32>
    %broadcast_in_dim3A_2781 = vector.shape_cast %eq3A_2769 : vector<1x128xi1> to vector<1x128xi1>
    %broadcast_in_dim3A_2782 = vector.broadcast %broadcast_in_dim3A_2781 : vector<1x128xi1> to vector<256x128xi1>
    %select_n3A_2783 = arith.select %broadcast_in_dim3A_2782, %min3A_2779, %max3A_2780 : vector<256x128xi1>, vector<256x128xf32>
    %slice3A_2784 = vector.extract_strided_slice %select_n3A_2670 {offsets = [0, 16], sizes = [256, 112], strides = [1, 1]} : vector<256x128xf32> to vector<256x112xf32>
    %slice3A_2785 = vector.extract_strided_slice %select_n3A_2670 {offsets = [0, 0], sizes = [256, 16], strides = [1, 1]} : vector<256x128xf32> to vector<256x16xf32>
    %concatenate3A_2786 = tpu.concatenate %slice3A_2784, %slice3A_2785 in 1 : vector<256x112xf32>, vector<256x16xf32> -> vector<256x128xf32>
    %slice3A_2787 = vector.extract_strided_slice %select_n3A_2670 {offsets = [0, 112], sizes = [256, 16], strides = [1, 1]} : vector<256x128xf32> to vector<256x16xf32>
    %slice3A_2788 = vector.extract_strided_slice %select_n3A_2670 {offsets = [0, 0], sizes = [256, 112], strides = [1, 1]} : vector<256x128xf32> to vector<256x112xf32>
    %concatenate3A_2789 = tpu.concatenate %slice3A_2787, %slice3A_2788 in 1 : vector<256x16xf32>, vector<256x112xf32> -> vector<256x128xf32>
    %broadcast_in_dim3A_2790 = vector.shape_cast %eq3A_2760 : vector<1x128xi1> to vector<1x128xi1>
    %broadcast_in_dim3A_2791 = vector.broadcast %broadcast_in_dim3A_2790 : vector<1x128xi1> to vector<256x128xi1>
    %select_n3A_2792 = arith.select %broadcast_in_dim3A_2791, %concatenate3A_2786, %concatenate3A_2789 : vector<256x128xi1>, vector<256x128xf32>
    %min3A_2793 = arith.minimumf %select_n3A_2670, %select_n3A_2792 : vector<256x128xf32>
    %max3A_2794 = arith.maximumf %select_n3A_2670, %select_n3A_2792 : vector<256x128xf32>
    %broadcast_in_dim3A_2795 = vector.shape_cast %eq3A_2769 : vector<1x128xi1> to vector<1x128xi1>
    %broadcast_in_dim3A_2796 = vector.broadcast %broadcast_in_dim3A_2795 : vector<1x128xi1> to vector<256x128xi1>
    %select_n3A_2797 = arith.select %broadcast_in_dim3A_2796, %min3A_2793, %max3A_2794 : vector<256x128xi1>, vector<256x128xf32>
    %slice3A_2798 = vector.extract_strided_slice %select_n3A_2684 {offsets = [0, 16], sizes = [256, 112], strides = [1, 1]} : vector<256x128xf32> to vector<256x112xf32>
    %slice3A_2799 = vector.extract_strided_slice %select_n3A_2684 {offsets = [0, 0], sizes = [256, 16], strides = [1, 1]} : vector<256x128xf32> to vector<256x16xf32>
    %concatenate3A_2800 = tpu.concatenate %slice3A_2798, %slice3A_2799 in 1 : vector<256x112xf32>, vector<256x16xf32> -> vector<256x128xf32>
    %slice3A_2801 = vector.extract_strided_slice %select_n3A_2684 {offsets = [0, 112], sizes = [256, 16], strides = [1, 1]} : vector<256x128xf32> to vector<256x16xf32>
    %slice3A_2802 = vector.extract_strided_slice %select_n3A_2684 {offsets = [0, 0], sizes = [256, 112], strides = [1, 1]} : vector<256x128xf32> to vector<256x112xf32>
    %concatenate3A_2803 = tpu.concatenate %slice3A_2801, %slice3A_2802 in 1 : vector<256x16xf32>, vector<256x112xf32> -> vector<256x128xf32>
    %broadcast_in_dim3A_2804 = vector.shape_cast %eq3A_2760 : vector<1x128xi1> to vector<1x128xi1>
    %broadcast_in_dim3A_2805 = vector.broadcast %broadcast_in_dim3A_2804 : vector<1x128xi1> to vector<256x128xi1>
    %select_n3A_2806 = arith.select %broadcast_in_dim3A_2805, %concatenate3A_2800, %concatenate3A_2803 : vector<256x128xi1>, vector<256x128xf32>
    %min3A_2807 = arith.minimumf %select_n3A_2684, %select_n3A_2806 : vector<256x128xf32>
    %max3A_2808 = arith.maximumf %select_n3A_2684, %select_n3A_2806 : vector<256x128xf32>
    %broadcast_in_dim3A_2809 = vector.shape_cast %eq3A_2769 : vector<1x128xi1> to vector<1x128xi1>
    %broadcast_in_dim3A_2810 = vector.broadcast %broadcast_in_dim3A_2809 : vector<1x128xi1> to vector<256x128xi1>
    %select_n3A_2811 = arith.select %broadcast_in_dim3A_2810, %min3A_2807, %max3A_2808 : vector<256x128xi1>, vector<256x128xf32>
    %slice3A_2812 = vector.extract_strided_slice %select_n3A_2698 {offsets = [0, 16], sizes = [256, 112], strides = [1, 1]} : vector<256x128xf32> to vector<256x112xf32>
    %slice3A_2813 = vector.extract_strided_slice %select_n3A_2698 {offsets = [0, 0], sizes = [256, 16], strides = [1, 1]} : vector<256x128xf32> to vector<256x16xf32>
    %concatenate3A_2814 = tpu.concatenate %slice3A_2812, %slice3A_2813 in 1 : vector<256x112xf32>, vector<256x16xf32> -> vector<256x128xf32>
    %slice3A_2815 = vector.extract_strided_slice %select_n3A_2698 {offsets = [0, 112], sizes = [256, 16], strides = [1, 1]} : vector<256x128xf32> to vector<256x16xf32>
    %slice3A_2816 = vector.extract_strided_slice %select_n3A_2698 {offsets = [0, 0], sizes = [256, 112], strides = [1, 1]} : vector<256x128xf32> to vector<256x112xf32>
    %concatenate3A_2817 = tpu.concatenate %slice3A_2815, %slice3A_2816 in 1 : vector<256x16xf32>, vector<256x112xf32> -> vector<256x128xf32>
    %broadcast_in_dim3A_2818 = vector.shape_cast %eq3A_2760 : vector<1x128xi1> to vector<1x128xi1>
    %broadcast_in_dim3A_2819 = vector.broadcast %broadcast_in_dim3A_2818 : vector<1x128xi1> to vector<256x128xi1>
    %select_n3A_2820 = arith.select %broadcast_in_dim3A_2819, %concatenate3A_2814, %concatenate3A_2817 : vector<256x128xi1>, vector<256x128xf32>
    %min3A_2821 = arith.minimumf %select_n3A_2698, %select_n3A_2820 : vector<256x128xf32>
    %max3A_2822 = arith.maximumf %select_n3A_2698, %select_n3A_2820 : vector<256x128xf32>
    %broadcast_in_dim3A_2823 = vector.shape_cast %eq3A_2769 : vector<1x128xi1> to vector<1x128xi1>
    %broadcast_in_dim3A_2824 = vector.broadcast %broadcast_in_dim3A_2823 : vector<1x128xi1> to vector<256x128xi1>
    %select_n3A_2825 = arith.select %broadcast_in_dim3A_2824, %min3A_2821, %max3A_2822 : vector<256x128xi1>, vector<256x128xf32>
    %slice3A_2826 = vector.extract_strided_slice %select_n3A_2712 {offsets = [0, 16], sizes = [256, 112], strides = [1, 1]} : vector<256x128xf32> to vector<256x112xf32>
    %slice3A_2827 = vector.extract_strided_slice %select_n3A_2712 {offsets = [0, 0], sizes = [256, 16], strides = [1, 1]} : vector<256x128xf32> to vector<256x16xf32>
    %concatenate3A_2828 = tpu.concatenate %slice3A_2826, %slice3A_2827 in 1 : vector<256x112xf32>, vector<256x16xf32> -> vector<256x128xf32>
    %slice3A_2829 = vector.extract_strided_slice %select_n3A_2712 {offsets = [0, 112], sizes = [256, 16], strides = [1, 1]} : vector<256x128xf32> to vector<256x16xf32>
    %slice3A_2830 = vector.extract_strided_slice %select_n3A_2712 {offsets = [0, 0], sizes = [256, 112], strides = [1, 1]} : vector<256x128xf32> to vector<256x112xf32>
    %concatenate3A_2831 = tpu.concatenate %slice3A_2829, %slice3A_2830 in 1 : vector<256x16xf32>, vector<256x112xf32> -> vector<256x128xf32>
    %broadcast_in_dim3A_2832 = vector.shape_cast %eq3A_2760 : vector<1x128xi1> to vector<1x128xi1>
    %broadcast_in_dim3A_2833 = vector.broadcast %broadcast_in_dim3A_2832 : vector<1x128xi1> to vector<256x128xi1>
    %select_n3A_2834 = arith.select %broadcast_in_dim3A_2833, %concatenate3A_2828, %concatenate3A_2831 : vector<256x128xi1>, vector<256x128xf32>
    %min3A_2835 = arith.minimumf %select_n3A_2712, %select_n3A_2834 : vector<256x128xf32>
    %max3A_2836 = arith.maximumf %select_n3A_2712, %select_n3A_2834 : vector<256x128xf32>
    %broadcast_in_dim3A_2837 = vector.shape_cast %eq3A_2769 : vector<1x128xi1> to vector<1x128xi1>
    %broadcast_in_dim3A_2838 = vector.broadcast %broadcast_in_dim3A_2837 : vector<1x128xi1> to vector<256x128xi1>
    %select_n3A_2839 = arith.select %broadcast_in_dim3A_2838, %min3A_2835, %max3A_2836 : vector<256x128xi1>, vector<256x128xf32>
    %slice3A_2840 = vector.extract_strided_slice %select_n3A_2726 {offsets = [0, 16], sizes = [256, 112], strides = [1, 1]} : vector<256x128xf32> to vector<256x112xf32>
    %slice3A_2841 = vector.extract_strided_slice %select_n3A_2726 {offsets = [0, 0], sizes = [256, 16], strides = [1, 1]} : vector<256x128xf32> to vector<256x16xf32>
    %concatenate3A_2842 = tpu.concatenate %slice3A_2840, %slice3A_2841 in 1 : vector<256x112xf32>, vector<256x16xf32> -> vector<256x128xf32>
    %slice3A_2843 = vector.extract_strided_slice %select_n3A_2726 {offsets = [0, 112], sizes = [256, 16], strides = [1, 1]} : vector<256x128xf32> to vector<256x16xf32>
    %slice3A_2844 = vector.extract_strided_slice %select_n3A_2726 {offsets = [0, 0], sizes = [256, 112], strides = [1, 1]} : vector<256x128xf32> to vector<256x112xf32>
    %concatenate3A_2845 = tpu.concatenate %slice3A_2843, %slice3A_2844 in 1 : vector<256x16xf32>, vector<256x112xf32> -> vector<256x128xf32>
    %broadcast_in_dim3A_2846 = vector.shape_cast %eq3A_2760 : vector<1x128xi1> to vector<1x128xi1>
    %broadcast_in_dim3A_2847 = vector.broadcast %broadcast_in_dim3A_2846 : vector<1x128xi1> to vector<256x128xi1>
    %select_n3A_2848 = arith.select %broadcast_in_dim3A_2847, %concatenate3A_2842, %concatenate3A_2845 : vector<256x128xi1>, vector<256x128xf32>
    %min3A_2849 = arith.minimumf %select_n3A_2726, %select_n3A_2848 : vector<256x128xf32>
    %max3A_2850 = arith.maximumf %select_n3A_2726, %select_n3A_2848 : vector<256x128xf32>
    %broadcast_in_dim3A_2851 = vector.shape_cast %eq3A_2769 : vector<1x128xi1> to vector<1x128xi1>
    %broadcast_in_dim3A_2852 = vector.broadcast %broadcast_in_dim3A_2851 : vector<1x128xi1> to vector<256x128xi1>
    %select_n3A_2853 = arith.select %broadcast_in_dim3A_2852, %min3A_2849, %max3A_2850 : vector<256x128xi1>, vector<256x128xf32>
    %slice3A_2854 = vector.extract_strided_slice %select_n3A_2740 {offsets = [0, 16], sizes = [256, 112], strides = [1, 1]} : vector<256x128xf32> to vector<256x112xf32>
    %slice3A_2855 = vector.extract_strided_slice %select_n3A_2740 {offsets = [0, 0], sizes = [256, 16], strides = [1, 1]} : vector<256x128xf32> to vector<256x16xf32>
    %concatenate3A_2856 = tpu.concatenate %slice3A_2854, %slice3A_2855 in 1 : vector<256x112xf32>, vector<256x16xf32> -> vector<256x128xf32>
    %slice3A_2857 = vector.extract_strided_slice %select_n3A_2740 {offsets = [0, 112], sizes = [256, 16], strides = [1, 1]} : vector<256x128xf32> to vector<256x16xf32>
    %slice3A_2858 = vector.extract_strided_slice %select_n3A_2740 {offsets = [0, 0], sizes = [256, 112], strides = [1, 1]} : vector<256x128xf32> to vector<256x112xf32>
    %concatenate3A_2859 = tpu.concatenate %slice3A_2857, %slice3A_2858 in 1 : vector<256x16xf32>, vector<256x112xf32> -> vector<256x128xf32>
    %broadcast_in_dim3A_2860 = vector.shape_cast %eq3A_2760 : vector<1x128xi1> to vector<1x128xi1>
    %broadcast_in_dim3A_2861 = vector.broadcast %broadcast_in_dim3A_2860 : vector<1x128xi1> to vector<256x128xi1>
    %select_n3A_2862 = arith.select %broadcast_in_dim3A_2861, %concatenate3A_2856, %concatenate3A_2859 : vector<256x128xi1>, vector<256x128xf32>
    %min3A_2863 = arith.minimumf %select_n3A_2740, %select_n3A_2862 : vector<256x128xf32>
    %max3A_2864 = arith.maximumf %select_n3A_2740, %select_n3A_2862 : vector<256x128xf32>
    %broadcast_in_dim3A_2865 = vector.shape_cast %eq3A_2769 : vector<1x128xi1> to vector<1x128xi1>
    %broadcast_in_dim3A_2866 = vector.broadcast %broadcast_in_dim3A_2865 : vector<1x128xi1> to vector<256x128xi1>
    %select_n3A_2867 = arith.select %broadcast_in_dim3A_2866, %min3A_2863, %max3A_2864 : vector<256x128xi1>, vector<256x128xf32>
    %slice3A_2868 = vector.extract_strided_slice %select_n3A_2754 {offsets = [0, 16], sizes = [256, 112], strides = [1, 1]} : vector<256x128xf32> to vector<256x112xf32>
    %slice3A_2869 = vector.extract_strided_slice %select_n3A_2754 {offsets = [0, 0], sizes = [256, 16], strides = [1, 1]} : vector<256x128xf32> to vector<256x16xf32>
    %concatenate3A_2870 = tpu.concatenate %slice3A_2868, %slice3A_2869 in 1 : vector<256x112xf32>, vector<256x16xf32> -> vector<256x128xf32>
    %slice3A_2871 = vector.extract_strided_slice %select_n3A_2754 {offsets = [0, 112], sizes = [256, 16], strides = [1, 1]} : vector<256x128xf32> to vector<256x16xf32>
    %slice3A_2872 = vector.extract_strided_slice %select_n3A_2754 {offsets = [0, 0], sizes = [256, 112], strides = [1, 1]} : vector<256x128xf32> to vector<256x112xf32>
    %concatenate3A_2873 = tpu.concatenate %slice3A_2871, %slice3A_2872 in 1 : vector<256x16xf32>, vector<256x112xf32> -> vector<256x128xf32>
    %broadcast_in_dim3A_2874 = vector.shape_cast %eq3A_2760 : vector<1x128xi1> to vector<1x128xi1>
    %broadcast_in_dim3A_2875 = vector.broadcast %broadcast_in_dim3A_2874 : vector<1x128xi1> to vector<256x128xi1>
    %select_n3A_2876 = arith.select %broadcast_in_dim3A_2875, %concatenate3A_2870, %concatenate3A_2873 : vector<256x128xi1>, vector<256x128xf32>
    %min3A_2877 = arith.minimumf %select_n3A_2754, %select_n3A_2876 : vector<256x128xf32>
    %max3A_2878 = arith.maximumf %select_n3A_2754, %select_n3A_2876 : vector<256x128xf32>
    %broadcast_in_dim3A_2879 = vector.shape_cast %eq3A_2769 : vector<1x128xi1> to vector<1x128xi1>
    %broadcast_in_dim3A_2880 = vector.broadcast %broadcast_in_dim3A_2879 : vector<1x128xi1> to vector<256x128xi1>
    %select_n3A_2881 = arith.select %broadcast_in_dim3A_2880, %min3A_2877, %max3A_2878 : vector<256x128xi1>, vector<256x128xf32>
    %and3A_2882 = arith.constant 8 : i32
    %and3A_2883 = vector.broadcast %and3A_2882 : i32 to vector<1x128xi32>
    %and3A_2884 = arith.andi %iota3A, %and3A_2883 : vector<1x128xi32>
    %eq3A_2885 = arith.constant 0 : i32
    %eq3A_2886 = vector.broadcast %eq3A_2885 : i32 to vector<1x128xi32>
    %eq3A_2887 = arith.cmpi eq, %and3A_2884, %eq3A_2886 : vector<1x128xi32>
    %and3A_2888 = arith.constant 64 : i32
    %and3A_2889 = vector.broadcast %and3A_2888 : i32 to vector<1x128xi32>
    %and3A_2890 = arith.andi %iota3A, %and3A_2889 : vector<1x128xi32>
    %eq3A_2891 = arith.constant 0 : i32
    %eq3A_2892 = vector.broadcast %eq3A_2891 : i32 to vector<1x128xi32>
    %eq3A_2893 = arith.cmpi eq, %and3A_2890, %eq3A_2892 : vector<1x128xi32>
    %eq3A_2894 = arith.xori %eq3A_2893, %eq3A_2887 : vector<1x128xi1>
    %eq3A_2895 = arith.constant dense<true> : vector<1x128xi1>
    %eq3A_2896 = arith.xori %eq3A_2894, %eq3A_2895 : vector<1x128xi1>
    %slice3A_2897 = vector.extract_strided_slice %select_n3A_2783 {offsets = [0, 8], sizes = [256, 120], strides = [1, 1]} : vector<256x128xf32> to vector<256x120xf32>
    %slice3A_2898 = vector.extract_strided_slice %select_n3A_2783 {offsets = [0, 0], sizes = [256, 8], strides = [1, 1]} : vector<256x128xf32> to vector<256x8xf32>
    %concatenate3A_2899 = tpu.concatenate %slice3A_2897, %slice3A_2898 in 1 : vector<256x120xf32>, vector<256x8xf32> -> vector<256x128xf32>
    %slice3A_2900 = vector.extract_strided_slice %select_n3A_2783 {offsets = [0, 120], sizes = [256, 8], strides = [1, 1]} : vector<256x128xf32> to vector<256x8xf32>
    %slice3A_2901 = vector.extract_strided_slice %select_n3A_2783 {offsets = [0, 0], sizes = [256, 120], strides = [1, 1]} : vector<256x128xf32> to vector<256x120xf32>
    %concatenate3A_2902 = tpu.concatenate %slice3A_2900, %slice3A_2901 in 1 : vector<256x8xf32>, vector<256x120xf32> -> vector<256x128xf32>
    %broadcast_in_dim3A_2903 = vector.shape_cast %eq3A_2887 : vector<1x128xi1> to vector<1x128xi1>
    %broadcast_in_dim3A_2904 = vector.broadcast %broadcast_in_dim3A_2903 : vector<1x128xi1> to vector<256x128xi1>
    %select_n3A_2905 = arith.select %broadcast_in_dim3A_2904, %concatenate3A_2899, %concatenate3A_2902 : vector<256x128xi1>, vector<256x128xf32>
    %min3A_2906 = arith.minimumf %select_n3A_2783, %select_n3A_2905 : vector<256x128xf32>
    %max3A_2907 = arith.maximumf %select_n3A_2783, %select_n3A_2905 : vector<256x128xf32>
    %broadcast_in_dim3A_2908 = vector.shape_cast %eq3A_2896 : vector<1x128xi1> to vector<1x128xi1>
    %broadcast_in_dim3A_2909 = vector.broadcast %broadcast_in_dim3A_2908 : vector<1x128xi1> to vector<256x128xi1>
    %select_n3A_2910 = arith.select %broadcast_in_dim3A_2909, %min3A_2906, %max3A_2907 : vector<256x128xi1>, vector<256x128xf32>
    %slice3A_2911 = vector.extract_strided_slice %select_n3A_2797 {offsets = [0, 8], sizes = [256, 120], strides = [1, 1]} : vector<256x128xf32> to vector<256x120xf32>
    %slice3A_2912 = vector.extract_strided_slice %select_n3A_2797 {offsets = [0, 0], sizes = [256, 8], strides = [1, 1]} : vector<256x128xf32> to vector<256x8xf32>
    %concatenate3A_2913 = tpu.concatenate %slice3A_2911, %slice3A_2912 in 1 : vector<256x120xf32>, vector<256x8xf32> -> vector<256x128xf32>
    %slice3A_2914 = vector.extract_strided_slice %select_n3A_2797 {offsets = [0, 120], sizes = [256, 8], strides = [1, 1]} : vector<256x128xf32> to vector<256x8xf32>
    %slice3A_2915 = vector.extract_strided_slice %select_n3A_2797 {offsets = [0, 0], sizes = [256, 120], strides = [1, 1]} : vector<256x128xf32> to vector<256x120xf32>
    %concatenate3A_2916 = tpu.concatenate %slice3A_2914, %slice3A_2915 in 1 : vector<256x8xf32>, vector<256x120xf32> -> vector<256x128xf32>
    %broadcast_in_dim3A_2917 = vector.shape_cast %eq3A_2887 : vector<1x128xi1> to vector<1x128xi1>
    %broadcast_in_dim3A_2918 = vector.broadcast %broadcast_in_dim3A_2917 : vector<1x128xi1> to vector<256x128xi1>
    %select_n3A_2919 = arith.select %broadcast_in_dim3A_2918, %concatenate3A_2913, %concatenate3A_2916 : vector<256x128xi1>, vector<256x128xf32>
    %min3A_2920 = arith.minimumf %select_n3A_2797, %select_n3A_2919 : vector<256x128xf32>
    %max3A_2921 = arith.maximumf %select_n3A_2797, %select_n3A_2919 : vector<256x128xf32>
    %broadcast_in_dim3A_2922 = vector.shape_cast %eq3A_2896 : vector<1x128xi1> to vector<1x128xi1>
    %broadcast_in_dim3A_2923 = vector.broadcast %broadcast_in_dim3A_2922 : vector<1x128xi1> to vector<256x128xi1>
    %select_n3A_2924 = arith.select %broadcast_in_dim3A_2923, %min3A_2920, %max3A_2921 : vector<256x128xi1>, vector<256x128xf32>
    %slice3A_2925 = vector.extract_strided_slice %select_n3A_2811 {offsets = [0, 8], sizes = [256, 120], strides = [1, 1]} : vector<256x128xf32> to vector<256x120xf32>
    %slice3A_2926 = vector.extract_strided_slice %select_n3A_2811 {offsets = [0, 0], sizes = [256, 8], strides = [1, 1]} : vector<256x128xf32> to vector<256x8xf32>
    %concatenate3A_2927 = tpu.concatenate %slice3A_2925, %slice3A_2926 in 1 : vector<256x120xf32>, vector<256x8xf32> -> vector<256x128xf32>
    %slice3A_2928 = vector.extract_strided_slice %select_n3A_2811 {offsets = [0, 120], sizes = [256, 8], strides = [1, 1]} : vector<256x128xf32> to vector<256x8xf32>
    %slice3A_2929 = vector.extract_strided_slice %select_n3A_2811 {offsets = [0, 0], sizes = [256, 120], strides = [1, 1]} : vector<256x128xf32> to vector<256x120xf32>
    %concatenate3A_2930 = tpu.concatenate %slice3A_2928, %slice3A_2929 in 1 : vector<256x8xf32>, vector<256x120xf32> -> vector<256x128xf32>
    %broadcast_in_dim3A_2931 = vector.shape_cast %eq3A_2887 : vector<1x128xi1> to vector<1x128xi1>
    %broadcast_in_dim3A_2932 = vector.broadcast %broadcast_in_dim3A_2931 : vector<1x128xi1> to vector<256x128xi1>
    %select_n3A_2933 = arith.select %broadcast_in_dim3A_2932, %concatenate3A_2927, %concatenate3A_2930 : vector<256x128xi1>, vector<256x128xf32>
    %min3A_2934 = arith.minimumf %select_n3A_2811, %select_n3A_2933 : vector<256x128xf32>
    %max3A_2935 = arith.maximumf %select_n3A_2811, %select_n3A_2933 : vector<256x128xf32>
    %broadcast_in_dim3A_2936 = vector.shape_cast %eq3A_2896 : vector<1x128xi1> to vector<1x128xi1>
    %broadcast_in_dim3A_2937 = vector.broadcast %broadcast_in_dim3A_2936 : vector<1x128xi1> to vector<256x128xi1>
    %select_n3A_2938 = arith.select %broadcast_in_dim3A_2937, %min3A_2934, %max3A_2935 : vector<256x128xi1>, vector<256x128xf32>
    %slice3A_2939 = vector.extract_strided_slice %select_n3A_2825 {offsets = [0, 8], sizes = [256, 120], strides = [1, 1]} : vector<256x128xf32> to vector<256x120xf32>
    %slice3A_2940 = vector.extract_strided_slice %select_n3A_2825 {offsets = [0, 0], sizes = [256, 8], strides = [1, 1]} : vector<256x128xf32> to vector<256x8xf32>
    %concatenate3A_2941 = tpu.concatenate %slice3A_2939, %slice3A_2940 in 1 : vector<256x120xf32>, vector<256x8xf32> -> vector<256x128xf32>
    %slice3A_2942 = vector.extract_strided_slice %select_n3A_2825 {offsets = [0, 120], sizes = [256, 8], strides = [1, 1]} : vector<256x128xf32> to vector<256x8xf32>
    %slice3A_2943 = vector.extract_strided_slice %select_n3A_2825 {offsets = [0, 0], sizes = [256, 120], strides = [1, 1]} : vector<256x128xf32> to vector<256x120xf32>
    %concatenate3A_2944 = tpu.concatenate %slice3A_2942, %slice3A_2943 in 1 : vector<256x8xf32>, vector<256x120xf32> -> vector<256x128xf32>
    %broadcast_in_dim3A_2945 = vector.shape_cast %eq3A_2887 : vector<1x128xi1> to vector<1x128xi1>
    %broadcast_in_dim3A_2946 = vector.broadcast %broadcast_in_dim3A_2945 : vector<1x128xi1> to vector<256x128xi1>
    %select_n3A_2947 = arith.select %broadcast_in_dim3A_2946, %concatenate3A_2941, %concatenate3A_2944 : vector<256x128xi1>, vector<256x128xf32>
    %min3A_2948 = arith.minimumf %select_n3A_2825, %select_n3A_2947 : vector<256x128xf32>
    %max3A_2949 = arith.maximumf %select_n3A_2825, %select_n3A_2947 : vector<256x128xf32>
    %broadcast_in_dim3A_2950 = vector.shape_cast %eq3A_2896 : vector<1x128xi1> to vector<1x128xi1>
    %broadcast_in_dim3A_2951 = vector.broadcast %broadcast_in_dim3A_2950 : vector<1x128xi1> to vector<256x128xi1>
    %select_n3A_2952 = arith.select %broadcast_in_dim3A_2951, %min3A_2948, %max3A_2949 : vector<256x128xi1>, vector<256x128xf32>
    %slice3A_2953 = vector.extract_strided_slice %select_n3A_2839 {offsets = [0, 8], sizes = [256, 120], strides = [1, 1]} : vector<256x128xf32> to vector<256x120xf32>
    %slice3A_2954 = vector.extract_strided_slice %select_n3A_2839 {offsets = [0, 0], sizes = [256, 8], strides = [1, 1]} : vector<256x128xf32> to vector<256x8xf32>
    %concatenate3A_2955 = tpu.concatenate %slice3A_2953, %slice3A_2954 in 1 : vector<256x120xf32>, vector<256x8xf32> -> vector<256x128xf32>
    %slice3A_2956 = vector.extract_strided_slice %select_n3A_2839 {offsets = [0, 120], sizes = [256, 8], strides = [1, 1]} : vector<256x128xf32> to vector<256x8xf32>
    %slice3A_2957 = vector.extract_strided_slice %select_n3A_2839 {offsets = [0, 0], sizes = [256, 120], strides = [1, 1]} : vector<256x128xf32> to vector<256x120xf32>
    %concatenate3A_2958 = tpu.concatenate %slice3A_2956, %slice3A_2957 in 1 : vector<256x8xf32>, vector<256x120xf32> -> vector<256x128xf32>
    %broadcast_in_dim3A_2959 = vector.shape_cast %eq3A_2887 : vector<1x128xi1> to vector<1x128xi1>
    %broadcast_in_dim3A_2960 = vector.broadcast %broadcast_in_dim3A_2959 : vector<1x128xi1> to vector<256x128xi1>
    %select_n3A_2961 = arith.select %broadcast_in_dim3A_2960, %concatenate3A_2955, %concatenate3A_2958 : vector<256x128xi1>, vector<256x128xf32>
    %min3A_2962 = arith.minimumf %select_n3A_2839, %select_n3A_2961 : vector<256x128xf32>
    %max3A_2963 = arith.maximumf %select_n3A_2839, %select_n3A_2961 : vector<256x128xf32>
    %broadcast_in_dim3A_2964 = vector.shape_cast %eq3A_2896 : vector<1x128xi1> to vector<1x128xi1>
    %broadcast_in_dim3A_2965 = vector.broadcast %broadcast_in_dim3A_2964 : vector<1x128xi1> to vector<256x128xi1>
    %select_n3A_2966 = arith.select %broadcast_in_dim3A_2965, %min3A_2962, %max3A_2963 : vector<256x128xi1>, vector<256x128xf32>
    %slice3A_2967 = vector.extract_strided_slice %select_n3A_2853 {offsets = [0, 8], sizes = [256, 120], strides = [1, 1]} : vector<256x128xf32> to vector<256x120xf32>
    %slice3A_2968 = vector.extract_strided_slice %select_n3A_2853 {offsets = [0, 0], sizes = [256, 8], strides = [1, 1]} : vector<256x128xf32> to vector<256x8xf32>
    %concatenate3A_2969 = tpu.concatenate %slice3A_2967, %slice3A_2968 in 1 : vector<256x120xf32>, vector<256x8xf32> -> vector<256x128xf32>
    %slice3A_2970 = vector.extract_strided_slice %select_n3A_2853 {offsets = [0, 120], sizes = [256, 8], strides = [1, 1]} : vector<256x128xf32> to vector<256x8xf32>
    %slice3A_2971 = vector.extract_strided_slice %select_n3A_2853 {offsets = [0, 0], sizes = [256, 120], strides = [1, 1]} : vector<256x128xf32> to vector<256x120xf32>
    %concatenate3A_2972 = tpu.concatenate %slice3A_2970, %slice3A_2971 in 1 : vector<256x8xf32>, vector<256x120xf32> -> vector<256x128xf32>
    %broadcast_in_dim3A_2973 = vector.shape_cast %eq3A_2887 : vector<1x128xi1> to vector<1x128xi1>
    %broadcast_in_dim3A_2974 = vector.broadcast %broadcast_in_dim3A_2973 : vector<1x128xi1> to vector<256x128xi1>
    %select_n3A_2975 = arith.select %broadcast_in_dim3A_2974, %concatenate3A_2969, %concatenate3A_2972 : vector<256x128xi1>, vector<256x128xf32>
    %min3A_2976 = arith.minimumf %select_n3A_2853, %select_n3A_2975 : vector<256x128xf32>
    %max3A_2977 = arith.maximumf %select_n3A_2853, %select_n3A_2975 : vector<256x128xf32>
    %broadcast_in_dim3A_2978 = vector.shape_cast %eq3A_2896 : vector<1x128xi1> to vector<1x128xi1>
    %broadcast_in_dim3A_2979 = vector.broadcast %broadcast_in_dim3A_2978 : vector<1x128xi1> to vector<256x128xi1>
    %select_n3A_2980 = arith.select %broadcast_in_dim3A_2979, %min3A_2976, %max3A_2977 : vector<256x128xi1>, vector<256x128xf32>
    %slice3A_2981 = vector.extract_strided_slice %select_n3A_2867 {offsets = [0, 8], sizes = [256, 120], strides = [1, 1]} : vector<256x128xf32> to vector<256x120xf32>
    %slice3A_2982 = vector.extract_strided_slice %select_n3A_2867 {offsets = [0, 0], sizes = [256, 8], strides = [1, 1]} : vector<256x128xf32> to vector<256x8xf32>
    %concatenate3A_2983 = tpu.concatenate %slice3A_2981, %slice3A_2982 in 1 : vector<256x120xf32>, vector<256x8xf32> -> vector<256x128xf32>
    %slice3A_2984 = vector.extract_strided_slice %select_n3A_2867 {offsets = [0, 120], sizes = [256, 8], strides = [1, 1]} : vector<256x128xf32> to vector<256x8xf32>
    %slice3A_2985 = vector.extract_strided_slice %select_n3A_2867 {offsets = [0, 0], sizes = [256, 120], strides = [1, 1]} : vector<256x128xf32> to vector<256x120xf32>
    %concatenate3A_2986 = tpu.concatenate %slice3A_2984, %slice3A_2985 in 1 : vector<256x8xf32>, vector<256x120xf32> -> vector<256x128xf32>
    %broadcast_in_dim3A_2987 = vector.shape_cast %eq3A_2887 : vector<1x128xi1> to vector<1x128xi1>
    %broadcast_in_dim3A_2988 = vector.broadcast %broadcast_in_dim3A_2987 : vector<1x128xi1> to vector<256x128xi1>
    %select_n3A_2989 = arith.select %broadcast_in_dim3A_2988, %concatenate3A_2983, %concatenate3A_2986 : vector<256x128xi1>, vector<256x128xf32>
    %min3A_2990 = arith.minimumf %select_n3A_2867, %select_n3A_2989 : vector<256x128xf32>
    %max3A_2991 = arith.maximumf %select_n3A_2867, %select_n3A_2989 : vector<256x128xf32>
    %broadcast_in_dim3A_2992 = vector.shape_cast %eq3A_2896 : vector<1x128xi1> to vector<1x128xi1>
    %broadcast_in_dim3A_2993 = vector.broadcast %broadcast_in_dim3A_2992 : vector<1x128xi1> to vector<256x128xi1>
    %select_n3A_2994 = arith.select %broadcast_in_dim3A_2993, %min3A_2990, %max3A_2991 : vector<256x128xi1>, vector<256x128xf32>
    %slice3A_2995 = vector.extract_strided_slice %select_n3A_2881 {offsets = [0, 8], sizes = [256, 120], strides = [1, 1]} : vector<256x128xf32> to vector<256x120xf32>
    %slice3A_2996 = vector.extract_strided_slice %select_n3A_2881 {offsets = [0, 0], sizes = [256, 8], strides = [1, 1]} : vector<256x128xf32> to vector<256x8xf32>
    %concatenate3A_2997 = tpu.concatenate %slice3A_2995, %slice3A_2996 in 1 : vector<256x120xf32>, vector<256x8xf32> -> vector<256x128xf32>
    %slice3A_2998 = vector.extract_strided_slice %select_n3A_2881 {offsets = [0, 120], sizes = [256, 8], strides = [1, 1]} : vector<256x128xf32> to vector<256x8xf32>
    %slice3A_2999 = vector.extract_strided_slice %select_n3A_2881 {offsets = [0, 0], sizes = [256, 120], strides = [1, 1]} : vector<256x128xf32> to vector<256x120xf32>
    %concatenate3A_3000 = tpu.concatenate %slice3A_2998, %slice3A_2999 in 1 : vector<256x8xf32>, vector<256x120xf32> -> vector<256x128xf32>
    %broadcast_in_dim3A_3001 = vector.shape_cast %eq3A_2887 : vector<1x128xi1> to vector<1x128xi1>
    %broadcast_in_dim3A_3002 = vector.broadcast %broadcast_in_dim3A_3001 : vector<1x128xi1> to vector<256x128xi1>
    %select_n3A_3003 = arith.select %broadcast_in_dim3A_3002, %concatenate3A_2997, %concatenate3A_3000 : vector<256x128xi1>, vector<256x128xf32>
    %min3A_3004 = arith.minimumf %select_n3A_2881, %select_n3A_3003 : vector<256x128xf32>
    %max3A_3005 = arith.maximumf %select_n3A_2881, %select_n3A_3003 : vector<256x128xf32>
    %broadcast_in_dim3A_3006 = vector.shape_cast %eq3A_2896 : vector<1x128xi1> to vector<1x128xi1>
    %broadcast_in_dim3A_3007 = vector.broadcast %broadcast_in_dim3A_3006 : vector<1x128xi1> to vector<256x128xi1>
    %select_n3A_3008 = arith.select %broadcast_in_dim3A_3007, %min3A_3004, %max3A_3005 : vector<256x128xi1>, vector<256x128xf32>
    %and3A_3009 = arith.constant 4 : i32
    %and3A_3010 = vector.broadcast %and3A_3009 : i32 to vector<1x128xi32>
    %and3A_3011 = arith.andi %iota3A, %and3A_3010 : vector<1x128xi32>
    %eq3A_3012 = arith.constant 0 : i32
    %eq3A_3013 = vector.broadcast %eq3A_3012 : i32 to vector<1x128xi32>
    %eq3A_3014 = arith.cmpi eq, %and3A_3011, %eq3A_3013 : vector<1x128xi32>
    %and3A_3015 = arith.constant 64 : i32
    %and3A_3016 = vector.broadcast %and3A_3015 : i32 to vector<1x128xi32>
    %and3A_3017 = arith.andi %iota3A, %and3A_3016 : vector<1x128xi32>
    %eq3A_3018 = arith.constant 0 : i32
    %eq3A_3019 = vector.broadcast %eq3A_3018 : i32 to vector<1x128xi32>
    %eq3A_3020 = arith.cmpi eq, %and3A_3017, %eq3A_3019 : vector<1x128xi32>
    %eq3A_3021 = arith.xori %eq3A_3020, %eq3A_3014 : vector<1x128xi1>
    %eq3A_3022 = arith.constant dense<true> : vector<1x128xi1>
    %eq3A_3023 = arith.xori %eq3A_3021, %eq3A_3022 : vector<1x128xi1>
    %slice3A_3024 = vector.extract_strided_slice %select_n3A_2910 {offsets = [0, 4], sizes = [256, 124], strides = [1, 1]} : vector<256x128xf32> to vector<256x124xf32>
    %slice3A_3025 = vector.extract_strided_slice %select_n3A_2910 {offsets = [0, 0], sizes = [256, 4], strides = [1, 1]} : vector<256x128xf32> to vector<256x4xf32>
    %concatenate3A_3026 = tpu.concatenate %slice3A_3024, %slice3A_3025 in 1 : vector<256x124xf32>, vector<256x4xf32> -> vector<256x128xf32>
    %slice3A_3027 = vector.extract_strided_slice %select_n3A_2910 {offsets = [0, 124], sizes = [256, 4], strides = [1, 1]} : vector<256x128xf32> to vector<256x4xf32>
    %slice3A_3028 = vector.extract_strided_slice %select_n3A_2910 {offsets = [0, 0], sizes = [256, 124], strides = [1, 1]} : vector<256x128xf32> to vector<256x124xf32>
    %concatenate3A_3029 = tpu.concatenate %slice3A_3027, %slice3A_3028 in 1 : vector<256x4xf32>, vector<256x124xf32> -> vector<256x128xf32>
    %broadcast_in_dim3A_3030 = vector.shape_cast %eq3A_3014 : vector<1x128xi1> to vector<1x128xi1>
    %broadcast_in_dim3A_3031 = vector.broadcast %broadcast_in_dim3A_3030 : vector<1x128xi1> to vector<256x128xi1>
    %select_n3A_3032 = arith.select %broadcast_in_dim3A_3031, %concatenate3A_3026, %concatenate3A_3029 : vector<256x128xi1>, vector<256x128xf32>
    %min3A_3033 = arith.minimumf %select_n3A_2910, %select_n3A_3032 : vector<256x128xf32>
    %max3A_3034 = arith.maximumf %select_n3A_2910, %select_n3A_3032 : vector<256x128xf32>
    %broadcast_in_dim3A_3035 = vector.shape_cast %eq3A_3023 : vector<1x128xi1> to vector<1x128xi1>
    %broadcast_in_dim3A_3036 = vector.broadcast %broadcast_in_dim3A_3035 : vector<1x128xi1> to vector<256x128xi1>
    %select_n3A_3037 = arith.select %broadcast_in_dim3A_3036, %min3A_3033, %max3A_3034 : vector<256x128xi1>, vector<256x128xf32>
    %slice3A_3038 = vector.extract_strided_slice %select_n3A_2924 {offsets = [0, 4], sizes = [256, 124], strides = [1, 1]} : vector<256x128xf32> to vector<256x124xf32>
    %slice3A_3039 = vector.extract_strided_slice %select_n3A_2924 {offsets = [0, 0], sizes = [256, 4], strides = [1, 1]} : vector<256x128xf32> to vector<256x4xf32>
    %concatenate3A_3040 = tpu.concatenate %slice3A_3038, %slice3A_3039 in 1 : vector<256x124xf32>, vector<256x4xf32> -> vector<256x128xf32>
    %slice3A_3041 = vector.extract_strided_slice %select_n3A_2924 {offsets = [0, 124], sizes = [256, 4], strides = [1, 1]} : vector<256x128xf32> to vector<256x4xf32>
    %slice3A_3042 = vector.extract_strided_slice %select_n3A_2924 {offsets = [0, 0], sizes = [256, 124], strides = [1, 1]} : vector<256x128xf32> to vector<256x124xf32>
    %concatenate3A_3043 = tpu.concatenate %slice3A_3041, %slice3A_3042 in 1 : vector<256x4xf32>, vector<256x124xf32> -> vector<256x128xf32>
    %broadcast_in_dim3A_3044 = vector.shape_cast %eq3A_3014 : vector<1x128xi1> to vector<1x128xi1>
    %broadcast_in_dim3A_3045 = vector.broadcast %broadcast_in_dim3A_3044 : vector<1x128xi1> to vector<256x128xi1>
    %select_n3A_3046 = arith.select %broadcast_in_dim3A_3045, %concatenate3A_3040, %concatenate3A_3043 : vector<256x128xi1>, vector<256x128xf32>
    %min3A_3047 = arith.minimumf %select_n3A_2924, %select_n3A_3046 : vector<256x128xf32>
    %max3A_3048 = arith.maximumf %select_n3A_2924, %select_n3A_3046 : vector<256x128xf32>
    %broadcast_in_dim3A_3049 = vector.shape_cast %eq3A_3023 : vector<1x128xi1> to vector<1x128xi1>
    %broadcast_in_dim3A_3050 = vector.broadcast %broadcast_in_dim3A_3049 : vector<1x128xi1> to vector<256x128xi1>
    %select_n3A_3051 = arith.select %broadcast_in_dim3A_3050, %min3A_3047, %max3A_3048 : vector<256x128xi1>, vector<256x128xf32>
    %slice3A_3052 = vector.extract_strided_slice %select_n3A_2938 {offsets = [0, 4], sizes = [256, 124], strides = [1, 1]} : vector<256x128xf32> to vector<256x124xf32>
    %slice3A_3053 = vector.extract_strided_slice %select_n3A_2938 {offsets = [0, 0], sizes = [256, 4], strides = [1, 1]} : vector<256x128xf32> to vector<256x4xf32>
    %concatenate3A_3054 = tpu.concatenate %slice3A_3052, %slice3A_3053 in 1 : vector<256x124xf32>, vector<256x4xf32> -> vector<256x128xf32>
    %slice3A_3055 = vector.extract_strided_slice %select_n3A_2938 {offsets = [0, 124], sizes = [256, 4], strides = [1, 1]} : vector<256x128xf32> to vector<256x4xf32>
    %slice3A_3056 = vector.extract_strided_slice %select_n3A_2938 {offsets = [0, 0], sizes = [256, 124], strides = [1, 1]} : vector<256x128xf32> to vector<256x124xf32>
    %concatenate3A_3057 = tpu.concatenate %slice3A_3055, %slice3A_3056 in 1 : vector<256x4xf32>, vector<256x124xf32> -> vector<256x128xf32>
    %broadcast_in_dim3A_3058 = vector.shape_cast %eq3A_3014 : vector<1x128xi1> to vector<1x128xi1>
    %broadcast_in_dim3A_3059 = vector.broadcast %broadcast_in_dim3A_3058 : vector<1x128xi1> to vector<256x128xi1>
    %select_n3A_3060 = arith.select %broadcast_in_dim3A_3059, %concatenate3A_3054, %concatenate3A_3057 : vector<256x128xi1>, vector<256x128xf32>
    %min3A_3061 = arith.minimumf %select_n3A_2938, %select_n3A_3060 : vector<256x128xf32>
    %max3A_3062 = arith.maximumf %select_n3A_2938, %select_n3A_3060 : vector<256x128xf32>
    %broadcast_in_dim3A_3063 = vector.shape_cast %eq3A_3023 : vector<1x128xi1> to vector<1x128xi1>
    %broadcast_in_dim3A_3064 = vector.broadcast %broadcast_in_dim3A_3063 : vector<1x128xi1> to vector<256x128xi1>
    %select_n3A_3065 = arith.select %broadcast_in_dim3A_3064, %min3A_3061, %max3A_3062 : vector<256x128xi1>, vector<256x128xf32>
    %slice3A_3066 = vector.extract_strided_slice %select_n3A_2952 {offsets = [0, 4], sizes = [256, 124], strides = [1, 1]} : vector<256x128xf32> to vector<256x124xf32>
    %slice3A_3067 = vector.extract_strided_slice %select_n3A_2952 {offsets = [0, 0], sizes = [256, 4], strides = [1, 1]} : vector<256x128xf32> to vector<256x4xf32>
    %concatenate3A_3068 = tpu.concatenate %slice3A_3066, %slice3A_3067 in 1 : vector<256x124xf32>, vector<256x4xf32> -> vector<256x128xf32>
    %slice3A_3069 = vector.extract_strided_slice %select_n3A_2952 {offsets = [0, 124], sizes = [256, 4], strides = [1, 1]} : vector<256x128xf32> to vector<256x4xf32>
    %slice3A_3070 = vector.extract_strided_slice %select_n3A_2952 {offsets = [0, 0], sizes = [256, 124], strides = [1, 1]} : vector<256x128xf32> to vector<256x124xf32>
    %concatenate3A_3071 = tpu.concatenate %slice3A_3069, %slice3A_3070 in 1 : vector<256x4xf32>, vector<256x124xf32> -> vector<256x128xf32>
    %broadcast_in_dim3A_3072 = vector.shape_cast %eq3A_3014 : vector<1x128xi1> to vector<1x128xi1>
    %broadcast_in_dim3A_3073 = vector.broadcast %broadcast_in_dim3A_3072 : vector<1x128xi1> to vector<256x128xi1>
    %select_n3A_3074 = arith.select %broadcast_in_dim3A_3073, %concatenate3A_3068, %concatenate3A_3071 : vector<256x128xi1>, vector<256x128xf32>
    %min3A_3075 = arith.minimumf %select_n3A_2952, %select_n3A_3074 : vector<256x128xf32>
    %max3A_3076 = arith.maximumf %select_n3A_2952, %select_n3A_3074 : vector<256x128xf32>
    %broadcast_in_dim3A_3077 = vector.shape_cast %eq3A_3023 : vector<1x128xi1> to vector<1x128xi1>
    %broadcast_in_dim3A_3078 = vector.broadcast %broadcast_in_dim3A_3077 : vector<1x128xi1> to vector<256x128xi1>
    %select_n3A_3079 = arith.select %broadcast_in_dim3A_3078, %min3A_3075, %max3A_3076 : vector<256x128xi1>, vector<256x128xf32>
    %slice3A_3080 = vector.extract_strided_slice %select_n3A_2966 {offsets = [0, 4], sizes = [256, 124], strides = [1, 1]} : vector<256x128xf32> to vector<256x124xf32>
    %slice3A_3081 = vector.extract_strided_slice %select_n3A_2966 {offsets = [0, 0], sizes = [256, 4], strides = [1, 1]} : vector<256x128xf32> to vector<256x4xf32>
    %concatenate3A_3082 = tpu.concatenate %slice3A_3080, %slice3A_3081 in 1 : vector<256x124xf32>, vector<256x4xf32> -> vector<256x128xf32>
    %slice3A_3083 = vector.extract_strided_slice %select_n3A_2966 {offsets = [0, 124], sizes = [256, 4], strides = [1, 1]} : vector<256x128xf32> to vector<256x4xf32>
    %slice3A_3084 = vector.extract_strided_slice %select_n3A_2966 {offsets = [0, 0], sizes = [256, 124], strides = [1, 1]} : vector<256x128xf32> to vector<256x124xf32>
    %concatenate3A_3085 = tpu.concatenate %slice3A_3083, %slice3A_3084 in 1 : vector<256x4xf32>, vector<256x124xf32> -> vector<256x128xf32>
    %broadcast_in_dim3A_3086 = vector.shape_cast %eq3A_3014 : vector<1x128xi1> to vector<1x128xi1>
    %broadcast_in_dim3A_3087 = vector.broadcast %broadcast_in_dim3A_3086 : vector<1x128xi1> to vector<256x128xi1>
    %select_n3A_3088 = arith.select %broadcast_in_dim3A_3087, %concatenate3A_3082, %concatenate3A_3085 : vector<256x128xi1>, vector<256x128xf32>
    %min3A_3089 = arith.minimumf %select_n3A_2966, %select_n3A_3088 : vector<256x128xf32>
    %max3A_3090 = arith.maximumf %select_n3A_2966, %select_n3A_3088 : vector<256x128xf32>
    %broadcast_in_dim3A_3091 = vector.shape_cast %eq3A_3023 : vector<1x128xi1> to vector<1x128xi1>
    %broadcast_in_dim3A_3092 = vector.broadcast %broadcast_in_dim3A_3091 : vector<1x128xi1> to vector<256x128xi1>
    %select_n3A_3093 = arith.select %broadcast_in_dim3A_3092, %min3A_3089, %max3A_3090 : vector<256x128xi1>, vector<256x128xf32>
    %slice3A_3094 = vector.extract_strided_slice %select_n3A_2980 {offsets = [0, 4], sizes = [256, 124], strides = [1, 1]} : vector<256x128xf32> to vector<256x124xf32>
    %slice3A_3095 = vector.extract_strided_slice %select_n3A_2980 {offsets = [0, 0], sizes = [256, 4], strides = [1, 1]} : vector<256x128xf32> to vector<256x4xf32>
    %concatenate3A_3096 = tpu.concatenate %slice3A_3094, %slice3A_3095 in 1 : vector<256x124xf32>, vector<256x4xf32> -> vector<256x128xf32>
    %slice3A_3097 = vector.extract_strided_slice %select_n3A_2980 {offsets = [0, 124], sizes = [256, 4], strides = [1, 1]} : vector<256x128xf32> to vector<256x4xf32>
    %slice3A_3098 = vector.extract_strided_slice %select_n3A_2980 {offsets = [0, 0], sizes = [256, 124], strides = [1, 1]} : vector<256x128xf32> to vector<256x124xf32>
    %concatenate3A_3099 = tpu.concatenate %slice3A_3097, %slice3A_3098 in 1 : vector<256x4xf32>, vector<256x124xf32> -> vector<256x128xf32>
    %broadcast_in_dim3A_3100 = vector.shape_cast %eq3A_3014 : vector<1x128xi1> to vector<1x128xi1>
    %broadcast_in_dim3A_3101 = vector.broadcast %broadcast_in_dim3A_3100 : vector<1x128xi1> to vector<256x128xi1>
    %select_n3A_3102 = arith.select %broadcast_in_dim3A_3101, %concatenate3A_3096, %concatenate3A_3099 : vector<256x128xi1>, vector<256x128xf32>
    %min3A_3103 = arith.minimumf %select_n3A_2980, %select_n3A_3102 : vector<256x128xf32>
    %max3A_3104 = arith.maximumf %select_n3A_2980, %select_n3A_3102 : vector<256x128xf32>
    %broadcast_in_dim3A_3105 = vector.shape_cast %eq3A_3023 : vector<1x128xi1> to vector<1x128xi1>
    %broadcast_in_dim3A_3106 = vector.broadcast %broadcast_in_dim3A_3105 : vector<1x128xi1> to vector<256x128xi1>
    %select_n3A_3107 = arith.select %broadcast_in_dim3A_3106, %min3A_3103, %max3A_3104 : vector<256x128xi1>, vector<256x128xf32>
    %slice3A_3108 = vector.extract_strided_slice %select_n3A_2994 {offsets = [0, 4], sizes = [256, 124], strides = [1, 1]} : vector<256x128xf32> to vector<256x124xf32>
    %slice3A_3109 = vector.extract_strided_slice %select_n3A_2994 {offsets = [0, 0], sizes = [256, 4], strides = [1, 1]} : vector<256x128xf32> to vector<256x4xf32>
    %concatenate3A_3110 = tpu.concatenate %slice3A_3108, %slice3A_3109 in 1 : vector<256x124xf32>, vector<256x4xf32> -> vector<256x128xf32>
    %slice3A_3111 = vector.extract_strided_slice %select_n3A_2994 {offsets = [0, 124], sizes = [256, 4], strides = [1, 1]} : vector<256x128xf32> to vector<256x4xf32>
    %slice3A_3112 = vector.extract_strided_slice %select_n3A_2994 {offsets = [0, 0], sizes = [256, 124], strides = [1, 1]} : vector<256x128xf32> to vector<256x124xf32>
    %concatenate3A_3113 = tpu.concatenate %slice3A_3111, %slice3A_3112 in 1 : vector<256x4xf32>, vector<256x124xf32> -> vector<256x128xf32>
    %broadcast_in_dim3A_3114 = vector.shape_cast %eq3A_3014 : vector<1x128xi1> to vector<1x128xi1>
    %broadcast_in_dim3A_3115 = vector.broadcast %broadcast_in_dim3A_3114 : vector<1x128xi1> to vector<256x128xi1>
    %select_n3A_3116 = arith.select %broadcast_in_dim3A_3115, %concatenate3A_3110, %concatenate3A_3113 : vector<256x128xi1>, vector<256x128xf32>
    %min3A_3117 = arith.minimumf %select_n3A_2994, %select_n3A_3116 : vector<256x128xf32>
    %max3A_3118 = arith.maximumf %select_n3A_2994, %select_n3A_3116 : vector<256x128xf32>
    %broadcast_in_dim3A_3119 = vector.shape_cast %eq3A_3023 : vector<1x128xi1> to vector<1x128xi1>
    %broadcast_in_dim3A_3120 = vector.broadcast %broadcast_in_dim3A_3119 : vector<1x128xi1> to vector<256x128xi1>
    %select_n3A_3121 = arith.select %broadcast_in_dim3A_3120, %min3A_3117, %max3A_3118 : vector<256x128xi1>, vector<256x128xf32>
    %slice3A_3122 = vector.extract_strided_slice %select_n3A_3008 {offsets = [0, 4], sizes = [256, 124], strides = [1, 1]} : vector<256x128xf32> to vector<256x124xf32>
    %slice3A_3123 = vector.extract_strided_slice %select_n3A_3008 {offsets = [0, 0], sizes = [256, 4], strides = [1, 1]} : vector<256x128xf32> to vector<256x4xf32>
    %concatenate3A_3124 = tpu.concatenate %slice3A_3122, %slice3A_3123 in 1 : vector<256x124xf32>, vector<256x4xf32> -> vector<256x128xf32>
    %slice3A_3125 = vector.extract_strided_slice %select_n3A_3008 {offsets = [0, 124], sizes = [256, 4], strides = [1, 1]} : vector<256x128xf32> to vector<256x4xf32>
    %slice3A_3126 = vector.extract_strided_slice %select_n3A_3008 {offsets = [0, 0], sizes = [256, 124], strides = [1, 1]} : vector<256x128xf32> to vector<256x124xf32>
    %concatenate3A_3127 = tpu.concatenate %slice3A_3125, %slice3A_3126 in 1 : vector<256x4xf32>, vector<256x124xf32> -> vector<256x128xf32>
    %broadcast_in_dim3A_3128 = vector.shape_cast %eq3A_3014 : vector<1x128xi1> to vector<1x128xi1>
    %broadcast_in_dim3A_3129 = vector.broadcast %broadcast_in_dim3A_3128 : vector<1x128xi1> to vector<256x128xi1>
    %select_n3A_3130 = arith.select %broadcast_in_dim3A_3129, %concatenate3A_3124, %concatenate3A_3127 : vector<256x128xi1>, vector<256x128xf32>
    %min3A_3131 = arith.minimumf %select_n3A_3008, %select_n3A_3130 : vector<256x128xf32>
    %max3A_3132 = arith.maximumf %select_n3A_3008, %select_n3A_3130 : vector<256x128xf32>
    %broadcast_in_dim3A_3133 = vector.shape_cast %eq3A_3023 : vector<1x128xi1> to vector<1x128xi1>
    %broadcast_in_dim3A_3134 = vector.broadcast %broadcast_in_dim3A_3133 : vector<1x128xi1> to vector<256x128xi1>
    %select_n3A_3135 = arith.select %broadcast_in_dim3A_3134, %min3A_3131, %max3A_3132 : vector<256x128xi1>, vector<256x128xf32>
    %and3A_3136 = arith.constant 2 : i32
    %and3A_3137 = vector.broadcast %and3A_3136 : i32 to vector<1x128xi32>
    %and3A_3138 = arith.andi %iota3A, %and3A_3137 : vector<1x128xi32>
    %eq3A_3139 = arith.constant 0 : i32
    %eq3A_3140 = vector.broadcast %eq3A_3139 : i32 to vector<1x128xi32>
    %eq3A_3141 = arith.cmpi eq, %and3A_3138, %eq3A_3140 : vector<1x128xi32>
    %and3A_3142 = arith.constant 64 : i32
    %and3A_3143 = vector.broadcast %and3A_3142 : i32 to vector<1x128xi32>
    %and3A_3144 = arith.andi %iota3A, %and3A_3143 : vector<1x128xi32>
    %eq3A_3145 = arith.constant 0 : i32
    %eq3A_3146 = vector.broadcast %eq3A_3145 : i32 to vector<1x128xi32>
    %eq3A_3147 = arith.cmpi eq, %and3A_3144, %eq3A_3146 : vector<1x128xi32>
    %eq3A_3148 = arith.xori %eq3A_3147, %eq3A_3141 : vector<1x128xi1>
    %eq3A_3149 = arith.constant dense<true> : vector<1x128xi1>
    %eq3A_3150 = arith.xori %eq3A_3148, %eq3A_3149 : vector<1x128xi1>
    %slice3A_3151 = vector.extract_strided_slice %select_n3A_3037 {offsets = [0, 2], sizes = [256, 126], strides = [1, 1]} : vector<256x128xf32> to vector<256x126xf32>
    %slice3A_3152 = vector.extract_strided_slice %select_n3A_3037 {offsets = [0, 0], sizes = [256, 2], strides = [1, 1]} : vector<256x128xf32> to vector<256x2xf32>
    %concatenate3A_3153 = tpu.concatenate %slice3A_3151, %slice3A_3152 in 1 : vector<256x126xf32>, vector<256x2xf32> -> vector<256x128xf32>
    %slice3A_3154 = vector.extract_strided_slice %select_n3A_3037 {offsets = [0, 126], sizes = [256, 2], strides = [1, 1]} : vector<256x128xf32> to vector<256x2xf32>
    %slice3A_3155 = vector.extract_strided_slice %select_n3A_3037 {offsets = [0, 0], sizes = [256, 126], strides = [1, 1]} : vector<256x128xf32> to vector<256x126xf32>
    %concatenate3A_3156 = tpu.concatenate %slice3A_3154, %slice3A_3155 in 1 : vector<256x2xf32>, vector<256x126xf32> -> vector<256x128xf32>
    %broadcast_in_dim3A_3157 = vector.shape_cast %eq3A_3141 : vector<1x128xi1> to vector<1x128xi1>
    %broadcast_in_dim3A_3158 = vector.broadcast %broadcast_in_dim3A_3157 : vector<1x128xi1> to vector<256x128xi1>
    %select_n3A_3159 = arith.select %broadcast_in_dim3A_3158, %concatenate3A_3153, %concatenate3A_3156 : vector<256x128xi1>, vector<256x128xf32>
    %min3A_3160 = arith.minimumf %select_n3A_3037, %select_n3A_3159 : vector<256x128xf32>
    %max3A_3161 = arith.maximumf %select_n3A_3037, %select_n3A_3159 : vector<256x128xf32>
    %broadcast_in_dim3A_3162 = vector.shape_cast %eq3A_3150 : vector<1x128xi1> to vector<1x128xi1>
    %broadcast_in_dim3A_3163 = vector.broadcast %broadcast_in_dim3A_3162 : vector<1x128xi1> to vector<256x128xi1>
    %select_n3A_3164 = arith.select %broadcast_in_dim3A_3163, %min3A_3160, %max3A_3161 : vector<256x128xi1>, vector<256x128xf32>
    %slice3A_3165 = vector.extract_strided_slice %select_n3A_3051 {offsets = [0, 2], sizes = [256, 126], strides = [1, 1]} : vector<256x128xf32> to vector<256x126xf32>
    %slice3A_3166 = vector.extract_strided_slice %select_n3A_3051 {offsets = [0, 0], sizes = [256, 2], strides = [1, 1]} : vector<256x128xf32> to vector<256x2xf32>
    %concatenate3A_3167 = tpu.concatenate %slice3A_3165, %slice3A_3166 in 1 : vector<256x126xf32>, vector<256x2xf32> -> vector<256x128xf32>
    %slice3A_3168 = vector.extract_strided_slice %select_n3A_3051 {offsets = [0, 126], sizes = [256, 2], strides = [1, 1]} : vector<256x128xf32> to vector<256x2xf32>
    %slice3A_3169 = vector.extract_strided_slice %select_n3A_3051 {offsets = [0, 0], sizes = [256, 126], strides = [1, 1]} : vector<256x128xf32> to vector<256x126xf32>
    %concatenate3A_3170 = tpu.concatenate %slice3A_3168, %slice3A_3169 in 1 : vector<256x2xf32>, vector<256x126xf32> -> vector<256x128xf32>
    %broadcast_in_dim3A_3171 = vector.shape_cast %eq3A_3141 : vector<1x128xi1> to vector<1x128xi1>
    %broadcast_in_dim3A_3172 = vector.broadcast %broadcast_in_dim3A_3171 : vector<1x128xi1> to vector<256x128xi1>
    %select_n3A_3173 = arith.select %broadcast_in_dim3A_3172, %concatenate3A_3167, %concatenate3A_3170 : vector<256x128xi1>, vector<256x128xf32>
    %min3A_3174 = arith.minimumf %select_n3A_3051, %select_n3A_3173 : vector<256x128xf32>
    %max3A_3175 = arith.maximumf %select_n3A_3051, %select_n3A_3173 : vector<256x128xf32>
    %broadcast_in_dim3A_3176 = vector.shape_cast %eq3A_3150 : vector<1x128xi1> to vector<1x128xi1>
    %broadcast_in_dim3A_3177 = vector.broadcast %broadcast_in_dim3A_3176 : vector<1x128xi1> to vector<256x128xi1>
    %select_n3A_3178 = arith.select %broadcast_in_dim3A_3177, %min3A_3174, %max3A_3175 : vector<256x128xi1>, vector<256x128xf32>
    %slice3A_3179 = vector.extract_strided_slice %select_n3A_3065 {offsets = [0, 2], sizes = [256, 126], strides = [1, 1]} : vector<256x128xf32> to vector<256x126xf32>
    %slice3A_3180 = vector.extract_strided_slice %select_n3A_3065 {offsets = [0, 0], sizes = [256, 2], strides = [1, 1]} : vector<256x128xf32> to vector<256x2xf32>
    %concatenate3A_3181 = tpu.concatenate %slice3A_3179, %slice3A_3180 in 1 : vector<256x126xf32>, vector<256x2xf32> -> vector<256x128xf32>
    %slice3A_3182 = vector.extract_strided_slice %select_n3A_3065 {offsets = [0, 126], sizes = [256, 2], strides = [1, 1]} : vector<256x128xf32> to vector<256x2xf32>
    %slice3A_3183 = vector.extract_strided_slice %select_n3A_3065 {offsets = [0, 0], sizes = [256, 126], strides = [1, 1]} : vector<256x128xf32> to vector<256x126xf32>
    %concatenate3A_3184 = tpu.concatenate %slice3A_3182, %slice3A_3183 in 1 : vector<256x2xf32>, vector<256x126xf32> -> vector<256x128xf32>
    %broadcast_in_dim3A_3185 = vector.shape_cast %eq3A_3141 : vector<1x128xi1> to vector<1x128xi1>
    %broadcast_in_dim3A_3186 = vector.broadcast %broadcast_in_dim3A_3185 : vector<1x128xi1> to vector<256x128xi1>
    %select_n3A_3187 = arith.select %broadcast_in_dim3A_3186, %concatenate3A_3181, %concatenate3A_3184 : vector<256x128xi1>, vector<256x128xf32>
    %min3A_3188 = arith.minimumf %select_n3A_3065, %select_n3A_3187 : vector<256x128xf32>
    %max3A_3189 = arith.maximumf %select_n3A_3065, %select_n3A_3187 : vector<256x128xf32>
    %broadcast_in_dim3A_3190 = vector.shape_cast %eq3A_3150 : vector<1x128xi1> to vector<1x128xi1>
    %broadcast_in_dim3A_3191 = vector.broadcast %broadcast_in_dim3A_3190 : vector<1x128xi1> to vector<256x128xi1>
    %select_n3A_3192 = arith.select %broadcast_in_dim3A_3191, %min3A_3188, %max3A_3189 : vector<256x128xi1>, vector<256x128xf32>
    %slice3A_3193 = vector.extract_strided_slice %select_n3A_3079 {offsets = [0, 2], sizes = [256, 126], strides = [1, 1]} : vector<256x128xf32> to vector<256x126xf32>
    %slice3A_3194 = vector.extract_strided_slice %select_n3A_3079 {offsets = [0, 0], sizes = [256, 2], strides = [1, 1]} : vector<256x128xf32> to vector<256x2xf32>
    %concatenate3A_3195 = tpu.concatenate %slice3A_3193, %slice3A_3194 in 1 : vector<256x126xf32>, vector<256x2xf32> -> vector<256x128xf32>
    %slice3A_3196 = vector.extract_strided_slice %select_n3A_3079 {offsets = [0, 126], sizes = [256, 2], strides = [1, 1]} : vector<256x128xf32> to vector<256x2xf32>
    %slice3A_3197 = vector.extract_strided_slice %select_n3A_3079 {offsets = [0, 0], sizes = [256, 126], strides = [1, 1]} : vector<256x128xf32> to vector<256x126xf32>
    %concatenate3A_3198 = tpu.concatenate %slice3A_3196, %slice3A_3197 in 1 : vector<256x2xf32>, vector<256x126xf32> -> vector<256x128xf32>
    %broadcast_in_dim3A_3199 = vector.shape_cast %eq3A_3141 : vector<1x128xi1> to vector<1x128xi1>
    %broadcast_in_dim3A_3200 = vector.broadcast %broadcast_in_dim3A_3199 : vector<1x128xi1> to vector<256x128xi1>
    %select_n3A_3201 = arith.select %broadcast_in_dim3A_3200, %concatenate3A_3195, %concatenate3A_3198 : vector<256x128xi1>, vector<256x128xf32>
    %min3A_3202 = arith.minimumf %select_n3A_3079, %select_n3A_3201 : vector<256x128xf32>
    %max3A_3203 = arith.maximumf %select_n3A_3079, %select_n3A_3201 : vector<256x128xf32>
    %broadcast_in_dim3A_3204 = vector.shape_cast %eq3A_3150 : vector<1x128xi1> to vector<1x128xi1>
    %broadcast_in_dim3A_3205 = vector.broadcast %broadcast_in_dim3A_3204 : vector<1x128xi1> to vector<256x128xi1>
    %select_n3A_3206 = arith.select %broadcast_in_dim3A_3205, %min3A_3202, %max3A_3203 : vector<256x128xi1>, vector<256x128xf32>
    %slice3A_3207 = vector.extract_strided_slice %select_n3A_3093 {offsets = [0, 2], sizes = [256, 126], strides = [1, 1]} : vector<256x128xf32> to vector<256x126xf32>
    %slice3A_3208 = vector.extract_strided_slice %select_n3A_3093 {offsets = [0, 0], sizes = [256, 2], strides = [1, 1]} : vector<256x128xf32> to vector<256x2xf32>
    %concatenate3A_3209 = tpu.concatenate %slice3A_3207, %slice3A_3208 in 1 : vector<256x126xf32>, vector<256x2xf32> -> vector<256x128xf32>
    %slice3A_3210 = vector.extract_strided_slice %select_n3A_3093 {offsets = [0, 126], sizes = [256, 2], strides = [1, 1]} : vector<256x128xf32> to vector<256x2xf32>
    %slice3A_3211 = vector.extract_strided_slice %select_n3A_3093 {offsets = [0, 0], sizes = [256, 126], strides = [1, 1]} : vector<256x128xf32> to vector<256x126xf32>
    %concatenate3A_3212 = tpu.concatenate %slice3A_3210, %slice3A_3211 in 1 : vector<256x2xf32>, vector<256x126xf32> -> vector<256x128xf32>
    %broadcast_in_dim3A_3213 = vector.shape_cast %eq3A_3141 : vector<1x128xi1> to vector<1x128xi1>
    %broadcast_in_dim3A_3214 = vector.broadcast %broadcast_in_dim3A_3213 : vector<1x128xi1> to vector<256x128xi1>
    %select_n3A_3215 = arith.select %broadcast_in_dim3A_3214, %concatenate3A_3209, %concatenate3A_3212 : vector<256x128xi1>, vector<256x128xf32>
    %min3A_3216 = arith.minimumf %select_n3A_3093, %select_n3A_3215 : vector<256x128xf32>
    %max3A_3217 = arith.maximumf %select_n3A_3093, %select_n3A_3215 : vector<256x128xf32>
    %broadcast_in_dim3A_3218 = vector.shape_cast %eq3A_3150 : vector<1x128xi1> to vector<1x128xi1>
    %broadcast_in_dim3A_3219 = vector.broadcast %broadcast_in_dim3A_3218 : vector<1x128xi1> to vector<256x128xi1>
    %select_n3A_3220 = arith.select %broadcast_in_dim3A_3219, %min3A_3216, %max3A_3217 : vector<256x128xi1>, vector<256x128xf32>
    %slice3A_3221 = vector.extract_strided_slice %select_n3A_3107 {offsets = [0, 2], sizes = [256, 126], strides = [1, 1]} : vector<256x128xf32> to vector<256x126xf32>
    %slice3A_3222 = vector.extract_strided_slice %select_n3A_3107 {offsets = [0, 0], sizes = [256, 2], strides = [1, 1]} : vector<256x128xf32> to vector<256x2xf32>
    %concatenate3A_3223 = tpu.concatenate %slice3A_3221, %slice3A_3222 in 1 : vector<256x126xf32>, vector<256x2xf32> -> vector<256x128xf32>
    %slice3A_3224 = vector.extract_strided_slice %select_n3A_3107 {offsets = [0, 126], sizes = [256, 2], strides = [1, 1]} : vector<256x128xf32> to vector<256x2xf32>
    %slice3A_3225 = vector.extract_strided_slice %select_n3A_3107 {offsets = [0, 0], sizes = [256, 126], strides = [1, 1]} : vector<256x128xf32> to vector<256x126xf32>
    %concatenate3A_3226 = tpu.concatenate %slice3A_3224, %slice3A_3225 in 1 : vector<256x2xf32>, vector<256x126xf32> -> vector<256x128xf32>
    %broadcast_in_dim3A_3227 = vector.shape_cast %eq3A_3141 : vector<1x128xi1> to vector<1x128xi1>
    %broadcast_in_dim3A_3228 = vector.broadcast %broadcast_in_dim3A_3227 : vector<1x128xi1> to vector<256x128xi1>
    %select_n3A_3229 = arith.select %broadcast_in_dim3A_3228, %concatenate3A_3223, %concatenate3A_3226 : vector<256x128xi1>, vector<256x128xf32>
    %min3A_3230 = arith.minimumf %select_n3A_3107, %select_n3A_3229 : vector<256x128xf32>
    %max3A_3231 = arith.maximumf %select_n3A_3107, %select_n3A_3229 : vector<256x128xf32>
    %broadcast_in_dim3A_3232 = vector.shape_cast %eq3A_3150 : vector<1x128xi1> to vector<1x128xi1>
    %broadcast_in_dim3A_3233 = vector.broadcast %broadcast_in_dim3A_3232 : vector<1x128xi1> to vector<256x128xi1>
    %select_n3A_3234 = arith.select %broadcast_in_dim3A_3233, %min3A_3230, %max3A_3231 : vector<256x128xi1>, vector<256x128xf32>
    %slice3A_3235 = vector.extract_strided_slice %select_n3A_3121 {offsets = [0, 2], sizes = [256, 126], strides = [1, 1]} : vector<256x128xf32> to vector<256x126xf32>
    %slice3A_3236 = vector.extract_strided_slice %select_n3A_3121 {offsets = [0, 0], sizes = [256, 2], strides = [1, 1]} : vector<256x128xf32> to vector<256x2xf32>
    %concatenate3A_3237 = tpu.concatenate %slice3A_3235, %slice3A_3236 in 1 : vector<256x126xf32>, vector<256x2xf32> -> vector<256x128xf32>
    %slice3A_3238 = vector.extract_strided_slice %select_n3A_3121 {offsets = [0, 126], sizes = [256, 2], strides = [1, 1]} : vector<256x128xf32> to vector<256x2xf32>
    %slice3A_3239 = vector.extract_strided_slice %select_n3A_3121 {offsets = [0, 0], sizes = [256, 126], strides = [1, 1]} : vector<256x128xf32> to vector<256x126xf32>
    %concatenate3A_3240 = tpu.concatenate %slice3A_3238, %slice3A_3239 in 1 : vector<256x2xf32>, vector<256x126xf32> -> vector<256x128xf32>
    %broadcast_in_dim3A_3241 = vector.shape_cast %eq3A_3141 : vector<1x128xi1> to vector<1x128xi1>
    %broadcast_in_dim3A_3242 = vector.broadcast %broadcast_in_dim3A_3241 : vector<1x128xi1> to vector<256x128xi1>
    %select_n3A_3243 = arith.select %broadcast_in_dim3A_3242, %concatenate3A_3237, %concatenate3A_3240 : vector<256x128xi1>, vector<256x128xf32>
    %min3A_3244 = arith.minimumf %select_n3A_3121, %select_n3A_3243 : vector<256x128xf32>
    %max3A_3245 = arith.maximumf %select_n3A_3121, %select_n3A_3243 : vector<256x128xf32>
    %broadcast_in_dim3A_3246 = vector.shape_cast %eq3A_3150 : vector<1x128xi1> to vector<1x128xi1>
    %broadcast_in_dim3A_3247 = vector.broadcast %broadcast_in_dim3A_3246 : vector<1x128xi1> to vector<256x128xi1>
    %select_n3A_3248 = arith.select %broadcast_in_dim3A_3247, %min3A_3244, %max3A_3245 : vector<256x128xi1>, vector<256x128xf32>
    %slice3A_3249 = vector.extract_strided_slice %select_n3A_3135 {offsets = [0, 2], sizes = [256, 126], strides = [1, 1]} : vector<256x128xf32> to vector<256x126xf32>
    %slice3A_3250 = vector.extract_strided_slice %select_n3A_3135 {offsets = [0, 0], sizes = [256, 2], strides = [1, 1]} : vector<256x128xf32> to vector<256x2xf32>
    %concatenate3A_3251 = tpu.concatenate %slice3A_3249, %slice3A_3250 in 1 : vector<256x126xf32>, vector<256x2xf32> -> vector<256x128xf32>
    %slice3A_3252 = vector.extract_strided_slice %select_n3A_3135 {offsets = [0, 126], sizes = [256, 2], strides = [1, 1]} : vector<256x128xf32> to vector<256x2xf32>
    %slice3A_3253 = vector.extract_strided_slice %select_n3A_3135 {offsets = [0, 0], sizes = [256, 126], strides = [1, 1]} : vector<256x128xf32> to vector<256x126xf32>
    %concatenate3A_3254 = tpu.concatenate %slice3A_3252, %slice3A_3253 in 1 : vector<256x2xf32>, vector<256x126xf32> -> vector<256x128xf32>
    %broadcast_in_dim3A_3255 = vector.shape_cast %eq3A_3141 : vector<1x128xi1> to vector<1x128xi1>
    %broadcast_in_dim3A_3256 = vector.broadcast %broadcast_in_dim3A_3255 : vector<1x128xi1> to vector<256x128xi1>
    %select_n3A_3257 = arith.select %broadcast_in_dim3A_3256, %concatenate3A_3251, %concatenate3A_3254 : vector<256x128xi1>, vector<256x128xf32>
    %min3A_3258 = arith.minimumf %select_n3A_3135, %select_n3A_3257 : vector<256x128xf32>
    %max3A_3259 = arith.maximumf %select_n3A_3135, %select_n3A_3257 : vector<256x128xf32>
    %broadcast_in_dim3A_3260 = vector.shape_cast %eq3A_3150 : vector<1x128xi1> to vector<1x128xi1>
    %broadcast_in_dim3A_3261 = vector.broadcast %broadcast_in_dim3A_3260 : vector<1x128xi1> to vector<256x128xi1>
    %select_n3A_3262 = arith.select %broadcast_in_dim3A_3261, %min3A_3258, %max3A_3259 : vector<256x128xi1>, vector<256x128xf32>
    %and3A_3263 = arith.constant 1 : i32
    %and3A_3264 = vector.broadcast %and3A_3263 : i32 to vector<1x128xi32>
    %and3A_3265 = arith.andi %iota3A, %and3A_3264 : vector<1x128xi32>
    %eq3A_3266 = arith.constant 0 : i32
    %eq3A_3267 = vector.broadcast %eq3A_3266 : i32 to vector<1x128xi32>
    %eq3A_3268 = arith.cmpi eq, %and3A_3265, %eq3A_3267 : vector<1x128xi32>
    %and3A_3269 = arith.constant 64 : i32
    %and3A_3270 = vector.broadcast %and3A_3269 : i32 to vector<1x128xi32>
    %and3A_3271 = arith.andi %iota3A, %and3A_3270 : vector<1x128xi32>
    %eq3A_3272 = arith.constant 0 : i32
    %eq3A_3273 = vector.broadcast %eq3A_3272 : i32 to vector<1x128xi32>
    %eq3A_3274 = arith.cmpi eq, %and3A_3271, %eq3A_3273 : vector<1x128xi32>
    %eq3A_3275 = arith.xori %eq3A_3274, %eq3A_3268 : vector<1x128xi1>
    %eq3A_3276 = arith.constant dense<true> : vector<1x128xi1>
    %eq3A_3277 = arith.xori %eq3A_3275, %eq3A_3276 : vector<1x128xi1>
    %slice3A_3278 = vector.extract_strided_slice %select_n3A_3164 {offsets = [0, 1], sizes = [256, 127], strides = [1, 1]} : vector<256x128xf32> to vector<256x127xf32>
    %slice3A_3279 = vector.extract_strided_slice %select_n3A_3164 {offsets = [0, 0], sizes = [256, 1], strides = [1, 1]} : vector<256x128xf32> to vector<256x1xf32>
    %concatenate3A_3280 = tpu.concatenate %slice3A_3278, %slice3A_3279 in 1 : vector<256x127xf32>, vector<256x1xf32> -> vector<256x128xf32>
    %slice3A_3281 = vector.extract_strided_slice %select_n3A_3164 {offsets = [0, 127], sizes = [256, 1], strides = [1, 1]} : vector<256x128xf32> to vector<256x1xf32>
    %slice3A_3282 = vector.extract_strided_slice %select_n3A_3164 {offsets = [0, 0], sizes = [256, 127], strides = [1, 1]} : vector<256x128xf32> to vector<256x127xf32>
    %concatenate3A_3283 = tpu.concatenate %slice3A_3281, %slice3A_3282 in 1 : vector<256x1xf32>, vector<256x127xf32> -> vector<256x128xf32>
    %broadcast_in_dim3A_3284 = vector.shape_cast %eq3A_3268 : vector<1x128xi1> to vector<1x128xi1>
    %broadcast_in_dim3A_3285 = vector.broadcast %broadcast_in_dim3A_3284 : vector<1x128xi1> to vector<256x128xi1>
    %select_n3A_3286 = arith.select %broadcast_in_dim3A_3285, %concatenate3A_3280, %concatenate3A_3283 : vector<256x128xi1>, vector<256x128xf32>
    %min3A_3287 = arith.minimumf %select_n3A_3164, %select_n3A_3286 : vector<256x128xf32>
    %max3A_3288 = arith.maximumf %select_n3A_3164, %select_n3A_3286 : vector<256x128xf32>
    %broadcast_in_dim3A_3289 = vector.shape_cast %eq3A_3277 : vector<1x128xi1> to vector<1x128xi1>
    %broadcast_in_dim3A_3290 = vector.broadcast %broadcast_in_dim3A_3289 : vector<1x128xi1> to vector<256x128xi1>
    %select_n3A_3291 = arith.select %broadcast_in_dim3A_3290, %min3A_3287, %max3A_3288 : vector<256x128xi1>, vector<256x128xf32>
    %slice3A_3292 = vector.extract_strided_slice %select_n3A_3178 {offsets = [0, 1], sizes = [256, 127], strides = [1, 1]} : vector<256x128xf32> to vector<256x127xf32>
    %slice3A_3293 = vector.extract_strided_slice %select_n3A_3178 {offsets = [0, 0], sizes = [256, 1], strides = [1, 1]} : vector<256x128xf32> to vector<256x1xf32>
    %concatenate3A_3294 = tpu.concatenate %slice3A_3292, %slice3A_3293 in 1 : vector<256x127xf32>, vector<256x1xf32> -> vector<256x128xf32>
    %slice3A_3295 = vector.extract_strided_slice %select_n3A_3178 {offsets = [0, 127], sizes = [256, 1], strides = [1, 1]} : vector<256x128xf32> to vector<256x1xf32>
    %slice3A_3296 = vector.extract_strided_slice %select_n3A_3178 {offsets = [0, 0], sizes = [256, 127], strides = [1, 1]} : vector<256x128xf32> to vector<256x127xf32>
    %concatenate3A_3297 = tpu.concatenate %slice3A_3295, %slice3A_3296 in 1 : vector<256x1xf32>, vector<256x127xf32> -> vector<256x128xf32>
    %broadcast_in_dim3A_3298 = vector.shape_cast %eq3A_3268 : vector<1x128xi1> to vector<1x128xi1>
    %broadcast_in_dim3A_3299 = vector.broadcast %broadcast_in_dim3A_3298 : vector<1x128xi1> to vector<256x128xi1>
    %select_n3A_3300 = arith.select %broadcast_in_dim3A_3299, %concatenate3A_3294, %concatenate3A_3297 : vector<256x128xi1>, vector<256x128xf32>
    %min3A_3301 = arith.minimumf %select_n3A_3178, %select_n3A_3300 : vector<256x128xf32>
    %max3A_3302 = arith.maximumf %select_n3A_3178, %select_n3A_3300 : vector<256x128xf32>
    %broadcast_in_dim3A_3303 = vector.shape_cast %eq3A_3277 : vector<1x128xi1> to vector<1x128xi1>
    %broadcast_in_dim3A_3304 = vector.broadcast %broadcast_in_dim3A_3303 : vector<1x128xi1> to vector<256x128xi1>
    %select_n3A_3305 = arith.select %broadcast_in_dim3A_3304, %min3A_3301, %max3A_3302 : vector<256x128xi1>, vector<256x128xf32>
    %slice3A_3306 = vector.extract_strided_slice %select_n3A_3192 {offsets = [0, 1], sizes = [256, 127], strides = [1, 1]} : vector<256x128xf32> to vector<256x127xf32>
    %slice3A_3307 = vector.extract_strided_slice %select_n3A_3192 {offsets = [0, 0], sizes = [256, 1], strides = [1, 1]} : vector<256x128xf32> to vector<256x1xf32>
    %concatenate3A_3308 = tpu.concatenate %slice3A_3306, %slice3A_3307 in 1 : vector<256x127xf32>, vector<256x1xf32> -> vector<256x128xf32>
    %slice3A_3309 = vector.extract_strided_slice %select_n3A_3192 {offsets = [0, 127], sizes = [256, 1], strides = [1, 1]} : vector<256x128xf32> to vector<256x1xf32>
    %slice3A_3310 = vector.extract_strided_slice %select_n3A_3192 {offsets = [0, 0], sizes = [256, 127], strides = [1, 1]} : vector<256x128xf32> to vector<256x127xf32>
    %concatenate3A_3311 = tpu.concatenate %slice3A_3309, %slice3A_3310 in 1 : vector<256x1xf32>, vector<256x127xf32> -> vector<256x128xf32>
    %broadcast_in_dim3A_3312 = vector.shape_cast %eq3A_3268 : vector<1x128xi1> to vector<1x128xi1>
    %broadcast_in_dim3A_3313 = vector.broadcast %broadcast_in_dim3A_3312 : vector<1x128xi1> to vector<256x128xi1>
    %select_n3A_3314 = arith.select %broadcast_in_dim3A_3313, %concatenate3A_3308, %concatenate3A_3311 : vector<256x128xi1>, vector<256x128xf32>
    %min3A_3315 = arith.minimumf %select_n3A_3192, %select_n3A_3314 : vector<256x128xf32>
    %max3A_3316 = arith.maximumf %select_n3A_3192, %select_n3A_3314 : vector<256x128xf32>
    %broadcast_in_dim3A_3317 = vector.shape_cast %eq3A_3277 : vector<1x128xi1> to vector<1x128xi1>
    %broadcast_in_dim3A_3318 = vector.broadcast %broadcast_in_dim3A_3317 : vector<1x128xi1> to vector<256x128xi1>
    %select_n3A_3319 = arith.select %broadcast_in_dim3A_3318, %min3A_3315, %max3A_3316 : vector<256x128xi1>, vector<256x128xf32>
    %slice3A_3320 = vector.extract_strided_slice %select_n3A_3206 {offsets = [0, 1], sizes = [256, 127], strides = [1, 1]} : vector<256x128xf32> to vector<256x127xf32>
    %slice3A_3321 = vector.extract_strided_slice %select_n3A_3206 {offsets = [0, 0], sizes = [256, 1], strides = [1, 1]} : vector<256x128xf32> to vector<256x1xf32>
    %concatenate3A_3322 = tpu.concatenate %slice3A_3320, %slice3A_3321 in 1 : vector<256x127xf32>, vector<256x1xf32> -> vector<256x128xf32>
    %slice3A_3323 = vector.extract_strided_slice %select_n3A_3206 {offsets = [0, 127], sizes = [256, 1], strides = [1, 1]} : vector<256x128xf32> to vector<256x1xf32>
    %slice3A_3324 = vector.extract_strided_slice %select_n3A_3206 {offsets = [0, 0], sizes = [256, 127], strides = [1, 1]} : vector<256x128xf32> to vector<256x127xf32>
    %concatenate3A_3325 = tpu.concatenate %slice3A_3323, %slice3A_3324 in 1 : vector<256x1xf32>, vector<256x127xf32> -> vector<256x128xf32>
    %broadcast_in_dim3A_3326 = vector.shape_cast %eq3A_3268 : vector<1x128xi1> to vector<1x128xi1>
    %broadcast_in_dim3A_3327 = vector.broadcast %broadcast_in_dim3A_3326 : vector<1x128xi1> to vector<256x128xi1>
    %select_n3A_3328 = arith.select %broadcast_in_dim3A_3327, %concatenate3A_3322, %concatenate3A_3325 : vector<256x128xi1>, vector<256x128xf32>
    %min3A_3329 = arith.minimumf %select_n3A_3206, %select_n3A_3328 : vector<256x128xf32>
    %max3A_3330 = arith.maximumf %select_n3A_3206, %select_n3A_3328 : vector<256x128xf32>
    %broadcast_in_dim3A_3331 = vector.shape_cast %eq3A_3277 : vector<1x128xi1> to vector<1x128xi1>
    %broadcast_in_dim3A_3332 = vector.broadcast %broadcast_in_dim3A_3331 : vector<1x128xi1> to vector<256x128xi1>
    %select_n3A_3333 = arith.select %broadcast_in_dim3A_3332, %min3A_3329, %max3A_3330 : vector<256x128xi1>, vector<256x128xf32>
    %slice3A_3334 = vector.extract_strided_slice %select_n3A_3220 {offsets = [0, 1], sizes = [256, 127], strides = [1, 1]} : vector<256x128xf32> to vector<256x127xf32>
    %slice3A_3335 = vector.extract_strided_slice %select_n3A_3220 {offsets = [0, 0], sizes = [256, 1], strides = [1, 1]} : vector<256x128xf32> to vector<256x1xf32>
    %concatenate3A_3336 = tpu.concatenate %slice3A_3334, %slice3A_3335 in 1 : vector<256x127xf32>, vector<256x1xf32> -> vector<256x128xf32>
    %slice3A_3337 = vector.extract_strided_slice %select_n3A_3220 {offsets = [0, 127], sizes = [256, 1], strides = [1, 1]} : vector<256x128xf32> to vector<256x1xf32>
    %slice3A_3338 = vector.extract_strided_slice %select_n3A_3220 {offsets = [0, 0], sizes = [256, 127], strides = [1, 1]} : vector<256x128xf32> to vector<256x127xf32>
    %concatenate3A_3339 = tpu.concatenate %slice3A_3337, %slice3A_3338 in 1 : vector<256x1xf32>, vector<256x127xf32> -> vector<256x128xf32>
    %broadcast_in_dim3A_3340 = vector.shape_cast %eq3A_3268 : vector<1x128xi1> to vector<1x128xi1>
    %broadcast_in_dim3A_3341 = vector.broadcast %broadcast_in_dim3A_3340 : vector<1x128xi1> to vector<256x128xi1>
    %select_n3A_3342 = arith.select %broadcast_in_dim3A_3341, %concatenate3A_3336, %concatenate3A_3339 : vector<256x128xi1>, vector<256x128xf32>
    %min3A_3343 = arith.minimumf %select_n3A_3220, %select_n3A_3342 : vector<256x128xf32>
    %max3A_3344 = arith.maximumf %select_n3A_3220, %select_n3A_3342 : vector<256x128xf32>
    %broadcast_in_dim3A_3345 = vector.shape_cast %eq3A_3277 : vector<1x128xi1> to vector<1x128xi1>
    %broadcast_in_dim3A_3346 = vector.broadcast %broadcast_in_dim3A_3345 : vector<1x128xi1> to vector<256x128xi1>
    %select_n3A_3347 = arith.select %broadcast_in_dim3A_3346, %min3A_3343, %max3A_3344 : vector<256x128xi1>, vector<256x128xf32>
    %slice3A_3348 = vector.extract_strided_slice %select_n3A_3234 {offsets = [0, 1], sizes = [256, 127], strides = [1, 1]} : vector<256x128xf32> to vector<256x127xf32>
    %slice3A_3349 = vector.extract_strided_slice %select_n3A_3234 {offsets = [0, 0], sizes = [256, 1], strides = [1, 1]} : vector<256x128xf32> to vector<256x1xf32>
    %concatenate3A_3350 = tpu.concatenate %slice3A_3348, %slice3A_3349 in 1 : vector<256x127xf32>, vector<256x1xf32> -> vector<256x128xf32>
    %slice3A_3351 = vector.extract_strided_slice %select_n3A_3234 {offsets = [0, 127], sizes = [256, 1], strides = [1, 1]} : vector<256x128xf32> to vector<256x1xf32>
    %slice3A_3352 = vector.extract_strided_slice %select_n3A_3234 {offsets = [0, 0], sizes = [256, 127], strides = [1, 1]} : vector<256x128xf32> to vector<256x127xf32>
    %concatenate3A_3353 = tpu.concatenate %slice3A_3351, %slice3A_3352 in 1 : vector<256x1xf32>, vector<256x127xf32> -> vector<256x128xf32>
    %broadcast_in_dim3A_3354 = vector.shape_cast %eq3A_3268 : vector<1x128xi1> to vector<1x128xi1>
    %broadcast_in_dim3A_3355 = vector.broadcast %broadcast_in_dim3A_3354 : vector<1x128xi1> to vector<256x128xi1>
    %select_n3A_3356 = arith.select %broadcast_in_dim3A_3355, %concatenate3A_3350, %concatenate3A_3353 : vector<256x128xi1>, vector<256x128xf32>
    %min3A_3357 = arith.minimumf %select_n3A_3234, %select_n3A_3356 : vector<256x128xf32>
    %max3A_3358 = arith.maximumf %select_n3A_3234, %select_n3A_3356 : vector<256x128xf32>
    %broadcast_in_dim3A_3359 = vector.shape_cast %eq3A_3277 : vector<1x128xi1> to vector<1x128xi1>
    %broadcast_in_dim3A_3360 = vector.broadcast %broadcast_in_dim3A_3359 : vector<1x128xi1> to vector<256x128xi1>
    %select_n3A_3361 = arith.select %broadcast_in_dim3A_3360, %min3A_3357, %max3A_3358 : vector<256x128xi1>, vector<256x128xf32>
    %slice3A_3362 = vector.extract_strided_slice %select_n3A_3248 {offsets = [0, 1], sizes = [256, 127], strides = [1, 1]} : vector<256x128xf32> to vector<256x127xf32>
    %slice3A_3363 = vector.extract_strided_slice %select_n3A_3248 {offsets = [0, 0], sizes = [256, 1], strides = [1, 1]} : vector<256x128xf32> to vector<256x1xf32>
    %concatenate3A_3364 = tpu.concatenate %slice3A_3362, %slice3A_3363 in 1 : vector<256x127xf32>, vector<256x1xf32> -> vector<256x128xf32>
    %slice3A_3365 = vector.extract_strided_slice %select_n3A_3248 {offsets = [0, 127], sizes = [256, 1], strides = [1, 1]} : vector<256x128xf32> to vector<256x1xf32>
    %slice3A_3366 = vector.extract_strided_slice %select_n3A_3248 {offsets = [0, 0], sizes = [256, 127], strides = [1, 1]} : vector<256x128xf32> to vector<256x127xf32>
    %concatenate3A_3367 = tpu.concatenate %slice3A_3365, %slice3A_3366 in 1 : vector<256x1xf32>, vector<256x127xf32> -> vector<256x128xf32>
    %broadcast_in_dim3A_3368 = vector.shape_cast %eq3A_3268 : vector<1x128xi1> to vector<1x128xi1>
    %broadcast_in_dim3A_3369 = vector.broadcast %broadcast_in_dim3A_3368 : vector<1x128xi1> to vector<256x128xi1>
    %select_n3A_3370 = arith.select %broadcast_in_dim3A_3369, %concatenate3A_3364, %concatenate3A_3367 : vector<256x128xi1>, vector<256x128xf32>
    %min3A_3371 = arith.minimumf %select_n3A_3248, %select_n3A_3370 : vector<256x128xf32>
    %max3A_3372 = arith.maximumf %select_n3A_3248, %select_n3A_3370 : vector<256x128xf32>
    %broadcast_in_dim3A_3373 = vector.shape_cast %eq3A_3277 : vector<1x128xi1> to vector<1x128xi1>
    %broadcast_in_dim3A_3374 = vector.broadcast %broadcast_in_dim3A_3373 : vector<1x128xi1> to vector<256x128xi1>
    %select_n3A_3375 = arith.select %broadcast_in_dim3A_3374, %min3A_3371, %max3A_3372 : vector<256x128xi1>, vector<256x128xf32>
    %slice3A_3376 = vector.extract_strided_slice %select_n3A_3262 {offsets = [0, 1], sizes = [256, 127], strides = [1, 1]} : vector<256x128xf32> to vector<256x127xf32>
    %slice3A_3377 = vector.extract_strided_slice %select_n3A_3262 {offsets = [0, 0], sizes = [256, 1], strides = [1, 1]} : vector<256x128xf32> to vector<256x1xf32>
    %concatenate3A_3378 = tpu.concatenate %slice3A_3376, %slice3A_3377 in 1 : vector<256x127xf32>, vector<256x1xf32> -> vector<256x128xf32>
    %slice3A_3379 = vector.extract_strided_slice %select_n3A_3262 {offsets = [0, 127], sizes = [256, 1], strides = [1, 1]} : vector<256x128xf32> to vector<256x1xf32>
    %slice3A_3380 = vector.extract_strided_slice %select_n3A_3262 {offsets = [0, 0], sizes = [256, 127], strides = [1, 1]} : vector<256x128xf32> to vector<256x127xf32>
    %concatenate3A_3381 = tpu.concatenate %slice3A_3379, %slice3A_3380 in 1 : vector<256x1xf32>, vector<256x127xf32> -> vector<256x128xf32>
    %broadcast_in_dim3A_3382 = vector.shape_cast %eq3A_3268 : vector<1x128xi1> to vector<1x128xi1>
    %broadcast_in_dim3A_3383 = vector.broadcast %broadcast_in_dim3A_3382 : vector<1x128xi1> to vector<256x128xi1>
    %select_n3A_3384 = arith.select %broadcast_in_dim3A_3383, %concatenate3A_3378, %concatenate3A_3381 : vector<256x128xi1>, vector<256x128xf32>
    %min3A_3385 = arith.minimumf %select_n3A_3262, %select_n3A_3384 : vector<256x128xf32>
    %max3A_3386 = arith.maximumf %select_n3A_3262, %select_n3A_3384 : vector<256x128xf32>
    %broadcast_in_dim3A_3387 = vector.shape_cast %eq3A_3277 : vector<1x128xi1> to vector<1x128xi1>
    %broadcast_in_dim3A_3388 = vector.broadcast %broadcast_in_dim3A_3387 : vector<1x128xi1> to vector<256x128xi1>
    %select_n3A_3389 = arith.select %broadcast_in_dim3A_3388, %min3A_3385, %max3A_3386 : vector<256x128xi1>, vector<256x128xf32>
    %and3A_3390 = arith.constant 64 : i32
    %and3A_3391 = vector.broadcast %and3A_3390 : i32 to vector<1x128xi32>
    %and3A_3392 = arith.andi %iota3A, %and3A_3391 : vector<1x128xi32>
    %eq3A_3393 = arith.constant 0 : i32
    %eq3A_3394 = vector.broadcast %eq3A_3393 : i32 to vector<1x128xi32>
    %eq3A_3395 = arith.cmpi eq, %and3A_3392, %eq3A_3394 : vector<1x128xi32>
    %min3A_3396 = arith.minimumf %select_n3A_3291, %select_n3A_3347 : vector<256x128xf32>
    %max3A_3397 = arith.maximumf %select_n3A_3291, %select_n3A_3347 : vector<256x128xf32>
    %broadcast_in_dim3A_3398 = vector.shape_cast %eq3A_3395 : vector<1x128xi1> to vector<1x128xi1>
    %broadcast_in_dim3A_3399 = vector.broadcast %broadcast_in_dim3A_3398 : vector<1x128xi1> to vector<256x128xi1>
    %select_n3A_3400 = arith.select %broadcast_in_dim3A_3399, %min3A_3396, %max3A_3397 : vector<256x128xi1>, vector<256x128xf32>
    %broadcast_in_dim3A_3401 = vector.shape_cast %eq3A_3395 : vector<1x128xi1> to vector<1x128xi1>
    %broadcast_in_dim3A_3402 = vector.broadcast %broadcast_in_dim3A_3401 : vector<1x128xi1> to vector<256x128xi1>
    %select_n3A_3403 = arith.select %broadcast_in_dim3A_3402, %max3A_3397, %min3A_3396 : vector<256x128xi1>, vector<256x128xf32>
    %min3A_3404 = arith.minimumf %select_n3A_3305, %select_n3A_3361 : vector<256x128xf32>
    %max3A_3405 = arith.maximumf %select_n3A_3305, %select_n3A_3361 : vector<256x128xf32>
    %broadcast_in_dim3A_3406 = vector.shape_cast %eq3A_3395 : vector<1x128xi1> to vector<1x128xi1>
    %broadcast_in_dim3A_3407 = vector.broadcast %broadcast_in_dim3A_3406 : vector<1x128xi1> to vector<256x128xi1>
    %select_n3A_3408 = arith.select %broadcast_in_dim3A_3407, %min3A_3404, %max3A_3405 : vector<256x128xi1>, vector<256x128xf32>
    %broadcast_in_dim3A_3409 = vector.shape_cast %eq3A_3395 : vector<1x128xi1> to vector<1x128xi1>
    %broadcast_in_dim3A_3410 = vector.broadcast %broadcast_in_dim3A_3409 : vector<1x128xi1> to vector<256x128xi1>
    %select_n3A_3411 = arith.select %broadcast_in_dim3A_3410, %max3A_3405, %min3A_3404 : vector<256x128xi1>, vector<256x128xf32>
    %min3A_3412 = arith.minimumf %select_n3A_3319, %select_n3A_3375 : vector<256x128xf32>
    %max3A_3413 = arith.maximumf %select_n3A_3319, %select_n3A_3375 : vector<256x128xf32>
    %broadcast_in_dim3A_3414 = vector.shape_cast %eq3A_3395 : vector<1x128xi1> to vector<1x128xi1>
    %broadcast_in_dim3A_3415 = vector.broadcast %broadcast_in_dim3A_3414 : vector<1x128xi1> to vector<256x128xi1>
    %select_n3A_3416 = arith.select %broadcast_in_dim3A_3415, %min3A_3412, %max3A_3413 : vector<256x128xi1>, vector<256x128xf32>
    %broadcast_in_dim3A_3417 = vector.shape_cast %eq3A_3395 : vector<1x128xi1> to vector<1x128xi1>
    %broadcast_in_dim3A_3418 = vector.broadcast %broadcast_in_dim3A_3417 : vector<1x128xi1> to vector<256x128xi1>
    %select_n3A_3419 = arith.select %broadcast_in_dim3A_3418, %max3A_3413, %min3A_3412 : vector<256x128xi1>, vector<256x128xf32>
    %min3A_3420 = arith.minimumf %select_n3A_3333, %select_n3A_3389 : vector<256x128xf32>
    %max3A_3421 = arith.maximumf %select_n3A_3333, %select_n3A_3389 : vector<256x128xf32>
    %broadcast_in_dim3A_3422 = vector.shape_cast %eq3A_3395 : vector<1x128xi1> to vector<1x128xi1>
    %broadcast_in_dim3A_3423 = vector.broadcast %broadcast_in_dim3A_3422 : vector<1x128xi1> to vector<256x128xi1>
    %select_n3A_3424 = arith.select %broadcast_in_dim3A_3423, %min3A_3420, %max3A_3421 : vector<256x128xi1>, vector<256x128xf32>
    %broadcast_in_dim3A_3425 = vector.shape_cast %eq3A_3395 : vector<1x128xi1> to vector<1x128xi1>
    %broadcast_in_dim3A_3426 = vector.broadcast %broadcast_in_dim3A_3425 : vector<1x128xi1> to vector<256x128xi1>
    %select_n3A_3427 = arith.select %broadcast_in_dim3A_3426, %max3A_3421, %min3A_3420 : vector<256x128xi1>, vector<256x128xf32>
    %and3A_3428 = arith.constant 64 : i32
    %and3A_3429 = vector.broadcast %and3A_3428 : i32 to vector<1x128xi32>
    %and3A_3430 = arith.andi %iota3A, %and3A_3429 : vector<1x128xi32>
    %eq3A_3431 = arith.constant 0 : i32
    %eq3A_3432 = vector.broadcast %eq3A_3431 : i32 to vector<1x128xi32>
    %eq3A_3433 = arith.cmpi eq, %and3A_3430, %eq3A_3432 : vector<1x128xi32>
    %min3A_3434 = arith.minimumf %select_n3A_3400, %select_n3A_3416 : vector<256x128xf32>
    %max3A_3435 = arith.maximumf %select_n3A_3400, %select_n3A_3416 : vector<256x128xf32>
    %broadcast_in_dim3A_3436 = vector.shape_cast %eq3A_3433 : vector<1x128xi1> to vector<1x128xi1>
    %broadcast_in_dim3A_3437 = vector.broadcast %broadcast_in_dim3A_3436 : vector<1x128xi1> to vector<256x128xi1>
    %select_n3A_3438 = arith.select %broadcast_in_dim3A_3437, %min3A_3434, %max3A_3435 : vector<256x128xi1>, vector<256x128xf32>
    %broadcast_in_dim3A_3439 = vector.shape_cast %eq3A_3433 : vector<1x128xi1> to vector<1x128xi1>
    %broadcast_in_dim3A_3440 = vector.broadcast %broadcast_in_dim3A_3439 : vector<1x128xi1> to vector<256x128xi1>
    %select_n3A_3441 = arith.select %broadcast_in_dim3A_3440, %max3A_3435, %min3A_3434 : vector<256x128xi1>, vector<256x128xf32>
    %min3A_3442 = arith.minimumf %select_n3A_3408, %select_n3A_3424 : vector<256x128xf32>
    %max3A_3443 = arith.maximumf %select_n3A_3408, %select_n3A_3424 : vector<256x128xf32>
    %broadcast_in_dim3A_3444 = vector.shape_cast %eq3A_3433 : vector<1x128xi1> to vector<1x128xi1>
    %broadcast_in_dim3A_3445 = vector.broadcast %broadcast_in_dim3A_3444 : vector<1x128xi1> to vector<256x128xi1>
    %select_n3A_3446 = arith.select %broadcast_in_dim3A_3445, %min3A_3442, %max3A_3443 : vector<256x128xi1>, vector<256x128xf32>
    %broadcast_in_dim3A_3447 = vector.shape_cast %eq3A_3433 : vector<1x128xi1> to vector<1x128xi1>
    %broadcast_in_dim3A_3448 = vector.broadcast %broadcast_in_dim3A_3447 : vector<1x128xi1> to vector<256x128xi1>
    %select_n3A_3449 = arith.select %broadcast_in_dim3A_3448, %max3A_3443, %min3A_3442 : vector<256x128xi1>, vector<256x128xf32>
    %min3A_3450 = arith.minimumf %select_n3A_3403, %select_n3A_3419 : vector<256x128xf32>
    %max3A_3451 = arith.maximumf %select_n3A_3403, %select_n3A_3419 : vector<256x128xf32>
    %broadcast_in_dim3A_3452 = vector.shape_cast %eq3A_3433 : vector<1x128xi1> to vector<1x128xi1>
    %broadcast_in_dim3A_3453 = vector.broadcast %broadcast_in_dim3A_3452 : vector<1x128xi1> to vector<256x128xi1>
    %select_n3A_3454 = arith.select %broadcast_in_dim3A_3453, %min3A_3450, %max3A_3451 : vector<256x128xi1>, vector<256x128xf32>
    %broadcast_in_dim3A_3455 = vector.shape_cast %eq3A_3433 : vector<1x128xi1> to vector<1x128xi1>
    %broadcast_in_dim3A_3456 = vector.broadcast %broadcast_in_dim3A_3455 : vector<1x128xi1> to vector<256x128xi1>
    %select_n3A_3457 = arith.select %broadcast_in_dim3A_3456, %max3A_3451, %min3A_3450 : vector<256x128xi1>, vector<256x128xf32>
    %min3A_3458 = arith.minimumf %select_n3A_3411, %select_n3A_3427 : vector<256x128xf32>
    %max3A_3459 = arith.maximumf %select_n3A_3411, %select_n3A_3427 : vector<256x128xf32>
    %broadcast_in_dim3A_3460 = vector.shape_cast %eq3A_3433 : vector<1x128xi1> to vector<1x128xi1>
    %broadcast_in_dim3A_3461 = vector.broadcast %broadcast_in_dim3A_3460 : vector<1x128xi1> to vector<256x128xi1>
    %select_n3A_3462 = arith.select %broadcast_in_dim3A_3461, %min3A_3458, %max3A_3459 : vector<256x128xi1>, vector<256x128xf32>
    %broadcast_in_dim3A_3463 = vector.shape_cast %eq3A_3433 : vector<1x128xi1> to vector<1x128xi1>
    %broadcast_in_dim3A_3464 = vector.broadcast %broadcast_in_dim3A_3463 : vector<1x128xi1> to vector<256x128xi1>
    %select_n3A_3465 = arith.select %broadcast_in_dim3A_3464, %max3A_3459, %min3A_3458 : vector<256x128xi1>, vector<256x128xf32>
    %and3A_3466 = arith.constant 64 : i32
    %and3A_3467 = vector.broadcast %and3A_3466 : i32 to vector<1x128xi32>
    %and3A_3468 = arith.andi %iota3A, %and3A_3467 : vector<1x128xi32>
    %eq3A_3469 = arith.constant 0 : i32
    %eq3A_3470 = vector.broadcast %eq3A_3469 : i32 to vector<1x128xi32>
    %eq3A_3471 = arith.cmpi eq, %and3A_3468, %eq3A_3470 : vector<1x128xi32>
    %min3A_3472 = arith.minimumf %select_n3A_3438, %select_n3A_3446 : vector<256x128xf32>
    %max3A_3473 = arith.maximumf %select_n3A_3438, %select_n3A_3446 : vector<256x128xf32>
    %broadcast_in_dim3A_3474 = vector.shape_cast %eq3A_3471 : vector<1x128xi1> to vector<1x128xi1>
    %broadcast_in_dim3A_3475 = vector.broadcast %broadcast_in_dim3A_3474 : vector<1x128xi1> to vector<256x128xi1>
    %select_n3A_3476 = arith.select %broadcast_in_dim3A_3475, %min3A_3472, %max3A_3473 : vector<256x128xi1>, vector<256x128xf32>
    %broadcast_in_dim3A_3477 = vector.shape_cast %eq3A_3471 : vector<1x128xi1> to vector<1x128xi1>
    %broadcast_in_dim3A_3478 = vector.broadcast %broadcast_in_dim3A_3477 : vector<1x128xi1> to vector<256x128xi1>
    %select_n3A_3479 = arith.select %broadcast_in_dim3A_3478, %max3A_3473, %min3A_3472 : vector<256x128xi1>, vector<256x128xf32>
    %min3A_3480 = arith.minimumf %select_n3A_3441, %select_n3A_3449 : vector<256x128xf32>
    %max3A_3481 = arith.maximumf %select_n3A_3441, %select_n3A_3449 : vector<256x128xf32>
    %broadcast_in_dim3A_3482 = vector.shape_cast %eq3A_3471 : vector<1x128xi1> to vector<1x128xi1>
    %broadcast_in_dim3A_3483 = vector.broadcast %broadcast_in_dim3A_3482 : vector<1x128xi1> to vector<256x128xi1>
    %select_n3A_3484 = arith.select %broadcast_in_dim3A_3483, %min3A_3480, %max3A_3481 : vector<256x128xi1>, vector<256x128xf32>
    %broadcast_in_dim3A_3485 = vector.shape_cast %eq3A_3471 : vector<1x128xi1> to vector<1x128xi1>
    %broadcast_in_dim3A_3486 = vector.broadcast %broadcast_in_dim3A_3485 : vector<1x128xi1> to vector<256x128xi1>
    %select_n3A_3487 = arith.select %broadcast_in_dim3A_3486, %max3A_3481, %min3A_3480 : vector<256x128xi1>, vector<256x128xf32>
    %min3A_3488 = arith.minimumf %select_n3A_3454, %select_n3A_3462 : vector<256x128xf32>
    %max3A_3489 = arith.maximumf %select_n3A_3454, %select_n3A_3462 : vector<256x128xf32>
    %broadcast_in_dim3A_3490 = vector.shape_cast %eq3A_3471 : vector<1x128xi1> to vector<1x128xi1>
    %broadcast_in_dim3A_3491 = vector.broadcast %broadcast_in_dim3A_3490 : vector<1x128xi1> to vector<256x128xi1>
    %select_n3A_3492 = arith.select %broadcast_in_dim3A_3491, %min3A_3488, %max3A_3489 : vector<256x128xi1>, vector<256x128xf32>
    %broadcast_in_dim3A_3493 = vector.shape_cast %eq3A_3471 : vector<1x128xi1> to vector<1x128xi1>
    %broadcast_in_dim3A_3494 = vector.broadcast %broadcast_in_dim3A_3493 : vector<1x128xi1> to vector<256x128xi1>
    %select_n3A_3495 = arith.select %broadcast_in_dim3A_3494, %max3A_3489, %min3A_3488 : vector<256x128xi1>, vector<256x128xf32>
    %min3A_3496 = arith.minimumf %select_n3A_3457, %select_n3A_3465 : vector<256x128xf32>
    %max3A_3497 = arith.maximumf %select_n3A_3457, %select_n3A_3465 : vector<256x128xf32>
    %broadcast_in_dim3A_3498 = vector.shape_cast %eq3A_3471 : vector<1x128xi1> to vector<1x128xi1>
    %broadcast_in_dim3A_3499 = vector.broadcast %broadcast_in_dim3A_3498 : vector<1x128xi1> to vector<256x128xi1>
    %select_n3A_3500 = arith.select %broadcast_in_dim3A_3499, %min3A_3496, %max3A_3497 : vector<256x128xi1>, vector<256x128xf32>
    %broadcast_in_dim3A_3501 = vector.shape_cast %eq3A_3471 : vector<1x128xi1> to vector<1x128xi1>
    %broadcast_in_dim3A_3502 = vector.broadcast %broadcast_in_dim3A_3501 : vector<1x128xi1> to vector<256x128xi1>
    %select_n3A_3503 = arith.select %broadcast_in_dim3A_3502, %max3A_3497, %min3A_3496 : vector<256x128xi1>, vector<256x128xf32>
    %and3A_3504 = arith.constant 64 : i32
    %and3A_3505 = vector.broadcast %and3A_3504 : i32 to vector<1x128xi32>
    %and3A_3506 = arith.andi %iota3A, %and3A_3505 : vector<1x128xi32>
    %eq3A_3507 = arith.constant 0 : i32
    %eq3A_3508 = vector.broadcast %eq3A_3507 : i32 to vector<1x128xi32>
    %eq3A_3509 = arith.cmpi eq, %and3A_3506, %eq3A_3508 : vector<1x128xi32>
    %slice3A_3510 = vector.extract_strided_slice %select_n3A_3476 {offsets = [0, 64], sizes = [256, 64], strides = [1, 1]} : vector<256x128xf32> to vector<256x64xf32>
    %slice3A_3511 = vector.extract_strided_slice %select_n3A_3476 {offsets = [0, 0], sizes = [256, 64], strides = [1, 1]} : vector<256x128xf32> to vector<256x64xf32>
    %concatenate3A_3512 = tpu.concatenate %slice3A_3510, %slice3A_3511 in 1 : vector<256x64xf32>, vector<256x64xf32> -> vector<256x128xf32>
    %slice3A_3513 = vector.extract_strided_slice %select_n3A_3476 {offsets = [0, 64], sizes = [256, 64], strides = [1, 1]} : vector<256x128xf32> to vector<256x64xf32>
    %slice3A_3514 = vector.extract_strided_slice %select_n3A_3476 {offsets = [0, 0], sizes = [256, 64], strides = [1, 1]} : vector<256x128xf32> to vector<256x64xf32>
    %concatenate3A_3515 = tpu.concatenate %slice3A_3513, %slice3A_3514 in 1 : vector<256x64xf32>, vector<256x64xf32> -> vector<256x128xf32>
    %broadcast_in_dim3A_3516 = vector.shape_cast %eq3A_3509 : vector<1x128xi1> to vector<1x128xi1>
    %broadcast_in_dim3A_3517 = vector.broadcast %broadcast_in_dim3A_3516 : vector<1x128xi1> to vector<256x128xi1>
    %select_n3A_3518 = arith.select %broadcast_in_dim3A_3517, %concatenate3A_3512, %concatenate3A_3515 : vector<256x128xi1>, vector<256x128xf32>
    %min3A_3519 = arith.minimumf %select_n3A_3476, %select_n3A_3518 : vector<256x128xf32>
    %max3A_3520 = arith.maximumf %select_n3A_3476, %select_n3A_3518 : vector<256x128xf32>
    %broadcast_in_dim3A_3521 = vector.shape_cast %eq3A_3509 : vector<1x128xi1> to vector<1x128xi1>
    %broadcast_in_dim3A_3522 = vector.broadcast %broadcast_in_dim3A_3521 : vector<1x128xi1> to vector<256x128xi1>
    %select_n3A_3523 = arith.select %broadcast_in_dim3A_3522, %min3A_3519, %max3A_3520 : vector<256x128xi1>, vector<256x128xf32>
    %slice3A_3524 = vector.extract_strided_slice %select_n3A_3479 {offsets = [0, 64], sizes = [256, 64], strides = [1, 1]} : vector<256x128xf32> to vector<256x64xf32>
    %slice3A_3525 = vector.extract_strided_slice %select_n3A_3479 {offsets = [0, 0], sizes = [256, 64], strides = [1, 1]} : vector<256x128xf32> to vector<256x64xf32>
    %concatenate3A_3526 = tpu.concatenate %slice3A_3524, %slice3A_3525 in 1 : vector<256x64xf32>, vector<256x64xf32> -> vector<256x128xf32>
    %slice3A_3527 = vector.extract_strided_slice %select_n3A_3479 {offsets = [0, 64], sizes = [256, 64], strides = [1, 1]} : vector<256x128xf32> to vector<256x64xf32>
    %slice3A_3528 = vector.extract_strided_slice %select_n3A_3479 {offsets = [0, 0], sizes = [256, 64], strides = [1, 1]} : vector<256x128xf32> to vector<256x64xf32>
    %concatenate3A_3529 = tpu.concatenate %slice3A_3527, %slice3A_3528 in 1 : vector<256x64xf32>, vector<256x64xf32> -> vector<256x128xf32>
    %broadcast_in_dim3A_3530 = vector.shape_cast %eq3A_3509 : vector<1x128xi1> to vector<1x128xi1>
    %broadcast_in_dim3A_3531 = vector.broadcast %broadcast_in_dim3A_3530 : vector<1x128xi1> to vector<256x128xi1>
    %select_n3A_3532 = arith.select %broadcast_in_dim3A_3531, %concatenate3A_3526, %concatenate3A_3529 : vector<256x128xi1>, vector<256x128xf32>
    %min3A_3533 = arith.minimumf %select_n3A_3479, %select_n3A_3532 : vector<256x128xf32>
    %max3A_3534 = arith.maximumf %select_n3A_3479, %select_n3A_3532 : vector<256x128xf32>
    %broadcast_in_dim3A_3535 = vector.shape_cast %eq3A_3509 : vector<1x128xi1> to vector<1x128xi1>
    %broadcast_in_dim3A_3536 = vector.broadcast %broadcast_in_dim3A_3535 : vector<1x128xi1> to vector<256x128xi1>
    %select_n3A_3537 = arith.select %broadcast_in_dim3A_3536, %min3A_3533, %max3A_3534 : vector<256x128xi1>, vector<256x128xf32>
    %slice3A_3538 = vector.extract_strided_slice %select_n3A_3484 {offsets = [0, 64], sizes = [256, 64], strides = [1, 1]} : vector<256x128xf32> to vector<256x64xf32>
    %slice3A_3539 = vector.extract_strided_slice %select_n3A_3484 {offsets = [0, 0], sizes = [256, 64], strides = [1, 1]} : vector<256x128xf32> to vector<256x64xf32>
    %concatenate3A_3540 = tpu.concatenate %slice3A_3538, %slice3A_3539 in 1 : vector<256x64xf32>, vector<256x64xf32> -> vector<256x128xf32>
    %slice3A_3541 = vector.extract_strided_slice %select_n3A_3484 {offsets = [0, 64], sizes = [256, 64], strides = [1, 1]} : vector<256x128xf32> to vector<256x64xf32>
    %slice3A_3542 = vector.extract_strided_slice %select_n3A_3484 {offsets = [0, 0], sizes = [256, 64], strides = [1, 1]} : vector<256x128xf32> to vector<256x64xf32>
    %concatenate3A_3543 = tpu.concatenate %slice3A_3541, %slice3A_3542 in 1 : vector<256x64xf32>, vector<256x64xf32> -> vector<256x128xf32>
    %broadcast_in_dim3A_3544 = vector.shape_cast %eq3A_3509 : vector<1x128xi1> to vector<1x128xi1>
    %broadcast_in_dim3A_3545 = vector.broadcast %broadcast_in_dim3A_3544 : vector<1x128xi1> to vector<256x128xi1>
    %select_n3A_3546 = arith.select %broadcast_in_dim3A_3545, %concatenate3A_3540, %concatenate3A_3543 : vector<256x128xi1>, vector<256x128xf32>
    %min3A_3547 = arith.minimumf %select_n3A_3484, %select_n3A_3546 : vector<256x128xf32>
    %max3A_3548 = arith.maximumf %select_n3A_3484, %select_n3A_3546 : vector<256x128xf32>
    %broadcast_in_dim3A_3549 = vector.shape_cast %eq3A_3509 : vector<1x128xi1> to vector<1x128xi1>
    %broadcast_in_dim3A_3550 = vector.broadcast %broadcast_in_dim3A_3549 : vector<1x128xi1> to vector<256x128xi1>
    %select_n3A_3551 = arith.select %broadcast_in_dim3A_3550, %min3A_3547, %max3A_3548 : vector<256x128xi1>, vector<256x128xf32>
    %slice3A_3552 = vector.extract_strided_slice %select_n3A_3487 {offsets = [0, 64], sizes = [256, 64], strides = [1, 1]} : vector<256x128xf32> to vector<256x64xf32>
    %slice3A_3553 = vector.extract_strided_slice %select_n3A_3487 {offsets = [0, 0], sizes = [256, 64], strides = [1, 1]} : vector<256x128xf32> to vector<256x64xf32>
    %concatenate3A_3554 = tpu.concatenate %slice3A_3552, %slice3A_3553 in 1 : vector<256x64xf32>, vector<256x64xf32> -> vector<256x128xf32>
    %slice3A_3555 = vector.extract_strided_slice %select_n3A_3487 {offsets = [0, 64], sizes = [256, 64], strides = [1, 1]} : vector<256x128xf32> to vector<256x64xf32>
    %slice3A_3556 = vector.extract_strided_slice %select_n3A_3487 {offsets = [0, 0], sizes = [256, 64], strides = [1, 1]} : vector<256x128xf32> to vector<256x64xf32>
    %concatenate3A_3557 = tpu.concatenate %slice3A_3555, %slice3A_3556 in 1 : vector<256x64xf32>, vector<256x64xf32> -> vector<256x128xf32>
    %broadcast_in_dim3A_3558 = vector.shape_cast %eq3A_3509 : vector<1x128xi1> to vector<1x128xi1>
    %broadcast_in_dim3A_3559 = vector.broadcast %broadcast_in_dim3A_3558 : vector<1x128xi1> to vector<256x128xi1>
    %select_n3A_3560 = arith.select %broadcast_in_dim3A_3559, %concatenate3A_3554, %concatenate3A_3557 : vector<256x128xi1>, vector<256x128xf32>
    %min3A_3561 = arith.minimumf %select_n3A_3487, %select_n3A_3560 : vector<256x128xf32>
    %max3A_3562 = arith.maximumf %select_n3A_3487, %select_n3A_3560 : vector<256x128xf32>
    %broadcast_in_dim3A_3563 = vector.shape_cast %eq3A_3509 : vector<1x128xi1> to vector<1x128xi1>
    %broadcast_in_dim3A_3564 = vector.broadcast %broadcast_in_dim3A_3563 : vector<1x128xi1> to vector<256x128xi1>
    %select_n3A_3565 = arith.select %broadcast_in_dim3A_3564, %min3A_3561, %max3A_3562 : vector<256x128xi1>, vector<256x128xf32>
    %slice3A_3566 = vector.extract_strided_slice %select_n3A_3492 {offsets = [0, 64], sizes = [256, 64], strides = [1, 1]} : vector<256x128xf32> to vector<256x64xf32>
    %slice3A_3567 = vector.extract_strided_slice %select_n3A_3492 {offsets = [0, 0], sizes = [256, 64], strides = [1, 1]} : vector<256x128xf32> to vector<256x64xf32>
    %concatenate3A_3568 = tpu.concatenate %slice3A_3566, %slice3A_3567 in 1 : vector<256x64xf32>, vector<256x64xf32> -> vector<256x128xf32>
    %slice3A_3569 = vector.extract_strided_slice %select_n3A_3492 {offsets = [0, 64], sizes = [256, 64], strides = [1, 1]} : vector<256x128xf32> to vector<256x64xf32>
    %slice3A_3570 = vector.extract_strided_slice %select_n3A_3492 {offsets = [0, 0], sizes = [256, 64], strides = [1, 1]} : vector<256x128xf32> to vector<256x64xf32>
    %concatenate3A_3571 = tpu.concatenate %slice3A_3569, %slice3A_3570 in 1 : vector<256x64xf32>, vector<256x64xf32> -> vector<256x128xf32>
    %broadcast_in_dim3A_3572 = vector.shape_cast %eq3A_3509 : vector<1x128xi1> to vector<1x128xi1>
    %broadcast_in_dim3A_3573 = vector.broadcast %broadcast_in_dim3A_3572 : vector<1x128xi1> to vector<256x128xi1>
    %select_n3A_3574 = arith.select %broadcast_in_dim3A_3573, %concatenate3A_3568, %concatenate3A_3571 : vector<256x128xi1>, vector<256x128xf32>
    %min3A_3575 = arith.minimumf %select_n3A_3492, %select_n3A_3574 : vector<256x128xf32>
    %max3A_3576 = arith.maximumf %select_n3A_3492, %select_n3A_3574 : vector<256x128xf32>
    %broadcast_in_dim3A_3577 = vector.shape_cast %eq3A_3509 : vector<1x128xi1> to vector<1x128xi1>
    %broadcast_in_dim3A_3578 = vector.broadcast %broadcast_in_dim3A_3577 : vector<1x128xi1> to vector<256x128xi1>
    %select_n3A_3579 = arith.select %broadcast_in_dim3A_3578, %min3A_3575, %max3A_3576 : vector<256x128xi1>, vector<256x128xf32>
    %slice3A_3580 = vector.extract_strided_slice %select_n3A_3495 {offsets = [0, 64], sizes = [256, 64], strides = [1, 1]} : vector<256x128xf32> to vector<256x64xf32>
    %slice3A_3581 = vector.extract_strided_slice %select_n3A_3495 {offsets = [0, 0], sizes = [256, 64], strides = [1, 1]} : vector<256x128xf32> to vector<256x64xf32>
    %concatenate3A_3582 = tpu.concatenate %slice3A_3580, %slice3A_3581 in 1 : vector<256x64xf32>, vector<256x64xf32> -> vector<256x128xf32>
    %slice3A_3583 = vector.extract_strided_slice %select_n3A_3495 {offsets = [0, 64], sizes = [256, 64], strides = [1, 1]} : vector<256x128xf32> to vector<256x64xf32>
    %slice3A_3584 = vector.extract_strided_slice %select_n3A_3495 {offsets = [0, 0], sizes = [256, 64], strides = [1, 1]} : vector<256x128xf32> to vector<256x64xf32>
    %concatenate3A_3585 = tpu.concatenate %slice3A_3583, %slice3A_3584 in 1 : vector<256x64xf32>, vector<256x64xf32> -> vector<256x128xf32>
    %broadcast_in_dim3A_3586 = vector.shape_cast %eq3A_3509 : vector<1x128xi1> to vector<1x128xi1>
    %broadcast_in_dim3A_3587 = vector.broadcast %broadcast_in_dim3A_3586 : vector<1x128xi1> to vector<256x128xi1>
    %select_n3A_3588 = arith.select %broadcast_in_dim3A_3587, %concatenate3A_3582, %concatenate3A_3585 : vector<256x128xi1>, vector<256x128xf32>
    %min3A_3589 = arith.minimumf %select_n3A_3495, %select_n3A_3588 : vector<256x128xf32>
    %max3A_3590 = arith.maximumf %select_n3A_3495, %select_n3A_3588 : vector<256x128xf32>
    %broadcast_in_dim3A_3591 = vector.shape_cast %eq3A_3509 : vector<1x128xi1> to vector<1x128xi1>
    %broadcast_in_dim3A_3592 = vector.broadcast %broadcast_in_dim3A_3591 : vector<1x128xi1> to vector<256x128xi1>
    %select_n3A_3593 = arith.select %broadcast_in_dim3A_3592, %min3A_3589, %max3A_3590 : vector<256x128xi1>, vector<256x128xf32>
    %slice3A_3594 = vector.extract_strided_slice %select_n3A_3500 {offsets = [0, 64], sizes = [256, 64], strides = [1, 1]} : vector<256x128xf32> to vector<256x64xf32>
    %slice3A_3595 = vector.extract_strided_slice %select_n3A_3500 {offsets = [0, 0], sizes = [256, 64], strides = [1, 1]} : vector<256x128xf32> to vector<256x64xf32>
    %concatenate3A_3596 = tpu.concatenate %slice3A_3594, %slice3A_3595 in 1 : vector<256x64xf32>, vector<256x64xf32> -> vector<256x128xf32>
    %slice3A_3597 = vector.extract_strided_slice %select_n3A_3500 {offsets = [0, 64], sizes = [256, 64], strides = [1, 1]} : vector<256x128xf32> to vector<256x64xf32>
    %slice3A_3598 = vector.extract_strided_slice %select_n3A_3500 {offsets = [0, 0], sizes = [256, 64], strides = [1, 1]} : vector<256x128xf32> to vector<256x64xf32>
    %concatenate3A_3599 = tpu.concatenate %slice3A_3597, %slice3A_3598 in 1 : vector<256x64xf32>, vector<256x64xf32> -> vector<256x128xf32>
    %broadcast_in_dim3A_3600 = vector.shape_cast %eq3A_3509 : vector<1x128xi1> to vector<1x128xi1>
    %broadcast_in_dim3A_3601 = vector.broadcast %broadcast_in_dim3A_3600 : vector<1x128xi1> to vector<256x128xi1>
    %select_n3A_3602 = arith.select %broadcast_in_dim3A_3601, %concatenate3A_3596, %concatenate3A_3599 : vector<256x128xi1>, vector<256x128xf32>
    %min3A_3603 = arith.minimumf %select_n3A_3500, %select_n3A_3602 : vector<256x128xf32>
    %max3A_3604 = arith.maximumf %select_n3A_3500, %select_n3A_3602 : vector<256x128xf32>
    %broadcast_in_dim3A_3605 = vector.shape_cast %eq3A_3509 : vector<1x128xi1> to vector<1x128xi1>
    %broadcast_in_dim3A_3606 = vector.broadcast %broadcast_in_dim3A_3605 : vector<1x128xi1> to vector<256x128xi1>
    %select_n3A_3607 = arith.select %broadcast_in_dim3A_3606, %min3A_3603, %max3A_3604 : vector<256x128xi1>, vector<256x128xf32>
    %slice3A_3608 = vector.extract_strided_slice %select_n3A_3503 {offsets = [0, 64], sizes = [256, 64], strides = [1, 1]} : vector<256x128xf32> to vector<256x64xf32>
    %slice3A_3609 = vector.extract_strided_slice %select_n3A_3503 {offsets = [0, 0], sizes = [256, 64], strides = [1, 1]} : vector<256x128xf32> to vector<256x64xf32>
    %concatenate3A_3610 = tpu.concatenate %slice3A_3608, %slice3A_3609 in 1 : vector<256x64xf32>, vector<256x64xf32> -> vector<256x128xf32>
    %slice3A_3611 = vector.extract_strided_slice %select_n3A_3503 {offsets = [0, 64], sizes = [256, 64], strides = [1, 1]} : vector<256x128xf32> to vector<256x64xf32>
    %slice3A_3612 = vector.extract_strided_slice %select_n3A_3503 {offsets = [0, 0], sizes = [256, 64], strides = [1, 1]} : vector<256x128xf32> to vector<256x64xf32>
    %concatenate3A_3613 = tpu.concatenate %slice3A_3611, %slice3A_3612 in 1 : vector<256x64xf32>, vector<256x64xf32> -> vector<256x128xf32>
    %broadcast_in_dim3A_3614 = vector.shape_cast %eq3A_3509 : vector<1x128xi1> to vector<1x128xi1>
    %broadcast_in_dim3A_3615 = vector.broadcast %broadcast_in_dim3A_3614 : vector<1x128xi1> to vector<256x128xi1>
    %select_n3A_3616 = arith.select %broadcast_in_dim3A_3615, %concatenate3A_3610, %concatenate3A_3613 : vector<256x128xi1>, vector<256x128xf32>
    %min3A_3617 = arith.minimumf %select_n3A_3503, %select_n3A_3616 : vector<256x128xf32>
    %max3A_3618 = arith.maximumf %select_n3A_3503, %select_n3A_3616 : vector<256x128xf32>
    %broadcast_in_dim3A_3619 = vector.shape_cast %eq3A_3509 : vector<1x128xi1> to vector<1x128xi1>
    %broadcast_in_dim3A_3620 = vector.broadcast %broadcast_in_dim3A_3619 : vector<1x128xi1> to vector<256x128xi1>
    %select_n3A_3621 = arith.select %broadcast_in_dim3A_3620, %min3A_3617, %max3A_3618 : vector<256x128xi1>, vector<256x128xf32>
    %and3A_3622 = arith.constant 32 : i32
    %and3A_3623 = vector.broadcast %and3A_3622 : i32 to vector<1x128xi32>
    %and3A_3624 = arith.andi %iota3A, %and3A_3623 : vector<1x128xi32>
    %eq3A_3625 = arith.constant 0 : i32
    %eq3A_3626 = vector.broadcast %eq3A_3625 : i32 to vector<1x128xi32>
    %eq3A_3627 = arith.cmpi eq, %and3A_3624, %eq3A_3626 : vector<1x128xi32>
    %slice3A_3628 = vector.extract_strided_slice %select_n3A_3523 {offsets = [0, 32], sizes = [256, 96], strides = [1, 1]} : vector<256x128xf32> to vector<256x96xf32>
    %slice3A_3629 = vector.extract_strided_slice %select_n3A_3523 {offsets = [0, 0], sizes = [256, 32], strides = [1, 1]} : vector<256x128xf32> to vector<256x32xf32>
    %concatenate3A_3630 = tpu.concatenate %slice3A_3628, %slice3A_3629 in 1 : vector<256x96xf32>, vector<256x32xf32> -> vector<256x128xf32>
    %slice3A_3631 = vector.extract_strided_slice %select_n3A_3523 {offsets = [0, 96], sizes = [256, 32], strides = [1, 1]} : vector<256x128xf32> to vector<256x32xf32>
    %slice3A_3632 = vector.extract_strided_slice %select_n3A_3523 {offsets = [0, 0], sizes = [256, 96], strides = [1, 1]} : vector<256x128xf32> to vector<256x96xf32>
    %concatenate3A_3633 = tpu.concatenate %slice3A_3631, %slice3A_3632 in 1 : vector<256x32xf32>, vector<256x96xf32> -> vector<256x128xf32>
    %broadcast_in_dim3A_3634 = vector.shape_cast %eq3A_3627 : vector<1x128xi1> to vector<1x128xi1>
    %broadcast_in_dim3A_3635 = vector.broadcast %broadcast_in_dim3A_3634 : vector<1x128xi1> to vector<256x128xi1>
    %select_n3A_3636 = arith.select %broadcast_in_dim3A_3635, %concatenate3A_3630, %concatenate3A_3633 : vector<256x128xi1>, vector<256x128xf32>
    %min3A_3637 = arith.minimumf %select_n3A_3523, %select_n3A_3636 : vector<256x128xf32>
    %max3A_3638 = arith.maximumf %select_n3A_3523, %select_n3A_3636 : vector<256x128xf32>
    %broadcast_in_dim3A_3639 = vector.shape_cast %eq3A_3627 : vector<1x128xi1> to vector<1x128xi1>
    %broadcast_in_dim3A_3640 = vector.broadcast %broadcast_in_dim3A_3639 : vector<1x128xi1> to vector<256x128xi1>
    %select_n3A_3641 = arith.select %broadcast_in_dim3A_3640, %min3A_3637, %max3A_3638 : vector<256x128xi1>, vector<256x128xf32>
    %slice3A_3642 = vector.extract_strided_slice %select_n3A_3537 {offsets = [0, 32], sizes = [256, 96], strides = [1, 1]} : vector<256x128xf32> to vector<256x96xf32>
    %slice3A_3643 = vector.extract_strided_slice %select_n3A_3537 {offsets = [0, 0], sizes = [256, 32], strides = [1, 1]} : vector<256x128xf32> to vector<256x32xf32>
    %concatenate3A_3644 = tpu.concatenate %slice3A_3642, %slice3A_3643 in 1 : vector<256x96xf32>, vector<256x32xf32> -> vector<256x128xf32>
    %slice3A_3645 = vector.extract_strided_slice %select_n3A_3537 {offsets = [0, 96], sizes = [256, 32], strides = [1, 1]} : vector<256x128xf32> to vector<256x32xf32>
    %slice3A_3646 = vector.extract_strided_slice %select_n3A_3537 {offsets = [0, 0], sizes = [256, 96], strides = [1, 1]} : vector<256x128xf32> to vector<256x96xf32>
    %concatenate3A_3647 = tpu.concatenate %slice3A_3645, %slice3A_3646 in 1 : vector<256x32xf32>, vector<256x96xf32> -> vector<256x128xf32>
    %broadcast_in_dim3A_3648 = vector.shape_cast %eq3A_3627 : vector<1x128xi1> to vector<1x128xi1>
    %broadcast_in_dim3A_3649 = vector.broadcast %broadcast_in_dim3A_3648 : vector<1x128xi1> to vector<256x128xi1>
    %select_n3A_3650 = arith.select %broadcast_in_dim3A_3649, %concatenate3A_3644, %concatenate3A_3647 : vector<256x128xi1>, vector<256x128xf32>
    %min3A_3651 = arith.minimumf %select_n3A_3537, %select_n3A_3650 : vector<256x128xf32>
    %max3A_3652 = arith.maximumf %select_n3A_3537, %select_n3A_3650 : vector<256x128xf32>
    %broadcast_in_dim3A_3653 = vector.shape_cast %eq3A_3627 : vector<1x128xi1> to vector<1x128xi1>
    %broadcast_in_dim3A_3654 = vector.broadcast %broadcast_in_dim3A_3653 : vector<1x128xi1> to vector<256x128xi1>
    %select_n3A_3655 = arith.select %broadcast_in_dim3A_3654, %min3A_3651, %max3A_3652 : vector<256x128xi1>, vector<256x128xf32>
    %slice3A_3656 = vector.extract_strided_slice %select_n3A_3551 {offsets = [0, 32], sizes = [256, 96], strides = [1, 1]} : vector<256x128xf32> to vector<256x96xf32>
    %slice3A_3657 = vector.extract_strided_slice %select_n3A_3551 {offsets = [0, 0], sizes = [256, 32], strides = [1, 1]} : vector<256x128xf32> to vector<256x32xf32>
    %concatenate3A_3658 = tpu.concatenate %slice3A_3656, %slice3A_3657 in 1 : vector<256x96xf32>, vector<256x32xf32> -> vector<256x128xf32>
    %slice3A_3659 = vector.extract_strided_slice %select_n3A_3551 {offsets = [0, 96], sizes = [256, 32], strides = [1, 1]} : vector<256x128xf32> to vector<256x32xf32>
    %slice3A_3660 = vector.extract_strided_slice %select_n3A_3551 {offsets = [0, 0], sizes = [256, 96], strides = [1, 1]} : vector<256x128xf32> to vector<256x96xf32>
    %concatenate3A_3661 = tpu.concatenate %slice3A_3659, %slice3A_3660 in 1 : vector<256x32xf32>, vector<256x96xf32> -> vector<256x128xf32>
    %broadcast_in_dim3A_3662 = vector.shape_cast %eq3A_3627 : vector<1x128xi1> to vector<1x128xi1>
    %broadcast_in_dim3A_3663 = vector.broadcast %broadcast_in_dim3A_3662 : vector<1x128xi1> to vector<256x128xi1>
    %select_n3A_3664 = arith.select %broadcast_in_dim3A_3663, %concatenate3A_3658, %concatenate3A_3661 : vector<256x128xi1>, vector<256x128xf32>
    %min3A_3665 = arith.minimumf %select_n3A_3551, %select_n3A_3664 : vector<256x128xf32>
    %max3A_3666 = arith.maximumf %select_n3A_3551, %select_n3A_3664 : vector<256x128xf32>
    %broadcast_in_dim3A_3667 = vector.shape_cast %eq3A_3627 : vector<1x128xi1> to vector<1x128xi1>
    %broadcast_in_dim3A_3668 = vector.broadcast %broadcast_in_dim3A_3667 : vector<1x128xi1> to vector<256x128xi1>
    %select_n3A_3669 = arith.select %broadcast_in_dim3A_3668, %min3A_3665, %max3A_3666 : vector<256x128xi1>, vector<256x128xf32>
    %slice3A_3670 = vector.extract_strided_slice %select_n3A_3565 {offsets = [0, 32], sizes = [256, 96], strides = [1, 1]} : vector<256x128xf32> to vector<256x96xf32>
    %slice3A_3671 = vector.extract_strided_slice %select_n3A_3565 {offsets = [0, 0], sizes = [256, 32], strides = [1, 1]} : vector<256x128xf32> to vector<256x32xf32>
    %concatenate3A_3672 = tpu.concatenate %slice3A_3670, %slice3A_3671 in 1 : vector<256x96xf32>, vector<256x32xf32> -> vector<256x128xf32>
    %slice3A_3673 = vector.extract_strided_slice %select_n3A_3565 {offsets = [0, 96], sizes = [256, 32], strides = [1, 1]} : vector<256x128xf32> to vector<256x32xf32>
    %slice3A_3674 = vector.extract_strided_slice %select_n3A_3565 {offsets = [0, 0], sizes = [256, 96], strides = [1, 1]} : vector<256x128xf32> to vector<256x96xf32>
    %concatenate3A_3675 = tpu.concatenate %slice3A_3673, %slice3A_3674 in 1 : vector<256x32xf32>, vector<256x96xf32> -> vector<256x128xf32>
    %broadcast_in_dim3A_3676 = vector.shape_cast %eq3A_3627 : vector<1x128xi1> to vector<1x128xi1>
    %broadcast_in_dim3A_3677 = vector.broadcast %broadcast_in_dim3A_3676 : vector<1x128xi1> to vector<256x128xi1>
    %select_n3A_3678 = arith.select %broadcast_in_dim3A_3677, %concatenate3A_3672, %concatenate3A_3675 : vector<256x128xi1>, vector<256x128xf32>
    %min3A_3679 = arith.minimumf %select_n3A_3565, %select_n3A_3678 : vector<256x128xf32>
    %max3A_3680 = arith.maximumf %select_n3A_3565, %select_n3A_3678 : vector<256x128xf32>
    %broadcast_in_dim3A_3681 = vector.shape_cast %eq3A_3627 : vector<1x128xi1> to vector<1x128xi1>
    %broadcast_in_dim3A_3682 = vector.broadcast %broadcast_in_dim3A_3681 : vector<1x128xi1> to vector<256x128xi1>
    %select_n3A_3683 = arith.select %broadcast_in_dim3A_3682, %min3A_3679, %max3A_3680 : vector<256x128xi1>, vector<256x128xf32>
    %slice3A_3684 = vector.extract_strided_slice %select_n3A_3579 {offsets = [0, 32], sizes = [256, 96], strides = [1, 1]} : vector<256x128xf32> to vector<256x96xf32>
    %slice3A_3685 = vector.extract_strided_slice %select_n3A_3579 {offsets = [0, 0], sizes = [256, 32], strides = [1, 1]} : vector<256x128xf32> to vector<256x32xf32>
    %concatenate3A_3686 = tpu.concatenate %slice3A_3684, %slice3A_3685 in 1 : vector<256x96xf32>, vector<256x32xf32> -> vector<256x128xf32>
    %slice3A_3687 = vector.extract_strided_slice %select_n3A_3579 {offsets = [0, 96], sizes = [256, 32], strides = [1, 1]} : vector<256x128xf32> to vector<256x32xf32>
    %slice3A_3688 = vector.extract_strided_slice %select_n3A_3579 {offsets = [0, 0], sizes = [256, 96], strides = [1, 1]} : vector<256x128xf32> to vector<256x96xf32>
    %concatenate3A_3689 = tpu.concatenate %slice3A_3687, %slice3A_3688 in 1 : vector<256x32xf32>, vector<256x96xf32> -> vector<256x128xf32>
    %broadcast_in_dim3A_3690 = vector.shape_cast %eq3A_3627 : vector<1x128xi1> to vector<1x128xi1>
    %broadcast_in_dim3A_3691 = vector.broadcast %broadcast_in_dim3A_3690 : vector<1x128xi1> to vector<256x128xi1>
    %select_n3A_3692 = arith.select %broadcast_in_dim3A_3691, %concatenate3A_3686, %concatenate3A_3689 : vector<256x128xi1>, vector<256x128xf32>
    %min3A_3693 = arith.minimumf %select_n3A_3579, %select_n3A_3692 : vector<256x128xf32>
    %max3A_3694 = arith.maximumf %select_n3A_3579, %select_n3A_3692 : vector<256x128xf32>
    %broadcast_in_dim3A_3695 = vector.shape_cast %eq3A_3627 : vector<1x128xi1> to vector<1x128xi1>
    %broadcast_in_dim3A_3696 = vector.broadcast %broadcast_in_dim3A_3695 : vector<1x128xi1> to vector<256x128xi1>
    %select_n3A_3697 = arith.select %broadcast_in_dim3A_3696, %min3A_3693, %max3A_3694 : vector<256x128xi1>, vector<256x128xf32>
    %slice3A_3698 = vector.extract_strided_slice %select_n3A_3593 {offsets = [0, 32], sizes = [256, 96], strides = [1, 1]} : vector<256x128xf32> to vector<256x96xf32>
    %slice3A_3699 = vector.extract_strided_slice %select_n3A_3593 {offsets = [0, 0], sizes = [256, 32], strides = [1, 1]} : vector<256x128xf32> to vector<256x32xf32>
    %concatenate3A_3700 = tpu.concatenate %slice3A_3698, %slice3A_3699 in 1 : vector<256x96xf32>, vector<256x32xf32> -> vector<256x128xf32>
    %slice3A_3701 = vector.extract_strided_slice %select_n3A_3593 {offsets = [0, 96], sizes = [256, 32], strides = [1, 1]} : vector<256x128xf32> to vector<256x32xf32>
    %slice3A_3702 = vector.extract_strided_slice %select_n3A_3593 {offsets = [0, 0], sizes = [256, 96], strides = [1, 1]} : vector<256x128xf32> to vector<256x96xf32>
    %concatenate3A_3703 = tpu.concatenate %slice3A_3701, %slice3A_3702 in 1 : vector<256x32xf32>, vector<256x96xf32> -> vector<256x128xf32>
    %broadcast_in_dim3A_3704 = vector.shape_cast %eq3A_3627 : vector<1x128xi1> to vector<1x128xi1>
    %broadcast_in_dim3A_3705 = vector.broadcast %broadcast_in_dim3A_3704 : vector<1x128xi1> to vector<256x128xi1>
    %select_n3A_3706 = arith.select %broadcast_in_dim3A_3705, %concatenate3A_3700, %concatenate3A_3703 : vector<256x128xi1>, vector<256x128xf32>
    %min3A_3707 = arith.minimumf %select_n3A_3593, %select_n3A_3706 : vector<256x128xf32>
    %max3A_3708 = arith.maximumf %select_n3A_3593, %select_n3A_3706 : vector<256x128xf32>
    %broadcast_in_dim3A_3709 = vector.shape_cast %eq3A_3627 : vector<1x128xi1> to vector<1x128xi1>
    %broadcast_in_dim3A_3710 = vector.broadcast %broadcast_in_dim3A_3709 : vector<1x128xi1> to vector<256x128xi1>
    %select_n3A_3711 = arith.select %broadcast_in_dim3A_3710, %min3A_3707, %max3A_3708 : vector<256x128xi1>, vector<256x128xf32>
    %slice3A_3712 = vector.extract_strided_slice %select_n3A_3607 {offsets = [0, 32], sizes = [256, 96], strides = [1, 1]} : vector<256x128xf32> to vector<256x96xf32>
    %slice3A_3713 = vector.extract_strided_slice %select_n3A_3607 {offsets = [0, 0], sizes = [256, 32], strides = [1, 1]} : vector<256x128xf32> to vector<256x32xf32>
    %concatenate3A_3714 = tpu.concatenate %slice3A_3712, %slice3A_3713 in 1 : vector<256x96xf32>, vector<256x32xf32> -> vector<256x128xf32>
    %slice3A_3715 = vector.extract_strided_slice %select_n3A_3607 {offsets = [0, 96], sizes = [256, 32], strides = [1, 1]} : vector<256x128xf32> to vector<256x32xf32>
    %slice3A_3716 = vector.extract_strided_slice %select_n3A_3607 {offsets = [0, 0], sizes = [256, 96], strides = [1, 1]} : vector<256x128xf32> to vector<256x96xf32>
    %concatenate3A_3717 = tpu.concatenate %slice3A_3715, %slice3A_3716 in 1 : vector<256x32xf32>, vector<256x96xf32> -> vector<256x128xf32>
    %broadcast_in_dim3A_3718 = vector.shape_cast %eq3A_3627 : vector<1x128xi1> to vector<1x128xi1>
    %broadcast_in_dim3A_3719 = vector.broadcast %broadcast_in_dim3A_3718 : vector<1x128xi1> to vector<256x128xi1>
    %select_n3A_3720 = arith.select %broadcast_in_dim3A_3719, %concatenate3A_3714, %concatenate3A_3717 : vector<256x128xi1>, vector<256x128xf32>
    %min3A_3721 = arith.minimumf %select_n3A_3607, %select_n3A_3720 : vector<256x128xf32>
    %max3A_3722 = arith.maximumf %select_n3A_3607, %select_n3A_3720 : vector<256x128xf32>
    %broadcast_in_dim3A_3723 = vector.shape_cast %eq3A_3627 : vector<1x128xi1> to vector<1x128xi1>
    %broadcast_in_dim3A_3724 = vector.broadcast %broadcast_in_dim3A_3723 : vector<1x128xi1> to vector<256x128xi1>
    %select_n3A_3725 = arith.select %broadcast_in_dim3A_3724, %min3A_3721, %max3A_3722 : vector<256x128xi1>, vector<256x128xf32>
    %slice3A_3726 = vector.extract_strided_slice %select_n3A_3621 {offsets = [0, 32], sizes = [256, 96], strides = [1, 1]} : vector<256x128xf32> to vector<256x96xf32>
    %slice3A_3727 = vector.extract_strided_slice %select_n3A_3621 {offsets = [0, 0], sizes = [256, 32], strides = [1, 1]} : vector<256x128xf32> to vector<256x32xf32>
    %concatenate3A_3728 = tpu.concatenate %slice3A_3726, %slice3A_3727 in 1 : vector<256x96xf32>, vector<256x32xf32> -> vector<256x128xf32>
    %slice3A_3729 = vector.extract_strided_slice %select_n3A_3621 {offsets = [0, 96], sizes = [256, 32], strides = [1, 1]} : vector<256x128xf32> to vector<256x32xf32>
    %slice3A_3730 = vector.extract_strided_slice %select_n3A_3621 {offsets = [0, 0], sizes = [256, 96], strides = [1, 1]} : vector<256x128xf32> to vector<256x96xf32>
    %concatenate3A_3731 = tpu.concatenate %slice3A_3729, %slice3A_3730 in 1 : vector<256x32xf32>, vector<256x96xf32> -> vector<256x128xf32>
    %broadcast_in_dim3A_3732 = vector.shape_cast %eq3A_3627 : vector<1x128xi1> to vector<1x128xi1>
    %broadcast_in_dim3A_3733 = vector.broadcast %broadcast_in_dim3A_3732 : vector<1x128xi1> to vector<256x128xi1>
    %select_n3A_3734 = arith.select %broadcast_in_dim3A_3733, %concatenate3A_3728, %concatenate3A_3731 : vector<256x128xi1>, vector<256x128xf32>
    %min3A_3735 = arith.minimumf %select_n3A_3621, %select_n3A_3734 : vector<256x128xf32>
    %max3A_3736 = arith.maximumf %select_n3A_3621, %select_n3A_3734 : vector<256x128xf32>
    %broadcast_in_dim3A_3737 = vector.shape_cast %eq3A_3627 : vector<1x128xi1> to vector<1x128xi1>
    %broadcast_in_dim3A_3738 = vector.broadcast %broadcast_in_dim3A_3737 : vector<1x128xi1> to vector<256x128xi1>
    %select_n3A_3739 = arith.select %broadcast_in_dim3A_3738, %min3A_3735, %max3A_3736 : vector<256x128xi1>, vector<256x128xf32>
    %and3A_3740 = arith.constant 16 : i32
    %and3A_3741 = vector.broadcast %and3A_3740 : i32 to vector<1x128xi32>
    %and3A_3742 = arith.andi %iota3A, %and3A_3741 : vector<1x128xi32>
    %eq3A_3743 = arith.constant 0 : i32
    %eq3A_3744 = vector.broadcast %eq3A_3743 : i32 to vector<1x128xi32>
    %eq3A_3745 = arith.cmpi eq, %and3A_3742, %eq3A_3744 : vector<1x128xi32>
    %slice3A_3746 = vector.extract_strided_slice %select_n3A_3641 {offsets = [0, 16], sizes = [256, 112], strides = [1, 1]} : vector<256x128xf32> to vector<256x112xf32>
    %slice3A_3747 = vector.extract_strided_slice %select_n3A_3641 {offsets = [0, 0], sizes = [256, 16], strides = [1, 1]} : vector<256x128xf32> to vector<256x16xf32>
    %concatenate3A_3748 = tpu.concatenate %slice3A_3746, %slice3A_3747 in 1 : vector<256x112xf32>, vector<256x16xf32> -> vector<256x128xf32>
    %slice3A_3749 = vector.extract_strided_slice %select_n3A_3641 {offsets = [0, 112], sizes = [256, 16], strides = [1, 1]} : vector<256x128xf32> to vector<256x16xf32>
    %slice3A_3750 = vector.extract_strided_slice %select_n3A_3641 {offsets = [0, 0], sizes = [256, 112], strides = [1, 1]} : vector<256x128xf32> to vector<256x112xf32>
    %concatenate3A_3751 = tpu.concatenate %slice3A_3749, %slice3A_3750 in 1 : vector<256x16xf32>, vector<256x112xf32> -> vector<256x128xf32>
    %broadcast_in_dim3A_3752 = vector.shape_cast %eq3A_3745 : vector<1x128xi1> to vector<1x128xi1>
    %broadcast_in_dim3A_3753 = vector.broadcast %broadcast_in_dim3A_3752 : vector<1x128xi1> to vector<256x128xi1>
    %select_n3A_3754 = arith.select %broadcast_in_dim3A_3753, %concatenate3A_3748, %concatenate3A_3751 : vector<256x128xi1>, vector<256x128xf32>
    %min3A_3755 = arith.minimumf %select_n3A_3641, %select_n3A_3754 : vector<256x128xf32>
    %max3A_3756 = arith.maximumf %select_n3A_3641, %select_n3A_3754 : vector<256x128xf32>
    %broadcast_in_dim3A_3757 = vector.shape_cast %eq3A_3745 : vector<1x128xi1> to vector<1x128xi1>
    %broadcast_in_dim3A_3758 = vector.broadcast %broadcast_in_dim3A_3757 : vector<1x128xi1> to vector<256x128xi1>
    %select_n3A_3759 = arith.select %broadcast_in_dim3A_3758, %min3A_3755, %max3A_3756 : vector<256x128xi1>, vector<256x128xf32>
    %slice3A_3760 = vector.extract_strided_slice %select_n3A_3655 {offsets = [0, 16], sizes = [256, 112], strides = [1, 1]} : vector<256x128xf32> to vector<256x112xf32>
    %slice3A_3761 = vector.extract_strided_slice %select_n3A_3655 {offsets = [0, 0], sizes = [256, 16], strides = [1, 1]} : vector<256x128xf32> to vector<256x16xf32>
    %concatenate3A_3762 = tpu.concatenate %slice3A_3760, %slice3A_3761 in 1 : vector<256x112xf32>, vector<256x16xf32> -> vector<256x128xf32>
    %slice3A_3763 = vector.extract_strided_slice %select_n3A_3655 {offsets = [0, 112], sizes = [256, 16], strides = [1, 1]} : vector<256x128xf32> to vector<256x16xf32>
    %slice3A_3764 = vector.extract_strided_slice %select_n3A_3655 {offsets = [0, 0], sizes = [256, 112], strides = [1, 1]} : vector<256x128xf32> to vector<256x112xf32>
    %concatenate3A_3765 = tpu.concatenate %slice3A_3763, %slice3A_3764 in 1 : vector<256x16xf32>, vector<256x112xf32> -> vector<256x128xf32>
    %broadcast_in_dim3A_3766 = vector.shape_cast %eq3A_3745 : vector<1x128xi1> to vector<1x128xi1>
    %broadcast_in_dim3A_3767 = vector.broadcast %broadcast_in_dim3A_3766 : vector<1x128xi1> to vector<256x128xi1>
    %select_n3A_3768 = arith.select %broadcast_in_dim3A_3767, %concatenate3A_3762, %concatenate3A_3765 : vector<256x128xi1>, vector<256x128xf32>
    %min3A_3769 = arith.minimumf %select_n3A_3655, %select_n3A_3768 : vector<256x128xf32>
    %max3A_3770 = arith.maximumf %select_n3A_3655, %select_n3A_3768 : vector<256x128xf32>
    %broadcast_in_dim3A_3771 = vector.shape_cast %eq3A_3745 : vector<1x128xi1> to vector<1x128xi1>
    %broadcast_in_dim3A_3772 = vector.broadcast %broadcast_in_dim3A_3771 : vector<1x128xi1> to vector<256x128xi1>
    %select_n3A_3773 = arith.select %broadcast_in_dim3A_3772, %min3A_3769, %max3A_3770 : vector<256x128xi1>, vector<256x128xf32>
    %slice3A_3774 = vector.extract_strided_slice %select_n3A_3669 {offsets = [0, 16], sizes = [256, 112], strides = [1, 1]} : vector<256x128xf32> to vector<256x112xf32>
    %slice3A_3775 = vector.extract_strided_slice %select_n3A_3669 {offsets = [0, 0], sizes = [256, 16], strides = [1, 1]} : vector<256x128xf32> to vector<256x16xf32>
    %concatenate3A_3776 = tpu.concatenate %slice3A_3774, %slice3A_3775 in 1 : vector<256x112xf32>, vector<256x16xf32> -> vector<256x128xf32>
    %slice3A_3777 = vector.extract_strided_slice %select_n3A_3669 {offsets = [0, 112], sizes = [256, 16], strides = [1, 1]} : vector<256x128xf32> to vector<256x16xf32>
    %slice3A_3778 = vector.extract_strided_slice %select_n3A_3669 {offsets = [0, 0], sizes = [256, 112], strides = [1, 1]} : vector<256x128xf32> to vector<256x112xf32>
    %concatenate3A_3779 = tpu.concatenate %slice3A_3777, %slice3A_3778 in 1 : vector<256x16xf32>, vector<256x112xf32> -> vector<256x128xf32>
    %broadcast_in_dim3A_3780 = vector.shape_cast %eq3A_3745 : vector<1x128xi1> to vector<1x128xi1>
    %broadcast_in_dim3A_3781 = vector.broadcast %broadcast_in_dim3A_3780 : vector<1x128xi1> to vector<256x128xi1>
    %select_n3A_3782 = arith.select %broadcast_in_dim3A_3781, %concatenate3A_3776, %concatenate3A_3779 : vector<256x128xi1>, vector<256x128xf32>
    %min3A_3783 = arith.minimumf %select_n3A_3669, %select_n3A_3782 : vector<256x128xf32>
    %max3A_3784 = arith.maximumf %select_n3A_3669, %select_n3A_3782 : vector<256x128xf32>
    %broadcast_in_dim3A_3785 = vector.shape_cast %eq3A_3745 : vector<1x128xi1> to vector<1x128xi1>
    %broadcast_in_dim3A_3786 = vector.broadcast %broadcast_in_dim3A_3785 : vector<1x128xi1> to vector<256x128xi1>
    %select_n3A_3787 = arith.select %broadcast_in_dim3A_3786, %min3A_3783, %max3A_3784 : vector<256x128xi1>, vector<256x128xf32>
    %slice3A_3788 = vector.extract_strided_slice %select_n3A_3683 {offsets = [0, 16], sizes = [256, 112], strides = [1, 1]} : vector<256x128xf32> to vector<256x112xf32>
    %slice3A_3789 = vector.extract_strided_slice %select_n3A_3683 {offsets = [0, 0], sizes = [256, 16], strides = [1, 1]} : vector<256x128xf32> to vector<256x16xf32>
    %concatenate3A_3790 = tpu.concatenate %slice3A_3788, %slice3A_3789 in 1 : vector<256x112xf32>, vector<256x16xf32> -> vector<256x128xf32>
    %slice3A_3791 = vector.extract_strided_slice %select_n3A_3683 {offsets = [0, 112], sizes = [256, 16], strides = [1, 1]} : vector<256x128xf32> to vector<256x16xf32>
    %slice3A_3792 = vector.extract_strided_slice %select_n3A_3683 {offsets = [0, 0], sizes = [256, 112], strides = [1, 1]} : vector<256x128xf32> to vector<256x112xf32>
    %concatenate3A_3793 = tpu.concatenate %slice3A_3791, %slice3A_3792 in 1 : vector<256x16xf32>, vector<256x112xf32> -> vector<256x128xf32>
    %broadcast_in_dim3A_3794 = vector.shape_cast %eq3A_3745 : vector<1x128xi1> to vector<1x128xi1>
    %broadcast_in_dim3A_3795 = vector.broadcast %broadcast_in_dim3A_3794 : vector<1x128xi1> to vector<256x128xi1>
    %select_n3A_3796 = arith.select %broadcast_in_dim3A_3795, %concatenate3A_3790, %concatenate3A_3793 : vector<256x128xi1>, vector<256x128xf32>
    %min3A_3797 = arith.minimumf %select_n3A_3683, %select_n3A_3796 : vector<256x128xf32>
    %max3A_3798 = arith.maximumf %select_n3A_3683, %select_n3A_3796 : vector<256x128xf32>
    %broadcast_in_dim3A_3799 = vector.shape_cast %eq3A_3745 : vector<1x128xi1> to vector<1x128xi1>
    %broadcast_in_dim3A_3800 = vector.broadcast %broadcast_in_dim3A_3799 : vector<1x128xi1> to vector<256x128xi1>
    %select_n3A_3801 = arith.select %broadcast_in_dim3A_3800, %min3A_3797, %max3A_3798 : vector<256x128xi1>, vector<256x128xf32>
    %slice3A_3802 = vector.extract_strided_slice %select_n3A_3697 {offsets = [0, 16], sizes = [256, 112], strides = [1, 1]} : vector<256x128xf32> to vector<256x112xf32>
    %slice3A_3803 = vector.extract_strided_slice %select_n3A_3697 {offsets = [0, 0], sizes = [256, 16], strides = [1, 1]} : vector<256x128xf32> to vector<256x16xf32>
    %concatenate3A_3804 = tpu.concatenate %slice3A_3802, %slice3A_3803 in 1 : vector<256x112xf32>, vector<256x16xf32> -> vector<256x128xf32>
    %slice3A_3805 = vector.extract_strided_slice %select_n3A_3697 {offsets = [0, 112], sizes = [256, 16], strides = [1, 1]} : vector<256x128xf32> to vector<256x16xf32>
    %slice3A_3806 = vector.extract_strided_slice %select_n3A_3697 {offsets = [0, 0], sizes = [256, 112], strides = [1, 1]} : vector<256x128xf32> to vector<256x112xf32>
    %concatenate3A_3807 = tpu.concatenate %slice3A_3805, %slice3A_3806 in 1 : vector<256x16xf32>, vector<256x112xf32> -> vector<256x128xf32>
    %broadcast_in_dim3A_3808 = vector.shape_cast %eq3A_3745 : vector<1x128xi1> to vector<1x128xi1>
    %broadcast_in_dim3A_3809 = vector.broadcast %broadcast_in_dim3A_3808 : vector<1x128xi1> to vector<256x128xi1>
    %select_n3A_3810 = arith.select %broadcast_in_dim3A_3809, %concatenate3A_3804, %concatenate3A_3807 : vector<256x128xi1>, vector<256x128xf32>
    %min3A_3811 = arith.minimumf %select_n3A_3697, %select_n3A_3810 : vector<256x128xf32>
    %max3A_3812 = arith.maximumf %select_n3A_3697, %select_n3A_3810 : vector<256x128xf32>
    %broadcast_in_dim3A_3813 = vector.shape_cast %eq3A_3745 : vector<1x128xi1> to vector<1x128xi1>
    %broadcast_in_dim3A_3814 = vector.broadcast %broadcast_in_dim3A_3813 : vector<1x128xi1> to vector<256x128xi1>
    %select_n3A_3815 = arith.select %broadcast_in_dim3A_3814, %min3A_3811, %max3A_3812 : vector<256x128xi1>, vector<256x128xf32>
    %slice3A_3816 = vector.extract_strided_slice %select_n3A_3711 {offsets = [0, 16], sizes = [256, 112], strides = [1, 1]} : vector<256x128xf32> to vector<256x112xf32>
    %slice3A_3817 = vector.extract_strided_slice %select_n3A_3711 {offsets = [0, 0], sizes = [256, 16], strides = [1, 1]} : vector<256x128xf32> to vector<256x16xf32>
    %concatenate3A_3818 = tpu.concatenate %slice3A_3816, %slice3A_3817 in 1 : vector<256x112xf32>, vector<256x16xf32> -> vector<256x128xf32>
    %slice3A_3819 = vector.extract_strided_slice %select_n3A_3711 {offsets = [0, 112], sizes = [256, 16], strides = [1, 1]} : vector<256x128xf32> to vector<256x16xf32>
    %slice3A_3820 = vector.extract_strided_slice %select_n3A_3711 {offsets = [0, 0], sizes = [256, 112], strides = [1, 1]} : vector<256x128xf32> to vector<256x112xf32>
    %concatenate3A_3821 = tpu.concatenate %slice3A_3819, %slice3A_3820 in 1 : vector<256x16xf32>, vector<256x112xf32> -> vector<256x128xf32>
    %broadcast_in_dim3A_3822 = vector.shape_cast %eq3A_3745 : vector<1x128xi1> to vector<1x128xi1>
    %broadcast_in_dim3A_3823 = vector.broadcast %broadcast_in_dim3A_3822 : vector<1x128xi1> to vector<256x128xi1>
    %select_n3A_3824 = arith.select %broadcast_in_dim3A_3823, %concatenate3A_3818, %concatenate3A_3821 : vector<256x128xi1>, vector<256x128xf32>
    %min3A_3825 = arith.minimumf %select_n3A_3711, %select_n3A_3824 : vector<256x128xf32>
    %max3A_3826 = arith.maximumf %select_n3A_3711, %select_n3A_3824 : vector<256x128xf32>
    %broadcast_in_dim3A_3827 = vector.shape_cast %eq3A_3745 : vector<1x128xi1> to vector<1x128xi1>
    %broadcast_in_dim3A_3828 = vector.broadcast %broadcast_in_dim3A_3827 : vector<1x128xi1> to vector<256x128xi1>
    %select_n3A_3829 = arith.select %broadcast_in_dim3A_3828, %min3A_3825, %max3A_3826 : vector<256x128xi1>, vector<256x128xf32>
    %slice3A_3830 = vector.extract_strided_slice %select_n3A_3725 {offsets = [0, 16], sizes = [256, 112], strides = [1, 1]} : vector<256x128xf32> to vector<256x112xf32>
    %slice3A_3831 = vector.extract_strided_slice %select_n3A_3725 {offsets = [0, 0], sizes = [256, 16], strides = [1, 1]} : vector<256x128xf32> to vector<256x16xf32>
    %concatenate3A_3832 = tpu.concatenate %slice3A_3830, %slice3A_3831 in 1 : vector<256x112xf32>, vector<256x16xf32> -> vector<256x128xf32>
    %slice3A_3833 = vector.extract_strided_slice %select_n3A_3725 {offsets = [0, 112], sizes = [256, 16], strides = [1, 1]} : vector<256x128xf32> to vector<256x16xf32>
    %slice3A_3834 = vector.extract_strided_slice %select_n3A_3725 {offsets = [0, 0], sizes = [256, 112], strides = [1, 1]} : vector<256x128xf32> to vector<256x112xf32>
    %concatenate3A_3835 = tpu.concatenate %slice3A_3833, %slice3A_3834 in 1 : vector<256x16xf32>, vector<256x112xf32> -> vector<256x128xf32>
    %broadcast_in_dim3A_3836 = vector.shape_cast %eq3A_3745 : vector<1x128xi1> to vector<1x128xi1>
    %broadcast_in_dim3A_3837 = vector.broadcast %broadcast_in_dim3A_3836 : vector<1x128xi1> to vector<256x128xi1>
    %select_n3A_3838 = arith.select %broadcast_in_dim3A_3837, %concatenate3A_3832, %concatenate3A_3835 : vector<256x128xi1>, vector<256x128xf32>
    %min3A_3839 = arith.minimumf %select_n3A_3725, %select_n3A_3838 : vector<256x128xf32>
    %max3A_3840 = arith.maximumf %select_n3A_3725, %select_n3A_3838 : vector<256x128xf32>
    %broadcast_in_dim3A_3841 = vector.shape_cast %eq3A_3745 : vector<1x128xi1> to vector<1x128xi1>
    %broadcast_in_dim3A_3842 = vector.broadcast %broadcast_in_dim3A_3841 : vector<1x128xi1> to vector<256x128xi1>
    %select_n3A_3843 = arith.select %broadcast_in_dim3A_3842, %min3A_3839, %max3A_3840 : vector<256x128xi1>, vector<256x128xf32>
    %slice3A_3844 = vector.extract_strided_slice %select_n3A_3739 {offsets = [0, 16], sizes = [256, 112], strides = [1, 1]} : vector<256x128xf32> to vector<256x112xf32>
    %slice3A_3845 = vector.extract_strided_slice %select_n3A_3739 {offsets = [0, 0], sizes = [256, 16], strides = [1, 1]} : vector<256x128xf32> to vector<256x16xf32>
    %concatenate3A_3846 = tpu.concatenate %slice3A_3844, %slice3A_3845 in 1 : vector<256x112xf32>, vector<256x16xf32> -> vector<256x128xf32>
    %slice3A_3847 = vector.extract_strided_slice %select_n3A_3739 {offsets = [0, 112], sizes = [256, 16], strides = [1, 1]} : vector<256x128xf32> to vector<256x16xf32>
    %slice3A_3848 = vector.extract_strided_slice %select_n3A_3739 {offsets = [0, 0], sizes = [256, 112], strides = [1, 1]} : vector<256x128xf32> to vector<256x112xf32>
    %concatenate3A_3849 = tpu.concatenate %slice3A_3847, %slice3A_3848 in 1 : vector<256x16xf32>, vector<256x112xf32> -> vector<256x128xf32>
    %broadcast_in_dim3A_3850 = vector.shape_cast %eq3A_3745 : vector<1x128xi1> to vector<1x128xi1>
    %broadcast_in_dim3A_3851 = vector.broadcast %broadcast_in_dim3A_3850 : vector<1x128xi1> to vector<256x128xi1>
    %select_n3A_3852 = arith.select %broadcast_in_dim3A_3851, %concatenate3A_3846, %concatenate3A_3849 : vector<256x128xi1>, vector<256x128xf32>
    %min3A_3853 = arith.minimumf %select_n3A_3739, %select_n3A_3852 : vector<256x128xf32>
    %max3A_3854 = arith.maximumf %select_n3A_3739, %select_n3A_3852 : vector<256x128xf32>
    %broadcast_in_dim3A_3855 = vector.shape_cast %eq3A_3745 : vector<1x128xi1> to vector<1x128xi1>
    %broadcast_in_dim3A_3856 = vector.broadcast %broadcast_in_dim3A_3855 : vector<1x128xi1> to vector<256x128xi1>
    %select_n3A_3857 = arith.select %broadcast_in_dim3A_3856, %min3A_3853, %max3A_3854 : vector<256x128xi1>, vector<256x128xf32>
    %and3A_3858 = arith.constant 8 : i32
    %and3A_3859 = vector.broadcast %and3A_3858 : i32 to vector<1x128xi32>
    %and3A_3860 = arith.andi %iota3A, %and3A_3859 : vector<1x128xi32>
    %eq3A_3861 = arith.constant 0 : i32
    %eq3A_3862 = vector.broadcast %eq3A_3861 : i32 to vector<1x128xi32>
    %eq3A_3863 = arith.cmpi eq, %and3A_3860, %eq3A_3862 : vector<1x128xi32>
    %slice3A_3864 = vector.extract_strided_slice %select_n3A_3759 {offsets = [0, 8], sizes = [256, 120], strides = [1, 1]} : vector<256x128xf32> to vector<256x120xf32>
    %slice3A_3865 = vector.extract_strided_slice %select_n3A_3759 {offsets = [0, 0], sizes = [256, 8], strides = [1, 1]} : vector<256x128xf32> to vector<256x8xf32>
    %concatenate3A_3866 = tpu.concatenate %slice3A_3864, %slice3A_3865 in 1 : vector<256x120xf32>, vector<256x8xf32> -> vector<256x128xf32>
    %slice3A_3867 = vector.extract_strided_slice %select_n3A_3759 {offsets = [0, 120], sizes = [256, 8], strides = [1, 1]} : vector<256x128xf32> to vector<256x8xf32>
    %slice3A_3868 = vector.extract_strided_slice %select_n3A_3759 {offsets = [0, 0], sizes = [256, 120], strides = [1, 1]} : vector<256x128xf32> to vector<256x120xf32>
    %concatenate3A_3869 = tpu.concatenate %slice3A_3867, %slice3A_3868 in 1 : vector<256x8xf32>, vector<256x120xf32> -> vector<256x128xf32>
    %broadcast_in_dim3A_3870 = vector.shape_cast %eq3A_3863 : vector<1x128xi1> to vector<1x128xi1>
    %broadcast_in_dim3A_3871 = vector.broadcast %broadcast_in_dim3A_3870 : vector<1x128xi1> to vector<256x128xi1>
    %select_n3A_3872 = arith.select %broadcast_in_dim3A_3871, %concatenate3A_3866, %concatenate3A_3869 : vector<256x128xi1>, vector<256x128xf32>
    %min3A_3873 = arith.minimumf %select_n3A_3759, %select_n3A_3872 : vector<256x128xf32>
    %max3A_3874 = arith.maximumf %select_n3A_3759, %select_n3A_3872 : vector<256x128xf32>
    %broadcast_in_dim3A_3875 = vector.shape_cast %eq3A_3863 : vector<1x128xi1> to vector<1x128xi1>
    %broadcast_in_dim3A_3876 = vector.broadcast %broadcast_in_dim3A_3875 : vector<1x128xi1> to vector<256x128xi1>
    %select_n3A_3877 = arith.select %broadcast_in_dim3A_3876, %min3A_3873, %max3A_3874 : vector<256x128xi1>, vector<256x128xf32>
    %slice3A_3878 = vector.extract_strided_slice %select_n3A_3773 {offsets = [0, 8], sizes = [256, 120], strides = [1, 1]} : vector<256x128xf32> to vector<256x120xf32>
    %slice3A_3879 = vector.extract_strided_slice %select_n3A_3773 {offsets = [0, 0], sizes = [256, 8], strides = [1, 1]} : vector<256x128xf32> to vector<256x8xf32>
    %concatenate3A_3880 = tpu.concatenate %slice3A_3878, %slice3A_3879 in 1 : vector<256x120xf32>, vector<256x8xf32> -> vector<256x128xf32>
    %slice3A_3881 = vector.extract_strided_slice %select_n3A_3773 {offsets = [0, 120], sizes = [256, 8], strides = [1, 1]} : vector<256x128xf32> to vector<256x8xf32>
    %slice3A_3882 = vector.extract_strided_slice %select_n3A_3773 {offsets = [0, 0], sizes = [256, 120], strides = [1, 1]} : vector<256x128xf32> to vector<256x120xf32>
    %concatenate3A_3883 = tpu.concatenate %slice3A_3881, %slice3A_3882 in 1 : vector<256x8xf32>, vector<256x120xf32> -> vector<256x128xf32>
    %broadcast_in_dim3A_3884 = vector.shape_cast %eq3A_3863 : vector<1x128xi1> to vector<1x128xi1>
    %broadcast_in_dim3A_3885 = vector.broadcast %broadcast_in_dim3A_3884 : vector<1x128xi1> to vector<256x128xi1>
    %select_n3A_3886 = arith.select %broadcast_in_dim3A_3885, %concatenate3A_3880, %concatenate3A_3883 : vector<256x128xi1>, vector<256x128xf32>
    %min3A_3887 = arith.minimumf %select_n3A_3773, %select_n3A_3886 : vector<256x128xf32>
    %max3A_3888 = arith.maximumf %select_n3A_3773, %select_n3A_3886 : vector<256x128xf32>
    %broadcast_in_dim3A_3889 = vector.shape_cast %eq3A_3863 : vector<1x128xi1> to vector<1x128xi1>
    %broadcast_in_dim3A_3890 = vector.broadcast %broadcast_in_dim3A_3889 : vector<1x128xi1> to vector<256x128xi1>
    %select_n3A_3891 = arith.select %broadcast_in_dim3A_3890, %min3A_3887, %max3A_3888 : vector<256x128xi1>, vector<256x128xf32>
    %slice3A_3892 = vector.extract_strided_slice %select_n3A_3787 {offsets = [0, 8], sizes = [256, 120], strides = [1, 1]} : vector<256x128xf32> to vector<256x120xf32>
    %slice3A_3893 = vector.extract_strided_slice %select_n3A_3787 {offsets = [0, 0], sizes = [256, 8], strides = [1, 1]} : vector<256x128xf32> to vector<256x8xf32>
    %concatenate3A_3894 = tpu.concatenate %slice3A_3892, %slice3A_3893 in 1 : vector<256x120xf32>, vector<256x8xf32> -> vector<256x128xf32>
    %slice3A_3895 = vector.extract_strided_slice %select_n3A_3787 {offsets = [0, 120], sizes = [256, 8], strides = [1, 1]} : vector<256x128xf32> to vector<256x8xf32>
    %slice3A_3896 = vector.extract_strided_slice %select_n3A_3787 {offsets = [0, 0], sizes = [256, 120], strides = [1, 1]} : vector<256x128xf32> to vector<256x120xf32>
    %concatenate3A_3897 = tpu.concatenate %slice3A_3895, %slice3A_3896 in 1 : vector<256x8xf32>, vector<256x120xf32> -> vector<256x128xf32>
    %broadcast_in_dim3A_3898 = vector.shape_cast %eq3A_3863 : vector<1x128xi1> to vector<1x128xi1>
    %broadcast_in_dim3A_3899 = vector.broadcast %broadcast_in_dim3A_3898 : vector<1x128xi1> to vector<256x128xi1>
    %select_n3A_3900 = arith.select %broadcast_in_dim3A_3899, %concatenate3A_3894, %concatenate3A_3897 : vector<256x128xi1>, vector<256x128xf32>
    %min3A_3901 = arith.minimumf %select_n3A_3787, %select_n3A_3900 : vector<256x128xf32>
    %max3A_3902 = arith.maximumf %select_n3A_3787, %select_n3A_3900 : vector<256x128xf32>
    %broadcast_in_dim3A_3903 = vector.shape_cast %eq3A_3863 : vector<1x128xi1> to vector<1x128xi1>
    %broadcast_in_dim3A_3904 = vector.broadcast %broadcast_in_dim3A_3903 : vector<1x128xi1> to vector<256x128xi1>
    %select_n3A_3905 = arith.select %broadcast_in_dim3A_3904, %min3A_3901, %max3A_3902 : vector<256x128xi1>, vector<256x128xf32>
    %slice3A_3906 = vector.extract_strided_slice %select_n3A_3801 {offsets = [0, 8], sizes = [256, 120], strides = [1, 1]} : vector<256x128xf32> to vector<256x120xf32>
    %slice3A_3907 = vector.extract_strided_slice %select_n3A_3801 {offsets = [0, 0], sizes = [256, 8], strides = [1, 1]} : vector<256x128xf32> to vector<256x8xf32>
    %concatenate3A_3908 = tpu.concatenate %slice3A_3906, %slice3A_3907 in 1 : vector<256x120xf32>, vector<256x8xf32> -> vector<256x128xf32>
    %slice3A_3909 = vector.extract_strided_slice %select_n3A_3801 {offsets = [0, 120], sizes = [256, 8], strides = [1, 1]} : vector<256x128xf32> to vector<256x8xf32>
    %slice3A_3910 = vector.extract_strided_slice %select_n3A_3801 {offsets = [0, 0], sizes = [256, 120], strides = [1, 1]} : vector<256x128xf32> to vector<256x120xf32>
    %concatenate3A_3911 = tpu.concatenate %slice3A_3909, %slice3A_3910 in 1 : vector<256x8xf32>, vector<256x120xf32> -> vector<256x128xf32>
    %broadcast_in_dim3A_3912 = vector.shape_cast %eq3A_3863 : vector<1x128xi1> to vector<1x128xi1>
    %broadcast_in_dim3A_3913 = vector.broadcast %broadcast_in_dim3A_3912 : vector<1x128xi1> to vector<256x128xi1>
    %select_n3A_3914 = arith.select %broadcast_in_dim3A_3913, %concatenate3A_3908, %concatenate3A_3911 : vector<256x128xi1>, vector<256x128xf32>
    %min3A_3915 = arith.minimumf %select_n3A_3801, %select_n3A_3914 : vector<256x128xf32>
    %max3A_3916 = arith.maximumf %select_n3A_3801, %select_n3A_3914 : vector<256x128xf32>
    %broadcast_in_dim3A_3917 = vector.shape_cast %eq3A_3863 : vector<1x128xi1> to vector<1x128xi1>
    %broadcast_in_dim3A_3918 = vector.broadcast %broadcast_in_dim3A_3917 : vector<1x128xi1> to vector<256x128xi1>
    %select_n3A_3919 = arith.select %broadcast_in_dim3A_3918, %min3A_3915, %max3A_3916 : vector<256x128xi1>, vector<256x128xf32>
    %slice3A_3920 = vector.extract_strided_slice %select_n3A_3815 {offsets = [0, 8], sizes = [256, 120], strides = [1, 1]} : vector<256x128xf32> to vector<256x120xf32>
    %slice3A_3921 = vector.extract_strided_slice %select_n3A_3815 {offsets = [0, 0], sizes = [256, 8], strides = [1, 1]} : vector<256x128xf32> to vector<256x8xf32>
    %concatenate3A_3922 = tpu.concatenate %slice3A_3920, %slice3A_3921 in 1 : vector<256x120xf32>, vector<256x8xf32> -> vector<256x128xf32>
    %slice3A_3923 = vector.extract_strided_slice %select_n3A_3815 {offsets = [0, 120], sizes = [256, 8], strides = [1, 1]} : vector<256x128xf32> to vector<256x8xf32>
    %slice3A_3924 = vector.extract_strided_slice %select_n3A_3815 {offsets = [0, 0], sizes = [256, 120], strides = [1, 1]} : vector<256x128xf32> to vector<256x120xf32>
    %concatenate3A_3925 = tpu.concatenate %slice3A_3923, %slice3A_3924 in 1 : vector<256x8xf32>, vector<256x120xf32> -> vector<256x128xf32>
    %broadcast_in_dim3A_3926 = vector.shape_cast %eq3A_3863 : vector<1x128xi1> to vector<1x128xi1>
    %broadcast_in_dim3A_3927 = vector.broadcast %broadcast_in_dim3A_3926 : vector<1x128xi1> to vector<256x128xi1>
    %select_n3A_3928 = arith.select %broadcast_in_dim3A_3927, %concatenate3A_3922, %concatenate3A_3925 : vector<256x128xi1>, vector<256x128xf32>
    %min3A_3929 = arith.minimumf %select_n3A_3815, %select_n3A_3928 : vector<256x128xf32>
    %max3A_3930 = arith.maximumf %select_n3A_3815, %select_n3A_3928 : vector<256x128xf32>
    %broadcast_in_dim3A_3931 = vector.shape_cast %eq3A_3863 : vector<1x128xi1> to vector<1x128xi1>
    %broadcast_in_dim3A_3932 = vector.broadcast %broadcast_in_dim3A_3931 : vector<1x128xi1> to vector<256x128xi1>
    %select_n3A_3933 = arith.select %broadcast_in_dim3A_3932, %min3A_3929, %max3A_3930 : vector<256x128xi1>, vector<256x128xf32>
    %slice3A_3934 = vector.extract_strided_slice %select_n3A_3829 {offsets = [0, 8], sizes = [256, 120], strides = [1, 1]} : vector<256x128xf32> to vector<256x120xf32>
    %slice3A_3935 = vector.extract_strided_slice %select_n3A_3829 {offsets = [0, 0], sizes = [256, 8], strides = [1, 1]} : vector<256x128xf32> to vector<256x8xf32>
    %concatenate3A_3936 = tpu.concatenate %slice3A_3934, %slice3A_3935 in 1 : vector<256x120xf32>, vector<256x8xf32> -> vector<256x128xf32>
    %slice3A_3937 = vector.extract_strided_slice %select_n3A_3829 {offsets = [0, 120], sizes = [256, 8], strides = [1, 1]} : vector<256x128xf32> to vector<256x8xf32>
    %slice3A_3938 = vector.extract_strided_slice %select_n3A_3829 {offsets = [0, 0], sizes = [256, 120], strides = [1, 1]} : vector<256x128xf32> to vector<256x120xf32>
    %concatenate3A_3939 = tpu.concatenate %slice3A_3937, %slice3A_3938 in 1 : vector<256x8xf32>, vector<256x120xf32> -> vector<256x128xf32>
    %broadcast_in_dim3A_3940 = vector.shape_cast %eq3A_3863 : vector<1x128xi1> to vector<1x128xi1>
    %broadcast_in_dim3A_3941 = vector.broadcast %broadcast_in_dim3A_3940 : vector<1x128xi1> to vector<256x128xi1>
    %select_n3A_3942 = arith.select %broadcast_in_dim3A_3941, %concatenate3A_3936, %concatenate3A_3939 : vector<256x128xi1>, vector<256x128xf32>
    %min3A_3943 = arith.minimumf %select_n3A_3829, %select_n3A_3942 : vector<256x128xf32>
    %max3A_3944 = arith.maximumf %select_n3A_3829, %select_n3A_3942 : vector<256x128xf32>
    %broadcast_in_dim3A_3945 = vector.shape_cast %eq3A_3863 : vector<1x128xi1> to vector<1x128xi1>
    %broadcast_in_dim3A_3946 = vector.broadcast %broadcast_in_dim3A_3945 : vector<1x128xi1> to vector<256x128xi1>
    %select_n3A_3947 = arith.select %broadcast_in_dim3A_3946, %min3A_3943, %max3A_3944 : vector<256x128xi1>, vector<256x128xf32>
    %slice3A_3948 = vector.extract_strided_slice %select_n3A_3843 {offsets = [0, 8], sizes = [256, 120], strides = [1, 1]} : vector<256x128xf32> to vector<256x120xf32>
    %slice3A_3949 = vector.extract_strided_slice %select_n3A_3843 {offsets = [0, 0], sizes = [256, 8], strides = [1, 1]} : vector<256x128xf32> to vector<256x8xf32>
    %concatenate3A_3950 = tpu.concatenate %slice3A_3948, %slice3A_3949 in 1 : vector<256x120xf32>, vector<256x8xf32> -> vector<256x128xf32>
    %slice3A_3951 = vector.extract_strided_slice %select_n3A_3843 {offsets = [0, 120], sizes = [256, 8], strides = [1, 1]} : vector<256x128xf32> to vector<256x8xf32>
    %slice3A_3952 = vector.extract_strided_slice %select_n3A_3843 {offsets = [0, 0], sizes = [256, 120], strides = [1, 1]} : vector<256x128xf32> to vector<256x120xf32>
    %concatenate3A_3953 = tpu.concatenate %slice3A_3951, %slice3A_3952 in 1 : vector<256x8xf32>, vector<256x120xf32> -> vector<256x128xf32>
    %broadcast_in_dim3A_3954 = vector.shape_cast %eq3A_3863 : vector<1x128xi1> to vector<1x128xi1>
    %broadcast_in_dim3A_3955 = vector.broadcast %broadcast_in_dim3A_3954 : vector<1x128xi1> to vector<256x128xi1>
    %select_n3A_3956 = arith.select %broadcast_in_dim3A_3955, %concatenate3A_3950, %concatenate3A_3953 : vector<256x128xi1>, vector<256x128xf32>
    %min3A_3957 = arith.minimumf %select_n3A_3843, %select_n3A_3956 : vector<256x128xf32>
    %max3A_3958 = arith.maximumf %select_n3A_3843, %select_n3A_3956 : vector<256x128xf32>
    %broadcast_in_dim3A_3959 = vector.shape_cast %eq3A_3863 : vector<1x128xi1> to vector<1x128xi1>
    %broadcast_in_dim3A_3960 = vector.broadcast %broadcast_in_dim3A_3959 : vector<1x128xi1> to vector<256x128xi1>
    %select_n3A_3961 = arith.select %broadcast_in_dim3A_3960, %min3A_3957, %max3A_3958 : vector<256x128xi1>, vector<256x128xf32>
    %slice3A_3962 = vector.extract_strided_slice %select_n3A_3857 {offsets = [0, 8], sizes = [256, 120], strides = [1, 1]} : vector<256x128xf32> to vector<256x120xf32>
    %slice3A_3963 = vector.extract_strided_slice %select_n3A_3857 {offsets = [0, 0], sizes = [256, 8], strides = [1, 1]} : vector<256x128xf32> to vector<256x8xf32>
    %concatenate3A_3964 = tpu.concatenate %slice3A_3962, %slice3A_3963 in 1 : vector<256x120xf32>, vector<256x8xf32> -> vector<256x128xf32>
    %slice3A_3965 = vector.extract_strided_slice %select_n3A_3857 {offsets = [0, 120], sizes = [256, 8], strides = [1, 1]} : vector<256x128xf32> to vector<256x8xf32>
    %slice3A_3966 = vector.extract_strided_slice %select_n3A_3857 {offsets = [0, 0], sizes = [256, 120], strides = [1, 1]} : vector<256x128xf32> to vector<256x120xf32>
    %concatenate3A_3967 = tpu.concatenate %slice3A_3965, %slice3A_3966 in 1 : vector<256x8xf32>, vector<256x120xf32> -> vector<256x128xf32>
    %broadcast_in_dim3A_3968 = vector.shape_cast %eq3A_3863 : vector<1x128xi1> to vector<1x128xi1>
    %broadcast_in_dim3A_3969 = vector.broadcast %broadcast_in_dim3A_3968 : vector<1x128xi1> to vector<256x128xi1>
    %select_n3A_3970 = arith.select %broadcast_in_dim3A_3969, %concatenate3A_3964, %concatenate3A_3967 : vector<256x128xi1>, vector<256x128xf32>
    %min3A_3971 = arith.minimumf %select_n3A_3857, %select_n3A_3970 : vector<256x128xf32>
    %max3A_3972 = arith.maximumf %select_n3A_3857, %select_n3A_3970 : vector<256x128xf32>
    %broadcast_in_dim3A_3973 = vector.shape_cast %eq3A_3863 : vector<1x128xi1> to vector<1x128xi1>
    %broadcast_in_dim3A_3974 = vector.broadcast %broadcast_in_dim3A_3973 : vector<1x128xi1> to vector<256x128xi1>
    %select_n3A_3975 = arith.select %broadcast_in_dim3A_3974, %min3A_3971, %max3A_3972 : vector<256x128xi1>, vector<256x128xf32>
    %and3A_3976 = arith.constant 4 : i32
    %and3A_3977 = vector.broadcast %and3A_3976 : i32 to vector<1x128xi32>
    %and3A_3978 = arith.andi %iota3A, %and3A_3977 : vector<1x128xi32>
    %eq3A_3979 = arith.constant 0 : i32
    %eq3A_3980 = vector.broadcast %eq3A_3979 : i32 to vector<1x128xi32>
    %eq3A_3981 = arith.cmpi eq, %and3A_3978, %eq3A_3980 : vector<1x128xi32>
    %slice3A_3982 = vector.extract_strided_slice %select_n3A_3877 {offsets = [0, 4], sizes = [256, 124], strides = [1, 1]} : vector<256x128xf32> to vector<256x124xf32>
    %slice3A_3983 = vector.extract_strided_slice %select_n3A_3877 {offsets = [0, 0], sizes = [256, 4], strides = [1, 1]} : vector<256x128xf32> to vector<256x4xf32>
    %concatenate3A_3984 = tpu.concatenate %slice3A_3982, %slice3A_3983 in 1 : vector<256x124xf32>, vector<256x4xf32> -> vector<256x128xf32>
    %slice3A_3985 = vector.extract_strided_slice %select_n3A_3877 {offsets = [0, 124], sizes = [256, 4], strides = [1, 1]} : vector<256x128xf32> to vector<256x4xf32>
    %slice3A_3986 = vector.extract_strided_slice %select_n3A_3877 {offsets = [0, 0], sizes = [256, 124], strides = [1, 1]} : vector<256x128xf32> to vector<256x124xf32>
    %concatenate3A_3987 = tpu.concatenate %slice3A_3985, %slice3A_3986 in 1 : vector<256x4xf32>, vector<256x124xf32> -> vector<256x128xf32>
    %broadcast_in_dim3A_3988 = vector.shape_cast %eq3A_3981 : vector<1x128xi1> to vector<1x128xi1>
    %broadcast_in_dim3A_3989 = vector.broadcast %broadcast_in_dim3A_3988 : vector<1x128xi1> to vector<256x128xi1>
    %select_n3A_3990 = arith.select %broadcast_in_dim3A_3989, %concatenate3A_3984, %concatenate3A_3987 : vector<256x128xi1>, vector<256x128xf32>
    %min3A_3991 = arith.minimumf %select_n3A_3877, %select_n3A_3990 : vector<256x128xf32>
    %max3A_3992 = arith.maximumf %select_n3A_3877, %select_n3A_3990 : vector<256x128xf32>
    %broadcast_in_dim3A_3993 = vector.shape_cast %eq3A_3981 : vector<1x128xi1> to vector<1x128xi1>
    %broadcast_in_dim3A_3994 = vector.broadcast %broadcast_in_dim3A_3993 : vector<1x128xi1> to vector<256x128xi1>
    %select_n3A_3995 = arith.select %broadcast_in_dim3A_3994, %min3A_3991, %max3A_3992 : vector<256x128xi1>, vector<256x128xf32>
    %slice3A_3996 = vector.extract_strided_slice %select_n3A_3891 {offsets = [0, 4], sizes = [256, 124], strides = [1, 1]} : vector<256x128xf32> to vector<256x124xf32>
    %slice3A_3997 = vector.extract_strided_slice %select_n3A_3891 {offsets = [0, 0], sizes = [256, 4], strides = [1, 1]} : vector<256x128xf32> to vector<256x4xf32>
    %concatenate3A_3998 = tpu.concatenate %slice3A_3996, %slice3A_3997 in 1 : vector<256x124xf32>, vector<256x4xf32> -> vector<256x128xf32>
    %slice3A_3999 = vector.extract_strided_slice %select_n3A_3891 {offsets = [0, 124], sizes = [256, 4], strides = [1, 1]} : vector<256x128xf32> to vector<256x4xf32>
    %slice3A_4000 = vector.extract_strided_slice %select_n3A_3891 {offsets = [0, 0], sizes = [256, 124], strides = [1, 1]} : vector<256x128xf32> to vector<256x124xf32>
    %concatenate3A_4001 = tpu.concatenate %slice3A_3999, %slice3A_4000 in 1 : vector<256x4xf32>, vector<256x124xf32> -> vector<256x128xf32>
    %broadcast_in_dim3A_4002 = vector.shape_cast %eq3A_3981 : vector<1x128xi1> to vector<1x128xi1>
    %broadcast_in_dim3A_4003 = vector.broadcast %broadcast_in_dim3A_4002 : vector<1x128xi1> to vector<256x128xi1>
    %select_n3A_4004 = arith.select %broadcast_in_dim3A_4003, %concatenate3A_3998, %concatenate3A_4001 : vector<256x128xi1>, vector<256x128xf32>
    %min3A_4005 = arith.minimumf %select_n3A_3891, %select_n3A_4004 : vector<256x128xf32>
    %max3A_4006 = arith.maximumf %select_n3A_3891, %select_n3A_4004 : vector<256x128xf32>
    %broadcast_in_dim3A_4007 = vector.shape_cast %eq3A_3981 : vector<1x128xi1> to vector<1x128xi1>
    %broadcast_in_dim3A_4008 = vector.broadcast %broadcast_in_dim3A_4007 : vector<1x128xi1> to vector<256x128xi1>
    %select_n3A_4009 = arith.select %broadcast_in_dim3A_4008, %min3A_4005, %max3A_4006 : vector<256x128xi1>, vector<256x128xf32>
    %slice3A_4010 = vector.extract_strided_slice %select_n3A_3905 {offsets = [0, 4], sizes = [256, 124], strides = [1, 1]} : vector<256x128xf32> to vector<256x124xf32>
    %slice3A_4011 = vector.extract_strided_slice %select_n3A_3905 {offsets = [0, 0], sizes = [256, 4], strides = [1, 1]} : vector<256x128xf32> to vector<256x4xf32>
    %concatenate3A_4012 = tpu.concatenate %slice3A_4010, %slice3A_4011 in 1 : vector<256x124xf32>, vector<256x4xf32> -> vector<256x128xf32>
    %slice3A_4013 = vector.extract_strided_slice %select_n3A_3905 {offsets = [0, 124], sizes = [256, 4], strides = [1, 1]} : vector<256x128xf32> to vector<256x4xf32>
    %slice3A_4014 = vector.extract_strided_slice %select_n3A_3905 {offsets = [0, 0], sizes = [256, 124], strides = [1, 1]} : vector<256x128xf32> to vector<256x124xf32>
    %concatenate3A_4015 = tpu.concatenate %slice3A_4013, %slice3A_4014 in 1 : vector<256x4xf32>, vector<256x124xf32> -> vector<256x128xf32>
    %broadcast_in_dim3A_4016 = vector.shape_cast %eq3A_3981 : vector<1x128xi1> to vector<1x128xi1>
    %broadcast_in_dim3A_4017 = vector.broadcast %broadcast_in_dim3A_4016 : vector<1x128xi1> to vector<256x128xi1>
    %select_n3A_4018 = arith.select %broadcast_in_dim3A_4017, %concatenate3A_4012, %concatenate3A_4015 : vector<256x128xi1>, vector<256x128xf32>
    %min3A_4019 = arith.minimumf %select_n3A_3905, %select_n3A_4018 : vector<256x128xf32>
    %max3A_4020 = arith.maximumf %select_n3A_3905, %select_n3A_4018 : vector<256x128xf32>
    %broadcast_in_dim3A_4021 = vector.shape_cast %eq3A_3981 : vector<1x128xi1> to vector<1x128xi1>
    %broadcast_in_dim3A_4022 = vector.broadcast %broadcast_in_dim3A_4021 : vector<1x128xi1> to vector<256x128xi1>
    %select_n3A_4023 = arith.select %broadcast_in_dim3A_4022, %min3A_4019, %max3A_4020 : vector<256x128xi1>, vector<256x128xf32>
    %slice3A_4024 = vector.extract_strided_slice %select_n3A_3919 {offsets = [0, 4], sizes = [256, 124], strides = [1, 1]} : vector<256x128xf32> to vector<256x124xf32>
    %slice3A_4025 = vector.extract_strided_slice %select_n3A_3919 {offsets = [0, 0], sizes = [256, 4], strides = [1, 1]} : vector<256x128xf32> to vector<256x4xf32>
    %concatenate3A_4026 = tpu.concatenate %slice3A_4024, %slice3A_4025 in 1 : vector<256x124xf32>, vector<256x4xf32> -> vector<256x128xf32>
    %slice3A_4027 = vector.extract_strided_slice %select_n3A_3919 {offsets = [0, 124], sizes = [256, 4], strides = [1, 1]} : vector<256x128xf32> to vector<256x4xf32>
    %slice3A_4028 = vector.extract_strided_slice %select_n3A_3919 {offsets = [0, 0], sizes = [256, 124], strides = [1, 1]} : vector<256x128xf32> to vector<256x124xf32>
    %concatenate3A_4029 = tpu.concatenate %slice3A_4027, %slice3A_4028 in 1 : vector<256x4xf32>, vector<256x124xf32> -> vector<256x128xf32>
    %broadcast_in_dim3A_4030 = vector.shape_cast %eq3A_3981 : vector<1x128xi1> to vector<1x128xi1>
    %broadcast_in_dim3A_4031 = vector.broadcast %broadcast_in_dim3A_4030 : vector<1x128xi1> to vector<256x128xi1>
    %select_n3A_4032 = arith.select %broadcast_in_dim3A_4031, %concatenate3A_4026, %concatenate3A_4029 : vector<256x128xi1>, vector<256x128xf32>
    %min3A_4033 = arith.minimumf %select_n3A_3919, %select_n3A_4032 : vector<256x128xf32>
    %max3A_4034 = arith.maximumf %select_n3A_3919, %select_n3A_4032 : vector<256x128xf32>
    %broadcast_in_dim3A_4035 = vector.shape_cast %eq3A_3981 : vector<1x128xi1> to vector<1x128xi1>
    %broadcast_in_dim3A_4036 = vector.broadcast %broadcast_in_dim3A_4035 : vector<1x128xi1> to vector<256x128xi1>
    %select_n3A_4037 = arith.select %broadcast_in_dim3A_4036, %min3A_4033, %max3A_4034 : vector<256x128xi1>, vector<256x128xf32>
    %slice3A_4038 = vector.extract_strided_slice %select_n3A_3933 {offsets = [0, 4], sizes = [256, 124], strides = [1, 1]} : vector<256x128xf32> to vector<256x124xf32>
    %slice3A_4039 = vector.extract_strided_slice %select_n3A_3933 {offsets = [0, 0], sizes = [256, 4], strides = [1, 1]} : vector<256x128xf32> to vector<256x4xf32>
    %concatenate3A_4040 = tpu.concatenate %slice3A_4038, %slice3A_4039 in 1 : vector<256x124xf32>, vector<256x4xf32> -> vector<256x128xf32>
    %slice3A_4041 = vector.extract_strided_slice %select_n3A_3933 {offsets = [0, 124], sizes = [256, 4], strides = [1, 1]} : vector<256x128xf32> to vector<256x4xf32>
    %slice3A_4042 = vector.extract_strided_slice %select_n3A_3933 {offsets = [0, 0], sizes = [256, 124], strides = [1, 1]} : vector<256x128xf32> to vector<256x124xf32>
    %concatenate3A_4043 = tpu.concatenate %slice3A_4041, %slice3A_4042 in 1 : vector<256x4xf32>, vector<256x124xf32> -> vector<256x128xf32>
    %broadcast_in_dim3A_4044 = vector.shape_cast %eq3A_3981 : vector<1x128xi1> to vector<1x128xi1>
    %broadcast_in_dim3A_4045 = vector.broadcast %broadcast_in_dim3A_4044 : vector<1x128xi1> to vector<256x128xi1>
    %select_n3A_4046 = arith.select %broadcast_in_dim3A_4045, %concatenate3A_4040, %concatenate3A_4043 : vector<256x128xi1>, vector<256x128xf32>
    %min3A_4047 = arith.minimumf %select_n3A_3933, %select_n3A_4046 : vector<256x128xf32>
    %max3A_4048 = arith.maximumf %select_n3A_3933, %select_n3A_4046 : vector<256x128xf32>
    %broadcast_in_dim3A_4049 = vector.shape_cast %eq3A_3981 : vector<1x128xi1> to vector<1x128xi1>
    %broadcast_in_dim3A_4050 = vector.broadcast %broadcast_in_dim3A_4049 : vector<1x128xi1> to vector<256x128xi1>
    %select_n3A_4051 = arith.select %broadcast_in_dim3A_4050, %min3A_4047, %max3A_4048 : vector<256x128xi1>, vector<256x128xf32>
    %slice3A_4052 = vector.extract_strided_slice %select_n3A_3947 {offsets = [0, 4], sizes = [256, 124], strides = [1, 1]} : vector<256x128xf32> to vector<256x124xf32>
    %slice3A_4053 = vector.extract_strided_slice %select_n3A_3947 {offsets = [0, 0], sizes = [256, 4], strides = [1, 1]} : vector<256x128xf32> to vector<256x4xf32>
    %concatenate3A_4054 = tpu.concatenate %slice3A_4052, %slice3A_4053 in 1 : vector<256x124xf32>, vector<256x4xf32> -> vector<256x128xf32>
    %slice3A_4055 = vector.extract_strided_slice %select_n3A_3947 {offsets = [0, 124], sizes = [256, 4], strides = [1, 1]} : vector<256x128xf32> to vector<256x4xf32>
    %slice3A_4056 = vector.extract_strided_slice %select_n3A_3947 {offsets = [0, 0], sizes = [256, 124], strides = [1, 1]} : vector<256x128xf32> to vector<256x124xf32>
    %concatenate3A_4057 = tpu.concatenate %slice3A_4055, %slice3A_4056 in 1 : vector<256x4xf32>, vector<256x124xf32> -> vector<256x128xf32>
    %broadcast_in_dim3A_4058 = vector.shape_cast %eq3A_3981 : vector<1x128xi1> to vector<1x128xi1>
    %broadcast_in_dim3A_4059 = vector.broadcast %broadcast_in_dim3A_4058 : vector<1x128xi1> to vector<256x128xi1>
    %select_n3A_4060 = arith.select %broadcast_in_dim3A_4059, %concatenate3A_4054, %concatenate3A_4057 : vector<256x128xi1>, vector<256x128xf32>
    %min3A_4061 = arith.minimumf %select_n3A_3947, %select_n3A_4060 : vector<256x128xf32>
    %max3A_4062 = arith.maximumf %select_n3A_3947, %select_n3A_4060 : vector<256x128xf32>
    %broadcast_in_dim3A_4063 = vector.shape_cast %eq3A_3981 : vector<1x128xi1> to vector<1x128xi1>
    %broadcast_in_dim3A_4064 = vector.broadcast %broadcast_in_dim3A_4063 : vector<1x128xi1> to vector<256x128xi1>
    %select_n3A_4065 = arith.select %broadcast_in_dim3A_4064, %min3A_4061, %max3A_4062 : vector<256x128xi1>, vector<256x128xf32>
    %slice3A_4066 = vector.extract_strided_slice %select_n3A_3961 {offsets = [0, 4], sizes = [256, 124], strides = [1, 1]} : vector<256x128xf32> to vector<256x124xf32>
    %slice3A_4067 = vector.extract_strided_slice %select_n3A_3961 {offsets = [0, 0], sizes = [256, 4], strides = [1, 1]} : vector<256x128xf32> to vector<256x4xf32>
    %concatenate3A_4068 = tpu.concatenate %slice3A_4066, %slice3A_4067 in 1 : vector<256x124xf32>, vector<256x4xf32> -> vector<256x128xf32>
    %slice3A_4069 = vector.extract_strided_slice %select_n3A_3961 {offsets = [0, 124], sizes = [256, 4], strides = [1, 1]} : vector<256x128xf32> to vector<256x4xf32>
    %slice3A_4070 = vector.extract_strided_slice %select_n3A_3961 {offsets = [0, 0], sizes = [256, 124], strides = [1, 1]} : vector<256x128xf32> to vector<256x124xf32>
    %concatenate3A_4071 = tpu.concatenate %slice3A_4069, %slice3A_4070 in 1 : vector<256x4xf32>, vector<256x124xf32> -> vector<256x128xf32>
    %broadcast_in_dim3A_4072 = vector.shape_cast %eq3A_3981 : vector<1x128xi1> to vector<1x128xi1>
    %broadcast_in_dim3A_4073 = vector.broadcast %broadcast_in_dim3A_4072 : vector<1x128xi1> to vector<256x128xi1>
    %select_n3A_4074 = arith.select %broadcast_in_dim3A_4073, %concatenate3A_4068, %concatenate3A_4071 : vector<256x128xi1>, vector<256x128xf32>
    %min3A_4075 = arith.minimumf %select_n3A_3961, %select_n3A_4074 : vector<256x128xf32>
    %max3A_4076 = arith.maximumf %select_n3A_3961, %select_n3A_4074 : vector<256x128xf32>
    %broadcast_in_dim3A_4077 = vector.shape_cast %eq3A_3981 : vector<1x128xi1> to vector<1x128xi1>
    %broadcast_in_dim3A_4078 = vector.broadcast %broadcast_in_dim3A_4077 : vector<1x128xi1> to vector<256x128xi1>
    %select_n3A_4079 = arith.select %broadcast_in_dim3A_4078, %min3A_4075, %max3A_4076 : vector<256x128xi1>, vector<256x128xf32>
    %slice3A_4080 = vector.extract_strided_slice %select_n3A_3975 {offsets = [0, 4], sizes = [256, 124], strides = [1, 1]} : vector<256x128xf32> to vector<256x124xf32>
    %slice3A_4081 = vector.extract_strided_slice %select_n3A_3975 {offsets = [0, 0], sizes = [256, 4], strides = [1, 1]} : vector<256x128xf32> to vector<256x4xf32>
    %concatenate3A_4082 = tpu.concatenate %slice3A_4080, %slice3A_4081 in 1 : vector<256x124xf32>, vector<256x4xf32> -> vector<256x128xf32>
    %slice3A_4083 = vector.extract_strided_slice %select_n3A_3975 {offsets = [0, 124], sizes = [256, 4], strides = [1, 1]} : vector<256x128xf32> to vector<256x4xf32>
    %slice3A_4084 = vector.extract_strided_slice %select_n3A_3975 {offsets = [0, 0], sizes = [256, 124], strides = [1, 1]} : vector<256x128xf32> to vector<256x124xf32>
    %concatenate3A_4085 = tpu.concatenate %slice3A_4083, %slice3A_4084 in 1 : vector<256x4xf32>, vector<256x124xf32> -> vector<256x128xf32>
    %broadcast_in_dim3A_4086 = vector.shape_cast %eq3A_3981 : vector<1x128xi1> to vector<1x128xi1>
    %broadcast_in_dim3A_4087 = vector.broadcast %broadcast_in_dim3A_4086 : vector<1x128xi1> to vector<256x128xi1>
    %select_n3A_4088 = arith.select %broadcast_in_dim3A_4087, %concatenate3A_4082, %concatenate3A_4085 : vector<256x128xi1>, vector<256x128xf32>
    %min3A_4089 = arith.minimumf %select_n3A_3975, %select_n3A_4088 : vector<256x128xf32>
    %max3A_4090 = arith.maximumf %select_n3A_3975, %select_n3A_4088 : vector<256x128xf32>
    %broadcast_in_dim3A_4091 = vector.shape_cast %eq3A_3981 : vector<1x128xi1> to vector<1x128xi1>
    %broadcast_in_dim3A_4092 = vector.broadcast %broadcast_in_dim3A_4091 : vector<1x128xi1> to vector<256x128xi1>
    %select_n3A_4093 = arith.select %broadcast_in_dim3A_4092, %min3A_4089, %max3A_4090 : vector<256x128xi1>, vector<256x128xf32>
    %and3A_4094 = arith.constant 2 : i32
    %and3A_4095 = vector.broadcast %and3A_4094 : i32 to vector<1x128xi32>
    %and3A_4096 = arith.andi %iota3A, %and3A_4095 : vector<1x128xi32>
    %eq3A_4097 = arith.constant 0 : i32
    %eq3A_4098 = vector.broadcast %eq3A_4097 : i32 to vector<1x128xi32>
    %eq3A_4099 = arith.cmpi eq, %and3A_4096, %eq3A_4098 : vector<1x128xi32>
    %slice3A_4100 = vector.extract_strided_slice %select_n3A_3995 {offsets = [0, 2], sizes = [256, 126], strides = [1, 1]} : vector<256x128xf32> to vector<256x126xf32>
    %slice3A_4101 = vector.extract_strided_slice %select_n3A_3995 {offsets = [0, 0], sizes = [256, 2], strides = [1, 1]} : vector<256x128xf32> to vector<256x2xf32>
    %concatenate3A_4102 = tpu.concatenate %slice3A_4100, %slice3A_4101 in 1 : vector<256x126xf32>, vector<256x2xf32> -> vector<256x128xf32>
    %slice3A_4103 = vector.extract_strided_slice %select_n3A_3995 {offsets = [0, 126], sizes = [256, 2], strides = [1, 1]} : vector<256x128xf32> to vector<256x2xf32>
    %slice3A_4104 = vector.extract_strided_slice %select_n3A_3995 {offsets = [0, 0], sizes = [256, 126], strides = [1, 1]} : vector<256x128xf32> to vector<256x126xf32>
    %concatenate3A_4105 = tpu.concatenate %slice3A_4103, %slice3A_4104 in 1 : vector<256x2xf32>, vector<256x126xf32> -> vector<256x128xf32>
    %broadcast_in_dim3A_4106 = vector.shape_cast %eq3A_4099 : vector<1x128xi1> to vector<1x128xi1>
    %broadcast_in_dim3A_4107 = vector.broadcast %broadcast_in_dim3A_4106 : vector<1x128xi1> to vector<256x128xi1>
    %select_n3A_4108 = arith.select %broadcast_in_dim3A_4107, %concatenate3A_4102, %concatenate3A_4105 : vector<256x128xi1>, vector<256x128xf32>
    %min3A_4109 = arith.minimumf %select_n3A_3995, %select_n3A_4108 : vector<256x128xf32>
    %max3A_4110 = arith.maximumf %select_n3A_3995, %select_n3A_4108 : vector<256x128xf32>
    %broadcast_in_dim3A_4111 = vector.shape_cast %eq3A_4099 : vector<1x128xi1> to vector<1x128xi1>
    %broadcast_in_dim3A_4112 = vector.broadcast %broadcast_in_dim3A_4111 : vector<1x128xi1> to vector<256x128xi1>
    %select_n3A_4113 = arith.select %broadcast_in_dim3A_4112, %min3A_4109, %max3A_4110 : vector<256x128xi1>, vector<256x128xf32>
    %slice3A_4114 = vector.extract_strided_slice %select_n3A_4009 {offsets = [0, 2], sizes = [256, 126], strides = [1, 1]} : vector<256x128xf32> to vector<256x126xf32>
    %slice3A_4115 = vector.extract_strided_slice %select_n3A_4009 {offsets = [0, 0], sizes = [256, 2], strides = [1, 1]} : vector<256x128xf32> to vector<256x2xf32>
    %concatenate3A_4116 = tpu.concatenate %slice3A_4114, %slice3A_4115 in 1 : vector<256x126xf32>, vector<256x2xf32> -> vector<256x128xf32>
    %slice3A_4117 = vector.extract_strided_slice %select_n3A_4009 {offsets = [0, 126], sizes = [256, 2], strides = [1, 1]} : vector<256x128xf32> to vector<256x2xf32>
    %slice3A_4118 = vector.extract_strided_slice %select_n3A_4009 {offsets = [0, 0], sizes = [256, 126], strides = [1, 1]} : vector<256x128xf32> to vector<256x126xf32>
    %concatenate3A_4119 = tpu.concatenate %slice3A_4117, %slice3A_4118 in 1 : vector<256x2xf32>, vector<256x126xf32> -> vector<256x128xf32>
    %broadcast_in_dim3A_4120 = vector.shape_cast %eq3A_4099 : vector<1x128xi1> to vector<1x128xi1>
    %broadcast_in_dim3A_4121 = vector.broadcast %broadcast_in_dim3A_4120 : vector<1x128xi1> to vector<256x128xi1>
    %select_n3A_4122 = arith.select %broadcast_in_dim3A_4121, %concatenate3A_4116, %concatenate3A_4119 : vector<256x128xi1>, vector<256x128xf32>
    %min3A_4123 = arith.minimumf %select_n3A_4009, %select_n3A_4122 : vector<256x128xf32>
    %max3A_4124 = arith.maximumf %select_n3A_4009, %select_n3A_4122 : vector<256x128xf32>
    %broadcast_in_dim3A_4125 = vector.shape_cast %eq3A_4099 : vector<1x128xi1> to vector<1x128xi1>
    %broadcast_in_dim3A_4126 = vector.broadcast %broadcast_in_dim3A_4125 : vector<1x128xi1> to vector<256x128xi1>
    %select_n3A_4127 = arith.select %broadcast_in_dim3A_4126, %min3A_4123, %max3A_4124 : vector<256x128xi1>, vector<256x128xf32>
    %slice3A_4128 = vector.extract_strided_slice %select_n3A_4023 {offsets = [0, 2], sizes = [256, 126], strides = [1, 1]} : vector<256x128xf32> to vector<256x126xf32>
    %slice3A_4129 = vector.extract_strided_slice %select_n3A_4023 {offsets = [0, 0], sizes = [256, 2], strides = [1, 1]} : vector<256x128xf32> to vector<256x2xf32>
    %concatenate3A_4130 = tpu.concatenate %slice3A_4128, %slice3A_4129 in 1 : vector<256x126xf32>, vector<256x2xf32> -> vector<256x128xf32>
    %slice3A_4131 = vector.extract_strided_slice %select_n3A_4023 {offsets = [0, 126], sizes = [256, 2], strides = [1, 1]} : vector<256x128xf32> to vector<256x2xf32>
    %slice3A_4132 = vector.extract_strided_slice %select_n3A_4023 {offsets = [0, 0], sizes = [256, 126], strides = [1, 1]} : vector<256x128xf32> to vector<256x126xf32>
    %concatenate3A_4133 = tpu.concatenate %slice3A_4131, %slice3A_4132 in 1 : vector<256x2xf32>, vector<256x126xf32> -> vector<256x128xf32>
    %broadcast_in_dim3A_4134 = vector.shape_cast %eq3A_4099 : vector<1x128xi1> to vector<1x128xi1>
    %broadcast_in_dim3A_4135 = vector.broadcast %broadcast_in_dim3A_4134 : vector<1x128xi1> to vector<256x128xi1>
    %select_n3A_4136 = arith.select %broadcast_in_dim3A_4135, %concatenate3A_4130, %concatenate3A_4133 : vector<256x128xi1>, vector<256x128xf32>
    %min3A_4137 = arith.minimumf %select_n3A_4023, %select_n3A_4136 : vector<256x128xf32>
    %max3A_4138 = arith.maximumf %select_n3A_4023, %select_n3A_4136 : vector<256x128xf32>
    %broadcast_in_dim3A_4139 = vector.shape_cast %eq3A_4099 : vector<1x128xi1> to vector<1x128xi1>
    %broadcast_in_dim3A_4140 = vector.broadcast %broadcast_in_dim3A_4139 : vector<1x128xi1> to vector<256x128xi1>
    %select_n3A_4141 = arith.select %broadcast_in_dim3A_4140, %min3A_4137, %max3A_4138 : vector<256x128xi1>, vector<256x128xf32>
    %slice3A_4142 = vector.extract_strided_slice %select_n3A_4037 {offsets = [0, 2], sizes = [256, 126], strides = [1, 1]} : vector<256x128xf32> to vector<256x126xf32>
    %slice3A_4143 = vector.extract_strided_slice %select_n3A_4037 {offsets = [0, 0], sizes = [256, 2], strides = [1, 1]} : vector<256x128xf32> to vector<256x2xf32>
    %concatenate3A_4144 = tpu.concatenate %slice3A_4142, %slice3A_4143 in 1 : vector<256x126xf32>, vector<256x2xf32> -> vector<256x128xf32>
    %slice3A_4145 = vector.extract_strided_slice %select_n3A_4037 {offsets = [0, 126], sizes = [256, 2], strides = [1, 1]} : vector<256x128xf32> to vector<256x2xf32>
    %slice3A_4146 = vector.extract_strided_slice %select_n3A_4037 {offsets = [0, 0], sizes = [256, 126], strides = [1, 1]} : vector<256x128xf32> to vector<256x126xf32>
    %concatenate3A_4147 = tpu.concatenate %slice3A_4145, %slice3A_4146 in 1 : vector<256x2xf32>, vector<256x126xf32> -> vector<256x128xf32>
    %broadcast_in_dim3A_4148 = vector.shape_cast %eq3A_4099 : vector<1x128xi1> to vector<1x128xi1>
    %broadcast_in_dim3A_4149 = vector.broadcast %broadcast_in_dim3A_4148 : vector<1x128xi1> to vector<256x128xi1>
    %select_n3A_4150 = arith.select %broadcast_in_dim3A_4149, %concatenate3A_4144, %concatenate3A_4147 : vector<256x128xi1>, vector<256x128xf32>
    %min3A_4151 = arith.minimumf %select_n3A_4037, %select_n3A_4150 : vector<256x128xf32>
    %max3A_4152 = arith.maximumf %select_n3A_4037, %select_n3A_4150 : vector<256x128xf32>
    %broadcast_in_dim3A_4153 = vector.shape_cast %eq3A_4099 : vector<1x128xi1> to vector<1x128xi1>
    %broadcast_in_dim3A_4154 = vector.broadcast %broadcast_in_dim3A_4153 : vector<1x128xi1> to vector<256x128xi1>
    %select_n3A_4155 = arith.select %broadcast_in_dim3A_4154, %min3A_4151, %max3A_4152 : vector<256x128xi1>, vector<256x128xf32>
    %slice3A_4156 = vector.extract_strided_slice %select_n3A_4051 {offsets = [0, 2], sizes = [256, 126], strides = [1, 1]} : vector<256x128xf32> to vector<256x126xf32>
    %slice3A_4157 = vector.extract_strided_slice %select_n3A_4051 {offsets = [0, 0], sizes = [256, 2], strides = [1, 1]} : vector<256x128xf32> to vector<256x2xf32>
    %concatenate3A_4158 = tpu.concatenate %slice3A_4156, %slice3A_4157 in 1 : vector<256x126xf32>, vector<256x2xf32> -> vector<256x128xf32>
    %slice3A_4159 = vector.extract_strided_slice %select_n3A_4051 {offsets = [0, 126], sizes = [256, 2], strides = [1, 1]} : vector<256x128xf32> to vector<256x2xf32>
    %slice3A_4160 = vector.extract_strided_slice %select_n3A_4051 {offsets = [0, 0], sizes = [256, 126], strides = [1, 1]} : vector<256x128xf32> to vector<256x126xf32>
    %concatenate3A_4161 = tpu.concatenate %slice3A_4159, %slice3A_4160 in 1 : vector<256x2xf32>, vector<256x126xf32> -> vector<256x128xf32>
    %broadcast_in_dim3A_4162 = vector.shape_cast %eq3A_4099 : vector<1x128xi1> to vector<1x128xi1>
    %broadcast_in_dim3A_4163 = vector.broadcast %broadcast_in_dim3A_4162 : vector<1x128xi1> to vector<256x128xi1>
    %select_n3A_4164 = arith.select %broadcast_in_dim3A_4163, %concatenate3A_4158, %concatenate3A_4161 : vector<256x128xi1>, vector<256x128xf32>
    %min3A_4165 = arith.minimumf %select_n3A_4051, %select_n3A_4164 : vector<256x128xf32>
    %max3A_4166 = arith.maximumf %select_n3A_4051, %select_n3A_4164 : vector<256x128xf32>
    %broadcast_in_dim3A_4167 = vector.shape_cast %eq3A_4099 : vector<1x128xi1> to vector<1x128xi1>
    %broadcast_in_dim3A_4168 = vector.broadcast %broadcast_in_dim3A_4167 : vector<1x128xi1> to vector<256x128xi1>
    %select_n3A_4169 = arith.select %broadcast_in_dim3A_4168, %min3A_4165, %max3A_4166 : vector<256x128xi1>, vector<256x128xf32>
    %slice3A_4170 = vector.extract_strided_slice %select_n3A_4065 {offsets = [0, 2], sizes = [256, 126], strides = [1, 1]} : vector<256x128xf32> to vector<256x126xf32>
    %slice3A_4171 = vector.extract_strided_slice %select_n3A_4065 {offsets = [0, 0], sizes = [256, 2], strides = [1, 1]} : vector<256x128xf32> to vector<256x2xf32>
    %concatenate3A_4172 = tpu.concatenate %slice3A_4170, %slice3A_4171 in 1 : vector<256x126xf32>, vector<256x2xf32> -> vector<256x128xf32>
    %slice3A_4173 = vector.extract_strided_slice %select_n3A_4065 {offsets = [0, 126], sizes = [256, 2], strides = [1, 1]} : vector<256x128xf32> to vector<256x2xf32>
    %slice3A_4174 = vector.extract_strided_slice %select_n3A_4065 {offsets = [0, 0], sizes = [256, 126], strides = [1, 1]} : vector<256x128xf32> to vector<256x126xf32>
    %concatenate3A_4175 = tpu.concatenate %slice3A_4173, %slice3A_4174 in 1 : vector<256x2xf32>, vector<256x126xf32> -> vector<256x128xf32>
    %broadcast_in_dim3A_4176 = vector.shape_cast %eq3A_4099 : vector<1x128xi1> to vector<1x128xi1>
    %broadcast_in_dim3A_4177 = vector.broadcast %broadcast_in_dim3A_4176 : vector<1x128xi1> to vector<256x128xi1>
    %select_n3A_4178 = arith.select %broadcast_in_dim3A_4177, %concatenate3A_4172, %concatenate3A_4175 : vector<256x128xi1>, vector<256x128xf32>
    %min3A_4179 = arith.minimumf %select_n3A_4065, %select_n3A_4178 : vector<256x128xf32>
    %max3A_4180 = arith.maximumf %select_n3A_4065, %select_n3A_4178 : vector<256x128xf32>
    %broadcast_in_dim3A_4181 = vector.shape_cast %eq3A_4099 : vector<1x128xi1> to vector<1x128xi1>
    %broadcast_in_dim3A_4182 = vector.broadcast %broadcast_in_dim3A_4181 : vector<1x128xi1> to vector<256x128xi1>
    %select_n3A_4183 = arith.select %broadcast_in_dim3A_4182, %min3A_4179, %max3A_4180 : vector<256x128xi1>, vector<256x128xf32>
    %slice3A_4184 = vector.extract_strided_slice %select_n3A_4079 {offsets = [0, 2], sizes = [256, 126], strides = [1, 1]} : vector<256x128xf32> to vector<256x126xf32>
    %slice3A_4185 = vector.extract_strided_slice %select_n3A_4079 {offsets = [0, 0], sizes = [256, 2], strides = [1, 1]} : vector<256x128xf32> to vector<256x2xf32>
    %concatenate3A_4186 = tpu.concatenate %slice3A_4184, %slice3A_4185 in 1 : vector<256x126xf32>, vector<256x2xf32> -> vector<256x128xf32>
    %slice3A_4187 = vector.extract_strided_slice %select_n3A_4079 {offsets = [0, 126], sizes = [256, 2], strides = [1, 1]} : vector<256x128xf32> to vector<256x2xf32>
    %slice3A_4188 = vector.extract_strided_slice %select_n3A_4079 {offsets = [0, 0], sizes = [256, 126], strides = [1, 1]} : vector<256x128xf32> to vector<256x126xf32>
    %concatenate3A_4189 = tpu.concatenate %slice3A_4187, %slice3A_4188 in 1 : vector<256x2xf32>, vector<256x126xf32> -> vector<256x128xf32>
    %broadcast_in_dim3A_4190 = vector.shape_cast %eq3A_4099 : vector<1x128xi1> to vector<1x128xi1>
    %broadcast_in_dim3A_4191 = vector.broadcast %broadcast_in_dim3A_4190 : vector<1x128xi1> to vector<256x128xi1>
    %select_n3A_4192 = arith.select %broadcast_in_dim3A_4191, %concatenate3A_4186, %concatenate3A_4189 : vector<256x128xi1>, vector<256x128xf32>
    %min3A_4193 = arith.minimumf %select_n3A_4079, %select_n3A_4192 : vector<256x128xf32>
    %max3A_4194 = arith.maximumf %select_n3A_4079, %select_n3A_4192 : vector<256x128xf32>
    %broadcast_in_dim3A_4195 = vector.shape_cast %eq3A_4099 : vector<1x128xi1> to vector<1x128xi1>
    %broadcast_in_dim3A_4196 = vector.broadcast %broadcast_in_dim3A_4195 : vector<1x128xi1> to vector<256x128xi1>
    %select_n3A_4197 = arith.select %broadcast_in_dim3A_4196, %min3A_4193, %max3A_4194 : vector<256x128xi1>, vector<256x128xf32>
    %slice3A_4198 = vector.extract_strided_slice %select_n3A_4093 {offsets = [0, 2], sizes = [256, 126], strides = [1, 1]} : vector<256x128xf32> to vector<256x126xf32>
    %slice3A_4199 = vector.extract_strided_slice %select_n3A_4093 {offsets = [0, 0], sizes = [256, 2], strides = [1, 1]} : vector<256x128xf32> to vector<256x2xf32>
    %concatenate3A_4200 = tpu.concatenate %slice3A_4198, %slice3A_4199 in 1 : vector<256x126xf32>, vector<256x2xf32> -> vector<256x128xf32>
    %slice3A_4201 = vector.extract_strided_slice %select_n3A_4093 {offsets = [0, 126], sizes = [256, 2], strides = [1, 1]} : vector<256x128xf32> to vector<256x2xf32>
    %slice3A_4202 = vector.extract_strided_slice %select_n3A_4093 {offsets = [0, 0], sizes = [256, 126], strides = [1, 1]} : vector<256x128xf32> to vector<256x126xf32>
    %concatenate3A_4203 = tpu.concatenate %slice3A_4201, %slice3A_4202 in 1 : vector<256x2xf32>, vector<256x126xf32> -> vector<256x128xf32>
    %broadcast_in_dim3A_4204 = vector.shape_cast %eq3A_4099 : vector<1x128xi1> to vector<1x128xi1>
    %broadcast_in_dim3A_4205 = vector.broadcast %broadcast_in_dim3A_4204 : vector<1x128xi1> to vector<256x128xi1>
    %select_n3A_4206 = arith.select %broadcast_in_dim3A_4205, %concatenate3A_4200, %concatenate3A_4203 : vector<256x128xi1>, vector<256x128xf32>
    %min3A_4207 = arith.minimumf %select_n3A_4093, %select_n3A_4206 : vector<256x128xf32>
    %max3A_4208 = arith.maximumf %select_n3A_4093, %select_n3A_4206 : vector<256x128xf32>
    %broadcast_in_dim3A_4209 = vector.shape_cast %eq3A_4099 : vector<1x128xi1> to vector<1x128xi1>
    %broadcast_in_dim3A_4210 = vector.broadcast %broadcast_in_dim3A_4209 : vector<1x128xi1> to vector<256x128xi1>
    %select_n3A_4211 = arith.select %broadcast_in_dim3A_4210, %min3A_4207, %max3A_4208 : vector<256x128xi1>, vector<256x128xf32>
    %and3A_4212 = arith.constant 1 : i32
    %and3A_4213 = vector.broadcast %and3A_4212 : i32 to vector<1x128xi32>
    %and3A_4214 = arith.andi %iota3A, %and3A_4213 : vector<1x128xi32>
    %eq3A_4215 = arith.constant 0 : i32
    %eq3A_4216 = vector.broadcast %eq3A_4215 : i32 to vector<1x128xi32>
    %eq3A_4217 = arith.cmpi eq, %and3A_4214, %eq3A_4216 : vector<1x128xi32>
    %slice3A_4218 = vector.extract_strided_slice %select_n3A_4113 {offsets = [0, 1], sizes = [256, 127], strides = [1, 1]} : vector<256x128xf32> to vector<256x127xf32>
    %slice3A_4219 = vector.extract_strided_slice %select_n3A_4113 {offsets = [0, 0], sizes = [256, 1], strides = [1, 1]} : vector<256x128xf32> to vector<256x1xf32>
    %concatenate3A_4220 = tpu.concatenate %slice3A_4218, %slice3A_4219 in 1 : vector<256x127xf32>, vector<256x1xf32> -> vector<256x128xf32>
    %slice3A_4221 = vector.extract_strided_slice %select_n3A_4113 {offsets = [0, 127], sizes = [256, 1], strides = [1, 1]} : vector<256x128xf32> to vector<256x1xf32>
    %slice3A_4222 = vector.extract_strided_slice %select_n3A_4113 {offsets = [0, 0], sizes = [256, 127], strides = [1, 1]} : vector<256x128xf32> to vector<256x127xf32>
    %concatenate3A_4223 = tpu.concatenate %slice3A_4221, %slice3A_4222 in 1 : vector<256x1xf32>, vector<256x127xf32> -> vector<256x128xf32>
    %broadcast_in_dim3A_4224 = vector.shape_cast %eq3A_4217 : vector<1x128xi1> to vector<1x128xi1>
    %broadcast_in_dim3A_4225 = vector.broadcast %broadcast_in_dim3A_4224 : vector<1x128xi1> to vector<256x128xi1>
    %select_n3A_4226 = arith.select %broadcast_in_dim3A_4225, %concatenate3A_4220, %concatenate3A_4223 : vector<256x128xi1>, vector<256x128xf32>
    %min3A_4227 = arith.minimumf %select_n3A_4113, %select_n3A_4226 : vector<256x128xf32>
    %max3A_4228 = arith.maximumf %select_n3A_4113, %select_n3A_4226 : vector<256x128xf32>
    %broadcast_in_dim3A_4229 = vector.shape_cast %eq3A_4217 : vector<1x128xi1> to vector<1x128xi1>
    %broadcast_in_dim3A_4230 = vector.broadcast %broadcast_in_dim3A_4229 : vector<1x128xi1> to vector<256x128xi1>
    %select_n3A_4231 = arith.select %broadcast_in_dim3A_4230, %min3A_4227, %max3A_4228 : vector<256x128xi1>, vector<256x128xf32>
    %slice3A_4232 = vector.extract_strided_slice %select_n3A_4127 {offsets = [0, 1], sizes = [256, 127], strides = [1, 1]} : vector<256x128xf32> to vector<256x127xf32>
    %slice3A_4233 = vector.extract_strided_slice %select_n3A_4127 {offsets = [0, 0], sizes = [256, 1], strides = [1, 1]} : vector<256x128xf32> to vector<256x1xf32>
    %concatenate3A_4234 = tpu.concatenate %slice3A_4232, %slice3A_4233 in 1 : vector<256x127xf32>, vector<256x1xf32> -> vector<256x128xf32>
    %slice3A_4235 = vector.extract_strided_slice %select_n3A_4127 {offsets = [0, 127], sizes = [256, 1], strides = [1, 1]} : vector<256x128xf32> to vector<256x1xf32>
    %slice3A_4236 = vector.extract_strided_slice %select_n3A_4127 {offsets = [0, 0], sizes = [256, 127], strides = [1, 1]} : vector<256x128xf32> to vector<256x127xf32>
    %concatenate3A_4237 = tpu.concatenate %slice3A_4235, %slice3A_4236 in 1 : vector<256x1xf32>, vector<256x127xf32> -> vector<256x128xf32>
    %broadcast_in_dim3A_4238 = vector.shape_cast %eq3A_4217 : vector<1x128xi1> to vector<1x128xi1>
    %broadcast_in_dim3A_4239 = vector.broadcast %broadcast_in_dim3A_4238 : vector<1x128xi1> to vector<256x128xi1>
    %select_n3A_4240 = arith.select %broadcast_in_dim3A_4239, %concatenate3A_4234, %concatenate3A_4237 : vector<256x128xi1>, vector<256x128xf32>
    %min3A_4241 = arith.minimumf %select_n3A_4127, %select_n3A_4240 : vector<256x128xf32>
    %max3A_4242 = arith.maximumf %select_n3A_4127, %select_n3A_4240 : vector<256x128xf32>
    %broadcast_in_dim3A_4243 = vector.shape_cast %eq3A_4217 : vector<1x128xi1> to vector<1x128xi1>
    %broadcast_in_dim3A_4244 = vector.broadcast %broadcast_in_dim3A_4243 : vector<1x128xi1> to vector<256x128xi1>
    %select_n3A_4245 = arith.select %broadcast_in_dim3A_4244, %min3A_4241, %max3A_4242 : vector<256x128xi1>, vector<256x128xf32>
    %slice3A_4246 = vector.extract_strided_slice %select_n3A_4141 {offsets = [0, 1], sizes = [256, 127], strides = [1, 1]} : vector<256x128xf32> to vector<256x127xf32>
    %slice3A_4247 = vector.extract_strided_slice %select_n3A_4141 {offsets = [0, 0], sizes = [256, 1], strides = [1, 1]} : vector<256x128xf32> to vector<256x1xf32>
    %concatenate3A_4248 = tpu.concatenate %slice3A_4246, %slice3A_4247 in 1 : vector<256x127xf32>, vector<256x1xf32> -> vector<256x128xf32>
    %slice3A_4249 = vector.extract_strided_slice %select_n3A_4141 {offsets = [0, 127], sizes = [256, 1], strides = [1, 1]} : vector<256x128xf32> to vector<256x1xf32>
    %slice3A_4250 = vector.extract_strided_slice %select_n3A_4141 {offsets = [0, 0], sizes = [256, 127], strides = [1, 1]} : vector<256x128xf32> to vector<256x127xf32>
    %concatenate3A_4251 = tpu.concatenate %slice3A_4249, %slice3A_4250 in 1 : vector<256x1xf32>, vector<256x127xf32> -> vector<256x128xf32>
    %broadcast_in_dim3A_4252 = vector.shape_cast %eq3A_4217 : vector<1x128xi1> to vector<1x128xi1>
    %broadcast_in_dim3A_4253 = vector.broadcast %broadcast_in_dim3A_4252 : vector<1x128xi1> to vector<256x128xi1>
    %select_n3A_4254 = arith.select %broadcast_in_dim3A_4253, %concatenate3A_4248, %concatenate3A_4251 : vector<256x128xi1>, vector<256x128xf32>
    %min3A_4255 = arith.minimumf %select_n3A_4141, %select_n3A_4254 : vector<256x128xf32>
    %max3A_4256 = arith.maximumf %select_n3A_4141, %select_n3A_4254 : vector<256x128xf32>
    %broadcast_in_dim3A_4257 = vector.shape_cast %eq3A_4217 : vector<1x128xi1> to vector<1x128xi1>
    %broadcast_in_dim3A_4258 = vector.broadcast %broadcast_in_dim3A_4257 : vector<1x128xi1> to vector<256x128xi1>
    %select_n3A_4259 = arith.select %broadcast_in_dim3A_4258, %min3A_4255, %max3A_4256 : vector<256x128xi1>, vector<256x128xf32>
    %slice3A_4260 = vector.extract_strided_slice %select_n3A_4155 {offsets = [0, 1], sizes = [256, 127], strides = [1, 1]} : vector<256x128xf32> to vector<256x127xf32>
    %slice3A_4261 = vector.extract_strided_slice %select_n3A_4155 {offsets = [0, 0], sizes = [256, 1], strides = [1, 1]} : vector<256x128xf32> to vector<256x1xf32>
    %concatenate3A_4262 = tpu.concatenate %slice3A_4260, %slice3A_4261 in 1 : vector<256x127xf32>, vector<256x1xf32> -> vector<256x128xf32>
    %slice3A_4263 = vector.extract_strided_slice %select_n3A_4155 {offsets = [0, 127], sizes = [256, 1], strides = [1, 1]} : vector<256x128xf32> to vector<256x1xf32>
    %slice3A_4264 = vector.extract_strided_slice %select_n3A_4155 {offsets = [0, 0], sizes = [256, 127], strides = [1, 1]} : vector<256x128xf32> to vector<256x127xf32>
    %concatenate3A_4265 = tpu.concatenate %slice3A_4263, %slice3A_4264 in 1 : vector<256x1xf32>, vector<256x127xf32> -> vector<256x128xf32>
    %broadcast_in_dim3A_4266 = vector.shape_cast %eq3A_4217 : vector<1x128xi1> to vector<1x128xi1>
    %broadcast_in_dim3A_4267 = vector.broadcast %broadcast_in_dim3A_4266 : vector<1x128xi1> to vector<256x128xi1>
    %select_n3A_4268 = arith.select %broadcast_in_dim3A_4267, %concatenate3A_4262, %concatenate3A_4265 : vector<256x128xi1>, vector<256x128xf32>
    %min3A_4269 = arith.minimumf %select_n3A_4155, %select_n3A_4268 : vector<256x128xf32>
    %max3A_4270 = arith.maximumf %select_n3A_4155, %select_n3A_4268 : vector<256x128xf32>
    %broadcast_in_dim3A_4271 = vector.shape_cast %eq3A_4217 : vector<1x128xi1> to vector<1x128xi1>
    %broadcast_in_dim3A_4272 = vector.broadcast %broadcast_in_dim3A_4271 : vector<1x128xi1> to vector<256x128xi1>
    %select_n3A_4273 = arith.select %broadcast_in_dim3A_4272, %min3A_4269, %max3A_4270 : vector<256x128xi1>, vector<256x128xf32>
    %slice3A_4274 = vector.extract_strided_slice %select_n3A_4169 {offsets = [0, 1], sizes = [256, 127], strides = [1, 1]} : vector<256x128xf32> to vector<256x127xf32>
    %slice3A_4275 = vector.extract_strided_slice %select_n3A_4169 {offsets = [0, 0], sizes = [256, 1], strides = [1, 1]} : vector<256x128xf32> to vector<256x1xf32>
    %concatenate3A_4276 = tpu.concatenate %slice3A_4274, %slice3A_4275 in 1 : vector<256x127xf32>, vector<256x1xf32> -> vector<256x128xf32>
    %slice3A_4277 = vector.extract_strided_slice %select_n3A_4169 {offsets = [0, 127], sizes = [256, 1], strides = [1, 1]} : vector<256x128xf32> to vector<256x1xf32>
    %slice3A_4278 = vector.extract_strided_slice %select_n3A_4169 {offsets = [0, 0], sizes = [256, 127], strides = [1, 1]} : vector<256x128xf32> to vector<256x127xf32>
    %concatenate3A_4279 = tpu.concatenate %slice3A_4277, %slice3A_4278 in 1 : vector<256x1xf32>, vector<256x127xf32> -> vector<256x128xf32>
    %broadcast_in_dim3A_4280 = vector.shape_cast %eq3A_4217 : vector<1x128xi1> to vector<1x128xi1>
    %broadcast_in_dim3A_4281 = vector.broadcast %broadcast_in_dim3A_4280 : vector<1x128xi1> to vector<256x128xi1>
    %select_n3A_4282 = arith.select %broadcast_in_dim3A_4281, %concatenate3A_4276, %concatenate3A_4279 : vector<256x128xi1>, vector<256x128xf32>
    %min3A_4283 = arith.minimumf %select_n3A_4169, %select_n3A_4282 : vector<256x128xf32>
    %max3A_4284 = arith.maximumf %select_n3A_4169, %select_n3A_4282 : vector<256x128xf32>
    %broadcast_in_dim3A_4285 = vector.shape_cast %eq3A_4217 : vector<1x128xi1> to vector<1x128xi1>
    %broadcast_in_dim3A_4286 = vector.broadcast %broadcast_in_dim3A_4285 : vector<1x128xi1> to vector<256x128xi1>
    %select_n3A_4287 = arith.select %broadcast_in_dim3A_4286, %min3A_4283, %max3A_4284 : vector<256x128xi1>, vector<256x128xf32>
    %slice3A_4288 = vector.extract_strided_slice %select_n3A_4183 {offsets = [0, 1], sizes = [256, 127], strides = [1, 1]} : vector<256x128xf32> to vector<256x127xf32>
    %slice3A_4289 = vector.extract_strided_slice %select_n3A_4183 {offsets = [0, 0], sizes = [256, 1], strides = [1, 1]} : vector<256x128xf32> to vector<256x1xf32>
    %concatenate3A_4290 = tpu.concatenate %slice3A_4288, %slice3A_4289 in 1 : vector<256x127xf32>, vector<256x1xf32> -> vector<256x128xf32>
    %slice3A_4291 = vector.extract_strided_slice %select_n3A_4183 {offsets = [0, 127], sizes = [256, 1], strides = [1, 1]} : vector<256x128xf32> to vector<256x1xf32>
    %slice3A_4292 = vector.extract_strided_slice %select_n3A_4183 {offsets = [0, 0], sizes = [256, 127], strides = [1, 1]} : vector<256x128xf32> to vector<256x127xf32>
    %concatenate3A_4293 = tpu.concatenate %slice3A_4291, %slice3A_4292 in 1 : vector<256x1xf32>, vector<256x127xf32> -> vector<256x128xf32>
    %broadcast_in_dim3A_4294 = vector.shape_cast %eq3A_4217 : vector<1x128xi1> to vector<1x128xi1>
    %broadcast_in_dim3A_4295 = vector.broadcast %broadcast_in_dim3A_4294 : vector<1x128xi1> to vector<256x128xi1>
    %select_n3A_4296 = arith.select %broadcast_in_dim3A_4295, %concatenate3A_4290, %concatenate3A_4293 : vector<256x128xi1>, vector<256x128xf32>
    %min3A_4297 = arith.minimumf %select_n3A_4183, %select_n3A_4296 : vector<256x128xf32>
    %max3A_4298 = arith.maximumf %select_n3A_4183, %select_n3A_4296 : vector<256x128xf32>
    %broadcast_in_dim3A_4299 = vector.shape_cast %eq3A_4217 : vector<1x128xi1> to vector<1x128xi1>
    %broadcast_in_dim3A_4300 = vector.broadcast %broadcast_in_dim3A_4299 : vector<1x128xi1> to vector<256x128xi1>
    %select_n3A_4301 = arith.select %broadcast_in_dim3A_4300, %min3A_4297, %max3A_4298 : vector<256x128xi1>, vector<256x128xf32>
    %slice3A_4302 = vector.extract_strided_slice %select_n3A_4197 {offsets = [0, 1], sizes = [256, 127], strides = [1, 1]} : vector<256x128xf32> to vector<256x127xf32>
    %slice3A_4303 = vector.extract_strided_slice %select_n3A_4197 {offsets = [0, 0], sizes = [256, 1], strides = [1, 1]} : vector<256x128xf32> to vector<256x1xf32>
    %concatenate3A_4304 = tpu.concatenate %slice3A_4302, %slice3A_4303 in 1 : vector<256x127xf32>, vector<256x1xf32> -> vector<256x128xf32>
    %slice3A_4305 = vector.extract_strided_slice %select_n3A_4197 {offsets = [0, 127], sizes = [256, 1], strides = [1, 1]} : vector<256x128xf32> to vector<256x1xf32>
    %slice3A_4306 = vector.extract_strided_slice %select_n3A_4197 {offsets = [0, 0], sizes = [256, 127], strides = [1, 1]} : vector<256x128xf32> to vector<256x127xf32>
    %concatenate3A_4307 = tpu.concatenate %slice3A_4305, %slice3A_4306 in 1 : vector<256x1xf32>, vector<256x127xf32> -> vector<256x128xf32>
    %broadcast_in_dim3A_4308 = vector.shape_cast %eq3A_4217 : vector<1x128xi1> to vector<1x128xi1>
    %broadcast_in_dim3A_4309 = vector.broadcast %broadcast_in_dim3A_4308 : vector<1x128xi1> to vector<256x128xi1>
    %select_n3A_4310 = arith.select %broadcast_in_dim3A_4309, %concatenate3A_4304, %concatenate3A_4307 : vector<256x128xi1>, vector<256x128xf32>
    %min3A_4311 = arith.minimumf %select_n3A_4197, %select_n3A_4310 : vector<256x128xf32>
    %max3A_4312 = arith.maximumf %select_n3A_4197, %select_n3A_4310 : vector<256x128xf32>
    %broadcast_in_dim3A_4313 = vector.shape_cast %eq3A_4217 : vector<1x128xi1> to vector<1x128xi1>
    %broadcast_in_dim3A_4314 = vector.broadcast %broadcast_in_dim3A_4313 : vector<1x128xi1> to vector<256x128xi1>
    %select_n3A_4315 = arith.select %broadcast_in_dim3A_4314, %min3A_4311, %max3A_4312 : vector<256x128xi1>, vector<256x128xf32>
    %slice3A_4316 = vector.extract_strided_slice %select_n3A_4211 {offsets = [0, 1], sizes = [256, 127], strides = [1, 1]} : vector<256x128xf32> to vector<256x127xf32>
    %slice3A_4317 = vector.extract_strided_slice %select_n3A_4211 {offsets = [0, 0], sizes = [256, 1], strides = [1, 1]} : vector<256x128xf32> to vector<256x1xf32>
    %concatenate3A_4318 = tpu.concatenate %slice3A_4316, %slice3A_4317 in 1 : vector<256x127xf32>, vector<256x1xf32> -> vector<256x128xf32>
    %slice3A_4319 = vector.extract_strided_slice %select_n3A_4211 {offsets = [0, 127], sizes = [256, 1], strides = [1, 1]} : vector<256x128xf32> to vector<256x1xf32>
    %slice3A_4320 = vector.extract_strided_slice %select_n3A_4211 {offsets = [0, 0], sizes = [256, 127], strides = [1, 1]} : vector<256x128xf32> to vector<256x127xf32>
    %concatenate3A_4321 = tpu.concatenate %slice3A_4319, %slice3A_4320 in 1 : vector<256x1xf32>, vector<256x127xf32> -> vector<256x128xf32>
    %broadcast_in_dim3A_4322 = vector.shape_cast %eq3A_4217 : vector<1x128xi1> to vector<1x128xi1>
    %broadcast_in_dim3A_4323 = vector.broadcast %broadcast_in_dim3A_4322 : vector<1x128xi1> to vector<256x128xi1>
    %select_n3A_4324 = arith.select %broadcast_in_dim3A_4323, %concatenate3A_4318, %concatenate3A_4321 : vector<256x128xi1>, vector<256x128xf32>
    %min3A_4325 = arith.minimumf %select_n3A_4211, %select_n3A_4324 : vector<256x128xf32>
    %max3A_4326 = arith.maximumf %select_n3A_4211, %select_n3A_4324 : vector<256x128xf32>
    %broadcast_in_dim3A_4327 = vector.shape_cast %eq3A_4217 : vector<1x128xi1> to vector<1x128xi1>
    %broadcast_in_dim3A_4328 = vector.broadcast %broadcast_in_dim3A_4327 : vector<1x128xi1> to vector<256x128xi1>
    %select_n3A_4329 = arith.select %broadcast_in_dim3A_4328, %min3A_4325, %max3A_4326 : vector<256x128xi1>, vector<256x128xf32>
    %min3A_4330 = arith.minimumf %select_n3A_4231, %select_n3A_4287 : vector<256x128xf32>
    %max3A_4331 = arith.maximumf %select_n3A_4231, %select_n3A_4287 : vector<256x128xf32>
    %min3A_4332 = arith.minimumf %select_n3A_4245, %select_n3A_4301 : vector<256x128xf32>
    %max3A_4333 = arith.maximumf %select_n3A_4245, %select_n3A_4301 : vector<256x128xf32>
    %min3A_4334 = arith.minimumf %select_n3A_4259, %select_n3A_4315 : vector<256x128xf32>
    %max3A_4335 = arith.maximumf %select_n3A_4259, %select_n3A_4315 : vector<256x128xf32>
    %min3A_4336 = arith.minimumf %select_n3A_4273, %select_n3A_4329 : vector<256x128xf32>
    %max3A_4337 = arith.maximumf %select_n3A_4273, %select_n3A_4329 : vector<256x128xf32>
    %min3A_4338 = arith.minimumf %min3A_4330, %min3A_4334 : vector<256x128xf32>
    %max3A_4339 = arith.maximumf %min3A_4330, %min3A_4334 : vector<256x128xf32>
    %min3A_4340 = arith.minimumf %min3A_4332, %min3A_4336 : vector<256x128xf32>
    %max3A_4341 = arith.maximumf %min3A_4332, %min3A_4336 : vector<256x128xf32>
    %min3A_4342 = arith.minimumf %max3A_4331, %max3A_4335 : vector<256x128xf32>
    %max3A_4343 = arith.maximumf %max3A_4331, %max3A_4335 : vector<256x128xf32>
    %min3A_4344 = arith.minimumf %max3A_4333, %max3A_4337 : vector<256x128xf32>
    %max3A_4345 = arith.maximumf %max3A_4333, %max3A_4337 : vector<256x128xf32>
    %min3A_4346 = arith.minimumf %min3A_4338, %min3A_4340 : vector<256x128xf32>
    %max3A_4347 = arith.maximumf %min3A_4338, %min3A_4340 : vector<256x128xf32>
    %min3A_4348 = arith.minimumf %max3A_4339, %max3A_4341 : vector<256x128xf32>
    %max3A_4349 = arith.maximumf %max3A_4339, %max3A_4341 : vector<256x128xf32>
    %min3A_4350 = arith.minimumf %min3A_4342, %min3A_4344 : vector<256x128xf32>
    %max3A_4351 = arith.maximumf %min3A_4342, %min3A_4344 : vector<256x128xf32>
    %min3A_4352 = arith.minimumf %max3A_4343, %max3A_4345 : vector<256x128xf32>
    %max3A_4353 = arith.maximumf %max3A_4343, %max3A_4345 : vector<256x128xf32>
    %swap3A = arith.constant 0 : index
    %swap3A_4354 = arith.constant 0 : index
    %swap3A_4355 = vector.load %arg2[%swap3A, %swap3A_4354] : memref<256x1024xf32, #tpu.memory_space<vmem>>, vector<256x128xf32>
    tpu.vector_store %arg2[%swap3A, %swap3A_4354], %min3A_4346 {strides = array<i32>} : memref<256x1024xf32, #tpu.memory_space<vmem>>, vector<256x128xf32>,
    %swap3A_4356 = arith.constant 0 : index
    %swap3A_4357 = arith.constant 128 : index
    %swap3A_4358 = vector.load %arg2[%swap3A_4356, %swap3A_4357] : memref<256x1024xf32, #tpu.memory_space<vmem>>, vector<256x128xf32>
    tpu.vector_store %arg2[%swap3A_4356, %swap3A_4357], %max3A_4347 {strides = array<i32>} : memref<256x1024xf32, #tpu.memory_space<vmem>>, vector<256x128xf32>,
    %swap3A_4359 = arith.constant 0 : index
    %swap3A_4360 = arith.constant 256 : index
    %swap3A_4361 = vector.load %arg2[%swap3A_4359, %swap3A_4360] : memref<256x1024xf32, #tpu.memory_space<vmem>>, vector<256x128xf32>
    tpu.vector_store %arg2[%swap3A_4359, %swap3A_4360], %min3A_4348 {strides = array<i32>} : memref<256x1024xf32, #tpu.memory_space<vmem>>, vector<256x128xf32>,
    %swap3A_4362 = arith.constant 0 : index
    %swap3A_4363 = arith.constant 384 : index
    %swap3A_4364 = vector.load %arg2[%swap3A_4362, %swap3A_4363] : memref<256x1024xf32, #tpu.memory_space<vmem>>, vector<256x128xf32>
    tpu.vector_store %arg2[%swap3A_4362, %swap3A_4363], %max3A_4349 {strides = array<i32>} : memref<256x1024xf32, #tpu.memory_space<vmem>>, vector<256x128xf32>,
    %swap3A_4365 = arith.constant 0 : index
    %swap3A_4366 = arith.constant 512 : index
    %swap3A_4367 = vector.load %arg2[%swap3A_4365, %swap3A_4366] : memref<256x1024xf32, #tpu.memory_space<vmem>>, vector<256x128xf32>
    tpu.vector_store %arg2[%swap3A_4365, %swap3A_4366], %min3A_4350 {strides = array<i32>} : memref<256x1024xf32, #tpu.memory_space<vmem>>, vector<256x128xf32>,
    %swap3A_4368 = arith.constant 0 : index
    %swap3A_4369 = arith.constant 640 : index
    %swap3A_4370 = vector.load %arg2[%swap3A_4368, %swap3A_4369] : memref<256x1024xf32, #tpu.memory_space<vmem>>, vector<256x128xf32>
    tpu.vector_store %arg2[%swap3A_4368, %swap3A_4369], %max3A_4351 {strides = array<i32>} : memref<256x1024xf32, #tpu.memory_space<vmem>>, vector<256x128xf32>,
    %swap3A_4371 = arith.constant 0 : index
    %swap3A_4372 = arith.constant 768 : index
    %swap3A_4373 = vector.load %arg2[%swap3A_4371, %swap3A_4372] : memref<256x1024xf32, #tpu.memory_space<vmem>>, vector<256x128xf32>
    tpu.vector_store %arg2[%swap3A_4371, %swap3A_4372], %min3A_4352 {strides = array<i32>} : memref<256x1024xf32, #tpu.memory_space<vmem>>, vector<256x128xf32>,
    %swap3A_4374 = arith.constant 0 : index
    %swap3A_4375 = arith.constant 896 : index
    %swap3A_4376 = vector.load %arg2[%swap3A_4374, %swap3A_4375] : memref<256x1024xf32, #tpu.memory_space<vmem>>, vector<256x128xf32>
    tpu.vector_store %arg2[%swap3A_4374, %swap3A_4375], %max3A_4353 {strides = array<i32>} : memref<256x1024xf32, #tpu.memory_space<vmem>>, vector<256x128xf32>,
    return
  }
  func.func @transform_0(%arg0: i32) -> (i32, i32) {
    %c0_i32 = arith.constant 0 : i32
    %c0_i32_0 = arith.constant 0 : i32
    return %arg0, %c0_i32 : i32, i32
  }
  func.func @transform_1(%arg0: i32) -> (i32, i32) {
    %c0_i32 = arith.constant 0 : i32
    %c0_i32_0 = arith.constant 0 : i32
    return %arg0, %c0_i32 : i32, i32
  }
}

</mosaic_0001>

<sc_bundles>
// kernel: sparse-core-data-format-call.1.cloned.1.call-start
scs
called_computation.1_lowered:
.L_overlay_start_0:
0x0: {  	s2 =	sld [smem:$0x3FD9]  }
0x1: {  	s3 =	sld [smem:$0x3FFE];
	_ =	sdelay $0x1  }
0x2: {  	s1 =	srdreg.scid  }
0x3: {  	s0 =	sand.u32 $0x1, s1  }
0x4: {  	s18 =	sshll.u32 s0, $0xA;
	s2 =	sadd.s32 s3, s2  }
0x5: {  	s2 =	sadd.s32 s2, s18  }
0x6: {  	[smem:$0x3FC7] =	sst s2  }
0x7: {  	_ = 	snop  }
0x8: {  	s2 =	sld [smem:$0x3FD0];
	(tm) =	ssettm $0x1  }
0x9: {  	s19 =	sld [smem:$0x3FFB];
	_ =	sdelay $0x3  }
0xa: {  	_ =	strace s19  }
0xb: {  	s3 =	sld [smem:$0x3FFC];
	_ =	sdelay $0x3  }
0xc: {  	_ =	strace s3  }
0xd: {  	s3 =	sld [smem:$0x3FFD];
	_ =	sdelay $0x3  }
0xe: {  	_ =	strace s3  }
0xf: {  	_ =	strace $0x8FFFFFFF  }
0x10: {  	s20 =	sld [smem:$0x3FDB];
	_ =	sdelay $0x1  }
0x11: {  	s4 =	simm.s32 $_scs_section_size  }
0x12: {  	s5 =	simm.s32 $_size__tile_overlayer_lowered;
	s6 =	simm.s32 $_tile_overlayer_lowered  }
0x13: {  	s23 =	simm.s32 $0x1BFF;
	s22 =	sshll.u32 s6, $0x1;
	s3 =	sadd.s32 s4, s20  }
0x14: {  	s7 =	simm.s32 $0x0;
	s21 =	sshll.u32 s5, $0x1;
	s5 =	sadd.s32 s22, s3  }
0x15: {  	[timem:s7], [sflag:s23] =	dma.local [hbm:s5], s21  }
0x16: {  	_ =	swait.ge [sflag:s23], s21  }
0x17: {  	s4 =	ssub.s32 $0x0, s21;
	[sflag:s23] =	ssyncset.done $0x0  }
0x18: {  	[sflag:s23] =	ssyncadd.s32 s4;
	_ =	sdelay $0x1  }
0x19: {  	s24 =	simm.s32 $0x1B8B  }
0x1a: {  	_ =	swait.ge [sflag:s24], $0x1  }
0x1b: {  	[sflag:s24] =	ssyncset.done $0x0  }
0x1c: {  	s26 =	simm.s32 $0x1B8E;
	s25 =	sld [smem:$0x3FFE];
	[sflag:s24] =	ssyncadd.s32 $0xFFFFFFFF  }
0x1d: {  	s27 =	simm.s32 $execute0_lowered;
	[smem:$0x3FD2] =	sst s26  }
0x1e: {  	s5 =	sshll.u32 s27, $0x1;
	_ =	strace $0x80000049;
	[dreg:$0x1] =	wrdreg $0xFFFFFFFF  }
0x1f: {  	s28 =	simm.s32 $_size_execute0_lowered;
	s3 =	sadd.s32 s3, s5;
	[dreg:$0x0] =	wrdreg $0x0  }
0x20: {  	s5 =	sshll.u32 s28, $0x1;
	[dreg:$0x2] =	wrdreg s3  }
0x21: {  	[dreg:$0x3] =	wrdreg s5  }
0x22: {  	[dreg:$0x4] =	wrdreg $0xC0  }
0x23: {  	_ =	task [dreg:s7], $0x5FFFF  }
0x24: {  	[dreg:$0x1] =	wrdreg $0xFFFFFFFF  }
0x25: {  	[dreg:$0x0] =	wrdreg $0x60  }
0x26: {  	[dreg:$0x2] =	wrdreg s25  }
0x27: {  	[dreg:$0x3] =	wrdreg s2  }
0x28: {  	[dreg:$0x4] =	wrdreg $0x9  }
0x29: {  	_ =	task.clear_ibuf [dreg:s7], $0x5FFFF;
	_ =	strace $0x90000049  }
0x2a: {  	s29 =	simm.s32 $0x9;
	_ =	strace $0x8000004B  }
0x2b: {  	_ =	swait.ge [sflag:s29], $0x1  }
0x2c: {  	[sflag:s29] =	ssyncadd.s32 $0xFFFFFFFF  }
0x2d: {  	_ =	strace $0x9000004B  }
0x2e: {  	_ =	sfence  }
0x2f: {  	s30 =	sld [smem:$0x0];
	_ =	sdelay $0x2  }
0x30: {  	s31 =	sshll.u32 s1, $0xD;
	s1 =	sshrl.u32 s1, $0x2  }
0x31: {  	s3 =	sand.u32 $0x4000, s31;
	s1 =	sadd.s32 s1, s30  }
0x32: {  	s0 =	sor.u32 s3, s0;
	s1 =	sshll.u32 s1, $0x11  }
0x33: {  	s0 =	sor.u32 s1, s0  }
0x34: {  	s0 =	sadd.s32 $0x8F2B, s0  }
0x35: {  	[sflag:s0] =	ssyncadd.remote.s32 $0x1  }
0x36: {  	_ =	sfence.sel $0xFFFF  }
0x37: {  	[dreg:$0x0] =	wrdreg $0xFFFFFFFF;
	(pc) =	sbr.abs _section_cstart, $3  }
0x38: {  	[dreg:$0x1] =	wrdreg $0xFFFFFFFF  }
0x39: {  	_ =	task.clear_ibuf [dreg:s7], $0x2FFFF;
	_ =	strace $0x9FFFFFFF  }
0x3a: {  	(tm) =	ssettm $0x7FFFFFFF  }
0x3b: {  	_ =	shalt  }
tec
execute0_lowered:
.L_overlay_start_1:
0x0: {  	(tag) =	ssettag $0x1  }
0x1: {  	s0 =	srdreg.scid  }
0x2: {  	s1 =	sshll.u32 s0, $0x4  }
0x3: {  	s6 =	rddreg [dreg:$0x0];
	s0 =	stileid.u32;
	s1 =	sand.u32 $0x10, s1  }
0x4: {  	s3 =	rddreg [dreg:$0x1];
	s5 =	simm.s32 $0x1;
	s1 =	sor.u32 s0, s1  }
0x5: {  	s31 =	simm.s32 $0x2;
	s13 =	simm.s32 $0x0;
	s2 =	sshll.u32 s1, $0x7  }
0x6: {  	s8 =	simm.s32 $0x20000;
	s12 =	simm.s32 $0x0;
	s4 =	ssub.s32 $0x4000, s2  }
0x7: {  	s9 =	simm.s32 $0x0;
	s11 =	simm.s32 $0x0;
	s30 =	sand.u32 $0xF80, s4  }
.Ltmp0:
0x8: {  	s6 =	sadd.s32 $0xC00, s6;
	p0 =	sne.s32 s30, $0x0;
	(pc) =	sbr.rel .LBB1_1-.Ltmp0, $4  }
0x9: {  	s1 =	rddreg [dreg:$0x2];
	s7 =	sshrl.u32 s4, $0xC;
	s5 =	simm.s32 @!p0 $0x0  }
0xa: {  	_ =	strace $0x8000004A;
	s4 =	simm.s32 $0x1;
	s5 =	sadd.s32 s5, s7  }
0xb: {  	s10 =	smov.u32 s2;
	[sflag:s4] =	ssyncpa.u1 $0x0;
	s5 =	sshll.u32 s5, $0x3  }
0xc: {  	[sflag:s31] =	ssyncpa.u1 $0x0;
	p0 =	por $0x0, $0x0;
	s7 =	sor.u32 $0x1, s5  }
.LBB1_4:
0xd: {  	v5 =	vld [tilespmem:s17+$0xFFFFFFD0];
	[tilespmem:s16+$0x2040 ss:$0x81] =	vst.msk $0xffff, v1  }
0xe: {  	v58 =	vld [tilespmem:s17+$0xFFFFFFE0];
	[tilespmem:s16+$0x2850 ss:$0x81] =	vst.msk $0xffff, v2  }
0xf: {  	s18 =	sshra.s32 s18, $0x2;
	v59 =	vld [tilespmem:s17+$0xFFFFFFF0];
	[tilespmem:s16+$0x3060 ss:$0x81] =	vst.msk $0xffff, v3  }
0x10: {  	v60 =	vld [tilespmem:s17+$0x0];
	[tilespmem:s16+$0x0 ss:$0x81] =	vst.msk $0xffff, v0;
	s15 =	sadd.s32 s18, s15  }
0x11: {  	v61 =	vld [tilespmem:s17+$0x10];
	[tilespmem:s15+$0x3870 ss:$0x81] =	vst.msk $0xffff, v4  }
0x12: {  	v62 =	vld [tilespmem:s17+$0x20];
	[tilespmem:s15+$0x810 ss:$0x81] =	vst.msk $0xffff, v5  }
0x13: {  	v63 =	vld [tilespmem:s17+$0xFFFFFFC0];
	s28 =	sshll.u32 s12, $0x3;
	[tilespmem:s15+$0x1020 ss:$0x81] =	vst.msk $0xffff, v58  }
0x14: {  	s29 =	sand.u32 $0x78, s12;
	s13 =	sshll.u32 s13, $0x7;
	s16 =	sand.u32 $0x3C00, s28;
	[tilespmem:s15+$0x1830 ss:$0x81] =	vst.msk $0xffff, v59  }
0x15: {  	s13 =	sand.u32 $0x380, s13;
	s16 =	sor.u32 s29, s16;
	[tilespmem:s15+$0x2040 ss:$0x81] =	vst.msk $0xffff, v60  }
0x16: {  	s30 =	sand.u32 $0x3800, s12;
	s31 =	sand.u32 $0x7, s12;
	s13 =	sor.u32 s13, s16;
	[tilespmem:s15+$0x2850 ss:$0x81] =	vst.msk $0xffff, v61  }
0x17: {  	s12 =	sshll.u32 s31, $0x12;
	s16 =	sadd.s32 s3, s30;
	s13 =	sshrl.u32 s13, $0x3;
	[tilespmem:s15+$0x3060 ss:$0x81] =	vst.msk $0xffff, v62  }
0x18: {  	s12 =	sor.u32 $0x80, s12;
	[tilespmem:s15+$0x0 ss:$0x81] =	vst.msk $0xffff, v63;
	s13 =	sadd.s32 s13, s16  }
0x19: {  	[hbm4b:s13+s12] =	stream.strided.scatter [tilespmem:s14], [sflag:$0x2], $0x4000, s8, s12, $0x20;
	[tilespmem:$0x10100] =	vst v63  }
.LBB1_5:
0x1a: {  	s14 =	sadd.s32 $0x1, s9  }
0x1b: {  	s12 =	sadd.s32 $0x1000, s10;
	s16 =	smov.u32 s10;
	p2 =	sgt.s32 s14, $0x7  }
0x1c: {  	s16 =	smov.u32 @p2 s12  }
0x1d: {  	s14 =	simm.s32 @p2 $0x0;
	p2 =	sgt.s32 s16, $0x3FFF  }
0x1e: {  	s16 =	smov.u32 @p2 s2;
	p2 =	sne.s32 s11, s7  }
.Ltmp1:
0x1f: {  	p1 =	slt.u32 s11, $0x2;
	(pc) =	sbr.rel @!p2 .LBB1_6-.Ltmp1, $4  }
0x20: {  	s15 =	simm.s32 @!p1 $0x2  }
0x21: {  	s13 =	smov.u32 s9;
	p0 =	por !p0, !p0;
	_ =	swait.ge @!p1 [sflag:s15], $0x4000  }
0x22: {  	s12 =	smov.u32 s10;
	[sflag:s15] =	ssyncset.done @!p1 $0x0;
	s9 =	smov.u32 s14  }
0x23: {  	s11 =	sadd.s32 $0x1, s11;
	[sflag:s15] =	ssyncadd.s32 @!p1 $0xFFFFC000;
	s10 =	smov.u32 s16  }
.LBB1_1:
0x24: {  	p1 =	sge.u32 s11, s5  }
0x25: {  	s31 =	sadd.s32 $0xFFFFFFFF, s11;
	s14 =	sxor.u32 @!p1 $0xFFFFFFFF, s11  }
0x26: {  	s15 =	sshll.u32 @!p1 s10, $0x7;
	s16 =	sshll.u32 @!p1 s9, $0x4;
	s17 =	simm.s32 @!p1 $0x400  }
0x27: {  	s14 =	sshll.u32 @!p1 s14, $0xE;
	s16 =	sand.u32 @!p1 $0x70, s16;
	s15 =	sadd.s32 @!p1 s6, s15  }
0x28: {  	s14 =	sand.u32 @!p1 $0x4000, s14;
	s15 =	sadd.s32 @!p1 s16, s15;
	s16 =	simm.s32 @!p1 $0x80  }
0x29: {  	[tilespmem:s14], [sflag:$0x1] =	stream.strided.gather @!p1 [hbm4b:s15+s16], $0x4000, s17, s16, $0x38;
	[tilespmem:$0x10100] =	vst v63  }
0x2a: {  	p1 =	sge.u32 s31, s5  }
.Ltmp2:
0x2b: {  	_ = 	snop;
	(pc) =	sbr.rel @p1 .LBB1_5-.Ltmp2, $1  }
0x2c: {  	_ =	sdelay $0x3  }
0x2d: {  	s14 =	simm.s32 $0x1  }
0x2e: {  	_ =	swait.ge [sflag:s4], $0x4000;
	s14 =	simm.s32 @!p0 $0x0  }
0x2f: {  	[sflag:s4] =	ssyncset.done $0x0;
	s15 =	sshll.u32 s14, $0xE  }
0x30: {  	[sflag:s4] =	ssyncadd.s32 $0xFFFFC000;
	s17 =	sor.u32 $0x40, s15  }
0x31: {  	s14 =	smul.u32 $0x10200, s14;
	v0 =	vld [tilespmem:s17+$0x30]  }
0x32: {  	v3 =	vld [tilespmem:s17+$0xFFFFFFD0]  }
0x33: {  	s14 =	sshrl.u32 s14, $0x2;
	v4 =	vld [tilespmem:s17+$0xFFFFFFE0]  }
0x34: {  	v5 =	vld [tilespmem:s17+$0xFFFFFFF0];
	s15 =	sor.u32 $0x8000, s14  }
0x35: {  	s31 =	sand.u32 $0x1, s11;
	v1 =	vld [tilespmem:s17+$0x0];
	s16 =	sadd.s32 $0x0, s15  }
0x36: {  	v2 =	vld [tilespmem:s17+$0x10];
	s14 =	smul.u32 $0x10200, s31;
	[tilespmem:s16+$0x3870 ss:$0x81] =	vst.msk $0xffff, v0  }
0x37: {  	[tilespmem:s16+$0x810 ss:$0x81] =	vst.msk $0xffff, v3;
	v3 =	vld [tilespmem:s17+$0x20]  }
0x38: {  	s14 =	sshrl.u32 s14, $0x2;
	v0 =	vld [tilespmem:s17+$0xFFFFFFC0];
	[tilespmem:s16+$0x1020 ss:$0x81] =	vst.msk $0xffff, v4;
	s17 =	sadd.s32 $0x80, s17  }
0x39: {  	s18 =	simm.s32 $0x4;
	s19 =	simm.s32 $0x8;
	s14 =	sor.u32 $0x8000, s14;
	[tilespmem:s16+$0x1830 ss:$0x81] =	vst.msk $0xffff, v5;
	v4 =	vld [tilespmem:s17+$0x30]  }
.LBB1_3:
0x3a: {  	p1 =	sne.s32 s19, $0x1FC;
	v5 =	vld [tilespmem:s17+$0xFFFFFFD0];
	[tilespmem:s16+$0x2040 ss:$0x81] =	vst.msk $0xffff, v1  }
0x3b: {  	v6 =	vld [tilespmem:s17+$0xFFFFFFE0];
	[tilespmem:s16+$0x2850 ss:$0x81] =	vst.msk $0xffff, v2  }
0x3c: {  	s20 =	sshra.s32 s18, $0x2;
	s18 =	smov.u32 s19;
	v7 =	vld [tilespmem:s17+$0xFFFFFFF0];
	[tilespmem:s16+$0x3060 ss:$0x81] =	vst.msk $0xffff, v3  }
.Ltmp3:
0x3d: {  	v1 =	vld [tilespmem:s17+$0x0];
	[tilespmem:s16+$0x0 ss:$0x81] =	vst.msk $0xffff, v0;
	s16 =	sadd.s32 s20, s15;
	(pc) =	sbr.rel @p1 .LBB1_3-.Ltmp3, $4  }
0x3e: {  	v2 =	vld [tilespmem:s17+$0x10];
	[tilespmem:s16+$0x3870 ss:$0x81] =	vst.msk $0xffff, v4  }
0x3f: {  	[tilespmem:s16+$0x810 ss:$0x81] =	vst.msk $0xffff, v5;
	v3 =	vld [tilespmem:s17+$0x20]  }
0x40: {  	v0 =	vld [tilespmem:s17+$0xFFFFFFC0];
	[tilespmem:s16+$0x1020 ss:$0x81] =	vst.msk $0xffff, v6;
	s17 =	sadd.s32 $0x80, s17  }
0x41: {  	s19 =	sadd.s32 $0x4, s19;
	v4 =	vld [tilespmem:s17+$0x30];
	[tilespmem:s16+$0x1830 ss:$0x81] =	vst.msk $0xffff, v7  }
.Ltmp4:
0x42: {  	_ = 	snop;
	(pc) =	sbr.rel .LBB1_4-.Ltmp4, $1  }
0x43: {  	_ =	sdelay $0x3  }
.LBB1_6:
0x44: {  	_ =	sfence.sel $0x180000  }
0x45: {  	s2 =	simm.s32 $0x1;
	[bflag:$0x0] =	sbarrier.arrive $0xFFFF  }
0x46: {  	s31 =	simm.s32 $0x2;
	[sflag:s2] =	ssyncpa.u1 $0x1  }
0x47: {  	[sflag:s31] =	ssyncpa.u1 $0x1  }
0x48: {  	p0 =	sne.s32 s0, $0x0;
	_ =	strace $0x9000004A  }
0x49: {  	s0 =	sadd.s32 @!p0 $0x100000, s1;
	[bflag:$0x2] =	sbarrier.arrive $0xFFFF  }
0x4a: {  	[sflag:s0] =	ssyncadd.tile.s32 @!p0 $0x1;
	_ =	shalt  }
.Lfunc_end1:
_tile_overlayer_lowered:
.L_overlay_start_2:
0x4b: {  	(tag) =	ssettag $0x2  }
0x4c: {  	s0 =	rddreg [dreg:$0x0];
	s2 =	stileid.u32  }
0x4d: {  	s1 =	rddreg [dreg:$0x1];
	p0 =	sne.s32 s2, $0x0  }
0x4e: {  	s3 =	rddreg [dreg:$0x2];
	[bflag:$0x3] =	sbarrier.arrive $0xFFFF;
	s2 =	simm.s32 @!p0 $0x1C01  }
0x4f: {  	[timem:s3], [sflag:s2] =	dma.local @!p0 [hbm:s0], s1  }
0x50: {  	s0 =	simm.s32 @!p0 $0x1  }
0x51: {  	_ =	swait.ge @!p0 [sflag:s0], s1  }
0x52: {  	s1 =	ssub.s32 @!p0 $0x0, s1;
	[sflag:s0] =	ssyncset.done @!p0 $0x0  }
0x53: {  	[sflag:s0] =	ssyncadd.s32 @!p0 s1  }
0x54: {  	[bflag:$0x3] =	sbarrier.arrive $0xFFFF  }
0x55: {  	_ =	shalt  }

// kernel: sparse-core-data-format-call.2.cloned.1.call-start
scs
called_computation.2_lowered:
.L_overlay_start_0:
0x0: {  	s2 =	sld [smem:$0x3FD9]  }
0x1: {  	s3 =	sld [smem:$0x3FFE];
	_ =	sdelay $0x1  }
0x2: {  	s1 =	srdreg.scid  }
0x3: {  	s0 =	sand.u32 $0x1, s1  }
0x4: {  	s18 =	sshll.u32 s0, $0xA;
	s2 =	sadd.s32 s3, s2  }
0x5: {  	s2 =	sadd.s32 s2, s18  }
0x6: {  	[smem:$0x3FC7] =	sst s2  }
0x7: {  	_ = 	snop  }
0x8: {  	s2 =	sld [smem:$0x3FD0];
	(tm) =	ssettm $0x1  }
0x9: {  	s19 =	sld [smem:$0x3FFB];
	_ =	sdelay $0x3  }
0xa: {  	_ =	strace s19  }
0xb: {  	s3 =	sld [smem:$0x3FFC];
	_ =	sdelay $0x3  }
0xc: {  	_ =	strace s3  }
0xd: {  	s3 =	sld [smem:$0x3FFD];
	_ =	sdelay $0x3  }
0xe: {  	_ =	strace s3  }
0xf: {  	_ =	strace $0x8FFFFFFF  }
0x10: {  	s20 =	sld [smem:$0x3FDB];
	_ =	sdelay $0x1  }
0x11: {  	s4 =	simm.s32 $_scs_section_size  }
0x12: {  	s5 =	simm.s32 $_size__tile_overlayer_lowered;
	s6 =	simm.s32 $_tile_overlayer_lowered  }
0x13: {  	s23 =	simm.s32 $0x1BFF;
	s22 =	sshll.u32 s6, $0x1;
	s3 =	sadd.s32 s4, s20  }
0x14: {  	s7 =	simm.s32 $0x0;
	s21 =	sshll.u32 s5, $0x1;
	s5 =	sadd.s32 s22, s3  }
0x15: {  	[timem:s7], [sflag:s23] =	dma.local [hbm:s5], s21  }
0x16: {  	_ =	swait.ge [sflag:s23], s21  }
0x17: {  	s4 =	ssub.s32 $0x0, s21;
	[sflag:s23] =	ssyncset.done $0x0  }
0x18: {  	[sflag:s23] =	ssyncadd.s32 s4;
	_ =	sdelay $0x1  }
0x19: {  	s24 =	simm.s32 $0x1B8B  }
0x1a: {  	_ =	swait.ge [sflag:s24], $0x1  }
0x1b: {  	[sflag:s24] =	ssyncset.done $0x0  }
0x1c: {  	s26 =	simm.s32 $0x1B8E;
	s25 =	sld [smem:$0x3FFE];
	[sflag:s24] =	ssyncadd.s32 $0xFFFFFFFF  }
0x1d: {  	s27 =	simm.s32 $execute0_lowered;
	[smem:$0x3FD2] =	sst s26  }
0x1e: {  	s5 =	sshll.u32 s27, $0x1;
	_ =	strace $0x80000046;
	[dreg:$0x1] =	wrdreg $0xFFFFFFFF  }
0x1f: {  	s28 =	simm.s32 $_size_execute0_lowered;
	s3 =	sadd.s32 s3, s5;
	[dreg:$0x0] =	wrdreg $0x0  }
0x20: {  	s5 =	sshll.u32 s28, $0x1;
	[dreg:$0x2] =	wrdreg s3  }
0x21: {  	[dreg:$0x3] =	wrdreg s5  }
0x22: {  	[dreg:$0x4] =	wrdreg $0xC0  }
0x23: {  	_ =	task [dreg:s7], $0x5FFFF  }
0x24: {  	[dreg:$0x1] =	wrdreg $0xFFFFFFFF  }
0x25: {  	[dreg:$0x0] =	wrdreg $0x60  }
0x26: {  	[dreg:$0x2] =	wrdreg s2  }
0x27: {  	[dreg:$0x3] =	wrdreg s25  }
0x28: {  	[dreg:$0x4] =	wrdreg $0x9  }
0x29: {  	_ =	task.clear_ibuf [dreg:s7], $0x5FFFF;
	_ =	strace $0x90000046  }
0x2a: {  	s29 =	simm.s32 $0x9;
	_ =	strace $0x80000048  }
0x2b: {  	_ =	swait.ge [sflag:s29], $0x1  }
0x2c: {  	[sflag:s29] =	ssyncadd.s32 $0xFFFFFFFF  }
0x2d: {  	_ =	strace $0x90000048  }
0x2e: {  	_ =	sfence  }
0x2f: {  	s30 =	sld [smem:$0x0];
	_ =	sdelay $0x2  }
0x30: {  	s31 =	sshll.u32 s1, $0xD;
	s1 =	sshrl.u32 s1, $0x2  }
0x31: {  	s3 =	sand.u32 $0x4000, s31;
	s1 =	sadd.s32 s1, s30  }
0x32: {  	s0 =	sor.u32 s3, s0;
	s1 =	sshll.u32 s1, $0x11  }
0x33: {  	s0 =	sor.u32 s1, s0  }
0x34: {  	s0 =	sadd.s32 $0x8F2B, s0  }
0x35: {  	[sflag:s0] =	ssyncadd.remote.s32 $0x1  }
0x36: {  	_ =	sfence.sel $0xFFFF  }
0x37: {  	[dreg:$0x0] =	wrdreg $0xFFFFFFFF;
	(pc) =	sbr.abs _section_cstart, $3  }
0x38: {  	[dreg:$0x1] =	wrdreg $0xFFFFFFFF  }
0x39: {  	_ =	task.clear_ibuf [dreg:s7], $0x2FFFF;
	_ =	strace $0x9FFFFFFF  }
0x3a: {  	(tm) =	ssettm $0x7FFFFFFF  }
0x3b: {  	_ =	shalt  }
tec
execute0_lowered:
.L_overlay_start_1:
0x0: {  	(tag) =	ssettag $0x1  }
0x1: {  	s0 =	srdreg.scid  }
0x2: {  	s1 =	sshll.u32 s0, $0x4  }
0x3: {  	s2 =	rddreg [dreg:$0x0];
	s0 =	stileid.u32;
	s1 =	sand.u32 $0x10, s1  }
0x4: {  	s4 =	rddreg [dreg:$0x1];
	s7 =	simm.s32 $0x1;
	s1 =	sor.u32 s0, s1  }
0x5: {  	s8 =	simm.s32 $0x2;
	s9 =	simm.s32 $0x0;
	s3 =	sshll.u32 s1, $0x1  }
0x6: {  	s12 =	simm.s32 $0x0;
	s11 =	simm.s32 $0x0;
	s6 =	ssub.s32 $0x800, s3  }
.Ltmp0:
0x7: {  	s4 =	sadd.s32 $0xC00, s4;
	s5 =	sand.u32 $0x3E, s6;
	(pc) =	sbr.rel .LBB1_1-.Ltmp0, $4  }
0x8: {  	s1 =	rddreg [dreg:$0x2];
	_ =	strace $0x80000047;
	p0 =	sne.s32 s5, $0x0  }
0x9: {  	s6 =	sshrl.u32 s6, $0x6;
	s5 =	simm.s32 $0x1;
	s7 =	simm.s32 @!p0 $0x0  }
0xa: {  	s10 =	smov.u32 s3;
	[sflag:s5] =	ssyncpa.u1 $0x0;
	s6 =	sadd.s32 s7, s6  }
0xb: {  	[sflag:s8] =	ssyncpa.u1 $0x0;
	s8 =	simm.s32 $0x0;
	s7 =	sadd.s32 $0x1, s6  }
.LBB1_9:
0xc: {  	s14 =	sadd.s32 $0x40, s10  }
0xd: {  	p1 =	sgt.s32 s14, $0x7FF  }
0xe: {  	s14 =	smov.u32 @p1 s3;
	p1 =	sne.s32 s11, s7  }
.Ltmp1:
0xf: {  	p0 =	slt.u32 s11, $0x2;
	(pc) =	sbr.rel @!p1 .LBB1_10-.Ltmp1, $4  }
0x10: {  	s13 =	simm.s32 @!p0 $0x2  }
0x11: {  	s15 =	sadd.s32 $0x1, s11;
	_ =	swait.ge @!p0 [sflag:s13], $0x4000  }
0x12: {  	s12 =	smov.u32 s10;
	s9 =	sadd.s32 $0x4000, s9;
	[sflag:s13] =	ssyncset.done @!p0 $0x0  }
0x13: {  	s11 =	smov.u32 s15;
	s10 =	smov.u32 s14;
	[sflag:s13] =	ssyncadd.s32 @!p0 $0xFFFFC000  }
.LBB1_1:
0x14: {  	p0 =	sge.u32 s11, s6  }
0x15: {  	s13 =	sxor.u32 @!p0 $0xFFFFFFFF, s11  }
0x16: {  	s31 =	sadd.s32 $0xFFFFFFFF, s11;
	s14 =	sshll.u32 @!p0 s10, $0xA;
	s13 =	sshll.u32 @!p0 s13, $0xE  }
0x17: {  	s15 =	simm.s32 @!p0 $0x0;
	s14 =	sadd.s32 @!p0 s2, s14;
	s13 =	sand.u32 @!p0 $0x4000, s13  }
0x18: {  	[tilespmem:s13], [sflag:$0x1] =	stream.linear.gather @!p0 [hbm4b:s14+s15], $0x4000, $0x38;
	[tilespmem:$0x10000] =	vst v63  }
0x19: {  	p0 =	sge.u32 s31, s6  }
.Ltmp2:
0x1a: {  	_ = 	snop;
	(pc) =	sbr.rel @p0 .LBB1_9-.Ltmp2, $1  }
0x1b: {  	_ =	sdelay $0x3  }
0x1c: {  	s13 =	sshll.u32 s9, $0x2  }
0x1d: {  	_ =	swait.ge [sflag:s5], $0x4000;
	s14 =	sshll.u32 s11, $0xE;
	s16 =	simm.s32 $0x0  }
0x1e: {  	p1 =	por $0x1, $0x1;
	s13 =	sand.u32 $0x10000, s13;
	[sflag:s5] =	ssyncset.done $0x0  }
0x1f: {  	s14 =	sand.u32 $0x4000, s14;
	s15 =	sshrl.u32 s13, $0x2;
	[sflag:s5] =	ssyncadd.s32 $0xFFFFC000  }
0x20: {  	s13 =	sor.u32 $0x8000, s14;
	s14 =	sadd.s32 $0x8040, s15;
	s15 =	sadd.s32 $0x40, s15  }
.LBB1_3:
0x21: {  	s16 =	sshll.u32 s16, $0x2  }
0x22: {  	p0 =	por p1, p1;
	s17 =	sshra.s32 s16, $0x2  }
0x23: {  	s18 =	simm.s32 $0x0;
	s16 =	sadd.s32 s17, s14;
	s17 =	sadd.s32 s17, s15  }
.LBB1_4:
0x24: {  	v0 =	vmov s17;
	_ =	sdelay $0x3  }
0x25: {  	s20 =	simm.s32 $0x0  }
0x26: {  	v6 =	vld.idx.msk [tilespmem:v0+s20+$0x30 ss:$0x1], $0xffff  }
0x27: {  	v7 =	vld.idx.msk [tilespmem:v0+s20+$0xFFFFFFC0 ss:$0x1], $0xffff  }
0x28: {  	v5 =	vld.idx.msk [tilespmem:v0+s20+$0xFFFFFFD0 ss:$0x1], $0xffff  }
0x29: {  	v4 =	vld.idx.msk [tilespmem:v0+s20+$0xFFFFFFE0 ss:$0x1], $0xffff  }
0x2a: {  	v3 =	vld.idx.msk [tilespmem:v0+s20+$0xFFFFFFF0 ss:$0x1], $0xffff  }
0x2b: {  	v1 =	vld.idx.msk [tilespmem:v0+s20+$0x0 ss:$0x1], $0xffff  }
0x2c: {  	v2 =	vld.idx.msk [tilespmem:v0+s20+$0x10 ss:$0x1], $0xffff;
	[tilespmem:s16+$0x30] =	vst v6  }
0x2d: {  	s19 =	simm.s32 $0x80;
	s21 =	simm.s32 $0x400;
	[tilespmem:s16+$0xFFFFFFC0] =	vst v7;
	v6 =	vld.idx.msk [tilespmem:v0+s20+$0x20 ss:$0x1], $0xffff;
	s20 =	smov.u32 s16  }
.LBB1_5:
0x2e: {  	p1 =	sne.s32 s21, $0xE00;
	v7 =	vld.idx.msk [tilespmem:v0+s19+$0x30 ss:$0x1], $0xffff;
	[tilespmem:s20+$0xFFFFFFD0] =	vst v5  }
0x2f: {  	v8 =	vld.idx.msk [tilespmem:v0+s19+$0xFFFFFFC0 ss:$0x1], $0xffff;
	[tilespmem:s20+$0xFFFFFFE0] =	vst v4  }
0x30: {  	v5 =	vld.idx.msk [tilespmem:v0+s19+$0xFFFFFFD0 ss:$0x1], $0xffff;
	[tilespmem:s20+$0xFFFFFFF0] =	vst v3  }
.Ltmp3:
0x31: {  	v4 =	vld.idx.msk [tilespmem:v0+s19+$0xFFFFFFE0 ss:$0x1], $0xffff;
	[tilespmem:s20+$0x0] =	vst v1;
	(pc) =	sbr.rel @p1 .LBB1_5-.Ltmp3, $4  }
0x32: {  	v3 =	vld.idx.msk [tilespmem:v0+s19+$0xFFFFFFF0 ss:$0x1], $0xffff;
	[tilespmem:s20+$0x10] =	vst v2  }
0x33: {  	v1 =	vld.idx.msk [tilespmem:v0+s19+$0x0 ss:$0x1], $0xffff;
	[tilespmem:s20+$0x20] =	vst v6;
	s20 =	sadd.s32 $0x400, s20  }
0x34: {  	v2 =	vld.idx.msk [tilespmem:v0+s19+$0x10 ss:$0x1], $0xffff;
	[tilespmem:s20+$0x30] =	vst v7  }
0x35: {  	[tilespmem:s20+$0xFFFFFFC0] =	vst v8;
	v6 =	vld.idx.msk [tilespmem:v0+s19+$0x20 ss:$0x1], $0xffff;
	s19 =	sshra.s32 s21, $0x2;
	s21 =	sadd.s32 $0x200, s21  }
0x36: {  	_ =	sdelay $0x2  }
0x37: {  	[tilespmem:s20+$0xFFFFFFD0] =	vst v5  }
0x38: {  	v56 =	vld.idx.msk [tilespmem:v0+s19+$0x30 ss:$0x1], $0xffff;
	[tilespmem:s20+$0xFFFFFFE0] =	vst v4  }
0x39: {  	v57 =	vld.idx.msk [tilespmem:v0+s19+$0xFFFFFFC0 ss:$0x1], $0xffff;
	[tilespmem:s20+$0xFFFFFFF0] =	vst v3  }
0x3a: {  	v58 =	vld.idx.msk [tilespmem:v0+s19+$0xFFFFFFD0 ss:$0x1], $0xffff;
	[tilespmem:s20+$0x0] =	vst v1  }
0x3b: {  	v59 =	vld.idx.msk [tilespmem:v0+s19+$0xFFFFFFE0 ss:$0x1], $0xffff;
	[tilespmem:s20+$0x10] =	vst v2  }
0x3c: {  	v60 =	vld.idx.msk [tilespmem:v0+s19+$0xFFFFFFF0 ss:$0x1], $0xffff;
	s31 =	sadd.s32 $0x400, s20;
	[tilespmem:s20+$0x20] =	vst v6  }
0x3d: {  	v61 =	vld.idx.msk [tilespmem:v0+s19+$0x0 ss:$0x1], $0xffff;
	[tilespmem:s31+$0x30] =	vst v56  }
0x3e: {  	v62 =	vld.idx.msk [tilespmem:v0+s19+$0x10 ss:$0x1], $0xffff;
	s18 =	sadd.s32 $0x1, s18;
	[tilespmem:s31+$0xFFFFFFC0] =	vst v57  }
0x3f: {  	v63 =	vld.idx.msk [tilespmem:v0+s19+$0x20 ss:$0x1], $0xffff;
	p1 =	sne.s32 s18, $0x8;
	[tilespmem:s31+$0xFFFFFFD0] =	vst v58  }
.Ltmp4:
0x40: {  	[tilespmem:s31+$0xFFFFFFE0] =	vst v59;
	(pc) =	sbr.rel @p1 .LBB1_4-.Ltmp4, $4  }
0x41: {  	[tilespmem:s31+$0xFFFFFFF0] =	vst v60  }
0x42: {  	[tilespmem:s31+$0x0] =	vst v61  }
0x43: {  	[tilespmem:s31+$0x10] =	vst v62  }
0x44: {  	s16 =	sadd.s32 $0x80, s16;
	s17 =	sadd.s32 $0x400, s17;
	[tilespmem:s31+$0x20] =	vst v63  }
.Ltmp5:
0x45: {  	(pc) =	sbr.rel @p0 .LBB1_3-.Ltmp5, $2  }
0x46: {  	_ =	sdelay $0x2  }
0x47: {  	s16 =	simm.s32 $0x2000;
	p1 =	por $0x0, $0x0  }
.Ltmp6:
0x48: {  	(pc) =	sbr.rel .LBB1_9-.Ltmp6, $4  }
0x49: {  	_ = 	snop  }
0x4a: {  	s12 =	sshll.u32 s12, $0xA  }
0x4b: {  	s12 =	sadd.s32 s4, s12  }
0x4c: {  	[hbm4b:s12+s8] =	stream.linear.scatter [tilespmem:s13], [sflag:$0x2], $0x4000, $0x38;
	[tilespmem:$0x10000] =	vst v63  }
.LBB1_10:
0x4d: {  	_ =	sfence.sel $0x180000  }
0x4e: {  	s2 =	simm.s32 $0x1;
	[bflag:$0x0] =	sbarrier.arrive $0xFFFF  }
0x4f: {  	s31 =	simm.s32 $0x2;
	[sflag:s2] =	ssyncpa.u1 $0x1  }
0x50: {  	[sflag:s31] =	ssyncpa.u1 $0x1  }
0x51: {  	p0 =	sne.s32 s0, $0x0;
	_ =	strace $0x90000047  }
0x52: {  	s0 =	sadd.s32 @!p0 $0x100000, s1;
	[bflag:$0x2] =	sbarrier.arrive $0xFFFF  }
0x53: {  	[sflag:s0] =	ssyncadd.tile.s32 @!p0 $0x1;
	_ =	shalt  }
.Lfunc_end1:
_tile_overlayer_lowered:
.L_overlay_start_2:
0x54: {  	(tag) =	ssettag $0x2  }
0x55: {  	s0 =	rddreg [dreg:$0x0];
	s2 =	stileid.u32  }
0x56: {  	s1 =	rddreg [dreg:$0x1];
	p0 =	sne.s32 s2, $0x0  }
0x57: {  	s3 =	rddreg [dreg:$0x2];
	[bflag:$0x3] =	sbarrier.arrive $0xFFFF;
	s2 =	simm.s32 @!p0 $0x1C01  }
0x58: {  	[timem:s3], [sflag:s2] =	dma.local @!p0 [hbm:s0], s1  }
0x59: {  	s0 =	simm.s32 @!p0 $0x1  }
0x5a: {  	_ =	swait.ge @!p0 [sflag:s0], s1  }
0x5b: {  	s1 =	ssub.s32 @!p0 $0x0, s1;
	[sflag:s0] =	ssyncset.done @!p0 $0x0  }
0x5c: {  	[sflag:s0] =	ssyncadd.s32 @!p0 s1  }
0x5d: {  	[bflag:$0x3] =	sbarrier.arrive $0xFFFF  }
0x5e: {  	_ =	shalt  }

// kernel: sparse-core-data-format-call.cloned.1.call-start
scs
called_computation_lowered:
.L_overlay_start_0:
0x0: {  	s2 =	sld [smem:$0x3FD9]  }
0x1: {  	s3 =	sld [smem:$0x3FFE];
	_ =	sdelay $0x1  }
0x2: {  	s1 =	srdreg.scid  }
0x3: {  	s0 =	sand.u32 $0x1, s1  }
0x4: {  	s18 =	sshll.u32 s0, $0xA;
	s2 =	sadd.s32 s3, s2  }
0x5: {  	s2 =	sadd.s32 s2, s18  }
0x6: {  	[smem:$0x3FC7] =	sst s2  }
0x7: {  	_ = 	snop  }
0x8: {  	s2 =	sld [smem:$0x3FD0];
	(tm) =	ssettm $0x1  }
0x9: {  	s19 =	sld [smem:$0x3FFB];
	_ =	sdelay $0x3  }
0xa: {  	_ =	strace s19  }
0xb: {  	s3 =	sld [smem:$0x3FFC];
	_ =	sdelay $0x3  }
0xc: {  	_ =	strace s3  }
0xd: {  	s3 =	sld [smem:$0x3FFD];
	_ =	sdelay $0x3  }
0xe: {  	_ =	strace s3  }
0xf: {  	_ =	strace $0x8FFFFFFF  }
0x10: {  	s20 =	sld [smem:$0x3FDB];
	_ =	sdelay $0x1  }
0x11: {  	s4 =	simm.s32 $_scs_section_size  }
0x12: {  	s5 =	simm.s32 $_size__tile_overlayer_lowered;
	s6 =	simm.s32 $_tile_overlayer_lowered  }
0x13: {  	s23 =	simm.s32 $0x1BFF;
	s22 =	sshll.u32 s6, $0x1;
	s3 =	sadd.s32 s4, s20  }
0x14: {  	s7 =	simm.s32 $0x0;
	s21 =	sshll.u32 s5, $0x1;
	s5 =	sadd.s32 s22, s3  }
0x15: {  	[timem:s7], [sflag:s23] =	dma.local [hbm:s5], s21  }
0x16: {  	_ =	swait.ge [sflag:s23], s21  }
0x17: {  	s4 =	ssub.s32 $0x0, s21;
	[sflag:s23] =	ssyncset.done $0x0  }
0x18: {  	[sflag:s23] =	ssyncadd.s32 s4;
	_ =	sdelay $0x1  }
0x19: {  	s24 =	simm.s32 $0x1B8B  }
0x1a: {  	_ =	swait.ge [sflag:s24], $0x1  }
0x1b: {  	[sflag:s24] =	ssyncset.done $0x0  }
0x1c: {  	s26 =	simm.s32 $0x1B8E;
	s25 =	sld [smem:$0x3FFE];
	[sflag:s24] =	ssyncadd.s32 $0xFFFFFFFF  }
0x1d: {  	s27 =	simm.s32 $execute0_lowered;
	[smem:$0x3FD2] =	sst s26  }
0x1e: {  	s5 =	sshll.u32 s27, $0x1;
	_ =	strace $0x8000004C;
	[dreg:$0x1] =	wrdreg $0xFFFFFFFF  }
0x1f: {  	s28 =	simm.s32 $_size_execute0_lowered;
	s3 =	sadd.s32 s3, s5;
	[dreg:$0x0] =	wrdreg $0x0  }
0x20: {  	s5 =	sshll.u32 s28, $0x1;
	[dreg:$0x2] =	wrdreg s3  }
0x21: {  	[dreg:$0x3] =	wrdreg s5  }
0x22: {  	[dreg:$0x4] =	wrdreg $0xC0  }
0x23: {  	_ =	task [dreg:s7], $0x5FFFF  }
0x24: {  	[dreg:$0x1] =	wrdreg $0xFFFFFFFF  }
0x25: {  	[dreg:$0x0] =	wrdreg $0x60  }
0x26: {  	[dreg:$0x2] =	wrdreg s25  }
0x27: {  	[dreg:$0x3] =	wrdreg s2  }
0x28: {  	[dreg:$0x4] =	wrdreg $0x9  }
0x29: {  	_ =	task.clear_ibuf [dreg:s7], $0x5FFFF;
	_ =	strace $0x9000004C  }
0x2a: {  	s29 =	simm.s32 $0x9;
	_ =	strace $0x8000004E  }
0x2b: {  	_ =	swait.ge [sflag:s29], $0x1  }
0x2c: {  	[sflag:s29] =	ssyncadd.s32 $0xFFFFFFFF  }
0x2d: {  	_ =	strace $0x9000004E  }
0x2e: {  	_ =	sfence  }
0x2f: {  	s30 =	sld [smem:$0x0];
	_ =	sdelay $0x2  }
0x30: {  	s31 =	sshll.u32 s1, $0xD;
	s1 =	sshrl.u32 s1, $0x2  }
0x31: {  	s3 =	sand.u32 $0x4000, s31;
	s1 =	sadd.s32 s1, s30  }
0x32: {  	s0 =	sor.u32 s3, s0;
	s1 =	sshll.u32 s1, $0x11  }
0x33: {  	s0 =	sor.u32 s1, s0  }
0x34: {  	s0 =	sadd.s32 $0x8F2B, s0  }
0x35: {  	[sflag:s0] =	ssyncadd.remote.s32 $0x1  }
0x36: {  	_ =	sfence.sel $0xFFFF  }
0x37: {  	[dreg:$0x0] =	wrdreg $0xFFFFFFFF;
	(pc) =	sbr.abs _section_cstart, $3  }
0x38: {  	[dreg:$0x1] =	wrdreg $0xFFFFFFFF  }
0x39: {  	_ =	task.clear_ibuf [dreg:s7], $0x2FFFF;
	_ =	strace $0x9FFFFFFF  }
0x3a: {  	(tm) =	ssettm $0x7FFFFFFF  }
0x3b: {  	_ =	shalt  }
tec
execute0_lowered:
.L_overlay_start_1:
0x0: {  	(tag) =	ssettag $0x1  }
0x1: {  	s4 =	rddreg [dreg:$0x0]  }
0x2: {  	s0 =	stileid.u32;
	s2 =	rddreg [dreg:$0x1]  }
0x3: {  	s1 =	rddreg [dreg:$0x2];
	_ =	strace $0x8000004D;
	s5 =	srdreg.scid  }
0x4: {  	s31 =	simm.s32 $0x2;
	s16 =	simm.s32 $0x0;
	s9 =	simm.s32 $0x2000  }
0x5: {  	s15 =	simm.s32 $0x0;
	s14 =	simm.s32 $0x0;
	s3 =	sshll.u32 s0, $0x7  }
0x6: {  	s10 =	simm.s32 $0x0;
	s5 =	sshll.u32 s5, $0x4;
	s3 =	sand.u32 $0x380, s3  }
0x7: {  	s13 =	simm.s32 $0x0;
	s5 =	sand.u32 $0x10, s5;
	s6 =	ssub.s32 $0x400, s3  }
0x8: {  	s4 =	sadd.s32 $0xC00, s4;
	s5 =	sor.u32 s0, s5;
	s7 =	sand.u32 $0x380, s6  }
.Ltmp0:
0x9: {  	p0 =	sne.s32 s7, $0x0;
	s7 =	simm.s32 $0x1;
	(pc) =	sbr.rel .LBB1_1-.Ltmp0, $4  }
0xa: {  	s12 =	smov.u32 s3;
	s8 =	sshrl.u32 s6, $0xA;
	s7 =	simm.s32 @!p0 $0x0  }
0xb: {  	s5 =	sshrl.u32 s5, $0x3;
	s6 =	simm.s32 $0x1;
	s7 =	sadd.s32 s7, s8  }
0xc: {  	[sflag:s6] =	ssyncpa.u1 $0x0;
	s11 =	smov.u32 s5;
	s7 =	sshll.u32 s7, $0x5  }
0xd: {  	[sflag:s31] =	ssyncpa.u1 $0x0;
	p0 =	por $0x0, $0x0;
	s8 =	sor.u32 $0x1, s7  }
.LBB1_4:
0xe: {  	v5 =	vld [tilespmem:s20+$0xFFFFFFD0];
	[tilespmem:s19+$0x2040 ss:$0x81] =	vst.msk $0xffff, v1  }
0xf: {  	v58 =	vld [tilespmem:s20+$0xFFFFFFE0];
	[tilespmem:s19+$0x2850 ss:$0x81] =	vst.msk $0xffff, v2  }
0x10: {  	s21 =	sshra.s32 s21, $0x2;
	v59 =	vld [tilespmem:s20+$0xFFFFFFF0];
	[tilespmem:s19+$0x3060 ss:$0x81] =	vst.msk $0xffff, v3  }
0x11: {  	v60 =	vld [tilespmem:s20+$0x0];
	[tilespmem:s19+$0x0 ss:$0x81] =	vst.msk $0xffff, v0;
	s18 =	sadd.s32 s21, s18  }
0x12: {  	v61 =	vld [tilespmem:s20+$0x10];
	[tilespmem:s18+$0x3870 ss:$0x81] =	vst.msk $0xffff, v4  }
0x13: {  	v62 =	vld [tilespmem:s20+$0x20];
	s26 =	sshll.u32 s16, $0xA;
	s27 =	sshll.u32 s14, $0x3;
	[tilespmem:s18+$0x810 ss:$0x81] =	vst.msk $0xffff, v5  }
0x14: {  	v63 =	vld [tilespmem:s20+$0xFFFFFFC0];
	s29 =	sshll.u32 s16, $0x7;
	s30 =	sand.u32 $0x78, s14;
	s15 =	sshll.u32 s15, $0x13;
	[tilespmem:s18+$0x1020 ss:$0x81] =	vst.msk $0xffff, v58  }
0x15: {  	s19 =	sand.u32 $0x3FE000, s26;
	s28 =	sand.u32 $0x3FFC00, s27;
	s16 =	sand.u32 $0x380, s29;
	[tilespmem:s18+$0x1830 ss:$0x81] =	vst.msk $0xffff, v59  }
0x16: {  	s31 =	sand.u32 $0x7, s14;
	s19 =	sadd.s32 s28, s19;
	s16 =	sor.u32 s30, s16;
	[tilespmem:s18+$0x2040 ss:$0x81] =	vst.msk $0xffff, v60  }
0x17: {  	s15 =	sadd.s32 s2, s15;
	s19 =	sshrl.u32 s19, $0x3;
	s16 =	sshrl.u32 s16, $0x3;
	[tilespmem:s18+$0x2850 ss:$0x81] =	vst.msk $0xffff, v61  }
0x18: {  	s14 =	sshll.u32 s31, $0x12;
	s19 =	sand.u32 $0x7FF80, s19;
	s15 =	sadd.s32 s16, s15;
	[tilespmem:s18+$0x3060 ss:$0x81] =	vst.msk $0xffff, v62  }
0x19: {  	s14 =	sor.u32 $0x400, s14;
	[tilespmem:s18+$0x0 ss:$0x81] =	vst.msk $0xffff, v63;
	s15 =	sadd.s32 s19, s15  }
0x1a: {  	[hbm4b:s15+s14] =	stream.strided.scatter [tilespmem:s17], [sflag:$0x2], $0x4000, s9, s14, $0x20;
	[tilespmem:$0x10100] =	vst v63  }
.LBB1_5:
0x1b: {  	s17 =	sadd.s32 $0x80, s10  }
0x1c: {  	s14 =	sadd.s32 $0x4, s11;
	s18 =	smov.u32 s11;
	p2 =	sgt.s32 s17, $0xFFF  }
0x1d: {  	s18 =	smov.u32 @p2 s14  }
0x1e: {  	s20 =	smov.u32 s12;
	s14 =	sadd.s32 $0x400, s12;
	p3 =	sgt.s32 s18, $0x3  }
0x1f: {  	s20 =	smov.u32 @p3 s14  }
0x20: {  	s17 =	simm.s32 @p2 $0x0;
	p2 =	sgt.s32 s20, $0x3FF  }
0x21: {  	p1 =	slt.u32 s13, $0x2;
	s20 =	smov.u32 @p2 s3;
	p2 =	sne.s32 s13, s8  }
.Ltmp1:
0x22: {  	s19 =	simm.s32 @!p1 $0x2;
	(pc) =	sbr.rel @!p2 .LBB1_6-.Ltmp1, $4  }
0x23: {  	s16 =	smov.u32 s10;
	s15 =	smov.u32 s11;
	_ =	swait.ge @!p1 [sflag:s19], $0x4000  }
0x24: {  	p0 =	por !p0, !p0;
	[sflag:s19] =	ssyncset.done @!p1 $0x0;
	s10 =	smov.u32 s17  }
0x25: {  	s18 =	smov.u32 @p3 s5;
	s14 =	smov.u32 s12;
	[sflag:s19] =	ssyncadd.s32 @!p1 $0xFFFFC000  }
0x26: {  	s11 =	smov.u32 s18;
	s13 =	sadd.s32 $0x1, s13;
	s12 =	smov.u32 s20  }
.LBB1_1:
0x27: {  	p1 =	sge.u32 s13, s7  }
0x28: {  	s17 =	sshll.u32 @!p1 s11, $0x7  }
0x29: {  	s18 =	sand.u32 @!p1 $0x78, s10;
	s19 =	sshll.u32 @!p1 s10, $0x2;
	s17 =	sand.u32 @!p1 $0x180, s17  }
0x2a: {  	s31 =	sadd.s32 $0xFFFFFFFF, s13;
	s19 =	sand.u32 @!p1 $0xE00, s19;
	s17 =	sor.u32 @!p1 s17, s18  }
0x2b: {  	s18 =	sshll.u32 @!p1 s12, $0xB;
	s17 =	sor.u32 @!p1 s19, s17;
	s19 =	sshrl.u32 @!p1 s10, $0x1  }
0x2c: {  	s20 =	sxor.u32 @!p1 $0xFFFFFFFF, s13;
	s18 =	sadd.s32 @!p1 s4, s18;
	s19 =	sand.u32 @!p1 $0x600, s19  }
0x2d: {  	s20 =	sshll.u32 @!p1 s20, $0xE;
	s18 =	sadd.s32 @!p1 s19, s18;
	s19 =	sand.u32 @!p1 $0x7, s10  }
0x2e: {  	s20 =	sand.u32 @!p1 $0x4000, s20;
	s17 =	sshrl.u32 @!p1 s17, $0x3;
	s19 =	sshll.u32 @!p1 s19, $0x12  }
0x2f: {  	s17 =	sadd.s32 @!p1 s17, s18;
	s18 =	sor.u32 @!p1 $0x80, s19;
	s19 =	simm.s32 @!p1 $0x4000  }
0x30: {  	[tilespmem:s20], [sflag:$0x1] =	stream.strided.gather @!p1 [hbm4b:s17+s18], $0x4000, s19, s18, $0x38;
	[tilespmem:$0x10100] =	vst v63  }
0x31: {  	p1 =	sge.u32 s31, s7  }
.Ltmp2:
0x32: {  	_ = 	snop;
	(pc) =	sbr.rel @p1 .LBB1_5-.Ltmp2, $1  }
0x33: {  	_ =	sdelay $0x3  }
0x34: {  	s17 =	simm.s32 $0x1  }
0x35: {  	_ =	swait.ge [sflag:s6], $0x4000;
	s17 =	simm.s32 @!p0 $0x0  }
0x36: {  	[sflag:s6] =	ssyncset.done $0x0;
	s18 =	sshll.u32 s17, $0xE  }
0x37: {  	[sflag:s6] =	ssyncadd.s32 $0xFFFFC000;
	s20 =	sor.u32 $0x40, s18  }
0x38: {  	s17 =	smul.u32 $0x10200, s17;
	v0 =	vld [tilespmem:s20+$0x30]  }
0x39: {  	v3 =	vld [tilespmem:s20+$0xFFFFFFD0]  }
0x3a: {  	s17 =	sshrl.u32 s17, $0x2;
	v4 =	vld [tilespmem:s20+$0xFFFFFFE0]  }
0x3b: {  	v5 =	vld [tilespmem:s20+$0xFFFFFFF0];
	s18 =	sor.u32 $0x8000, s17  }
0x3c: {  	s31 =	sand.u32 $0x1, s13;
	v1 =	vld [tilespmem:s20+$0x0];
	s19 =	sadd.s32 $0x0, s18  }
0x3d: {  	v2 =	vld [tilespmem:s20+$0x10];
	s17 =	smul.u32 $0x10200, s31;
	[tilespmem:s19+$0x3870 ss:$0x81] =	vst.msk $0xffff, v0  }
0x3e: {  	[tilespmem:s19+$0x810 ss:$0x81] =	vst.msk $0xffff, v3;
	v3 =	vld [tilespmem:s20+$0x20]  }
0x3f: {  	s17 =	sshrl.u32 s17, $0x2;
	v0 =	vld [tilespmem:s20+$0xFFFFFFC0];
	[tilespmem:s19+$0x1020 ss:$0x81] =	vst.msk $0xffff, v4;
	s20 =	sadd.s32 $0x80, s20  }
0x40: {  	s21 =	simm.s32 $0x4;
	s22 =	simm.s32 $0x8;
	s17 =	sor.u32 $0x8000, s17;
	[tilespmem:s19+$0x1830 ss:$0x81] =	vst.msk $0xffff, v5;
	v4 =	vld [tilespmem:s20+$0x30]  }
.LBB1_3:
0x41: {  	p1 =	sne.s32 s22, $0x1FC;
	v5 =	vld [tilespmem:s20+$0xFFFFFFD0];
	[tilespmem:s19+$0x2040 ss:$0x81] =	vst.msk $0xffff, v1  }
0x42: {  	v6 =	vld [tilespmem:s20+$0xFFFFFFE0];
	[tilespmem:s19+$0x2850 ss:$0x81] =	vst.msk $0xffff, v2  }
0x43: {  	s23 =	sshra.s32 s21, $0x2;
	s21 =	smov.u32 s22;
	v7 =	vld [tilespmem:s20+$0xFFFFFFF0];
	[tilespmem:s19+$0x3060 ss:$0x81] =	vst.msk $0xffff, v3  }
.Ltmp3:
0x44: {  	v1 =	vld [tilespmem:s20+$0x0];
	[tilespmem:s19+$0x0 ss:$0x81] =	vst.msk $0xffff, v0;
	s19 =	sadd.s32 s23, s18;
	(pc) =	sbr.rel @p1 .LBB1_3-.Ltmp3, $4  }
0x45: {  	v2 =	vld [tilespmem:s20+$0x10];
	[tilespmem:s19+$0x3870 ss:$0x81] =	vst.msk $0xffff, v4  }
0x46: {  	[tilespmem:s19+$0x810 ss:$0x81] =	vst.msk $0xffff, v5;
	v3 =	vld [tilespmem:s20+$0x20]  }
0x47: {  	v0 =	vld [tilespmem:s20+$0xFFFFFFC0];
	[tilespmem:s19+$0x1020 ss:$0x81] =	vst.msk $0xffff, v6;
	s20 =	sadd.s32 $0x80, s20  }
0x48: {  	s22 =	sadd.s32 $0x4, s22;
	v4 =	vld [tilespmem:s20+$0x30];
	[tilespmem:s19+$0x1830 ss:$0x81] =	vst.msk $0xffff, v7  }
.Ltmp4:
0x49: {  	_ = 	snop;
	(pc) =	sbr.rel .LBB1_4-.Ltmp4, $1  }
0x4a: {  	_ =	sdelay $0x3  }
.LBB1_6:
0x4b: {  	_ =	sfence.sel $0x180000  }
0x4c: {  	s2 =	simm.s32 $0x1;
	[bflag:$0x0] =	sbarrier.arrive $0xFFFF  }
0x4d: {  	s31 =	simm.s32 $0x2;
	[sflag:s2] =	ssyncpa.u1 $0x1  }
0x4e: {  	[sflag:s31] =	ssyncpa.u1 $0x1  }
0x4f: {  	p0 =	sne.s32 s0, $0x0;
	_ =	strace $0x9000004D  }
0x50: {  	s0 =	sadd.s32 @!p0 $0x100000, s1;
	[bflag:$0x2] =	sbarrier.arrive $0xFFFF  }
0x51: {  	[sflag:s0] =	ssyncadd.tile.s32 @!p0 $0x1;
	_ =	shalt  }
.Lfunc_end1:
_tile_overlayer_lowered:
.L_overlay_start_2:
0x52: {  	(tag) =	ssettag $0x2  }
0x53: {  	s0 =	rddreg [dreg:$0x0];
	s2 =	stileid.u32  }
0x54: {  	s1 =	rddreg [dreg:$0x1];
	p0 =	sne.s32 s2, $0x0  }
0x55: {  	s3 =	rddreg [dreg:$0x2];
	[bflag:$0x3] =	sbarrier.arrive $0xFFFF;
	s2 =	simm.s32 @!p0 $0x1C01  }
0x56: {  	[timem:s3], [sflag:s2] =	dma.local @!p0 [hbm:s0], s1  }
0x57: {  	s0 =	simm.s32 @!p0 $0x1  }
0x58: {  	_ =	swait.ge @!p0 [sflag:s0], s1  }
0x59: {  	s1 =	ssub.s32 @!p0 $0x0, s1;
	[sflag:s0] =	ssyncset.done @!p0 $0x0  }
0x5a: {  	[sflag:s0] =	ssyncadd.s32 @!p0 s1  }
0x5b: {  	[bflag:$0x3] =	sbarrier.arrive $0xFFFF  }
0x5c: {  	_ =	shalt  }

</sc_bundles>
